<compile_context>
chip_gen: v7x
topology: tpu7x:2x2x1
jax: 0.10.2.dev20260603
libtpu: 0.0.44.dev20260713+nightly
codegen_flags: <defaults>
</compile_context>

<pallas_src>
import functools

import jax
import jax.numpy as jnp
from jax import lax
from jax.experimental import pallas as pl
from jax.experimental.pallas import tpu as pltpu
from jax.experimental.pallas import tpu_sc as plsc

N = 10000
E = 320000
D = 128

NC, NS, L = 2, 16, 16
NW = NC * NS
CH = 128

S = 2
SE = E // S
EPW = SE // NW
FCH = EPW // CH
TAIL = EPW - FCH * CH
NCHS = SE // CH
FCHR = NCHS // NW
TAILC = NCHS - FCHR * NW

BN = 2000
BE = 4000

NPAD = 10112
NPT = NPAD // NS
ZR = 128
_ZCHUNKS = [(0, 128), (128, 128), (256, 128), (384, 128), (512, 120)]

_mesh = plsc.VectorSubcoreMesh(core_axis_name="c", subcore_axis_name="s")



def _pre_body(x_ref, wa_ref, wb_ref, ua_ref, b1_ref, ub1_ref,
              xa_ref, xb_ref, xu_ref):
    x = x_ref[...]
    xa_ref[...] = jnp.dot(x, wa_ref[...], preferred_element_type=jnp.float32) + b1_ref[...]
    xb_ref[...] = jnp.dot(x, wb_ref[...], preferred_element_type=jnp.float32)
    xu_ref[...] = jnp.dot(x, ua_ref[...], preferred_element_type=jnp.float32) + ub1_ref[...]


def _precompute(x, wa, wb, ua, b1, ub1):
    grid = (N // BN,)
    return pl.pallas_call(
        _pre_body,
        grid=grid,
        in_specs=[
            pl.BlockSpec((BN, D), lambda i: (i, 0)),
            pl.BlockSpec((D, D), lambda i: (0, 0)),
            pl.BlockSpec((D, D), lambda i: (0, 0)),
            pl.BlockSpec((D, D), lambda i: (0, 0)),
            pl.BlockSpec((1, D), lambda i: (0, 0)),
            pl.BlockSpec((1, D), lambda i: (0, 0)),
        ],
        out_specs=[
            pl.BlockSpec((BN, D), lambda i: (i, 0)),
            pl.BlockSpec((BN, D), lambda i: (i, 0)),
            pl.BlockSpec((BN, D), lambda i: (i, 0)),
        ],
        out_shape=[jax.ShapeDtypeStruct((N, D), jnp.float32)] * 3,
    )(x, wa, wb, ua, b1, ub1)



def _vadd_rows(dst_buf, src_buf, nrows):
    def row(r, carry):
        for l in range(D // L):
            sl = pl.ds(l * L, L)
            dst_buf[r, sl] = dst_buf[r, sl] + src_buf[r, sl]
        return carry

    lax.fori_loop(0, nrows, row, 0)


def _make_gather(slab0):
    @functools.partial(
        pl.kernel,
        out_type=jax.ShapeDtypeStruct((SE, D), jnp.float32),
        mesh=_mesh,
        scratch_types=[
            pltpu.VMEM((EPW,), jnp.int32),
            pltpu.VMEM((EPW,), jnp.int32),
            pltpu.VMEM((CH, D), jnp.float32),
            pltpu.VMEM((CH, D), jnp.float32),
            pltpu.VMEM((CH, D), jnp.float32),
            pltpu.VMEM((CH, D), jnp.float32),
            pltpu.SemaphoreType.DMA,
            pltpu.SemaphoreType.DMA,
            pltpu.SemaphoreType.DMA,
            pltpu.SemaphoreType.DMA,
            pltpu.SemaphoreType.DMA,
            pltpu.SemaphoreType.DMA,
        ],
    )
    def _gather(xa_hbm, xb_hbm, ei_hbm, g_hbm,
                idxd, idxs, bufa0, bufa1, bufb0, bufb1,
                sa0, sa1, sb0, sb1, sw0, sw1):
        w = lax.axis_index("s") * NC + lax.axis_index("c")
        base = w * EPW
        bufa = (bufa0, bufa1)
        bufb = (bufb0, bufb1)
        sa = (sa0, sa1)
        sb = (sb0, sb1)
        sw = (sw0, sw1)

        pltpu.sync_copy(ei_hbm.at[pl.ds(E + slab0 + base, EPW)], idxd)
        pltpu.sync_copy(ei_hbm.at[pl.ds(slab0 + base, EPW)], idxs)

        def issue_gathers(t, b):
            off = t * CH
            pltpu.async_copy(xa_hbm.at[idxd.at[pl.ds(off, CH)]], bufa[b], sa[b])
            pltpu.async_copy(xb_hbm.at[idxs.at[pl.ds(off, CH)]], bufb[b], sb[b])

        def wait_gathers(b):
            pltpu.make_async_copy(
                xa_hbm.at[idxd.at[pl.ds(0, CH)]], bufa[b], sa[b]).wait()
            pltpu.make_async_copy(
                xb_hbm.at[idxs.at[pl.ds(0, CH)]], bufb[b], sb[b]).wait()

        def wait_write(b):
            pltpu.make_async_copy(bufa[b], g_hbm.at[pl.ds(base, CH)], sw[b]).wait()

        def process(t, b):
            wait_gathers(b)
            _vadd_rows(bufa[b], bufb[b], CH)
            pltpu.async_copy(bufa[b], g_hbm.at[pl.ds(base + t * CH, CH)], sw[b])

        issue_gathers(0, 0)

        def body(i, carry):
            for b in (0, 1):
                t = 2 * i + b
                nb = 1 - b

                @pl.when(t + 1 < FCH)
                def _():
                    @pl.when(t >= 1)
                    def _():
                        wait_write(nb)
                    issue_gathers(t + 1, nb)

                process(t, b)
            return carry

        lax.fori_loop(0, FCH // 2, body, 0)
        if FCH % 2:
            process(FCH - 1, (FCH - 1) % 2)

        wait_write(0)
        wait_write(1)

        toff = FCH * CH
        ta = pltpu.async_copy(
            xa_hbm.at[idxd.at[pl.ds(toff, TAIL)]], bufa0.at[pl.ds(0, TAIL)], sa0)
        tb = pltpu.async_copy(
            xb_hbm.at[idxs.at[pl.ds(toff, TAIL)]], bufb0.at[pl.ds(0, TAIL)], sb0)
        ta.wait()
        tb.wait()
        _vadd_rows(bufa0, bufb0, TAIL)
        pltpu.sync_copy(bufa0.at[pl.ds(0, TAIL)],
                        g_hbm.at[pl.ds(base + toff, TAIL)])

    return _gather



def _make_scatter(slab0):
    @functools.partial(
        pl.kernel,
        out_type=jax.ShapeDtypeStruct((NC, NPAD, D), jnp.float32),
        mesh=_mesh,
        scratch_types=[
            pltpu.VMEM((CH,), jnp.int32),
            pltpu.VMEM((CH,), jnp.int32),
            pltpu.VMEM((CH,), jnp.int32),
            pltpu.VMEM((CH, D), jnp.float32),
            pltpu.VMEM((CH, D), jnp.float32),
            pltpu.VMEM((CH, D), jnp.float32),
            pltpu.VMEM_SHARED((NPAD, D), jnp.float32),
            pltpu.SemaphoreType.DMA,
            pltpu.SemaphoreType.DMA,
            pltpu.SemaphoreType.DMA,
            pltpu.SemaphoreType.DMA,
            pltpu.SemaphoreType.DMA,
            pltpu.SemaphoreType.DMA,
            pltpu.SemaphoreType.DMA,
            pltpu.SemaphoreType.DMA,
            pltpu.SemaphoreType.DMA,
        ],
    )
    def _scatter(m_hbm, ei_hbm, out_hbm,
                 idx0, idx1, idx2, rows0, rows1, rows2, accum,
                 si0, si1, si2, sr0, sr1, sr2, ss0, ss1, ss2):
        cid = lax.axis_index("c")
        sid = lax.axis_index("s")
        w = sid * NC + cid
        idxv = (idx0, idx1, idx2)
        rows = (rows0, rows1, rows2)
        si = (si0, si1, si2)
        sr = (sr0, sr1, sr2)
        ss = (ss0, ss1, ss2)

        def zrow(i, carry):
            for l in range(D // L):
                rows0[i, pl.ds(l * L, L)] = jnp.zeros((L,), jnp.float32)
            return carry

        lax.fori_loop(0, ZR, zrow, 0)
        for off, ln in _ZCHUNKS:
            pltpu.sync_copy(rows0.at[pl.ds(0, ln)],
                            accum.at[pl.ds(sid * NPT + off, ln)])
        plsc.subcore_barrier()

        def issue_loads(c, b):
            pltpu.async_copy(
                ei_hbm.at[pl.ds(E + slab0 + c * CH, CH)], idxv[b], si[b])
            pltpu.async_copy(m_hbm.at[pl.ds(c * CH, CH)], rows[b], sr[b])

        def wait_loads(b):
            pltpu.make_async_copy(
                ei_hbm.at[pl.ds(0, CH)], idxv[b], si[b]).wait()
            pltpu.make_async_copy(m_hbm.at[pl.ds(0, CH)], rows[b], sr[b]).wait()

        def wait_scatter(b):
            pltpu.make_async_copy(rows[b], accum.at[idxv[b]], ss[b]).wait()

        issue_loads(w, 0)
        issue_loads(w + NW, 1)

        def body(i, carry):
            for b in (0, 1, 2):
                t = 3 * i + b
                nb = (b + 2) % 3
                c = w + t * NW

                @pl.when(t + 2 < FCHR)
                def _():
                    @pl.when(t >= 1)
                    def _():
                        wait_scatter(nb)
                    issue_loads(c + 2 * NW, nb)

                wait_loads(b)
                pltpu.async_copy(rows[b], accum.at[idxv[b]], ss[b], add=True)
            return carry

        lax.fori_loop(0, FCHR // 3, body, 0)
        wait_scatter(0)
        wait_scatter(1)
        wait_scatter(2)

        @pl.when(w < TAILC)
        def _():
            c = w + FCHR * NW
            issue_loads(c, 0)
            wait_loads(0)
            pltpu.sync_copy(rows0, accum.at[idx0], add=True)

        plsc.subcore_barrier()

        for off, ln in _ZCHUNKS:
            r0 = sid * NPT + off
            pltpu.sync_copy(accum.at[pl.ds(r0, ln)], rows0.at[pl.ds(0, ln)])
            pltpu.sync_copy(rows0.at[pl.ds(0, ln)], out_hbm.at[cid, pl.ds(r0, ln)])

    return _scatter


_gathers = [_make_gather(s_ * SE) for s_ in range(S)]
_scatters = [_make_scatter(s_ * SE) for s_ in range(S)]



def _mlp_body(g_ref, ea_ref, w1c_ref, w2_ref, b2_ref, m_ref):
    m1 = g_ref[...] + jnp.dot(
        ea_ref[...], w1c_ref[...], preferred_element_type=jnp.float32)
    m_ref[...] = jnp.dot(jnp.maximum(m1, 0.0), w2_ref[...],
                         preferred_element_type=jnp.float32) + b2_ref[...]


def _edge_mlp(g, ea, w1c, w2, b2, slab):
    grid = (SE // BE,)
    off = slab * (SE // BE)
    return pl.pallas_call(
        _mlp_body,
        grid=grid,
        in_specs=[
            pl.BlockSpec((BE, D), lambda i: (i, 0)),
            pl.BlockSpec((BE, D), lambda i: (off + i, 0)),
            pl.BlockSpec((D, D), lambda i: (0, 0)),
            pl.BlockSpec((D, D), lambda i: (0, 0)),
            pl.BlockSpec((1, D), lambda i: (0, 0)),
        ],
        out_specs=pl.BlockSpec((BE, D), lambda i: (i, 0)),
        out_shape=jax.ShapeDtypeStruct((SE, D), jnp.float32),
    )(g, ea, w1c, w2, b2)



def _upd_body(*refs):
    xu_ref = refs[0]
    p_refs = refs[1:1 + 2 * S]
    u1b_ref, u2_ref, ub2_ref, out_ref = refs[1 + 2 * S:]
    aggr = p_refs[0][0]
    for r in p_refs[1:]:
        aggr = aggr + r[0]
    h = jnp.maximum(
        xu_ref[...] + jnp.dot(aggr, u1b_ref[...],
                              preferred_element_type=jnp.float32), 0.0)
    out_ref[...] = jnp.dot(h, u2_ref[...],
                           preferred_element_type=jnp.float32) + ub2_ref[...]


def _update(xu, parts, u1b, u2, ub2):
    grid = (N // BN,)
    nd = pl.BlockSpec((BN, D), lambda i: (i, 0))
    p0 = pl.BlockSpec((1, BN, D), lambda i: (0, i, 0))
    p1 = pl.BlockSpec((1, BN, D), lambda i: (1, i, 0))
    wspec = pl.BlockSpec((D, D), lambda i: (0, 0))
    bspec = pl.BlockSpec((1, D), lambda i: (0, 0))
    pin = []
    pargs = []
    for p in parts:
        pin += [p0, p1]
        pargs += [p, p]
    return pl.pallas_call(
        _upd_body,
        grid=grid,
        in_specs=[nd] + pin + [wspec, wspec, bspec],
        out_specs=nd,
        out_shape=jax.ShapeDtypeStruct((N, D), jnp.float32),
    )(xu, *pargs, u1b, u2, ub2)



def kernel(x, edge_index, edge_attr, W1, b1, W2, b2, U1, ub1, U2, ub2):
    ei = edge_index.astype(jnp.int32).reshape(2 * E)
    wa, wb, w1c = W1[0:D], W1[D:2 * D], W1[2 * D:]
    ua, u1b = U1[0:D], U1[D:]
    b1r = b1.reshape(1, D)
    b2r = b2.reshape(1, D)
    ub1r = ub1.reshape(1, D)
    ub2r = ub2.reshape(1, D)

    xa, xb, xu = _precompute(x, wa, wb, ua, b1r, ub1r)

    parts = []
    for s in range(S):
        g = _gathers[s](xa, xb, ei)
        m = _edge_mlp(g, edge_attr, w1c, W2, b2r, s)
        p = _scatters[s](m, ei)
        parts.append(p)

    return _update(xu, parts, u1b, U2, ub2r)

# --- scband reference (transcript-rebuilt; emitter-appended) ---
"""Pipeline reference for scband-rilood-29265907155229 (READ-ONLY COPY).

The authoritative reference and input builder live on the scoring server;
editing this copy changes nothing except your own understanding.
"""

import jax, jax.numpy as jnp
import numpy as np

N = 10000
E = 320000
D = 128


def setup_inputs(seed: int = 0) -> dict:
    key = jax.random.key(seed)
    ks = jax.random.split(key, 12)
    x = jax.random.normal(ks[0], (N, D), dtype=jnp.float32)
    edge_index = jax.random.randint(ks[1], (2, E), 0, N, dtype=jnp.int64)
    edge_attr = jax.random.normal(ks[2], (E, D), dtype=jnp.float32)
    # message_mlp: Linear(2*D + D -> D), ReLU, Linear(D -> D)
    W1 = jax.random.normal(ks[3], (3 * D, D), dtype=jnp.float32) * (2.0 / (3 * D)) ** 0.5
    b1 = jnp.zeros((D,), dtype=jnp.float32)
    W2 = jax.random.normal(ks[4], (D, D), dtype=jnp.float32) * (2.0 / D) ** 0.5
    b2 = jnp.zeros((D,), dtype=jnp.float32)
    # update_mlp: Linear(D + D -> D), ReLU, Linear(D -> D)
    U1 = jax.random.normal(ks[5], (2 * D, D), dtype=jnp.float32) * (2.0 / (2 * D)) ** 0.5
    ub1 = jnp.zeros((D,), dtype=jnp.float32)
    U2 = jax.random.normal(ks[6], (D, D), dtype=jnp.float32) * (2.0 / D) ** 0.5
    ub2 = jnp.zeros((D,), dtype=jnp.float32)
    return {
        "x": x,
        "edge_index": edge_index,
        "edge_attr": edge_attr,
        "W1": W1, "b1": b1, "W2": W2, "b2": b2,
        "U1": U1, "ub1": ub1, "U2": U2, "ub2": ub2,
    }


def reference(x, edge_index, edge_attr, W1, b1, W2, b2, U1, ub1, U2, ub2):
    # PyG MessagePassing(aggr='add', flow='source_to_target'):
    #   edge_index[0] = source (j), edge_index[1] = target (i)
    src = edge_index[0]
    dst = edge_index[1]
    x_i = jnp.take(x, dst, axis=0)  # gather target node feats
    x_j = jnp.take(x, src, axis=0)  # gather source node feats
    # message = message_mlp(cat[x_i, x_j, edge_attr])
    m = jnp.concatenate([x_i, x_j, edge_attr], axis=-1)
    m = jax.nn.relu(m @ W1 + b1) @ W2 + b2
    # aggregate: scatter-add messages to target nodes
    aggr = jnp.zeros((x.shape[0], m.shape[-1]), dtype=x.dtype).at[dst].add(m)
    # update = update_mlp(cat[x, aggr_out])
    u = jnp.concatenate([x, aggr], axis=-1)
    out = jax.nn.relu(u @ U1 + ub1) @ U2 + ub2
    return out

if __name__ == "__main__":
    import jax
    _d = setup_inputs()
    print(jax.jit(kernel)(*tuple(_d.values())))

</pallas_src>

<mosaic_0001>
#map = affine_map<(d0, d1) -> (0, 0)>
#map1 = affine_map<(d0, d1) -> (0)>
module attributes {stable_mosaic.version = 14 : i64} {
  func.func @_gather(%arg0: i32, %arg1: i32, %arg2: memref<10000x128xf32, #tpu.memory_space<hbm>>, %arg3: memref<10000x128xf32, #tpu.memory_space<hbm>>, %arg4: memref<640000xi32, #tpu.memory_space<hbm>>, %arg5: memref<160000x128xf32, #tpu.memory_space<hbm>>, %arg6: memref<5000xi32, #tpu.memory_space<vmem>>, %arg7: memref<5000xi32, #tpu.memory_space<vmem>>, %arg8: memref<128x128xf32, #tpu.memory_space<vmem>>, %arg9: memref<128x128xf32, #tpu.memory_space<vmem>>, %arg10: memref<128x128xf32, #tpu.memory_space<vmem>>, %arg11: memref<128x128xf32, #tpu.memory_space<vmem>>, %arg12: memref<!tpu.dma_semaphore, #tpu.memory_space<semaphore_mem>>, %arg13: memref<!tpu.dma_semaphore, #tpu.memory_space<semaphore_mem>>, %arg14: memref<!tpu.dma_semaphore, #tpu.memory_space<semaphore_mem>>, %arg15: memref<!tpu.dma_semaphore, #tpu.memory_space<semaphore_mem>>, %arg16: memref<!tpu.dma_semaphore, #tpu.memory_space<semaphore_mem>>, %arg17: memref<!tpu.dma_semaphore, #tpu.memory_space<semaphore_mem>>) attributes {dimension_semantics = [#tpu.dimension_semantics<core_parallel>, #tpu.dimension_semantics<subcore_parallel>], iteration_bounds = array<i64: 2, 16>, scalar_prefetch = 0 : i64, scratch_operands = 12 : i64, tpu.core_type = #tpu.core_type<sc_vector_subcore>, window_params = [{transform_indices = #map}, {transform_indices = #map}, {transform_indices = #map1}, {transform_indices = #map}]} {
    %mul3A = arith.constant 2 : i32
    %mul3A_0 = arith.muli %arg1, %mul3A : i32
    %add3A = arith.addi %mul3A_0, %arg0 : i32
    %mul3A_1 = arith.constant 5000 : i32
    %mul3A_2 = arith.muli %add3A, %mul3A_1 : i32
    %add3A_3 = arith.constant 480000 : i32
    %add3A_4 = arith.addi %add3A_3, %mul3A_2 : i32
    "tpu.region"() ({
      %run_scoped3A = tpu.sem_alloc : memref<!tpu.dma_semaphore, #tpu.memory_space<semaphore_mem>>
      %dma_start3A_90 = tpu.memref_slice %arg4[%add3A_4] : memref<640000xi32, #tpu.memory_space<hbm>> -> memref<5000xi32, #tpu.memory_space<hbm>>
      %dma_start3A_91 = tpu.memref_slice %arg4[%add3A_4] : memref<640000xi32, #tpu.memory_space<hbm>> -> memref<5000xi32, #tpu.memory_space<hbm>>
      tpu.enqueue_dma source(%dma_start3A_91 : memref<5000xi32, #tpu.memory_space<hbm>>) target(%arg6 : memref<5000xi32, #tpu.memory_space<vmem>>) target_semaphore(%run_scoped3A : memref<!tpu.dma_semaphore, #tpu.memory_space<semaphore_mem>>)
      %dma_wait3A_92 = tpu.memref_slice %arg4[%add3A_4] : memref<640000xi32, #tpu.memory_space<hbm>> -> memref<5000xi32, #tpu.memory_space<hbm>>
      %dma_wait3A_93 = tpu.memref_slice %arg4[%add3A_4] : memref<640000xi32, #tpu.memory_space<hbm>> -> memref<5000xi32, #tpu.memory_space<hbm>>
      tpu.wait_dma2 semaphore(%run_scoped3A : memref<!tpu.dma_semaphore, #tpu.memory_space<semaphore_mem>>) src(%dma_wait3A_93 : memref<5000xi32, #tpu.memory_space<hbm>>) dst(%arg6 : memref<5000xi32, #tpu.memory_space<vmem>>)
      tpu.yield
    }) : () -> ()
    %add3A_5 = arith.constant 160000 : i32
    %add3A_6 = arith.addi %add3A_5, %mul3A_2 : i32
    "tpu.region"() ({
      %run_scoped3A = tpu.sem_alloc : memref<!tpu.dma_semaphore, #tpu.memory_space<semaphore_mem>>
      %dma_start3A_90 = tpu.memref_slice %arg4[%add3A_6] : memref<640000xi32, #tpu.memory_space<hbm>> -> memref<5000xi32, #tpu.memory_space<hbm>>
      %dma_start3A_91 = tpu.memref_slice %arg4[%add3A_6] : memref<640000xi32, #tpu.memory_space<hbm>> -> memref<5000xi32, #tpu.memory_space<hbm>>
      tpu.enqueue_dma source(%dma_start3A_91 : memref<5000xi32, #tpu.memory_space<hbm>>) target(%arg7 : memref<5000xi32, #tpu.memory_space<vmem>>) target_semaphore(%run_scoped3A : memref<!tpu.dma_semaphore, #tpu.memory_space<semaphore_mem>>)
      %dma_wait3A_92 = tpu.memref_slice %arg4[%add3A_6] : memref<640000xi32, #tpu.memory_space<hbm>> -> memref<5000xi32, #tpu.memory_space<hbm>>
      %dma_wait3A_93 = tpu.memref_slice %arg4[%add3A_6] : memref<640000xi32, #tpu.memory_space<hbm>> -> memref<5000xi32, #tpu.memory_space<hbm>>
      tpu.wait_dma2 semaphore(%run_scoped3A : memref<!tpu.dma_semaphore, #tpu.memory_space<semaphore_mem>>) src(%dma_wait3A_93 : memref<5000xi32, #tpu.memory_space<hbm>>) dst(%arg7 : memref<5000xi32, #tpu.memory_space<vmem>>)
      tpu.yield
    }) : () -> ()
    %dma_start3A = arith.constant 0 : i32
    %dma_start3A_7 = tpu.memref_slice %arg6[%dma_start3A] : memref<5000xi32, #tpu.memory_space<vmem>> -> memref<128xi32, #tpu.memory_space<vmem>>
    %dma_start3A_8 = arith.constant 0 : i32
    %dma_start3A_9 = arith.constant 0 : i32
    %dma_start3A_10 = tpu.memref_slice %arg2[%dma_start3A_8, %dma_start3A_9] : memref<10000x128xf32, #tpu.memory_space<hbm>> -> memref<10000x128xf32, #tpu.memory_space<hbm>>
    tpu.enqueue_indirect_dma source(%dma_start3A_10 : memref<10000x128xf32, #tpu.memory_space<hbm>>) target(%arg8 : memref<128x128xf32, #tpu.memory_space<vmem>>) offsets(%dma_start3A_7 : memref<128xi32, #tpu.memory_space<vmem>>) semaphore(%arg12 : memref<!tpu.dma_semaphore, #tpu.memory_space<semaphore_mem>>)
    %dma_start3A_11 = arith.constant 0 : i32
    %dma_start3A_12 = tpu.memref_slice %arg7[%dma_start3A_11] : memref<5000xi32, #tpu.memory_space<vmem>> -> memref<128xi32, #tpu.memory_space<vmem>>
    %dma_start3A_13 = arith.constant 0 : i32
    %dma_start3A_14 = arith.constant 0 : i32
    %dma_start3A_15 = tpu.memref_slice %arg3[%dma_start3A_13, %dma_start3A_14] : memref<10000x128xf32, #tpu.memory_space<hbm>> -> memref<10000x128xf32, #tpu.memory_space<hbm>>
    tpu.enqueue_indirect_dma source(%dma_start3A_15 : memref<10000x128xf32, #tpu.memory_space<hbm>>) target(%arg10 : memref<128x128xf32, #tpu.memory_space<vmem>>) offsets(%dma_start3A_12 : memref<128xi32, #tpu.memory_space<vmem>>) semaphore(%arg14 : memref<!tpu.dma_semaphore, #tpu.memory_space<semaphore_mem>>)
    %scan3A = arith.constant 0 : i32
    %scan3A_16 = arith.constant 0 : i32
    %scan3A_17 = arith.constant 19 : i32
    %scan3A_18 = arith.addi %scan3A_16, %scan3A_17 : i32
    %scan3A_19 = arith.constant 1 : i32
    scf.for %scan3A_90 = %scan3A_16 to %scan3A_18 step %scan3A_19  : i32 {
      %mul3A_91 = arith.constant 2 : i32
      %mul3A_92 = arith.muli %mul3A_91, %scan3A_90 : i32
      %add3A_93 = arith.constant 0 : i32
      %add3A_94 = arith.addi %mul3A_92, %add3A_93 : i32
      %add3A_95 = arith.constant 1 : i32
      %add3A_96 = arith.addi %add3A_94, %add3A_95 : i32
      %lt3A = arith.constant 39 : i32
      %lt3A_97 = arith.cmpi slt, %add3A_96, %lt3A : i32
      %convert_element_type3A = arith.extui %lt3A_97 : i1 to i32
      %cond3A = arith.constant 0 : i32
      %cond3A_98 = arith.cmpi ne, %convert_element_type3A, %cond3A : i32
      scf.if %cond3A_98 {
        %ge3A = arith.constant 1 : i32
        %ge3A_156 = arith.cmpi sge, %add3A_94, %ge3A : i32
        %convert_element_type3A_157 = arith.extui %ge3A_156 : i1 to i32
        %cond3A_158 = arith.constant 0 : i32
        %cond3A_159 = arith.cmpi ne, %convert_element_type3A_157, %cond3A_158 : i32
        scf.if %cond3A_159 {
          %dma_wait3A_172 = arith.constant 0 : i32
          %dma_wait3A_173 = tpu.memref_slice %arg5[%mul3A_2, %dma_wait3A_172] : memref<160000x128xf32, #tpu.memory_space<hbm>> -> memref<128x128xf32, #tpu.memory_space<hbm>>
          %dma_wait3A_174 = arith.constant 0 : i32
          %dma_wait3A_175 = tpu.memref_slice %arg5[%mul3A_2, %dma_wait3A_174] : memref<160000x128xf32, #tpu.memory_space<hbm>> -> memref<128x128xf32, #tpu.memory_space<hbm>>
          tpu.wait_dma2 semaphore(%arg17 : memref<!tpu.dma_semaphore, #tpu.memory_space<semaphore_mem>>) src(%arg9 : memref<128x128xf32, #tpu.memory_space<vmem>>) dst(%dma_wait3A_175 : memref<128x128xf32, #tpu.memory_space<hbm>>)
        } else {
        }
        %add3A_160 = arith.constant 1 : i32
        %add3A_161 = arith.addi %add3A_94, %add3A_160 : i32
        %mul3A_162 = arith.constant 128 : i32
        %mul3A_163 = arith.muli %add3A_161, %mul3A_162 : i32
        %dma_start3A_164 = tpu.memref_slice %arg6[%mul3A_163] : memref<5000xi32, #tpu.memory_space<vmem>> -> memref<128xi32, #tpu.memory_space<vmem>>
        %dma_start3A_165 = arith.constant 0 : i32
        %dma_start3A_166 = arith.constant 0 : i32
        %dma_start3A_167 = tpu.memref_slice %arg2[%dma_start3A_165, %dma_start3A_166] : memref<10000x128xf32, #tpu.memory_space<hbm>> -> memref<10000x128xf32, #tpu.memory_space<hbm>>
        tpu.enqueue_indirect_dma source(%dma_start3A_167 : memref<10000x128xf32, #tpu.memory_space<hbm>>) target(%arg9 : memref<128x128xf32, #tpu.memory_space<vmem>>) offsets(%dma_start3A_164 : memref<128xi32, #tpu.memory_space<vmem>>) semaphore(%arg13 : memref<!tpu.dma_semaphore, #tpu.memory_space<semaphore_mem>>)
        %dma_start3A_168 = tpu.memref_slice %arg7[%mul3A_163] : memref<5000xi32, #tpu.memory_space<vmem>> -> memref<128xi32, #tpu.memory_space<vmem>>
        %dma_start3A_169 = arith.constant 0 : i32
        %dma_start3A_170 = arith.constant 0 : i32
        %dma_start3A_171 = tpu.memref_slice %arg3[%dma_start3A_169, %dma_start3A_170] : memref<10000x128xf32, #tpu.memory_space<hbm>> -> memref<10000x128xf32, #tpu.memory_space<hbm>>
        tpu.enqueue_indirect_dma source(%dma_start3A_171 : memref<10000x128xf32, #tpu.memory_space<hbm>>) target(%arg11 : memref<128x128xf32, #tpu.memory_space<vmem>>) offsets(%dma_start3A_168 : memref<128xi32, #tpu.memory_space<vmem>>) semaphore(%arg15 : memref<!tpu.dma_semaphore, #tpu.memory_space<semaphore_mem>>)
      } else {
      }
      %dma_wait3A_99 = arith.constant 0 : i32
      %dma_wait3A_100 = tpu.memref_slice %arg6[%dma_wait3A_99] : memref<5000xi32, #tpu.memory_space<vmem>> -> memref<128xi32, #tpu.memory_space<vmem>>
      %dma_wait3A_101 = arith.constant 0 : i32
      %dma_wait3A_102 = arith.constant 0 : i32
      %dma_wait3A_103 = tpu.memref_slice %arg2[%dma_wait3A_101, %dma_wait3A_102] : memref<10000x128xf32, #tpu.memory_space<hbm>> -> memref<10000x128xf32, #tpu.memory_space<hbm>>
      tpu.wait_indirect_dma semaphore(%arg12 : memref<!tpu.dma_semaphore, #tpu.memory_space<semaphore_mem>>) src(%dma_wait3A_103 : memref<10000x128xf32, #tpu.memory_space<hbm>>) dst(%arg8 : memref<128x128xf32, #tpu.memory_space<vmem>>)
      %dma_wait3A_104 = arith.constant 0 : i32
      %dma_wait3A_105 = tpu.memref_slice %arg7[%dma_wait3A_104] : memref<5000xi32, #tpu.memory_space<vmem>> -> memref<128xi32, #tpu.memory_space<vmem>>
      %dma_wait3A_106 = arith.constant 0 : i32
      %dma_wait3A_107 = arith.constant 0 : i32
      %dma_wait3A_108 = tpu.memref_slice %arg3[%dma_wait3A_106, %dma_wait3A_107] : memref<10000x128xf32, #tpu.memory_space<hbm>> -> memref<10000x128xf32, #tpu.memory_space<hbm>>
      tpu.wait_indirect_dma semaphore(%arg14 : memref<!tpu.dma_semaphore, #tpu.memory_space<semaphore_mem>>) src(%dma_wait3A_108 : memref<10000x128xf32, #tpu.memory_space<hbm>>) dst(%arg10 : memref<128x128xf32, #tpu.memory_space<vmem>>)
      %scan3A_109 = arith.constant 0 : i32
      %scan3A_110 = arith.constant 0 : i32
      %scan3A_111 = arith.constant 128 : i32
      %scan3A_112 = arith.addi %scan3A_110, %scan3A_111 : i32
      %scan3A_113 = arith.constant 1 : i32
      scf.for %scan3A_156 = %scan3A_110 to %scan3A_112 step %scan3A_113  : i32 {
        %get3A = arith.index_cast %scan3A_156 : i32 to index
        %get3A_157 = arith.constant 0 : index
        %get3A_158 = tpu.vector_load %arg8[%get3A, %get3A_157] {strides = array<i32>} : memref<128x128xf32, #tpu.memory_space<vmem>>, vector<1x16xf32>,
        %get3A_159 = vector.shape_cast %get3A_158 : vector<1x16xf32> to vector<16xf32>
        %get3A_160 = arith.index_cast %scan3A_156 : i32 to index
        %get3A_161 = arith.constant 0 : index
        %get3A_162 = tpu.vector_load %arg10[%get3A_160, %get3A_161] {strides = array<i32>} : memref<128x128xf32, #tpu.memory_space<vmem>>, vector<1x16xf32>,
        %get3A_163 = vector.shape_cast %get3A_162 : vector<1x16xf32> to vector<16xf32>
        %add3A_164 = arith.addf %get3A_159, %get3A_163 : vector<16xf32>
        %swap3A = arith.index_cast %scan3A_156 : i32 to index
        %swap3A_165 = arith.constant 0 : index
        %swap3A_166 = tpu.vector_load %arg8[%swap3A, %swap3A_165] {strides = array<i32>} : memref<128x128xf32, #tpu.memory_space<vmem>>, vector<1x16xf32>,
        %swap3A_167 = vector.shape_cast %swap3A_166 : vector<1x16xf32> to vector<16xf32>
        %swap3A_168 = vector.shape_cast %add3A_164 : vector<16xf32> to vector<1x16xf32>
        tpu.vector_store %arg8[%swap3A, %swap3A_165], %swap3A_168 {strides = array<i32>} : memref<128x128xf32, #tpu.memory_space<vmem>>, vector<1x16xf32>,
        %get3A_169 = arith.index_cast %scan3A_156 : i32 to index
        %get3A_170 = arith.constant 16 : index
        %get3A_171 = tpu.vector_load %arg8[%get3A_169, %get3A_170] {strides = array<i32>} : memref<128x128xf32, #tpu.memory_space<vmem>>, vector<1x16xf32>,
        %get3A_172 = vector.shape_cast %get3A_171 : vector<1x16xf32> to vector<16xf32>
        %get3A_173 = arith.index_cast %scan3A_156 : i32 to index
        %get3A_174 = arith.constant 16 : index
        %get3A_175 = tpu.vector_load %arg10[%get3A_173, %get3A_174] {strides = array<i32>} : memref<128x128xf32, #tpu.memory_space<vmem>>, vector<1x16xf32>,
        %get3A_176 = vector.shape_cast %get3A_175 : vector<1x16xf32> to vector<16xf32>
        %add3A_177 = arith.addf %get3A_172, %get3A_176 : vector<16xf32>
        %swap3A_178 = arith.index_cast %scan3A_156 : i32 to index
        %swap3A_179 = arith.constant 16 : index
        %swap3A_180 = tpu.vector_load %arg8[%swap3A_178, %swap3A_179] {strides = array<i32>} : memref<128x128xf32, #tpu.memory_space<vmem>>, vector<1x16xf32>,
        %swap3A_181 = vector.shape_cast %swap3A_180 : vector<1x16xf32> to vector<16xf32>
        %swap3A_182 = vector.shape_cast %add3A_177 : vector<16xf32> to vector<1x16xf32>
        tpu.vector_store %arg8[%swap3A_178, %swap3A_179], %swap3A_182 {strides = array<i32>} : memref<128x128xf32, #tpu.memory_space<vmem>>, vector<1x16xf32>,
        %get3A_183 = arith.index_cast %scan3A_156 : i32 to index
        %get3A_184 = arith.constant 32 : index
        %get3A_185 = tpu.vector_load %arg8[%get3A_183, %get3A_184] {strides = array<i32>} : memref<128x128xf32, #tpu.memory_space<vmem>>, vector<1x16xf32>,
        %get3A_186 = vector.shape_cast %get3A_185 : vector<1x16xf32> to vector<16xf32>
        %get3A_187 = arith.index_cast %scan3A_156 : i32 to index
        %get3A_188 = arith.constant 32 : index
        %get3A_189 = tpu.vector_load %arg10[%get3A_187, %get3A_188] {strides = array<i32>} : memref<128x128xf32, #tpu.memory_space<vmem>>, vector<1x16xf32>,
        %get3A_190 = vector.shape_cast %get3A_189 : vector<1x16xf32> to vector<16xf32>
        %add3A_191 = arith.addf %get3A_186, %get3A_190 : vector<16xf32>
        %swap3A_192 = arith.index_cast %scan3A_156 : i32 to index
        %swap3A_193 = arith.constant 32 : index
        %swap3A_194 = tpu.vector_load %arg8[%swap3A_192, %swap3A_193] {strides = array<i32>} : memref<128x128xf32, #tpu.memory_space<vmem>>, vector<1x16xf32>,
        %swap3A_195 = vector.shape_cast %swap3A_194 : vector<1x16xf32> to vector<16xf32>
        %swap3A_196 = vector.shape_cast %add3A_191 : vector<16xf32> to vector<1x16xf32>
        tpu.vector_store %arg8[%swap3A_192, %swap3A_193], %swap3A_196 {strides = array<i32>} : memref<128x128xf32, #tpu.memory_space<vmem>>, vector<1x16xf32>,
        %get3A_197 = arith.index_cast %scan3A_156 : i32 to index
        %get3A_198 = arith.constant 48 : index
        %get3A_199 = tpu.vector_load %arg8[%get3A_197, %get3A_198] {strides = array<i32>} : memref<128x128xf32, #tpu.memory_space<vmem>>, vector<1x16xf32>,
        %get3A_200 = vector.shape_cast %get3A_199 : vector<1x16xf32> to vector<16xf32>
        %get3A_201 = arith.index_cast %scan3A_156 : i32 to index
        %get3A_202 = arith.constant 48 : index
        %get3A_203 = tpu.vector_load %arg10[%get3A_201, %get3A_202] {strides = array<i32>} : memref<128x128xf32, #tpu.memory_space<vmem>>, vector<1x16xf32>,
        %get3A_204 = vector.shape_cast %get3A_203 : vector<1x16xf32> to vector<16xf32>
        %add3A_205 = arith.addf %get3A_200, %get3A_204 : vector<16xf32>
        %swap3A_206 = arith.index_cast %scan3A_156 : i32 to index
        %swap3A_207 = arith.constant 48 : index
        %swap3A_208 = tpu.vector_load %arg8[%swap3A_206, %swap3A_207] {strides = array<i32>} : memref<128x128xf32, #tpu.memory_space<vmem>>, vector<1x16xf32>,
        %swap3A_209 = vector.shape_cast %swap3A_208 : vector<1x16xf32> to vector<16xf32>
        %swap3A_210 = vector.shape_cast %add3A_205 : vector<16xf32> to vector<1x16xf32>
        tpu.vector_store %arg8[%swap3A_206, %swap3A_207], %swap3A_210 {strides = array<i32>} : memref<128x128xf32, #tpu.memory_space<vmem>>, vector<1x16xf32>,
        %get3A_211 = arith.index_cast %scan3A_156 : i32 to index
        %get3A_212 = arith.constant 64 : index
        %get3A_213 = tpu.vector_load %arg8[%get3A_211, %get3A_212] {strides = array<i32>} : memref<128x128xf32, #tpu.memory_space<vmem>>, vector<1x16xf32>,
        %get3A_214 = vector.shape_cast %get3A_213 : vector<1x16xf32> to vector<16xf32>
        %get3A_215 = arith.index_cast %scan3A_156 : i32 to index
        %get3A_216 = arith.constant 64 : index
        %get3A_217 = tpu.vector_load %arg10[%get3A_215, %get3A_216] {strides = array<i32>} : memref<128x128xf32, #tpu.memory_space<vmem>>, vector<1x16xf32>,
        %get3A_218 = vector.shape_cast %get3A_217 : vector<1x16xf32> to vector<16xf32>
        %add3A_219 = arith.addf %get3A_214, %get3A_218 : vector<16xf32>
        %swap3A_220 = arith.index_cast %scan3A_156 : i32 to index
        %swap3A_221 = arith.constant 64 : index
        %swap3A_222 = tpu.vector_load %arg8[%swap3A_220, %swap3A_221] {strides = array<i32>} : memref<128x128xf32, #tpu.memory_space<vmem>>, vector<1x16xf32>,
        %swap3A_223 = vector.shape_cast %swap3A_222 : vector<1x16xf32> to vector<16xf32>
        %swap3A_224 = vector.shape_cast %add3A_219 : vector<16xf32> to vector<1x16xf32>
        tpu.vector_store %arg8[%swap3A_220, %swap3A_221], %swap3A_224 {strides = array<i32>} : memref<128x128xf32, #tpu.memory_space<vmem>>, vector<1x16xf32>,
        %get3A_225 = arith.index_cast %scan3A_156 : i32 to index
        %get3A_226 = arith.constant 80 : index
        %get3A_227 = tpu.vector_load %arg8[%get3A_225, %get3A_226] {strides = array<i32>} : memref<128x128xf32, #tpu.memory_space<vmem>>, vector<1x16xf32>,
        %get3A_228 = vector.shape_cast %get3A_227 : vector<1x16xf32> to vector<16xf32>
        %get3A_229 = arith.index_cast %scan3A_156 : i32 to index
        %get3A_230 = arith.constant 80 : index
        %get3A_231 = tpu.vector_load %arg10[%get3A_229, %get3A_230] {strides = array<i32>} : memref<128x128xf32, #tpu.memory_space<vmem>>, vector<1x16xf32>,
        %get3A_232 = vector.shape_cast %get3A_231 : vector<1x16xf32> to vector<16xf32>
        %add3A_233 = arith.addf %get3A_228, %get3A_232 : vector<16xf32>
        %swap3A_234 = arith.index_cast %scan3A_156 : i32 to index
        %swap3A_235 = arith.constant 80 : index
        %swap3A_236 = tpu.vector_load %arg8[%swap3A_234, %swap3A_235] {strides = array<i32>} : memref<128x128xf32, #tpu.memory_space<vmem>>, vector<1x16xf32>,
        %swap3A_237 = vector.shape_cast %swap3A_236 : vector<1x16xf32> to vector<16xf32>
        %swap3A_238 = vector.shape_cast %add3A_233 : vector<16xf32> to vector<1x16xf32>
        tpu.vector_store %arg8[%swap3A_234, %swap3A_235], %swap3A_238 {strides = array<i32>} : memref<128x128xf32, #tpu.memory_space<vmem>>, vector<1x16xf32>,
        %get3A_239 = arith.index_cast %scan3A_156 : i32 to index
        %get3A_240 = arith.constant 96 : index
        %get3A_241 = tpu.vector_load %arg8[%get3A_239, %get3A_240] {strides = array<i32>} : memref<128x128xf32, #tpu.memory_space<vmem>>, vector<1x16xf32>,
        %get3A_242 = vector.shape_cast %get3A_241 : vector<1x16xf32> to vector<16xf32>
        %get3A_243 = arith.index_cast %scan3A_156 : i32 to index
        %get3A_244 = arith.constant 96 : index
        %get3A_245 = tpu.vector_load %arg10[%get3A_243, %get3A_244] {strides = array<i32>} : memref<128x128xf32, #tpu.memory_space<vmem>>, vector<1x16xf32>,
        %get3A_246 = vector.shape_cast %get3A_245 : vector<1x16xf32> to vector<16xf32>
        %add3A_247 = arith.addf %get3A_242, %get3A_246 : vector<16xf32>
        %swap3A_248 = arith.index_cast %scan3A_156 : i32 to index
        %swap3A_249 = arith.constant 96 : index
        %swap3A_250 = tpu.vector_load %arg8[%swap3A_248, %swap3A_249] {strides = array<i32>} : memref<128x128xf32, #tpu.memory_space<vmem>>, vector<1x16xf32>,
        %swap3A_251 = vector.shape_cast %swap3A_250 : vector<1x16xf32> to vector<16xf32>
        %swap3A_252 = vector.shape_cast %add3A_247 : vector<16xf32> to vector<1x16xf32>
        tpu.vector_store %arg8[%swap3A_248, %swap3A_249], %swap3A_252 {strides = array<i32>} : memref<128x128xf32, #tpu.memory_space<vmem>>, vector<1x16xf32>,
        %get3A_253 = arith.index_cast %scan3A_156 : i32 to index
        %get3A_254 = arith.constant 112 : index
        %get3A_255 = tpu.vector_load %arg8[%get3A_253, %get3A_254] {strides = array<i32>} : memref<128x128xf32, #tpu.memory_space<vmem>>, vector<1x16xf32>,
        %get3A_256 = vector.shape_cast %get3A_255 : vector<1x16xf32> to vector<16xf32>
        %get3A_257 = arith.index_cast %scan3A_156 : i32 to index
        %get3A_258 = arith.constant 112 : index
        %get3A_259 = tpu.vector_load %arg10[%get3A_257, %get3A_258] {strides = array<i32>} : memref<128x128xf32, #tpu.memory_space<vmem>>, vector<1x16xf32>,
        %get3A_260 = vector.shape_cast %get3A_259 : vector<1x16xf32> to vector<16xf32>
        %add3A_261 = arith.addf %get3A_256, %get3A_260 : vector<16xf32>
        %swap3A_262 = arith.index_cast %scan3A_156 : i32 to index
        %swap3A_263 = arith.constant 112 : index
        %swap3A_264 = tpu.vector_load %arg8[%swap3A_262, %swap3A_263] {strides = array<i32>} : memref<128x128xf32, #tpu.memory_space<vmem>>, vector<1x16xf32>,
        %swap3A_265 = vector.shape_cast %swap3A_264 : vector<1x16xf32> to vector<16xf32>
        %swap3A_266 = vector.shape_cast %add3A_261 : vector<16xf32> to vector<1x16xf32>
        tpu.vector_store %arg8[%swap3A_262, %swap3A_263], %swap3A_266 {strides = array<i32>} : memref<128x128xf32, #tpu.memory_space<vmem>>, vector<1x16xf32>,
      }
      %scan3A_114 = arith.constant 128 : i32
      %mul3A_115 = arith.constant 128 : i32
      %mul3A_116 = arith.muli %add3A_94, %mul3A_115 : i32
      %add3A_117 = arith.addi %mul3A_2, %mul3A_116 : i32
      %dma_start3A_118 = arith.constant 0 : i32
      %dma_start3A_119 = tpu.memref_slice %arg5[%add3A_117, %dma_start3A_118] : memref<160000x128xf32, #tpu.memory_space<hbm>> -> memref<128x128xf32, #tpu.memory_space<hbm>>
      %dma_start3A_120 = arith.constant 0 : i32
      %dma_start3A_121 = tpu.memref_slice %arg5[%add3A_117, %dma_start3A_120] : memref<160000x128xf32, #tpu.memory_space<hbm>> -> memref<128x128xf32, #tpu.memory_space<hbm>>
      tpu.enqueue_dma source(%arg8 : memref<128x128xf32, #tpu.memory_space<vmem>>) target(%dma_start3A_121 : memref<128x128xf32, #tpu.memory_space<hbm>>) target_semaphore(%arg16 : memref<!tpu.dma_semaphore, #tpu.memory_space<semaphore_mem>>)
      %mul3A_122 = arith.constant 2 : i32
      %mul3A_123 = arith.muli %mul3A_122, %scan3A_90 : i32
      %add3A_124 = arith.constant 1 : i32
      %add3A_125 = arith.addi %mul3A_123, %add3A_124 : i32
      %add3A_126 = arith.constant 1 : i32
      %add3A_127 = arith.addi %add3A_125, %add3A_126 : i32
      %lt3A_128 = arith.constant 39 : i32
      %lt3A_129 = arith.cmpi slt, %add3A_127, %lt3A_128 : i32
      %convert_element_type3A_130 = arith.extui %lt3A_129 : i1 to i32
      %cond3A_131 = arith.constant 0 : i32
      %cond3A_132 = arith.cmpi ne, %convert_element_type3A_130, %cond3A_131 : i32
      scf.if %cond3A_132 {
        %ge3A = arith.constant 1 : i32
        %ge3A_156 = arith.cmpi sge, %add3A_125, %ge3A : i32
        %convert_element_type3A_157 = arith.extui %ge3A_156 : i1 to i32
        %cond3A_158 = arith.constant 0 : i32
        %cond3A_159 = arith.cmpi ne, %convert_element_type3A_157, %cond3A_158 : i32
        scf.if %cond3A_159 {
          %dma_wait3A_172 = arith.constant 0 : i32
          %dma_wait3A_173 = tpu.memref_slice %arg5[%mul3A_2, %dma_wait3A_172] : memref<160000x128xf32, #tpu.memory_space<hbm>> -> memref<128x128xf32, #tpu.memory_space<hbm>>
          %dma_wait3A_174 = arith.constant 0 : i32
          %dma_wait3A_175 = tpu.memref_slice %arg5[%mul3A_2, %dma_wait3A_174] : memref<160000x128xf32, #tpu.memory_space<hbm>> -> memref<128x128xf32, #tpu.memory_space<hbm>>
          tpu.wait_dma2 semaphore(%arg16 : memref<!tpu.dma_semaphore, #tpu.memory_space<semaphore_mem>>) src(%arg8 : memref<128x128xf32, #tpu.memory_space<vmem>>) dst(%dma_wait3A_175 : memref<128x128xf32, #tpu.memory_space<hbm>>)
        } else {
        }
        %add3A_160 = arith.constant 1 : i32
        %add3A_161 = arith.addi %add3A_125, %add3A_160 : i32
        %mul3A_162 = arith.constant 128 : i32
        %mul3A_163 = arith.muli %add3A_161, %mul3A_162 : i32
        %dma_start3A_164 = tpu.memref_slice %arg6[%mul3A_163] : memref<5000xi32, #tpu.memory_space<vmem>> -> memref<128xi32, #tpu.memory_space<vmem>>
        %dma_start3A_165 = arith.constant 0 : i32
        %dma_start3A_166 = arith.constant 0 : i32
        %dma_start3A_167 = tpu.memref_slice %arg2[%dma_start3A_165, %dma_start3A_166] : memref<10000x128xf32, #tpu.memory_space<hbm>> -> memref<10000x128xf32, #tpu.memory_space<hbm>>
        tpu.enqueue_indirect_dma source(%dma_start3A_167 : memref<10000x128xf32, #tpu.memory_space<hbm>>) target(%arg8 : memref<128x128xf32, #tpu.memory_space<vmem>>) offsets(%dma_start3A_164 : memref<128xi32, #tpu.memory_space<vmem>>) semaphore(%arg12 : memref<!tpu.dma_semaphore, #tpu.memory_space<semaphore_mem>>)
        %dma_start3A_168 = tpu.memref_slice %arg7[%mul3A_163] : memref<5000xi32, #tpu.memory_space<vmem>> -> memref<128xi32, #tpu.memory_space<vmem>>
        %dma_start3A_169 = arith.constant 0 : i32
        %dma_start3A_170 = arith.constant 0 : i32
        %dma_start3A_171 = tpu.memref_slice %arg3[%dma_start3A_169, %dma_start3A_170] : memref<10000x128xf32, #tpu.memory_space<hbm>> -> memref<10000x128xf32, #tpu.memory_space<hbm>>
        tpu.enqueue_indirect_dma source(%dma_start3A_171 : memref<10000x128xf32, #tpu.memory_space<hbm>>) target(%arg10 : memref<128x128xf32, #tpu.memory_space<vmem>>) offsets(%dma_start3A_168 : memref<128xi32, #tpu.memory_space<vmem>>) semaphore(%arg14 : memref<!tpu.dma_semaphore, #tpu.memory_space<semaphore_mem>>)
      } else {
      }
      %dma_wait3A_133 = arith.constant 0 : i32
      %dma_wait3A_134 = tpu.memref_slice %arg6[%dma_wait3A_133] : memref<5000xi32, #tpu.memory_space<vmem>> -> memref<128xi32, #tpu.memory_space<vmem>>
      %dma_wait3A_135 = arith.constant 0 : i32
      %dma_wait3A_136 = arith.constant 0 : i32
      %dma_wait3A_137 = tpu.memref_slice %arg2[%dma_wait3A_135, %dma_wait3A_136] : memref<10000x128xf32, #tpu.memory_space<hbm>> -> memref<10000x128xf32, #tpu.memory_space<hbm>>
      tpu.wait_indirect_dma semaphore(%arg13 : memref<!tpu.dma_semaphore, #tpu.memory_space<semaphore_mem>>) src(%dma_wait3A_137 : memref<10000x128xf32, #tpu.memory_space<hbm>>) dst(%arg9 : memref<128x128xf32, #tpu.memory_space<vmem>>)
      %dma_wait3A_138 = arith.constant 0 : i32
      %dma_wait3A_139 = tpu.memref_slice %arg7[%dma_wait3A_138] : memref<5000xi32, #tpu.memory_space<vmem>> -> memref<128xi32, #tpu.memory_space<vmem>>
      %dma_wait3A_140 = arith.constant 0 : i32
      %dma_wait3A_141 = arith.constant 0 : i32
      %dma_wait3A_142 = tpu.memref_slice %arg3[%dma_wait3A_140, %dma_wait3A_141] : memref<10000x128xf32, #tpu.memory_space<hbm>> -> memref<10000x128xf32, #tpu.memory_space<hbm>>
      tpu.wait_indirect_dma semaphore(%arg15 : memref<!tpu.dma_semaphore, #tpu.memory_space<semaphore_mem>>) src(%dma_wait3A_142 : memref<10000x128xf32, #tpu.memory_space<hbm>>) dst(%arg11 : memref<128x128xf32, #tpu.memory_space<vmem>>)
      %scan3A_143 = arith.constant 0 : i32
      %scan3A_144 = arith.constant 0 : i32
      %scan3A_145 = arith.constant 128 : i32
      %scan3A_146 = arith.addi %scan3A_144, %scan3A_145 : i32
      %scan3A_147 = arith.constant 1 : i32
      scf.for %scan3A_156 = %scan3A_144 to %scan3A_146 step %scan3A_147  : i32 {
        %get3A = arith.index_cast %scan3A_156 : i32 to index
        %get3A_157 = arith.constant 0 : index
        %get3A_158 = tpu.vector_load %arg9[%get3A, %get3A_157] {strides = array<i32>} : memref<128x128xf32, #tpu.memory_space<vmem>>, vector<1x16xf32>,
        %get3A_159 = vector.shape_cast %get3A_158 : vector<1x16xf32> to vector<16xf32>
        %get3A_160 = arith.index_cast %scan3A_156 : i32 to index
        %get3A_161 = arith.constant 0 : index
        %get3A_162 = tpu.vector_load %arg11[%get3A_160, %get3A_161] {strides = array<i32>} : memref<128x128xf32, #tpu.memory_space<vmem>>, vector<1x16xf32>,
        %get3A_163 = vector.shape_cast %get3A_162 : vector<1x16xf32> to vector<16xf32>
        %add3A_164 = arith.addf %get3A_159, %get3A_163 : vector<16xf32>
        %swap3A = arith.index_cast %scan3A_156 : i32 to index
        %swap3A_165 = arith.constant 0 : index
        %swap3A_166 = tpu.vector_load %arg9[%swap3A, %swap3A_165] {strides = array<i32>} : memref<128x128xf32, #tpu.memory_space<vmem>>, vector<1x16xf32>,
        %swap3A_167 = vector.shape_cast %swap3A_166 : vector<1x16xf32> to vector<16xf32>
        %swap3A_168 = vector.shape_cast %add3A_164 : vector<16xf32> to vector<1x16xf32>
        tpu.vector_store %arg9[%swap3A, %swap3A_165], %swap3A_168 {strides = array<i32>} : memref<128x128xf32, #tpu.memory_space<vmem>>, vector<1x16xf32>,
        %get3A_169 = arith.index_cast %scan3A_156 : i32 to index
        %get3A_170 = arith.constant 16 : index
        %get3A_171 = tpu.vector_load %arg9[%get3A_169, %get3A_170] {strides = array<i32>} : memref<128x128xf32, #tpu.memory_space<vmem>>, vector<1x16xf32>,
        %get3A_172 = vector.shape_cast %get3A_171 : vector<1x16xf32> to vector<16xf32>
        %get3A_173 = arith.index_cast %scan3A_156 : i32 to index
        %get3A_174 = arith.constant 16 : index
        %get3A_175 = tpu.vector_load %arg11[%get3A_173, %get3A_174] {strides = array<i32>} : memref<128x128xf32, #tpu.memory_space<vmem>>, vector<1x16xf32>,
        %get3A_176 = vector.shape_cast %get3A_175 : vector<1x16xf32> to vector<16xf32>
        %add3A_177 = arith.addf %get3A_172, %get3A_176 : vector<16xf32>
        %swap3A_178 = arith.index_cast %scan3A_156 : i32 to index
        %swap3A_179 = arith.constant 16 : index
        %swap3A_180 = tpu.vector_load %arg9[%swap3A_178, %swap3A_179] {strides = array<i32>} : memref<128x128xf32, #tpu.memory_space<vmem>>, vector<1x16xf32>,
        %swap3A_181 = vector.shape_cast %swap3A_180 : vector<1x16xf32> to vector<16xf32>
        %swap3A_182 = vector.shape_cast %add3A_177 : vector<16xf32> to vector<1x16xf32>
        tpu.vector_store %arg9[%swap3A_178, %swap3A_179], %swap3A_182 {strides = array<i32>} : memref<128x128xf32, #tpu.memory_space<vmem>>, vector<1x16xf32>,
        %get3A_183 = arith.index_cast %scan3A_156 : i32 to index
        %get3A_184 = arith.constant 32 : index
        %get3A_185 = tpu.vector_load %arg9[%get3A_183, %get3A_184] {strides = array<i32>} : memref<128x128xf32, #tpu.memory_space<vmem>>, vector<1x16xf32>,
        %get3A_186 = vector.shape_cast %get3A_185 : vector<1x16xf32> to vector<16xf32>
        %get3A_187 = arith.index_cast %scan3A_156 : i32 to index
        %get3A_188 = arith.constant 32 : index
        %get3A_189 = tpu.vector_load %arg11[%get3A_187, %get3A_188] {strides = array<i32>} : memref<128x128xf32, #tpu.memory_space<vmem>>, vector<1x16xf32>,
        %get3A_190 = vector.shape_cast %get3A_189 : vector<1x16xf32> to vector<16xf32>
        %add3A_191 = arith.addf %get3A_186, %get3A_190 : vector<16xf32>
        %swap3A_192 = arith.index_cast %scan3A_156 : i32 to index
        %swap3A_193 = arith.constant 32 : index
        %swap3A_194 = tpu.vector_load %arg9[%swap3A_192, %swap3A_193] {strides = array<i32>} : memref<128x128xf32, #tpu.memory_space<vmem>>, vector<1x16xf32>,
        %swap3A_195 = vector.shape_cast %swap3A_194 : vector<1x16xf32> to vector<16xf32>
        %swap3A_196 = vector.shape_cast %add3A_191 : vector<16xf32> to vector<1x16xf32>
        tpu.vector_store %arg9[%swap3A_192, %swap3A_193], %swap3A_196 {strides = array<i32>} : memref<128x128xf32, #tpu.memory_space<vmem>>, vector<1x16xf32>,
        %get3A_197 = arith.index_cast %scan3A_156 : i32 to index
        %get3A_198 = arith.constant 48 : index
        %get3A_199 = tpu.vector_load %arg9[%get3A_197, %get3A_198] {strides = array<i32>} : memref<128x128xf32, #tpu.memory_space<vmem>>, vector<1x16xf32>,
        %get3A_200 = vector.shape_cast %get3A_199 : vector<1x16xf32> to vector<16xf32>
        %get3A_201 = arith.index_cast %scan3A_156 : i32 to index
        %get3A_202 = arith.constant 48 : index
        %get3A_203 = tpu.vector_load %arg11[%get3A_201, %get3A_202] {strides = array<i32>} : memref<128x128xf32, #tpu.memory_space<vmem>>, vector<1x16xf32>,
        %get3A_204 = vector.shape_cast %get3A_203 : vector<1x16xf32> to vector<16xf32>
        %add3A_205 = arith.addf %get3A_200, %get3A_204 : vector<16xf32>
        %swap3A_206 = arith.index_cast %scan3A_156 : i32 to index
        %swap3A_207 = arith.constant 48 : index
        %swap3A_208 = tpu.vector_load %arg9[%swap3A_206, %swap3A_207] {strides = array<i32>} : memref<128x128xf32, #tpu.memory_space<vmem>>, vector<1x16xf32>,
        %swap3A_209 = vector.shape_cast %swap3A_208 : vector<1x16xf32> to vector<16xf32>
        %swap3A_210 = vector.shape_cast %add3A_205 : vector<16xf32> to vector<1x16xf32>
        tpu.vector_store %arg9[%swap3A_206, %swap3A_207], %swap3A_210 {strides = array<i32>} : memref<128x128xf32, #tpu.memory_space<vmem>>, vector<1x16xf32>,
        %get3A_211 = arith.index_cast %scan3A_156 : i32 to index
        %get3A_212 = arith.constant 64 : index
        %get3A_213 = tpu.vector_load %arg9[%get3A_211, %get3A_212] {strides = array<i32>} : memref<128x128xf32, #tpu.memory_space<vmem>>, vector<1x16xf32>,
        %get3A_214 = vector.shape_cast %get3A_213 : vector<1x16xf32> to vector<16xf32>
        %get3A_215 = arith.index_cast %scan3A_156 : i32 to index
        %get3A_216 = arith.constant 64 : index
        %get3A_217 = tpu.vector_load %arg11[%get3A_215, %get3A_216] {strides = array<i32>} : memref<128x128xf32, #tpu.memory_space<vmem>>, vector<1x16xf32>,
        %get3A_218 = vector.shape_cast %get3A_217 : vector<1x16xf32> to vector<16xf32>
        %add3A_219 = arith.addf %get3A_214, %get3A_218 : vector<16xf32>
        %swap3A_220 = arith.index_cast %scan3A_156 : i32 to index
        %swap3A_221 = arith.constant 64 : index
        %swap3A_222 = tpu.vector_load %arg9[%swap3A_220, %swap3A_221] {strides = array<i32>} : memref<128x128xf32, #tpu.memory_space<vmem>>, vector<1x16xf32>,
        %swap3A_223 = vector.shape_cast %swap3A_222 : vector<1x16xf32> to vector<16xf32>
        %swap3A_224 = vector.shape_cast %add3A_219 : vector<16xf32> to vector<1x16xf32>
        tpu.vector_store %arg9[%swap3A_220, %swap3A_221], %swap3A_224 {strides = array<i32>} : memref<128x128xf32, #tpu.memory_space<vmem>>, vector<1x16xf32>,
        %get3A_225 = arith.index_cast %scan3A_156 : i32 to index
        %get3A_226 = arith.constant 80 : index
        %get3A_227 = tpu.vector_load %arg9[%get3A_225, %get3A_226] {strides = array<i32>} : memref<128x128xf32, #tpu.memory_space<vmem>>, vector<1x16xf32>,
        %get3A_228 = vector.shape_cast %get3A_227 : vector<1x16xf32> to vector<16xf32>
        %get3A_229 = arith.index_cast %scan3A_156 : i32 to index
        %get3A_230 = arith.constant 80 : index
        %get3A_231 = tpu.vector_load %arg11[%get3A_229, %get3A_230] {strides = array<i32>} : memref<128x128xf32, #tpu.memory_space<vmem>>, vector<1x16xf32>,
        %get3A_232 = vector.shape_cast %get3A_231 : vector<1x16xf32> to vector<16xf32>
        %add3A_233 = arith.addf %get3A_228, %get3A_232 : vector<16xf32>
        %swap3A_234 = arith.index_cast %scan3A_156 : i32 to index
        %swap3A_235 = arith.constant 80 : index
        %swap3A_236 = tpu.vector_load %arg9[%swap3A_234, %swap3A_235] {strides = array<i32>} : memref<128x128xf32, #tpu.memory_space<vmem>>, vector<1x16xf32>,
        %swap3A_237 = vector.shape_cast %swap3A_236 : vector<1x16xf32> to vector<16xf32>
        %swap3A_238 = vector.shape_cast %add3A_233 : vector<16xf32> to vector<1x16xf32>
        tpu.vector_store %arg9[%swap3A_234, %swap3A_235], %swap3A_238 {strides = array<i32>} : memref<128x128xf32, #tpu.memory_space<vmem>>, vector<1x16xf32>,
        %get3A_239 = arith.index_cast %scan3A_156 : i32 to index
        %get3A_240 = arith.constant 96 : index
        %get3A_241 = tpu.vector_load %arg9[%get3A_239, %get3A_240] {strides = array<i32>} : memref<128x128xf32, #tpu.memory_space<vmem>>, vector<1x16xf32>,
        %get3A_242 = vector.shape_cast %get3A_241 : vector<1x16xf32> to vector<16xf32>
        %get3A_243 = arith.index_cast %scan3A_156 : i32 to index
        %get3A_244 = arith.constant 96 : index
        %get3A_245 = tpu.vector_load %arg11[%get3A_243, %get3A_244] {strides = array<i32>} : memref<128x128xf32, #tpu.memory_space<vmem>>, vector<1x16xf32>,
        %get3A_246 = vector.shape_cast %get3A_245 : vector<1x16xf32> to vector<16xf32>
        %add3A_247 = arith.addf %get3A_242, %get3A_246 : vector<16xf32>
        %swap3A_248 = arith.index_cast %scan3A_156 : i32 to index
        %swap3A_249 = arith.constant 96 : index
        %swap3A_250 = tpu.vector_load %arg9[%swap3A_248, %swap3A_249] {strides = array<i32>} : memref<128x128xf32, #tpu.memory_space<vmem>>, vector<1x16xf32>,
        %swap3A_251 = vector.shape_cast %swap3A_250 : vector<1x16xf32> to vector<16xf32>
        %swap3A_252 = vector.shape_cast %add3A_247 : vector<16xf32> to vector<1x16xf32>
        tpu.vector_store %arg9[%swap3A_248, %swap3A_249], %swap3A_252 {strides = array<i32>} : memref<128x128xf32, #tpu.memory_space<vmem>>, vector<1x16xf32>,
        %get3A_253 = arith.index_cast %scan3A_156 : i32 to index
        %get3A_254 = arith.constant 112 : index
        %get3A_255 = tpu.vector_load %arg9[%get3A_253, %get3A_254] {strides = array<i32>} : memref<128x128xf32, #tpu.memory_space<vmem>>, vector<1x16xf32>,
        %get3A_256 = vector.shape_cast %get3A_255 : vector<1x16xf32> to vector<16xf32>
        %get3A_257 = arith.index_cast %scan3A_156 : i32 to index
        %get3A_258 = arith.constant 112 : index
        %get3A_259 = tpu.vector_load %arg11[%get3A_257, %get3A_258] {strides = array<i32>} : memref<128x128xf32, #tpu.memory_space<vmem>>, vector<1x16xf32>,
        %get3A_260 = vector.shape_cast %get3A_259 : vector<1x16xf32> to vector<16xf32>
        %add3A_261 = arith.addf %get3A_256, %get3A_260 : vector<16xf32>
        %swap3A_262 = arith.index_cast %scan3A_156 : i32 to index
        %swap3A_263 = arith.constant 112 : index
        %swap3A_264 = tpu.vector_load %arg9[%swap3A_262, %swap3A_263] {strides = array<i32>} : memref<128x128xf32, #tpu.memory_space<vmem>>, vector<1x16xf32>,
        %swap3A_265 = vector.shape_cast %swap3A_264 : vector<1x16xf32> to vector<16xf32>
        %swap3A_266 = vector.shape_cast %add3A_261 : vector<16xf32> to vector<1x16xf32>
        tpu.vector_store %arg9[%swap3A_262, %swap3A_263], %swap3A_266 {strides = array<i32>} : memref<128x128xf32, #tpu.memory_space<vmem>>, vector<1x16xf32>,
      }
      %scan3A_148 = arith.constant 128 : i32
      %mul3A_149 = arith.constant 128 : i32
      %mul3A_150 = arith.muli %add3A_125, %mul3A_149 : i32
      %add3A_151 = arith.addi %mul3A_2, %mul3A_150 : i32
      %dma_start3A_152 = arith.constant 0 : i32
      %dma_start3A_153 = tpu.memref_slice %arg5[%add3A_151, %dma_start3A_152] : memref<160000x128xf32, #tpu.memory_space<hbm>> -> memref<128x128xf32, #tpu.memory_space<hbm>>
      %dma_start3A_154 = arith.constant 0 : i32
      %dma_start3A_155 = tpu.memref_slice %arg5[%add3A_151, %dma_start3A_154] : memref<160000x128xf32, #tpu.memory_space<hbm>> -> memref<128x128xf32, #tpu.memory_space<hbm>>
      tpu.enqueue_dma source(%arg9 : memref<128x128xf32, #tpu.memory_space<vmem>>) target(%dma_start3A_155 : memref<128x128xf32, #tpu.memory_space<hbm>>) target_semaphore(%arg17 : memref<!tpu.dma_semaphore, #tpu.memory_space<semaphore_mem>>)
    }
    %scan3A_20 = arith.constant 19 : i32
    %dma_wait3A = arith.constant 0 : i32
    %dma_wait3A_21 = tpu.memref_slice %arg6[%dma_wait3A] : memref<5000xi32, #tpu.memory_space<vmem>> -> memref<128xi32, #tpu.memory_space<vmem>>
    %dma_wait3A_22 = arith.constant 0 : i32
    %dma_wait3A_23 = arith.constant 0 : i32
    %dma_wait3A_24 = tpu.memref_slice %arg2[%dma_wait3A_22, %dma_wait3A_23] : memref<10000x128xf32, #tpu.memory_space<hbm>> -> memref<10000x128xf32, #tpu.memory_space<hbm>>
    tpu.wait_indirect_dma semaphore(%arg12 : memref<!tpu.dma_semaphore, #tpu.memory_space<semaphore_mem>>) src(%dma_wait3A_24 : memref<10000x128xf32, #tpu.memory_space<hbm>>) dst(%arg8 : memref<128x128xf32, #tpu.memory_space<vmem>>)
    %dma_wait3A_25 = arith.constant 0 : i32
    %dma_wait3A_26 = tpu.memref_slice %arg7[%dma_wait3A_25] : memref<5000xi32, #tpu.memory_space<vmem>> -> memref<128xi32, #tpu.memory_space<vmem>>
    %dma_wait3A_27 = arith.constant 0 : i32
    %dma_wait3A_28 = arith.constant 0 : i32
    %dma_wait3A_29 = tpu.memref_slice %arg3[%dma_wait3A_27, %dma_wait3A_28] : memref<10000x128xf32, #tpu.memory_space<hbm>> -> memref<10000x128xf32, #tpu.memory_space<hbm>>
    tpu.wait_indirect_dma semaphore(%arg14 : memref<!tpu.dma_semaphore, #tpu.memory_space<semaphore_mem>>) src(%dma_wait3A_29 : memref<10000x128xf32, #tpu.memory_space<hbm>>) dst(%arg10 : memref<128x128xf32, #tpu.memory_space<vmem>>)
    %scan3A_30 = arith.constant 0 : i32
    %scan3A_31 = arith.constant 0 : i32
    %scan3A_32 = arith.constant 128 : i32
    %scan3A_33 = arith.addi %scan3A_31, %scan3A_32 : i32
    %scan3A_34 = arith.constant 1 : i32
    scf.for %scan3A_90 = %scan3A_31 to %scan3A_33 step %scan3A_34  : i32 {
      %get3A = arith.index_cast %scan3A_90 : i32 to index
      %get3A_91 = arith.constant 0 : index
      %get3A_92 = tpu.vector_load %arg8[%get3A, %get3A_91] {strides = array<i32>} : memref<128x128xf32, #tpu.memory_space<vmem>>, vector<1x16xf32>,
      %get3A_93 = vector.shape_cast %get3A_92 : vector<1x16xf32> to vector<16xf32>
      %get3A_94 = arith.index_cast %scan3A_90 : i32 to index
      %get3A_95 = arith.constant 0 : index
      %get3A_96 = tpu.vector_load %arg10[%get3A_94, %get3A_95] {strides = array<i32>} : memref<128x128xf32, #tpu.memory_space<vmem>>, vector<1x16xf32>,
      %get3A_97 = vector.shape_cast %get3A_96 : vector<1x16xf32> to vector<16xf32>
      %add3A_98 = arith.addf %get3A_93, %get3A_97 : vector<16xf32>
      %swap3A = arith.index_cast %scan3A_90 : i32 to index
      %swap3A_99 = arith.constant 0 : index
      %swap3A_100 = tpu.vector_load %arg8[%swap3A, %swap3A_99] {strides = array<i32>} : memref<128x128xf32, #tpu.memory_space<vmem>>, vector<1x16xf32>,
      %swap3A_101 = vector.shape_cast %swap3A_100 : vector<1x16xf32> to vector<16xf32>
      %swap3A_102 = vector.shape_cast %add3A_98 : vector<16xf32> to vector<1x16xf32>
      tpu.vector_store %arg8[%swap3A, %swap3A_99], %swap3A_102 {strides = array<i32>} : memref<128x128xf32, #tpu.memory_space<vmem>>, vector<1x16xf32>,
      %get3A_103 = arith.index_cast %scan3A_90 : i32 to index
      %get3A_104 = arith.constant 16 : index
      %get3A_105 = tpu.vector_load %arg8[%get3A_103, %get3A_104] {strides = array<i32>} : memref<128x128xf32, #tpu.memory_space<vmem>>, vector<1x16xf32>,
      %get3A_106 = vector.shape_cast %get3A_105 : vector<1x16xf32> to vector<16xf32>
      %get3A_107 = arith.index_cast %scan3A_90 : i32 to index
      %get3A_108 = arith.constant 16 : index
      %get3A_109 = tpu.vector_load %arg10[%get3A_107, %get3A_108] {strides = array<i32>} : memref<128x128xf32, #tpu.memory_space<vmem>>, vector<1x16xf32>,
      %get3A_110 = vector.shape_cast %get3A_109 : vector<1x16xf32> to vector<16xf32>
      %add3A_111 = arith.addf %get3A_106, %get3A_110 : vector<16xf32>
      %swap3A_112 = arith.index_cast %scan3A_90 : i32 to index
      %swap3A_113 = arith.constant 16 : index
      %swap3A_114 = tpu.vector_load %arg8[%swap3A_112, %swap3A_113] {strides = array<i32>} : memref<128x128xf32, #tpu.memory_space<vmem>>, vector<1x16xf32>,
      %swap3A_115 = vector.shape_cast %swap3A_114 : vector<1x16xf32> to vector<16xf32>
      %swap3A_116 = vector.shape_cast %add3A_111 : vector<16xf32> to vector<1x16xf32>
      tpu.vector_store %arg8[%swap3A_112, %swap3A_113], %swap3A_116 {strides = array<i32>} : memref<128x128xf32, #tpu.memory_space<vmem>>, vector<1x16xf32>,
      %get3A_117 = arith.index_cast %scan3A_90 : i32 to index
      %get3A_118 = arith.constant 32 : index
      %get3A_119 = tpu.vector_load %arg8[%get3A_117, %get3A_118] {strides = array<i32>} : memref<128x128xf32, #tpu.memory_space<vmem>>, vector<1x16xf32>,
      %get3A_120 = vector.shape_cast %get3A_119 : vector<1x16xf32> to vector<16xf32>
      %get3A_121 = arith.index_cast %scan3A_90 : i32 to index
      %get3A_122 = arith.constant 32 : index
      %get3A_123 = tpu.vector_load %arg10[%get3A_121, %get3A_122] {strides = array<i32>} : memref<128x128xf32, #tpu.memory_space<vmem>>, vector<1x16xf32>,
      %get3A_124 = vector.shape_cast %get3A_123 : vector<1x16xf32> to vector<16xf32>
      %add3A_125 = arith.addf %get3A_120, %get3A_124 : vector<16xf32>
      %swap3A_126 = arith.index_cast %scan3A_90 : i32 to index
      %swap3A_127 = arith.constant 32 : index
      %swap3A_128 = tpu.vector_load %arg8[%swap3A_126, %swap3A_127] {strides = array<i32>} : memref<128x128xf32, #tpu.memory_space<vmem>>, vector<1x16xf32>,
      %swap3A_129 = vector.shape_cast %swap3A_128 : vector<1x16xf32> to vector<16xf32>
      %swap3A_130 = vector.shape_cast %add3A_125 : vector<16xf32> to vector<1x16xf32>
      tpu.vector_store %arg8[%swap3A_126, %swap3A_127], %swap3A_130 {strides = array<i32>} : memref<128x128xf32, #tpu.memory_space<vmem>>, vector<1x16xf32>,
      %get3A_131 = arith.index_cast %scan3A_90 : i32 to index
      %get3A_132 = arith.constant 48 : index
      %get3A_133 = tpu.vector_load %arg8[%get3A_131, %get3A_132] {strides = array<i32>} : memref<128x128xf32, #tpu.memory_space<vmem>>, vector<1x16xf32>,
      %get3A_134 = vector.shape_cast %get3A_133 : vector<1x16xf32> to vector<16xf32>
      %get3A_135 = arith.index_cast %scan3A_90 : i32 to index
      %get3A_136 = arith.constant 48 : index
      %get3A_137 = tpu.vector_load %arg10[%get3A_135, %get3A_136] {strides = array<i32>} : memref<128x128xf32, #tpu.memory_space<vmem>>, vector<1x16xf32>,
      %get3A_138 = vector.shape_cast %get3A_137 : vector<1x16xf32> to vector<16xf32>
      %add3A_139 = arith.addf %get3A_134, %get3A_138 : vector<16xf32>
      %swap3A_140 = arith.index_cast %scan3A_90 : i32 to index
      %swap3A_141 = arith.constant 48 : index
      %swap3A_142 = tpu.vector_load %arg8[%swap3A_140, %swap3A_141] {strides = array<i32>} : memref<128x128xf32, #tpu.memory_space<vmem>>, vector<1x16xf32>,
      %swap3A_143 = vector.shape_cast %swap3A_142 : vector<1x16xf32> to vector<16xf32>
      %swap3A_144 = vector.shape_cast %add3A_139 : vector<16xf32> to vector<1x16xf32>
      tpu.vector_store %arg8[%swap3A_140, %swap3A_141], %swap3A_144 {strides = array<i32>} : memref<128x128xf32, #tpu.memory_space<vmem>>, vector<1x16xf32>,
      %get3A_145 = arith.index_cast %scan3A_90 : i32 to index
      %get3A_146 = arith.constant 64 : index
      %get3A_147 = tpu.vector_load %arg8[%get3A_145, %get3A_146] {strides = array<i32>} : memref<128x128xf32, #tpu.memory_space<vmem>>, vector<1x16xf32>,
      %get3A_148 = vector.shape_cast %get3A_147 : vector<1x16xf32> to vector<16xf32>
      %get3A_149 = arith.index_cast %scan3A_90 : i32 to index
      %get3A_150 = arith.constant 64 : index
      %get3A_151 = tpu.vector_load %arg10[%get3A_149, %get3A_150] {strides = array<i32>} : memref<128x128xf32, #tpu.memory_space<vmem>>, vector<1x16xf32>,
      %get3A_152 = vector.shape_cast %get3A_151 : vector<1x16xf32> to vector<16xf32>
      %add3A_153 = arith.addf %get3A_148, %get3A_152 : vector<16xf32>
      %swap3A_154 = arith.index_cast %scan3A_90 : i32 to index
      %swap3A_155 = arith.constant 64 : index
      %swap3A_156 = tpu.vector_load %arg8[%swap3A_154, %swap3A_155] {strides = array<i32>} : memref<128x128xf32, #tpu.memory_space<vmem>>, vector<1x16xf32>,
      %swap3A_157 = vector.shape_cast %swap3A_156 : vector<1x16xf32> to vector<16xf32>
      %swap3A_158 = vector.shape_cast %add3A_153 : vector<16xf32> to vector<1x16xf32>
      tpu.vector_store %arg8[%swap3A_154, %swap3A_155], %swap3A_158 {strides = array<i32>} : memref<128x128xf32, #tpu.memory_space<vmem>>, vector<1x16xf32>,
      %get3A_159 = arith.index_cast %scan3A_90 : i32 to index
      %get3A_160 = arith.constant 80 : index
      %get3A_161 = tpu.vector_load %arg8[%get3A_159, %get3A_160] {strides = array<i32>} : memref<128x128xf32, #tpu.memory_space<vmem>>, vector<1x16xf32>,
      %get3A_162 = vector.shape_cast %get3A_161 : vector<1x16xf32> to vector<16xf32>
      %get3A_163 = arith.index_cast %scan3A_90 : i32 to index
      %get3A_164 = arith.constant 80 : index
      %get3A_165 = tpu.vector_load %arg10[%get3A_163, %get3A_164] {strides = array<i32>} : memref<128x128xf32, #tpu.memory_space<vmem>>, vector<1x16xf32>,
      %get3A_166 = vector.shape_cast %get3A_165 : vector<1x16xf32> to vector<16xf32>
      %add3A_167 = arith.addf %get3A_162, %get3A_166 : vector<16xf32>
      %swap3A_168 = arith.index_cast %scan3A_90 : i32 to index
      %swap3A_169 = arith.constant 80 : index
      %swap3A_170 = tpu.vector_load %arg8[%swap3A_168, %swap3A_169] {strides = array<i32>} : memref<128x128xf32, #tpu.memory_space<vmem>>, vector<1x16xf32>,
      %swap3A_171 = vector.shape_cast %swap3A_170 : vector<1x16xf32> to vector<16xf32>
      %swap3A_172 = vector.shape_cast %add3A_167 : vector<16xf32> to vector<1x16xf32>
      tpu.vector_store %arg8[%swap3A_168, %swap3A_169], %swap3A_172 {strides = array<i32>} : memref<128x128xf32, #tpu.memory_space<vmem>>, vector<1x16xf32>,
      %get3A_173 = arith.index_cast %scan3A_90 : i32 to index
      %get3A_174 = arith.constant 96 : index
      %get3A_175 = tpu.vector_load %arg8[%get3A_173, %get3A_174] {strides = array<i32>} : memref<128x128xf32, #tpu.memory_space<vmem>>, vector<1x16xf32>,
      %get3A_176 = vector.shape_cast %get3A_175 : vector<1x16xf32> to vector<16xf32>
      %get3A_177 = arith.index_cast %scan3A_90 : i32 to index
      %get3A_178 = arith.constant 96 : index
      %get3A_179 = tpu.vector_load %arg10[%get3A_177, %get3A_178] {strides = array<i32>} : memref<128x128xf32, #tpu.memory_space<vmem>>, vector<1x16xf32>,
      %get3A_180 = vector.shape_cast %get3A_179 : vector<1x16xf32> to vector<16xf32>
      %add3A_181 = arith.addf %get3A_176, %get3A_180 : vector<16xf32>
      %swap3A_182 = arith.index_cast %scan3A_90 : i32 to index
      %swap3A_183 = arith.constant 96 : index
      %swap3A_184 = tpu.vector_load %arg8[%swap3A_182, %swap3A_183] {strides = array<i32>} : memref<128x128xf32, #tpu.memory_space<vmem>>, vector<1x16xf32>,
      %swap3A_185 = vector.shape_cast %swap3A_184 : vector<1x16xf32> to vector<16xf32>
      %swap3A_186 = vector.shape_cast %add3A_181 : vector<16xf32> to vector<1x16xf32>
      tpu.vector_store %arg8[%swap3A_182, %swap3A_183], %swap3A_186 {strides = array<i32>} : memref<128x128xf32, #tpu.memory_space<vmem>>, vector<1x16xf32>,
      %get3A_187 = arith.index_cast %scan3A_90 : i32 to index
      %get3A_188 = arith.constant 112 : index
      %get3A_189 = tpu.vector_load %arg8[%get3A_187, %get3A_188] {strides = array<i32>} : memref<128x128xf32, #tpu.memory_space<vmem>>, vector<1x16xf32>,
      %get3A_190 = vector.shape_cast %get3A_189 : vector<1x16xf32> to vector<16xf32>
      %get3A_191 = arith.index_cast %scan3A_90 : i32 to index
      %get3A_192 = arith.constant 112 : index
      %get3A_193 = tpu.vector_load %arg10[%get3A_191, %get3A_192] {strides = array<i32>} : memref<128x128xf32, #tpu.memory_space<vmem>>, vector<1x16xf32>,
      %get3A_194 = vector.shape_cast %get3A_193 : vector<1x16xf32> to vector<16xf32>
      %add3A_195 = arith.addf %get3A_190, %get3A_194 : vector<16xf32>
      %swap3A_196 = arith.index_cast %scan3A_90 : i32 to index
      %swap3A_197 = arith.constant 112 : index
      %swap3A_198 = tpu.vector_load %arg8[%swap3A_196, %swap3A_197] {strides = array<i32>} : memref<128x128xf32, #tpu.memory_space<vmem>>, vector<1x16xf32>,
      %swap3A_199 = vector.shape_cast %swap3A_198 : vector<1x16xf32> to vector<16xf32>
      %swap3A_200 = vector.shape_cast %add3A_195 : vector<16xf32> to vector<1x16xf32>
      tpu.vector_store %arg8[%swap3A_196, %swap3A_197], %swap3A_200 {strides = array<i32>} : memref<128x128xf32, #tpu.memory_space<vmem>>, vector<1x16xf32>,
    }
    %scan3A_35 = arith.constant 128 : i32
    %add3A_36 = arith.constant 4864 : i32
    %add3A_37 = arith.addi %mul3A_2, %add3A_36 : i32
    %dma_start3A_38 = arith.constant 0 : i32
    %dma_start3A_39 = tpu.memref_slice %arg5[%add3A_37, %dma_start3A_38] : memref<160000x128xf32, #tpu.memory_space<hbm>> -> memref<128x128xf32, #tpu.memory_space<hbm>>
    %dma_start3A_40 = arith.constant 0 : i32
    %dma_start3A_41 = tpu.memref_slice %arg5[%add3A_37, %dma_start3A_40] : memref<160000x128xf32, #tpu.memory_space<hbm>> -> memref<128x128xf32, #tpu.memory_space<hbm>>
    tpu.enqueue_dma source(%arg8 : memref<128x128xf32, #tpu.memory_space<vmem>>) target(%dma_start3A_41 : memref<128x128xf32, #tpu.memory_space<hbm>>) target_semaphore(%arg16 : memref<!tpu.dma_semaphore, #tpu.memory_space<semaphore_mem>>)
    %dma_wait3A_42 = arith.constant 0 : i32
    %dma_wait3A_43 = tpu.memref_slice %arg5[%mul3A_2, %dma_wait3A_42] : memref<160000x128xf32, #tpu.memory_space<hbm>> -> memref<128x128xf32, #tpu.memory_space<hbm>>
    %dma_wait3A_44 = arith.constant 0 : i32
    %dma_wait3A_45 = tpu.memref_slice %arg5[%mul3A_2, %dma_wait3A_44] : memref<160000x128xf32, #tpu.memory_space<hbm>> -> memref<128x128xf32, #tpu.memory_space<hbm>>
    tpu.wait_dma2 semaphore(%arg16 : memref<!tpu.dma_semaphore, #tpu.memory_space<semaphore_mem>>) src(%arg8 : memref<128x128xf32, #tpu.memory_space<vmem>>) dst(%dma_wait3A_45 : memref<128x128xf32, #tpu.memory_space<hbm>>)
    %dma_wait3A_46 = arith.constant 0 : i32
    %dma_wait3A_47 = tpu.memref_slice %arg5[%mul3A_2, %dma_wait3A_46] : memref<160000x128xf32, #tpu.memory_space<hbm>> -> memref<128x128xf32, #tpu.memory_space<hbm>>
    %dma_wait3A_48 = arith.constant 0 : i32
    %dma_wait3A_49 = tpu.memref_slice %arg5[%mul3A_2, %dma_wait3A_48] : memref<160000x128xf32, #tpu.memory_space<hbm>> -> memref<128x128xf32, #tpu.memory_space<hbm>>
    tpu.wait_dma2 semaphore(%arg17 : memref<!tpu.dma_semaphore, #tpu.memory_space<semaphore_mem>>) src(%arg9 : memref<128x128xf32, #tpu.memory_space<vmem>>) dst(%dma_wait3A_49 : memref<128x128xf32, #tpu.memory_space<hbm>>)
    %dma_start3A_50 = arith.constant 0 : i32
    %dma_start3A_51 = arith.constant 0 : i32
    %dma_start3A_52 = tpu.memref_slice %arg8[%dma_start3A_50, %dma_start3A_51] : memref<128x128xf32, #tpu.memory_space<vmem>> -> memref<8x128xf32, #tpu.memory_space<vmem>>
    %dma_start3A_53 = arith.constant 4992 : i32
    %dma_start3A_54 = tpu.memref_slice %arg6[%dma_start3A_53] : memref<5000xi32, #tpu.memory_space<vmem>> -> memref<8xi32, #tpu.memory_space<vmem>>
    %dma_start3A_55 = arith.constant 0 : i32
    %dma_start3A_56 = arith.constant 0 : i32
    %dma_start3A_57 = tpu.memref_slice %arg2[%dma_start3A_55, %dma_start3A_56] : memref<10000x128xf32, #tpu.memory_space<hbm>> -> memref<10000x128xf32, #tpu.memory_space<hbm>>
    tpu.enqueue_indirect_dma source(%dma_start3A_57 : memref<10000x128xf32, #tpu.memory_space<hbm>>) target(%dma_start3A_52 : memref<8x128xf32, #tpu.memory_space<vmem>>) offsets(%dma_start3A_54 : memref<8xi32, #tpu.memory_space<vmem>>) semaphore(%arg12 : memref<!tpu.dma_semaphore, #tpu.memory_space<semaphore_mem>>)
    %dma_start3A_58 = arith.constant 0 : i32
    %dma_start3A_59 = arith.constant 0 : i32
    %dma_start3A_60 = tpu.memref_slice %arg10[%dma_start3A_58, %dma_start3A_59] : memref<128x128xf32, #tpu.memory_space<vmem>> -> memref<8x128xf32, #tpu.memory_space<vmem>>
    %dma_start3A_61 = arith.constant 4992 : i32
    %dma_start3A_62 = tpu.memref_slice %arg7[%dma_start3A_61] : memref<5000xi32, #tpu.memory_space<vmem>> -> memref<8xi32, #tpu.memory_space<vmem>>
    %dma_start3A_63 = arith.constant 0 : i32
    %dma_start3A_64 = arith.constant 0 : i32
    %dma_start3A_65 = tpu.memref_slice %arg3[%dma_start3A_63, %dma_start3A_64] : memref<10000x128xf32, #tpu.memory_space<hbm>> -> memref<10000x128xf32, #tpu.memory_space<hbm>>
    tpu.enqueue_indirect_dma source(%dma_start3A_65 : memref<10000x128xf32, #tpu.memory_space<hbm>>) target(%dma_start3A_60 : memref<8x128xf32, #tpu.memory_space<vmem>>) offsets(%dma_start3A_62 : memref<8xi32, #tpu.memory_space<vmem>>) semaphore(%arg14 : memref<!tpu.dma_semaphore, #tpu.memory_space<semaphore_mem>>)
    %dma_wait3A_66 = arith.constant 0 : i32
    %dma_wait3A_67 = arith.constant 0 : i32
    %dma_wait3A_68 = tpu.memref_slice %arg8[%dma_wait3A_66, %dma_wait3A_67] : memref<128x128xf32, #tpu.memory_space<vmem>> -> memref<8x128xf32, #tpu.memory_space<vmem>>
    %dma_wait3A_69 = arith.constant 4992 : i32
    %dma_wait3A_70 = tpu.memref_slice %arg6[%dma_wait3A_69] : memref<5000xi32, #tpu.memory_space<vmem>> -> memref<8xi32, #tpu.memory_space<vmem>>
    %dma_wait3A_71 = arith.constant 0 : i32
    %dma_wait3A_72 = arith.constant 0 : i32
    %dma_wait3A_73 = tpu.memref_slice %arg2[%dma_wait3A_71, %dma_wait3A_72] : memref<10000x128xf32, #tpu.memory_space<hbm>> -> memref<10000x128xf32, #tpu.memory_space<hbm>>
    tpu.wait_indirect_dma semaphore(%arg12 : memref<!tpu.dma_semaphore, #tpu.memory_space<semaphore_mem>>) src(%dma_wait3A_73 : memref<10000x128xf32, #tpu.memory_space<hbm>>) dst(%dma_wait3A_68 : memref<8x128xf32, #tpu.memory_space<vmem>>)
    %dma_wait3A_74 = arith.constant 0 : i32
    %dma_wait3A_75 = arith.constant 0 : i32
    %dma_wait3A_76 = tpu.memref_slice %arg10[%dma_wait3A_74, %dma_wait3A_75] : memref<128x128xf32, #tpu.memory_space<vmem>> -> memref<8x128xf32, #tpu.memory_space<vmem>>
    %dma_wait3A_77 = arith.constant 4992 : i32
    %dma_wait3A_78 = tpu.memref_slice %arg7[%dma_wait3A_77] : memref<5000xi32, #tpu.memory_space<vmem>> -> memref<8xi32, #tpu.memory_space<vmem>>
    %dma_wait3A_79 = arith.constant 0 : i32
    %dma_wait3A_80 = arith.constant 0 : i32
    %dma_wait3A_81 = tpu.memref_slice %arg3[%dma_wait3A_79, %dma_wait3A_80] : memref<10000x128xf32, #tpu.memory_space<hbm>> -> memref<10000x128xf32, #tpu.memory_space<hbm>>
    tpu.wait_indirect_dma semaphore(%arg14 : memref<!tpu.dma_semaphore, #tpu.memory_space<semaphore_mem>>) src(%dma_wait3A_81 : memref<10000x128xf32, #tpu.memory_space<hbm>>) dst(%dma_wait3A_76 : memref<8x128xf32, #tpu.memory_space<vmem>>)
    %scan3A_82 = arith.constant 0 : i32
    %scan3A_83 = arith.constant 0 : i32
    %scan3A_84 = arith.constant 8 : i32
    %scan3A_85 = arith.addi %scan3A_83, %scan3A_84 : i32
    %scan3A_86 = arith.constant 1 : i32
    scf.for %scan3A_90 = %scan3A_83 to %scan3A_85 step %scan3A_86  : i32 {
      %get3A = arith.index_cast %scan3A_90 : i32 to index
      %get3A_91 = arith.constant 0 : index
      %get3A_92 = tpu.vector_load %arg8[%get3A, %get3A_91] {strides = array<i32>} : memref<128x128xf32, #tpu.memory_space<vmem>>, vector<1x16xf32>,
      %get3A_93 = vector.shape_cast %get3A_92 : vector<1x16xf32> to vector<16xf32>
      %get3A_94 = arith.index_cast %scan3A_90 : i32 to index
      %get3A_95 = arith.constant 0 : index
      %get3A_96 = tpu.vector_load %arg10[%get3A_94, %get3A_95] {strides = array<i32>} : memref<128x128xf32, #tpu.memory_space<vmem>>, vector<1x16xf32>,
      %get3A_97 = vector.shape_cast %get3A_96 : vector<1x16xf32> to vector<16xf32>
      %add3A_98 = arith.addf %get3A_93, %get3A_97 : vector<16xf32>
      %swap3A = arith.index_cast %scan3A_90 : i32 to index
      %swap3A_99 = arith.constant 0 : index
      %swap3A_100 = tpu.vector_load %arg8[%swap3A, %swap3A_99] {strides = array<i32>} : memref<128x128xf32, #tpu.memory_space<vmem>>, vector<1x16xf32>,
      %swap3A_101 = vector.shape_cast %swap3A_100 : vector<1x16xf32> to vector<16xf32>
      %swap3A_102 = vector.shape_cast %add3A_98 : vector<16xf32> to vector<1x16xf32>
      tpu.vector_store %arg8[%swap3A, %swap3A_99], %swap3A_102 {strides = array<i32>} : memref<128x128xf32, #tpu.memory_space<vmem>>, vector<1x16xf32>,
      %get3A_103 = arith.index_cast %scan3A_90 : i32 to index
      %get3A_104 = arith.constant 16 : index
      %get3A_105 = tpu.vector_load %arg8[%get3A_103, %get3A_104] {strides = array<i32>} : memref<128x128xf32, #tpu.memory_space<vmem>>, vector<1x16xf32>,
      %get3A_106 = vector.shape_cast %get3A_105 : vector<1x16xf32> to vector<16xf32>
      %get3A_107 = arith.index_cast %scan3A_90 : i32 to index
      %get3A_108 = arith.constant 16 : index
      %get3A_109 = tpu.vector_load %arg10[%get3A_107, %get3A_108] {strides = array<i32>} : memref<128x128xf32, #tpu.memory_space<vmem>>, vector<1x16xf32>,
      %get3A_110 = vector.shape_cast %get3A_109 : vector<1x16xf32> to vector<16xf32>
      %add3A_111 = arith.addf %get3A_106, %get3A_110 : vector<16xf32>
      %swap3A_112 = arith.index_cast %scan3A_90 : i32 to index
      %swap3A_113 = arith.constant 16 : index
      %swap3A_114 = tpu.vector_load %arg8[%swap3A_112, %swap3A_113] {strides = array<i32>} : memref<128x128xf32, #tpu.memory_space<vmem>>, vector<1x16xf32>,
      %swap3A_115 = vector.shape_cast %swap3A_114 : vector<1x16xf32> to vector<16xf32>
      %swap3A_116 = vector.shape_cast %add3A_111 : vector<16xf32> to vector<1x16xf32>
      tpu.vector_store %arg8[%swap3A_112, %swap3A_113], %swap3A_116 {strides = array<i32>} : memref<128x128xf32, #tpu.memory_space<vmem>>, vector<1x16xf32>,
      %get3A_117 = arith.index_cast %scan3A_90 : i32 to index
      %get3A_118 = arith.constant 32 : index
      %get3A_119 = tpu.vector_load %arg8[%get3A_117, %get3A_118] {strides = array<i32>} : memref<128x128xf32, #tpu.memory_space<vmem>>, vector<1x16xf32>,
      %get3A_120 = vector.shape_cast %get3A_119 : vector<1x16xf32> to vector<16xf32>
      %get3A_121 = arith.index_cast %scan3A_90 : i32 to index
      %get3A_122 = arith.constant 32 : index
      %get3A_123 = tpu.vector_load %arg10[%get3A_121, %get3A_122] {strides = array<i32>} : memref<128x128xf32, #tpu.memory_space<vmem>>, vector<1x16xf32>,
      %get3A_124 = vector.shape_cast %get3A_123 : vector<1x16xf32> to vector<16xf32>
      %add3A_125 = arith.addf %get3A_120, %get3A_124 : vector<16xf32>
      %swap3A_126 = arith.index_cast %scan3A_90 : i32 to index
      %swap3A_127 = arith.constant 32 : index
      %swap3A_128 = tpu.vector_load %arg8[%swap3A_126, %swap3A_127] {strides = array<i32>} : memref<128x128xf32, #tpu.memory_space<vmem>>, vector<1x16xf32>,
      %swap3A_129 = vector.shape_cast %swap3A_128 : vector<1x16xf32> to vector<16xf32>
      %swap3A_130 = vector.shape_cast %add3A_125 : vector<16xf32> to vector<1x16xf32>
      tpu.vector_store %arg8[%swap3A_126, %swap3A_127], %swap3A_130 {strides = array<i32>} : memref<128x128xf32, #tpu.memory_space<vmem>>, vector<1x16xf32>,
      %get3A_131 = arith.index_cast %scan3A_90 : i32 to index
      %get3A_132 = arith.constant 48 : index
      %get3A_133 = tpu.vector_load %arg8[%get3A_131, %get3A_132] {strides = array<i32>} : memref<128x128xf32, #tpu.memory_space<vmem>>, vector<1x16xf32>,
      %get3A_134 = vector.shape_cast %get3A_133 : vector<1x16xf32> to vector<16xf32>
      %get3A_135 = arith.index_cast %scan3A_90 : i32 to index
      %get3A_136 = arith.constant 48 : index
      %get3A_137 = tpu.vector_load %arg10[%get3A_135, %get3A_136] {strides = array<i32>} : memref<128x128xf32, #tpu.memory_space<vmem>>, vector<1x16xf32>,
      %get3A_138 = vector.shape_cast %get3A_137 : vector<1x16xf32> to vector<16xf32>
      %add3A_139 = arith.addf %get3A_134, %get3A_138 : vector<16xf32>
      %swap3A_140 = arith.index_cast %scan3A_90 : i32 to index
      %swap3A_141 = arith.constant 48 : index
      %swap3A_142 = tpu.vector_load %arg8[%swap3A_140, %swap3A_141] {strides = array<i32>} : memref<128x128xf32, #tpu.memory_space<vmem>>, vector<1x16xf32>,
      %swap3A_143 = vector.shape_cast %swap3A_142 : vector<1x16xf32> to vector<16xf32>
      %swap3A_144 = vector.shape_cast %add3A_139 : vector<16xf32> to vector<1x16xf32>
      tpu.vector_store %arg8[%swap3A_140, %swap3A_141], %swap3A_144 {strides = array<i32>} : memref<128x128xf32, #tpu.memory_space<vmem>>, vector<1x16xf32>,
      %get3A_145 = arith.index_cast %scan3A_90 : i32 to index
      %get3A_146 = arith.constant 64 : index
      %get3A_147 = tpu.vector_load %arg8[%get3A_145, %get3A_146] {strides = array<i32>} : memref<128x128xf32, #tpu.memory_space<vmem>>, vector<1x16xf32>,
      %get3A_148 = vector.shape_cast %get3A_147 : vector<1x16xf32> to vector<16xf32>
      %get3A_149 = arith.index_cast %scan3A_90 : i32 to index
      %get3A_150 = arith.constant 64 : index
      %get3A_151 = tpu.vector_load %arg10[%get3A_149, %get3A_150] {strides = array<i32>} : memref<128x128xf32, #tpu.memory_space<vmem>>, vector<1x16xf32>,
      %get3A_152 = vector.shape_cast %get3A_151 : vector<1x16xf32> to vector<16xf32>
      %add3A_153 = arith.addf %get3A_148, %get3A_152 : vector<16xf32>
      %swap3A_154 = arith.index_cast %scan3A_90 : i32 to index
      %swap3A_155 = arith.constant 64 : index
      %swap3A_156 = tpu.vector_load %arg8[%swap3A_154, %swap3A_155] {strides = array<i32>} : memref<128x128xf32, #tpu.memory_space<vmem>>, vector<1x16xf32>,
      %swap3A_157 = vector.shape_cast %swap3A_156 : vector<1x16xf32> to vector<16xf32>
      %swap3A_158 = vector.shape_cast %add3A_153 : vector<16xf32> to vector<1x16xf32>
      tpu.vector_store %arg8[%swap3A_154, %swap3A_155], %swap3A_158 {strides = array<i32>} : memref<128x128xf32, #tpu.memory_space<vmem>>, vector<1x16xf32>,
      %get3A_159 = arith.index_cast %scan3A_90 : i32 to index
      %get3A_160 = arith.constant 80 : index
      %get3A_161 = tpu.vector_load %arg8[%get3A_159, %get3A_160] {strides = array<i32>} : memref<128x128xf32, #tpu.memory_space<vmem>>, vector<1x16xf32>,
      %get3A_162 = vector.shape_cast %get3A_161 : vector<1x16xf32> to vector<16xf32>
      %get3A_163 = arith.index_cast %scan3A_90 : i32 to index
      %get3A_164 = arith.constant 80 : index
      %get3A_165 = tpu.vector_load %arg10[%get3A_163, %get3A_164] {strides = array<i32>} : memref<128x128xf32, #tpu.memory_space<vmem>>, vector<1x16xf32>,
      %get3A_166 = vector.shape_cast %get3A_165 : vector<1x16xf32> to vector<16xf32>
      %add3A_167 = arith.addf %get3A_162, %get3A_166 : vector<16xf32>
      %swap3A_168 = arith.index_cast %scan3A_90 : i32 to index
      %swap3A_169 = arith.constant 80 : index
      %swap3A_170 = tpu.vector_load %arg8[%swap3A_168, %swap3A_169] {strides = array<i32>} : memref<128x128xf32, #tpu.memory_space<vmem>>, vector<1x16xf32>,
      %swap3A_171 = vector.shape_cast %swap3A_170 : vector<1x16xf32> to vector<16xf32>
      %swap3A_172 = vector.shape_cast %add3A_167 : vector<16xf32> to vector<1x16xf32>
      tpu.vector_store %arg8[%swap3A_168, %swap3A_169], %swap3A_172 {strides = array<i32>} : memref<128x128xf32, #tpu.memory_space<vmem>>, vector<1x16xf32>,
      %get3A_173 = arith.index_cast %scan3A_90 : i32 to index
      %get3A_174 = arith.constant 96 : index
      %get3A_175 = tpu.vector_load %arg8[%get3A_173, %get3A_174] {strides = array<i32>} : memref<128x128xf32, #tpu.memory_space<vmem>>, vector<1x16xf32>,
      %get3A_176 = vector.shape_cast %get3A_175 : vector<1x16xf32> to vector<16xf32>
      %get3A_177 = arith.index_cast %scan3A_90 : i32 to index
      %get3A_178 = arith.constant 96 : index
      %get3A_179 = tpu.vector_load %arg10[%get3A_177, %get3A_178] {strides = array<i32>} : memref<128x128xf32, #tpu.memory_space<vmem>>, vector<1x16xf32>,
      %get3A_180 = vector.shape_cast %get3A_179 : vector<1x16xf32> to vector<16xf32>
      %add3A_181 = arith.addf %get3A_176, %get3A_180 : vector<16xf32>
      %swap3A_182 = arith.index_cast %scan3A_90 : i32 to index
      %swap3A_183 = arith.constant 96 : index
      %swap3A_184 = tpu.vector_load %arg8[%swap3A_182, %swap3A_183] {strides = array<i32>} : memref<128x128xf32, #tpu.memory_space<vmem>>, vector<1x16xf32>,
      %swap3A_185 = vector.shape_cast %swap3A_184 : vector<1x16xf32> to vector<16xf32>
      %swap3A_186 = vector.shape_cast %add3A_181 : vector<16xf32> to vector<1x16xf32>
      tpu.vector_store %arg8[%swap3A_182, %swap3A_183], %swap3A_186 {strides = array<i32>} : memref<128x128xf32, #tpu.memory_space<vmem>>, vector<1x16xf32>,
      %get3A_187 = arith.index_cast %scan3A_90 : i32 to index
      %get3A_188 = arith.constant 112 : index
      %get3A_189 = tpu.vector_load %arg8[%get3A_187, %get3A_188] {strides = array<i32>} : memref<128x128xf32, #tpu.memory_space<vmem>>, vector<1x16xf32>,
      %get3A_190 = vector.shape_cast %get3A_189 : vector<1x16xf32> to vector<16xf32>
      %get3A_191 = arith.index_cast %scan3A_90 : i32 to index
      %get3A_192 = arith.constant 112 : index
      %get3A_193 = tpu.vector_load %arg10[%get3A_191, %get3A_192] {strides = array<i32>} : memref<128x128xf32, #tpu.memory_space<vmem>>, vector<1x16xf32>,
      %get3A_194 = vector.shape_cast %get3A_193 : vector<1x16xf32> to vector<16xf32>
      %add3A_195 = arith.addf %get3A_190, %get3A_194 : vector<16xf32>
      %swap3A_196 = arith.index_cast %scan3A_90 : i32 to index
      %swap3A_197 = arith.constant 112 : index
      %swap3A_198 = tpu.vector_load %arg8[%swap3A_196, %swap3A_197] {strides = array<i32>} : memref<128x128xf32, #tpu.memory_space<vmem>>, vector<1x16xf32>,
      %swap3A_199 = vector.shape_cast %swap3A_198 : vector<1x16xf32> to vector<16xf32>
      %swap3A_200 = vector.shape_cast %add3A_195 : vector<16xf32> to vector<1x16xf32>
      tpu.vector_store %arg8[%swap3A_196, %swap3A_197], %swap3A_200 {strides = array<i32>} : memref<128x128xf32, #tpu.memory_space<vmem>>, vector<1x16xf32>,
    }
    %scan3A_87 = arith.constant 8 : i32
    %add3A_88 = arith.constant 4992 : i32
    %add3A_89 = arith.addi %mul3A_2, %add3A_88 : i32
    "tpu.region"() ({
      %run_scoped3A = tpu.sem_alloc : memref<!tpu.dma_semaphore, #tpu.memory_space<semaphore_mem>>
      %dma_start3A_90 = arith.constant 0 : i32
      %dma_start3A_91 = arith.constant 0 : i32
      %dma_start3A_92 = tpu.memref_slice %arg8[%dma_start3A_90, %dma_start3A_91] : memref<128x128xf32, #tpu.memory_space<vmem>> -> memref<8x128xf32, #tpu.memory_space<vmem>>
      %dma_start3A_93 = arith.constant 0 : i32
      %dma_start3A_94 = tpu.memref_slice %arg5[%add3A_89, %dma_start3A_93] : memref<160000x128xf32, #tpu.memory_space<hbm>> -> memref<8x128xf32, #tpu.memory_space<hbm>>
      %dma_start3A_95 = arith.constant 0 : i32
      %dma_start3A_96 = tpu.memref_slice %arg5[%add3A_89, %dma_start3A_95] : memref<160000x128xf32, #tpu.memory_space<hbm>> -> memref<8x128xf32, #tpu.memory_space<hbm>>
      %dma_start3A_97 = arith.constant 0 : i32
      %dma_start3A_98 = arith.constant 0 : i32
      %dma_start3A_99 = tpu.memref_slice %arg8[%dma_start3A_97, %dma_start3A_98] : memref<128x128xf32, #tpu.memory_space<vmem>> -> memref<8x128xf32, #tpu.memory_space<vmem>>
      tpu.enqueue_dma source(%dma_start3A_99 : memref<8x128xf32, #tpu.memory_space<vmem>>) target(%dma_start3A_96 : memref<8x128xf32, #tpu.memory_space<hbm>>) target_semaphore(%run_scoped3A : memref<!tpu.dma_semaphore, #tpu.memory_space<semaphore_mem>>)
      %dma_wait3A_100 = arith.constant 0 : i32
      %dma_wait3A_101 = arith.constant 0 : i32
      %dma_wait3A_102 = tpu.memref_slice %arg8[%dma_wait3A_100, %dma_wait3A_101] : memref<128x128xf32, #tpu.memory_space<vmem>> -> memref<8x128xf32, #tpu.memory_space<vmem>>
      %dma_wait3A_103 = arith.constant 0 : i32
      %dma_wait3A_104 = tpu.memref_slice %arg5[%add3A_89, %dma_wait3A_103] : memref<160000x128xf32, #tpu.memory_space<hbm>> -> memref<8x128xf32, #tpu.memory_space<hbm>>
      %dma_wait3A_105 = arith.constant 0 : i32
      %dma_wait3A_106 = tpu.memref_slice %arg5[%add3A_89, %dma_wait3A_105] : memref<160000x128xf32, #tpu.memory_space<hbm>> -> memref<8x128xf32, #tpu.memory_space<hbm>>
      %dma_wait3A_107 = arith.constant 0 : i32
      %dma_wait3A_108 = arith.constant 0 : i32
      %dma_wait3A_109 = tpu.memref_slice %arg8[%dma_wait3A_107, %dma_wait3A_108] : memref<128x128xf32, #tpu.memory_space<vmem>> -> memref<8x128xf32, #tpu.memory_space<vmem>>
      tpu.wait_dma2 semaphore(%run_scoped3A : memref<!tpu.dma_semaphore, #tpu.memory_space<semaphore_mem>>) src(%dma_wait3A_109 : memref<8x128xf32, #tpu.memory_space<vmem>>) dst(%dma_wait3A_106 : memref<8x128xf32, #tpu.memory_space<hbm>>)
      tpu.yield
    }) : () -> ()
    return
  }
}

#map = affine_map<(d0, d1) -> (0, 0)>
#map1 = affine_map<(d0, d1) -> (0)>
#map2 = affine_map<(d0, d1) -> (0, 0, 0)>
module attributes {stable_mosaic.version = 14 : i64} {
  func.func @_scatter(%arg0: i32, %arg1: i32, %arg2: memref<160000x128xf32, #tpu.memory_space<hbm>>, %arg3: memref<640000xi32, #tpu.memory_space<hbm>>, %arg4: memref<2x10112x128xf32, #tpu.memory_space<hbm>>, %arg5: memref<128xi32, #tpu.memory_space<vmem>>, %arg6: memref<128xi32, #tpu.memory_space<vmem>>, %arg7: memref<128xi32, #tpu.memory_space<vmem>>, %arg8: memref<128x128xf32, #tpu.memory_space<vmem>>, %arg9: memref<128x128xf32, #tpu.memory_space<vmem>>, %arg10: memref<128x128xf32, #tpu.memory_space<vmem>>, %arg11: memref<10112x128xf32, #tpu.memory_space<vmem_shared>>, %arg12: memref<!tpu.dma_semaphore, #tpu.memory_space<semaphore_mem>>, %arg13: memref<!tpu.dma_semaphore, #tpu.memory_space<semaphore_mem>>, %arg14: memref<!tpu.dma_semaphore, #tpu.memory_space<semaphore_mem>>, %arg15: memref<!tpu.dma_semaphore, #tpu.memory_space<semaphore_mem>>, %arg16: memref<!tpu.dma_semaphore, #tpu.memory_space<semaphore_mem>>, %arg17: memref<!tpu.dma_semaphore, #tpu.memory_space<semaphore_mem>>, %arg18: memref<!tpu.dma_semaphore, #tpu.memory_space<semaphore_mem>>, %arg19: memref<!tpu.dma_semaphore, #tpu.memory_space<semaphore_mem>>, %arg20: memref<!tpu.dma_semaphore, #tpu.memory_space<semaphore_mem>>) attributes {dimension_semantics = [#tpu.dimension_semantics<core_parallel>, #tpu.dimension_semantics<subcore_parallel>], iteration_bounds = array<i64: 2, 16>, scalar_prefetch = 0 : i64, scratch_operands = 16 : i64, tpu.core_type = #tpu.core_type<sc_vector_subcore>, window_params = [{transform_indices = #map}, {transform_indices = #map1}, {transform_indices = #map2}]} {
    %mul3A = arith.constant 2 : i32
    %mul3A_0 = arith.muli %arg1, %mul3A : i32
    %add3A = arith.addi %mul3A_0, %arg0 : i32
    %scan3A = arith.constant 0 : i32
    %scan3A_1 = arith.constant 0 : i32
    %scan3A_2 = arith.constant 128 : i32
    %scan3A_3 = arith.addi %scan3A_1, %scan3A_2 : i32
    %scan3A_4 = arith.constant 1 : i32
    scf.for %scan3A_88 = %scan3A_1 to %scan3A_3 step %scan3A_4  : i32 {
      %broadcast_in_dim3A = arith.constant 0.000000e+00 : f32
      %broadcast_in_dim3A_89 = vector.broadcast %broadcast_in_dim3A : f32 to vector<16xf32>
      %swap3A = arith.index_cast %scan3A_88 : i32 to index
      %swap3A_90 = arith.constant 0 : index
      %swap3A_91 = tpu.vector_load %arg8[%swap3A, %swap3A_90] {strides = array<i32>} : memref<128x128xf32, #tpu.memory_space<vmem>>, vector<1x16xf32>,
      %swap3A_92 = vector.shape_cast %swap3A_91 : vector<1x16xf32> to vector<16xf32>
      %swap3A_93 = vector.shape_cast %broadcast_in_dim3A_89 : vector<16xf32> to vector<1x16xf32>
      tpu.vector_store %arg8[%swap3A, %swap3A_90], %swap3A_93 {strides = array<i32>} : memref<128x128xf32, #tpu.memory_space<vmem>>, vector<1x16xf32>,
      %broadcast_in_dim3A_94 = arith.constant 0.000000e+00 : f32
      %broadcast_in_dim3A_95 = vector.broadcast %broadcast_in_dim3A_94 : f32 to vector<16xf32>
      %swap3A_96 = arith.index_cast %scan3A_88 : i32 to index
      %swap3A_97 = arith.constant 16 : index
      %swap3A_98 = tpu.vector_load %arg8[%swap3A_96, %swap3A_97] {strides = array<i32>} : memref<128x128xf32, #tpu.memory_space<vmem>>, vector<1x16xf32>,
      %swap3A_99 = vector.shape_cast %swap3A_98 : vector<1x16xf32> to vector<16xf32>
      %swap3A_100 = vector.shape_cast %broadcast_in_dim3A_95 : vector<16xf32> to vector<1x16xf32>
      tpu.vector_store %arg8[%swap3A_96, %swap3A_97], %swap3A_100 {strides = array<i32>} : memref<128x128xf32, #tpu.memory_space<vmem>>, vector<1x16xf32>,
      %broadcast_in_dim3A_101 = arith.constant 0.000000e+00 : f32
      %broadcast_in_dim3A_102 = vector.broadcast %broadcast_in_dim3A_101 : f32 to vector<16xf32>
      %swap3A_103 = arith.index_cast %scan3A_88 : i32 to index
      %swap3A_104 = arith.constant 32 : index
      %swap3A_105 = tpu.vector_load %arg8[%swap3A_103, %swap3A_104] {strides = array<i32>} : memref<128x128xf32, #tpu.memory_space<vmem>>, vector<1x16xf32>,
      %swap3A_106 = vector.shape_cast %swap3A_105 : vector<1x16xf32> to vector<16xf32>
      %swap3A_107 = vector.shape_cast %broadcast_in_dim3A_102 : vector<16xf32> to vector<1x16xf32>
      tpu.vector_store %arg8[%swap3A_103, %swap3A_104], %swap3A_107 {strides = array<i32>} : memref<128x128xf32, #tpu.memory_space<vmem>>, vector<1x16xf32>,
      %broadcast_in_dim3A_108 = arith.constant 0.000000e+00 : f32
      %broadcast_in_dim3A_109 = vector.broadcast %broadcast_in_dim3A_108 : f32 to vector<16xf32>
      %swap3A_110 = arith.index_cast %scan3A_88 : i32 to index
      %swap3A_111 = arith.constant 48 : index
      %swap3A_112 = tpu.vector_load %arg8[%swap3A_110, %swap3A_111] {strides = array<i32>} : memref<128x128xf32, #tpu.memory_space<vmem>>, vector<1x16xf32>,
      %swap3A_113 = vector.shape_cast %swap3A_112 : vector<1x16xf32> to vector<16xf32>
      %swap3A_114 = vector.shape_cast %broadcast_in_dim3A_109 : vector<16xf32> to vector<1x16xf32>
      tpu.vector_store %arg8[%swap3A_110, %swap3A_111], %swap3A_114 {strides = array<i32>} : memref<128x128xf32, #tpu.memory_space<vmem>>, vector<1x16xf32>,
      %broadcast_in_dim3A_115 = arith.constant 0.000000e+00 : f32
      %broadcast_in_dim3A_116 = vector.broadcast %broadcast_in_dim3A_115 : f32 to vector<16xf32>
      %swap3A_117 = arith.index_cast %scan3A_88 : i32 to index
      %swap3A_118 = arith.constant 64 : index
      %swap3A_119 = tpu.vector_load %arg8[%swap3A_117, %swap3A_118] {strides = array<i32>} : memref<128x128xf32, #tpu.memory_space<vmem>>, vector<1x16xf32>,
      %swap3A_120 = vector.shape_cast %swap3A_119 : vector<1x16xf32> to vector<16xf32>
      %swap3A_121 = vector.shape_cast %broadcast_in_dim3A_116 : vector<16xf32> to vector<1x16xf32>
      tpu.vector_store %arg8[%swap3A_117, %swap3A_118], %swap3A_121 {strides = array<i32>} : memref<128x128xf32, #tpu.memory_space<vmem>>, vector<1x16xf32>,
      %broadcast_in_dim3A_122 = arith.constant 0.000000e+00 : f32
      %broadcast_in_dim3A_123 = vector.broadcast %broadcast_in_dim3A_122 : f32 to vector<16xf32>
      %swap3A_124 = arith.index_cast %scan3A_88 : i32 to index
      %swap3A_125 = arith.constant 80 : index
      %swap3A_126 = tpu.vector_load %arg8[%swap3A_124, %swap3A_125] {strides = array<i32>} : memref<128x128xf32, #tpu.memory_space<vmem>>, vector<1x16xf32>,
      %swap3A_127 = vector.shape_cast %swap3A_126 : vector<1x16xf32> to vector<16xf32>
      %swap3A_128 = vector.shape_cast %broadcast_in_dim3A_123 : vector<16xf32> to vector<1x16xf32>
      tpu.vector_store %arg8[%swap3A_124, %swap3A_125], %swap3A_128 {strides = array<i32>} : memref<128x128xf32, #tpu.memory_space<vmem>>, vector<1x16xf32>,
      %broadcast_in_dim3A_129 = arith.constant 0.000000e+00 : f32
      %broadcast_in_dim3A_130 = vector.broadcast %broadcast_in_dim3A_129 : f32 to vector<16xf32>
      %swap3A_131 = arith.index_cast %scan3A_88 : i32 to index
      %swap3A_132 = arith.constant 96 : index
      %swap3A_133 = tpu.vector_load %arg8[%swap3A_131, %swap3A_132] {strides = array<i32>} : memref<128x128xf32, #tpu.memory_space<vmem>>, vector<1x16xf32>,
      %swap3A_134 = vector.shape_cast %swap3A_133 : vector<1x16xf32> to vector<16xf32>
      %swap3A_135 = vector.shape_cast %broadcast_in_dim3A_130 : vector<16xf32> to vector<1x16xf32>
      tpu.vector_store %arg8[%swap3A_131, %swap3A_132], %swap3A_135 {strides = array<i32>} : memref<128x128xf32, #tpu.memory_space<vmem>>, vector<1x16xf32>,
      %broadcast_in_dim3A_136 = arith.constant 0.000000e+00 : f32
      %broadcast_in_dim3A_137 = vector.broadcast %broadcast_in_dim3A_136 : f32 to vector<16xf32>
      %swap3A_138 = arith.index_cast %scan3A_88 : i32 to index
      %swap3A_139 = arith.constant 112 : index
      %swap3A_140 = tpu.vector_load %arg8[%swap3A_138, %swap3A_139] {strides = array<i32>} : memref<128x128xf32, #tpu.memory_space<vmem>>, vector<1x16xf32>,
      %swap3A_141 = vector.shape_cast %swap3A_140 : vector<1x16xf32> to vector<16xf32>
      %swap3A_142 = vector.shape_cast %broadcast_in_dim3A_137 : vector<16xf32> to vector<1x16xf32>
      tpu.vector_store %arg8[%swap3A_138, %swap3A_139], %swap3A_142 {strides = array<i32>} : memref<128x128xf32, #tpu.memory_space<vmem>>, vector<1x16xf32>,
    }
    %scan3A_5 = arith.constant 128 : i32
    %mul3A_6 = arith.constant 632 : i32
    %mul3A_7 = arith.muli %arg1, %mul3A_6 : i32
    %add3A_8 = arith.constant 0 : i32
    %add3A_9 = arith.addi %mul3A_7, %add3A_8 : i32
    "tpu.region"() ({
      %run_scoped3A = tpu.sem_alloc : memref<!tpu.dma_semaphore, #tpu.memory_space<semaphore_mem>>
      %dma_start3A_88 = arith.constant 0 : i32
      %dma_start3A_89 = arith.constant 0 : i32
      %dma_start3A_90 = tpu.memref_slice %arg8[%dma_start3A_88, %dma_start3A_89] : memref<128x128xf32, #tpu.memory_space<vmem>> -> memref<128x128xf32, #tpu.memory_space<vmem>>
      %dma_start3A_91 = arith.constant 0 : i32
      %dma_start3A_92 = tpu.memref_slice %arg11[%add3A_9, %dma_start3A_91] : memref<10112x128xf32, #tpu.memory_space<vmem_shared>> -> memref<128x128xf32, #tpu.memory_space<vmem_shared>>
      %dma_start3A_93 = arith.constant 0 : i32
      %dma_start3A_94 = tpu.memref_slice %arg11[%add3A_9, %dma_start3A_93] : memref<10112x128xf32, #tpu.memory_space<vmem_shared>> -> memref<128x128xf32, #tpu.memory_space<vmem_shared>>
      %dma_start3A_95 = arith.constant 0 : i32
      %dma_start3A_96 = arith.constant 0 : i32
      %dma_start3A_97 = tpu.memref_slice %arg8[%dma_start3A_95, %dma_start3A_96] : memref<128x128xf32, #tpu.memory_space<vmem>> -> memref<128x128xf32, #tpu.memory_space<vmem>>
      tpu.enqueue_dma source(%dma_start3A_97 : memref<128x128xf32, #tpu.memory_space<vmem>>) target(%dma_start3A_94 : memref<128x128xf32, #tpu.memory_space<vmem_shared>>) target_semaphore(%run_scoped3A : memref<!tpu.dma_semaphore, #tpu.memory_space<semaphore_mem>>)
      %dma_wait3A_98 = arith.constant 0 : i32
      %dma_wait3A_99 = arith.constant 0 : i32
      %dma_wait3A_100 = tpu.memref_slice %arg8[%dma_wait3A_98, %dma_wait3A_99] : memref<128x128xf32, #tpu.memory_space<vmem>> -> memref<128x128xf32, #tpu.memory_space<vmem>>
      %dma_wait3A_101 = arith.constant 0 : i32
      %dma_wait3A_102 = tpu.memref_slice %arg11[%add3A_9, %dma_wait3A_101] : memref<10112x128xf32, #tpu.memory_space<vmem_shared>> -> memref<128x128xf32, #tpu.memory_space<vmem_shared>>
      %dma_wait3A_103 = arith.constant 0 : i32
      %dma_wait3A_104 = tpu.memref_slice %arg11[%add3A_9, %dma_wait3A_103] : memref<10112x128xf32, #tpu.memory_space<vmem_shared>> -> memref<128x128xf32, #tpu.memory_space<vmem_shared>>
      %dma_wait3A_105 = arith.constant 0 : i32
      %dma_wait3A_106 = arith.constant 0 : i32
      %dma_wait3A_107 = tpu.memref_slice %arg8[%dma_wait3A_105, %dma_wait3A_106] : memref<128x128xf32, #tpu.memory_space<vmem>> -> memref<128x128xf32, #tpu.memory_space<vmem>>
      tpu.wait_dma2 semaphore(%run_scoped3A : memref<!tpu.dma_semaphore, #tpu.memory_space<semaphore_mem>>) src(%dma_wait3A_107 : memref<128x128xf32, #tpu.memory_space<vmem>>) dst(%dma_wait3A_104 : memref<128x128xf32, #tpu.memory_space<vmem_shared>>)
      tpu.yield
    }) : () -> ()
    %mul3A_10 = arith.constant 632 : i32
    %mul3A_11 = arith.muli %arg1, %mul3A_10 : i32
    %add3A_12 = arith.constant 128 : i32
    %add3A_13 = arith.addi %mul3A_11, %add3A_12 : i32
    "tpu.region"() ({
      %run_scoped3A = tpu.sem_alloc : memref<!tpu.dma_semaphore, #tpu.memory_space<semaphore_mem>>
      %dma_start3A_88 = arith.constant 0 : i32
      %dma_start3A_89 = arith.constant 0 : i32
      %dma_start3A_90 = tpu.memref_slice %arg8[%dma_start3A_88, %dma_start3A_89] : memref<128x128xf32, #tpu.memory_space<vmem>> -> memref<128x128xf32, #tpu.memory_space<vmem>>
      %dma_start3A_91 = arith.constant 0 : i32
      %dma_start3A_92 = tpu.memref_slice %arg11[%add3A_13, %dma_start3A_91] : memref<10112x128xf32, #tpu.memory_space<vmem_shared>> -> memref<128x128xf32, #tpu.memory_space<vmem_shared>>
      %dma_start3A_93 = arith.constant 0 : i32
      %dma_start3A_94 = tpu.memref_slice %arg11[%add3A_13, %dma_start3A_93] : memref<10112x128xf32, #tpu.memory_space<vmem_shared>> -> memref<128x128xf32, #tpu.memory_space<vmem_shared>>
      %dma_start3A_95 = arith.constant 0 : i32
      %dma_start3A_96 = arith.constant 0 : i32
      %dma_start3A_97 = tpu.memref_slice %arg8[%dma_start3A_95, %dma_start3A_96] : memref<128x128xf32, #tpu.memory_space<vmem>> -> memref<128x128xf32, #tpu.memory_space<vmem>>
      tpu.enqueue_dma source(%dma_start3A_97 : memref<128x128xf32, #tpu.memory_space<vmem>>) target(%dma_start3A_94 : memref<128x128xf32, #tpu.memory_space<vmem_shared>>) target_semaphore(%run_scoped3A : memref<!tpu.dma_semaphore, #tpu.memory_space<semaphore_mem>>)
      %dma_wait3A_98 = arith.constant 0 : i32
      %dma_wait3A_99 = arith.constant 0 : i32
      %dma_wait3A_100 = tpu.memref_slice %arg8[%dma_wait3A_98, %dma_wait3A_99] : memref<128x128xf32, #tpu.memory_space<vmem>> -> memref<128x128xf32, #tpu.memory_space<vmem>>
      %dma_wait3A_101 = arith.constant 0 : i32
      %dma_wait3A_102 = tpu.memref_slice %arg11[%add3A_13, %dma_wait3A_101] : memref<10112x128xf32, #tpu.memory_space<vmem_shared>> -> memref<128x128xf32, #tpu.memory_space<vmem_shared>>
      %dma_wait3A_103 = arith.constant 0 : i32
      %dma_wait3A_104 = tpu.memref_slice %arg11[%add3A_13, %dma_wait3A_103] : memref<10112x128xf32, #tpu.memory_space<vmem_shared>> -> memref<128x128xf32, #tpu.memory_space<vmem_shared>>
      %dma_wait3A_105 = arith.constant 0 : i32
      %dma_wait3A_106 = arith.constant 0 : i32
      %dma_wait3A_107 = tpu.memref_slice %arg8[%dma_wait3A_105, %dma_wait3A_106] : memref<128x128xf32, #tpu.memory_space<vmem>> -> memref<128x128xf32, #tpu.memory_space<vmem>>
      tpu.wait_dma2 semaphore(%run_scoped3A : memref<!tpu.dma_semaphore, #tpu.memory_space<semaphore_mem>>) src(%dma_wait3A_107 : memref<128x128xf32, #tpu.memory_space<vmem>>) dst(%dma_wait3A_104 : memref<128x128xf32, #tpu.memory_space<vmem_shared>>)
      tpu.yield
    }) : () -> ()
    %mul3A_14 = arith.constant 632 : i32
    %mul3A_15 = arith.muli %arg1, %mul3A_14 : i32
    %add3A_16 = arith.constant 256 : i32
    %add3A_17 = arith.addi %mul3A_15, %add3A_16 : i32
    "tpu.region"() ({
      %run_scoped3A = tpu.sem_alloc : memref<!tpu.dma_semaphore, #tpu.memory_space<semaphore_mem>>
      %dma_start3A_88 = arith.constant 0 : i32
      %dma_start3A_89 = arith.constant 0 : i32
      %dma_start3A_90 = tpu.memref_slice %arg8[%dma_start3A_88, %dma_start3A_89] : memref<128x128xf32, #tpu.memory_space<vmem>> -> memref<128x128xf32, #tpu.memory_space<vmem>>
      %dma_start3A_91 = arith.constant 0 : i32
      %dma_start3A_92 = tpu.memref_slice %arg11[%add3A_17, %dma_start3A_91] : memref<10112x128xf32, #tpu.memory_space<vmem_shared>> -> memref<128x128xf32, #tpu.memory_space<vmem_shared>>
      %dma_start3A_93 = arith.constant 0 : i32
      %dma_start3A_94 = tpu.memref_slice %arg11[%add3A_17, %dma_start3A_93] : memref<10112x128xf32, #tpu.memory_space<vmem_shared>> -> memref<128x128xf32, #tpu.memory_space<vmem_shared>>
      %dma_start3A_95 = arith.constant 0 : i32
      %dma_start3A_96 = arith.constant 0 : i32
      %dma_start3A_97 = tpu.memref_slice %arg8[%dma_start3A_95, %dma_start3A_96] : memref<128x128xf32, #tpu.memory_space<vmem>> -> memref<128x128xf32, #tpu.memory_space<vmem>>
      tpu.enqueue_dma source(%dma_start3A_97 : memref<128x128xf32, #tpu.memory_space<vmem>>) target(%dma_start3A_94 : memref<128x128xf32, #tpu.memory_space<vmem_shared>>) target_semaphore(%run_scoped3A : memref<!tpu.dma_semaphore, #tpu.memory_space<semaphore_mem>>)
      %dma_wait3A_98 = arith.constant 0 : i32
      %dma_wait3A_99 = arith.constant 0 : i32
      %dma_wait3A_100 = tpu.memref_slice %arg8[%dma_wait3A_98, %dma_wait3A_99] : memref<128x128xf32, #tpu.memory_space<vmem>> -> memref<128x128xf32, #tpu.memory_space<vmem>>
      %dma_wait3A_101 = arith.constant 0 : i32
      %dma_wait3A_102 = tpu.memref_slice %arg11[%add3A_17, %dma_wait3A_101] : memref<10112x128xf32, #tpu.memory_space<vmem_shared>> -> memref<128x128xf32, #tpu.memory_space<vmem_shared>>
      %dma_wait3A_103 = arith.constant 0 : i32
      %dma_wait3A_104 = tpu.memref_slice %arg11[%add3A_17, %dma_wait3A_103] : memref<10112x128xf32, #tpu.memory_space<vmem_shared>> -> memref<128x128xf32, #tpu.memory_space<vmem_shared>>
      %dma_wait3A_105 = arith.constant 0 : i32
      %dma_wait3A_106 = arith.constant 0 : i32
      %dma_wait3A_107 = tpu.memref_slice %arg8[%dma_wait3A_105, %dma_wait3A_106] : memref<128x128xf32, #tpu.memory_space<vmem>> -> memref<128x128xf32, #tpu.memory_space<vmem>>
      tpu.wait_dma2 semaphore(%run_scoped3A : memref<!tpu.dma_semaphore, #tpu.memory_space<semaphore_mem>>) src(%dma_wait3A_107 : memref<128x128xf32, #tpu.memory_space<vmem>>) dst(%dma_wait3A_104 : memref<128x128xf32, #tpu.memory_space<vmem_shared>>)
      tpu.yield
    }) : () -> ()
    %mul3A_18 = arith.constant 632 : i32
    %mul3A_19 = arith.muli %arg1, %mul3A_18 : i32
    %add3A_20 = arith.constant 384 : i32
    %add3A_21 = arith.addi %mul3A_19, %add3A_20 : i32
    "tpu.region"() ({
      %run_scoped3A = tpu.sem_alloc : memref<!tpu.dma_semaphore, #tpu.memory_space<semaphore_mem>>
      %dma_start3A_88 = arith.constant 0 : i32
      %dma_start3A_89 = arith.constant 0 : i32
      %dma_start3A_90 = tpu.memref_slice %arg8[%dma_start3A_88, %dma_start3A_89] : memref<128x128xf32, #tpu.memory_space<vmem>> -> memref<128x128xf32, #tpu.memory_space<vmem>>
      %dma_start3A_91 = arith.constant 0 : i32
      %dma_start3A_92 = tpu.memref_slice %arg11[%add3A_21, %dma_start3A_91] : memref<10112x128xf32, #tpu.memory_space<vmem_shared>> -> memref<128x128xf32, #tpu.memory_space<vmem_shared>>
      %dma_start3A_93 = arith.constant 0 : i32
      %dma_start3A_94 = tpu.memref_slice %arg11[%add3A_21, %dma_start3A_93] : memref<10112x128xf32, #tpu.memory_space<vmem_shared>> -> memref<128x128xf32, #tpu.memory_space<vmem_shared>>
      %dma_start3A_95 = arith.constant 0 : i32
      %dma_start3A_96 = arith.constant 0 : i32
      %dma_start3A_97 = tpu.memref_slice %arg8[%dma_start3A_95, %dma_start3A_96] : memref<128x128xf32, #tpu.memory_space<vmem>> -> memref<128x128xf32, #tpu.memory_space<vmem>>
      tpu.enqueue_dma source(%dma_start3A_97 : memref<128x128xf32, #tpu.memory_space<vmem>>) target(%dma_start3A_94 : memref<128x128xf32, #tpu.memory_space<vmem_shared>>) target_semaphore(%run_scoped3A : memref<!tpu.dma_semaphore, #tpu.memory_space<semaphore_mem>>)
      %dma_wait3A_98 = arith.constant 0 : i32
      %dma_wait3A_99 = arith.constant 0 : i32
      %dma_wait3A_100 = tpu.memref_slice %arg8[%dma_wait3A_98, %dma_wait3A_99] : memref<128x128xf32, #tpu.memory_space<vmem>> -> memref<128x128xf32, #tpu.memory_space<vmem>>
      %dma_wait3A_101 = arith.constant 0 : i32
      %dma_wait3A_102 = tpu.memref_slice %arg11[%add3A_21, %dma_wait3A_101] : memref<10112x128xf32, #tpu.memory_space<vmem_shared>> -> memref<128x128xf32, #tpu.memory_space<vmem_shared>>
      %dma_wait3A_103 = arith.constant 0 : i32
      %dma_wait3A_104 = tpu.memref_slice %arg11[%add3A_21, %dma_wait3A_103] : memref<10112x128xf32, #tpu.memory_space<vmem_shared>> -> memref<128x128xf32, #tpu.memory_space<vmem_shared>>
      %dma_wait3A_105 = arith.constant 0 : i32
      %dma_wait3A_106 = arith.constant 0 : i32
      %dma_wait3A_107 = tpu.memref_slice %arg8[%dma_wait3A_105, %dma_wait3A_106] : memref<128x128xf32, #tpu.memory_space<vmem>> -> memref<128x128xf32, #tpu.memory_space<vmem>>
      tpu.wait_dma2 semaphore(%run_scoped3A : memref<!tpu.dma_semaphore, #tpu.memory_space<semaphore_mem>>) src(%dma_wait3A_107 : memref<128x128xf32, #tpu.memory_space<vmem>>) dst(%dma_wait3A_104 : memref<128x128xf32, #tpu.memory_space<vmem_shared>>)
      tpu.yield
    }) : () -> ()
    %mul3A_22 = arith.constant 632 : i32
    %mul3A_23 = arith.muli %arg1, %mul3A_22 : i32
    %add3A_24 = arith.constant 512 : i32
    %add3A_25 = arith.addi %mul3A_23, %add3A_24 : i32
    "tpu.region"() ({
      %run_scoped3A = tpu.sem_alloc : memref<!tpu.dma_semaphore, #tpu.memory_space<semaphore_mem>>
      %dma_start3A_88 = arith.constant 0 : i32
      %dma_start3A_89 = arith.constant 0 : i32
      %dma_start3A_90 = tpu.memref_slice %arg8[%dma_start3A_88, %dma_start3A_89] : memref<128x128xf32, #tpu.memory_space<vmem>> -> memref<120x128xf32, #tpu.memory_space<vmem>>
      %dma_start3A_91 = arith.constant 0 : i32
      %dma_start3A_92 = tpu.memref_slice %arg11[%add3A_25, %dma_start3A_91] : memref<10112x128xf32, #tpu.memory_space<vmem_shared>> -> memref<120x128xf32, #tpu.memory_space<vmem_shared>>
      %dma_start3A_93 = arith.constant 0 : i32
      %dma_start3A_94 = tpu.memref_slice %arg11[%add3A_25, %dma_start3A_93] : memref<10112x128xf32, #tpu.memory_space<vmem_shared>> -> memref<120x128xf32, #tpu.memory_space<vmem_shared>>
      %dma_start3A_95 = arith.constant 0 : i32
      %dma_start3A_96 = arith.constant 0 : i32
      %dma_start3A_97 = tpu.memref_slice %arg8[%dma_start3A_95, %dma_start3A_96] : memref<128x128xf32, #tpu.memory_space<vmem>> -> memref<120x128xf32, #tpu.memory_space<vmem>>
      tpu.enqueue_dma source(%dma_start3A_97 : memref<120x128xf32, #tpu.memory_space<vmem>>) target(%dma_start3A_94 : memref<120x128xf32, #tpu.memory_space<vmem_shared>>) target_semaphore(%run_scoped3A : memref<!tpu.dma_semaphore, #tpu.memory_space<semaphore_mem>>)
      %dma_wait3A_98 = arith.constant 0 : i32
      %dma_wait3A_99 = arith.constant 0 : i32
      %dma_wait3A_100 = tpu.memref_slice %arg8[%dma_wait3A_98, %dma_wait3A_99] : memref<128x128xf32, #tpu.memory_space<vmem>> -> memref<120x128xf32, #tpu.memory_space<vmem>>
      %dma_wait3A_101 = arith.constant 0 : i32
      %dma_wait3A_102 = tpu.memref_slice %arg11[%add3A_25, %dma_wait3A_101] : memref<10112x128xf32, #tpu.memory_space<vmem_shared>> -> memref<120x128xf32, #tpu.memory_space<vmem_shared>>
      %dma_wait3A_103 = arith.constant 0 : i32
      %dma_wait3A_104 = tpu.memref_slice %arg11[%add3A_25, %dma_wait3A_103] : memref<10112x128xf32, #tpu.memory_space<vmem_shared>> -> memref<120x128xf32, #tpu.memory_space<vmem_shared>>
      %dma_wait3A_105 = arith.constant 0 : i32
      %dma_wait3A_106 = arith.constant 0 : i32
      %dma_wait3A_107 = tpu.memref_slice %arg8[%dma_wait3A_105, %dma_wait3A_106] : memref<128x128xf32, #tpu.memory_space<vmem>> -> memref<120x128xf32, #tpu.memory_space<vmem>>
      tpu.wait_dma2 semaphore(%run_scoped3A : memref<!tpu.dma_semaphore, #tpu.memory_space<semaphore_mem>>) src(%dma_wait3A_107 : memref<120x128xf32, #tpu.memory_space<vmem>>) dst(%dma_wait3A_104 : memref<120x128xf32, #tpu.memory_space<vmem_shared>>)
      tpu.yield
    }) : () -> ()
    %barrier3A = arith.constant 0 : index
    tpu.barrier barrier_id(%barrier3A)
    %mul3A_26 = arith.constant 128 : i32
    %mul3A_27 = arith.muli %add3A, %mul3A_26 : i32
    %add3A_28 = arith.constant 320000 : i32
    %add3A_29 = arith.addi %add3A_28, %mul3A_27 : i32
    %dma_start3A = tpu.memref_slice %arg3[%add3A_29] : memref<640000xi32, #tpu.memory_space<hbm>> -> memref<128xi32, #tpu.memory_space<hbm>>
    %dma_start3A_30 = tpu.memref_slice %arg3[%add3A_29] : memref<640000xi32, #tpu.memory_space<hbm>> -> memref<128xi32, #tpu.memory_space<hbm>>
    tpu.enqueue_dma source(%dma_start3A_30 : memref<128xi32, #tpu.memory_space<hbm>>) target(%arg5 : memref<128xi32, #tpu.memory_space<vmem>>) target_semaphore(%arg12 : memref<!tpu.dma_semaphore, #tpu.memory_space<semaphore_mem>>)
    %mul3A_31 = arith.constant 128 : i32
    %mul3A_32 = arith.muli %add3A, %mul3A_31 : i32
    %dma_start3A_33 = arith.constant 0 : i32
    %dma_start3A_34 = tpu.memref_slice %arg2[%mul3A_32, %dma_start3A_33] : memref<160000x128xf32, #tpu.memory_space<hbm>> -> memref<128x128xf32, #tpu.memory_space<hbm>>
    %dma_start3A_35 = arith.constant 0 : i32
    %dma_start3A_36 = tpu.memref_slice %arg2[%mul3A_32, %dma_start3A_35] : memref<160000x128xf32, #tpu.memory_space<hbm>> -> memref<128x128xf32, #tpu.memory_space<hbm>>
    tpu.enqueue_dma source(%dma_start3A_36 : memref<128x128xf32, #tpu.memory_space<hbm>>) target(%arg8 : memref<128x128xf32, #tpu.memory_space<vmem>>) target_semaphore(%arg15 : memref<!tpu.dma_semaphore, #tpu.memory_space<semaphore_mem>>)
    %add3A_37 = arith.constant 32 : i32
    %add3A_38 = arith.addi %add3A, %add3A_37 : i32
    %mul3A_39 = arith.constant 128 : i32
    %mul3A_40 = arith.muli %add3A_38, %mul3A_39 : i32
    %add3A_41 = arith.constant 320000 : i32
    %add3A_42 = arith.addi %add3A_41, %mul3A_40 : i32
    %dma_start3A_43 = tpu.memref_slice %arg3[%add3A_42] : memref<640000xi32, #tpu.memory_space<hbm>> -> memref<128xi32, #tpu.memory_space<hbm>>
    %dma_start3A_44 = tpu.memref_slice %arg3[%add3A_42] : memref<640000xi32, #tpu.memory_space<hbm>> -> memref<128xi32, #tpu.memory_space<hbm>>
    tpu.enqueue_dma source(%dma_start3A_44 : memref<128xi32, #tpu.memory_space<hbm>>) target(%arg6 : memref<128xi32, #tpu.memory_space<vmem>>) target_semaphore(%arg13 : memref<!tpu.dma_semaphore, #tpu.memory_space<semaphore_mem>>)
    %mul3A_45 = arith.constant 128 : i32
    %mul3A_46 = arith.muli %add3A_38, %mul3A_45 : i32
    %dma_start3A_47 = arith.constant 0 : i32
    %dma_start3A_48 = tpu.memref_slice %arg2[%mul3A_46, %dma_start3A_47] : memref<160000x128xf32, #tpu.memory_space<hbm>> -> memref<128x128xf32, #tpu.memory_space<hbm>>
    %dma_start3A_49 = arith.constant 0 : i32
    %dma_start3A_50 = tpu.memref_slice %arg2[%mul3A_46, %dma_start3A_49] : memref<160000x128xf32, #tpu.memory_space<hbm>> -> memref<128x128xf32, #tpu.memory_space<hbm>>
    tpu.enqueue_dma source(%dma_start3A_50 : memref<128x128xf32, #tpu.memory_space<hbm>>) target(%arg9 : memref<128x128xf32, #tpu.memory_space<vmem>>) target_semaphore(%arg16 : memref<!tpu.dma_semaphore, #tpu.memory_space<semaphore_mem>>)
    %scan3A_51 = arith.constant 0 : i32
    %scan3A_52 = arith.constant 0 : i32
    %scan3A_53 = arith.constant 13 : i32
    %scan3A_54 = arith.addi %scan3A_52, %scan3A_53 : i32
    %scan3A_55 = arith.constant 1 : i32
    scf.for %scan3A_88 = %scan3A_52 to %scan3A_54 step %scan3A_55  : i32 {
      %mul3A_89 = arith.constant 3 : i32
      %mul3A_90 = arith.muli %mul3A_89, %scan3A_88 : i32
      %add3A_91 = arith.constant 0 : i32
      %add3A_92 = arith.addi %mul3A_90, %add3A_91 : i32
      %mul3A_93 = arith.constant 32 : i32
      %mul3A_94 = arith.muli %add3A_92, %mul3A_93 : i32
      %add3A_95 = arith.addi %add3A, %mul3A_94 : i32
      %add3A_96 = arith.constant 2 : i32
      %add3A_97 = arith.addi %add3A_92, %add3A_96 : i32
      %lt3A_98 = arith.constant 39 : i32
      %lt3A_99 = arith.cmpi slt, %add3A_97, %lt3A_98 : i32
      %convert_element_type3A_100 = arith.extui %lt3A_99 : i1 to i32
      %cond3A_101 = arith.constant 0 : i32
      %cond3A_102 = arith.cmpi ne, %convert_element_type3A_100, %cond3A_101 : i32
      scf.if %cond3A_102 {
        %ge3A = arith.constant 1 : i32
        %ge3A_170 = arith.cmpi sge, %add3A_92, %ge3A : i32
        %convert_element_type3A_171 = arith.extui %ge3A_170 : i1 to i32
        %cond3A_172 = arith.constant 0 : i32
        %cond3A_173 = arith.cmpi ne, %convert_element_type3A_171, %cond3A_172 : i32
        scf.if %cond3A_173 {
          %dma_wait3A_188 = arith.constant 0 : i32
          %dma_wait3A_189 = arith.constant 0 : i32
          %dma_wait3A_190 = tpu.memref_slice %arg11[%dma_wait3A_188, %dma_wait3A_189] : memref<10112x128xf32, #tpu.memory_space<vmem_shared>> -> memref<10112x128xf32, #tpu.memory_space<vmem_shared>>
          tpu.wait_indirect_dma semaphore(%arg20 : memref<!tpu.dma_semaphore, #tpu.memory_space<semaphore_mem>>) src(%arg10 : memref<128x128xf32, #tpu.memory_space<vmem>>) dst(%dma_wait3A_190 : memref<10112x128xf32, #tpu.memory_space<vmem_shared>>)
        } else {
        }
        %add3A_174 = arith.constant 64 : i32
        %add3A_175 = arith.addi %add3A_95, %add3A_174 : i32
        %mul3A_176 = arith.constant 128 : i32
        %mul3A_177 = arith.muli %add3A_175, %mul3A_176 : i32
        %add3A_178 = arith.constant 320000 : i32
        %add3A_179 = arith.addi %add3A_178, %mul3A_177 : i32
        %dma_start3A_180 = tpu.memref_slice %arg3[%add3A_179] : memref<640000xi32, #tpu.memory_space<hbm>> -> memref<128xi32, #tpu.memory_space<hbm>>
        %dma_start3A_181 = tpu.memref_slice %arg3[%add3A_179] : memref<640000xi32, #tpu.memory_space<hbm>> -> memref<128xi32, #tpu.memory_space<hbm>>
        tpu.enqueue_dma source(%dma_start3A_181 : memref<128xi32, #tpu.memory_space<hbm>>) target(%arg7 : memref<128xi32, #tpu.memory_space<vmem>>) target_semaphore(%arg14 : memref<!tpu.dma_semaphore, #tpu.memory_space<semaphore_mem>>)
        %mul3A_182 = arith.constant 128 : i32
        %mul3A_183 = arith.muli %add3A_175, %mul3A_182 : i32
        %dma_start3A_184 = arith.constant 0 : i32
        %dma_start3A_185 = tpu.memref_slice %arg2[%mul3A_183, %dma_start3A_184] : memref<160000x128xf32, #tpu.memory_space<hbm>> -> memref<128x128xf32, #tpu.memory_space<hbm>>
        %dma_start3A_186 = arith.constant 0 : i32
        %dma_start3A_187 = tpu.memref_slice %arg2[%mul3A_183, %dma_start3A_186] : memref<160000x128xf32, #tpu.memory_space<hbm>> -> memref<128x128xf32, #tpu.memory_space<hbm>>
        tpu.enqueue_dma source(%dma_start3A_187 : memref<128x128xf32, #tpu.memory_space<hbm>>) target(%arg10 : memref<128x128xf32, #tpu.memory_space<vmem>>) target_semaphore(%arg17 : memref<!tpu.dma_semaphore, #tpu.memory_space<semaphore_mem>>)
      } else {
      }
      %dma_wait3A_103 = arith.constant 0 : i32
      %dma_wait3A_104 = tpu.memref_slice %arg3[%dma_wait3A_103] : memref<640000xi32, #tpu.memory_space<hbm>> -> memref<128xi32, #tpu.memory_space<hbm>>
      %dma_wait3A_105 = arith.constant 0 : i32
      %dma_wait3A_106 = tpu.memref_slice %arg3[%dma_wait3A_105] : memref<640000xi32, #tpu.memory_space<hbm>> -> memref<128xi32, #tpu.memory_space<hbm>>
      tpu.wait_dma2 semaphore(%arg12 : memref<!tpu.dma_semaphore, #tpu.memory_space<semaphore_mem>>) src(%dma_wait3A_106 : memref<128xi32, #tpu.memory_space<hbm>>) dst(%arg5 : memref<128xi32, #tpu.memory_space<vmem>>)
      %dma_wait3A_107 = arith.constant 0 : i32
      %dma_wait3A_108 = arith.constant 0 : i32
      %dma_wait3A_109 = tpu.memref_slice %arg2[%dma_wait3A_107, %dma_wait3A_108] : memref<160000x128xf32, #tpu.memory_space<hbm>> -> memref<128x128xf32, #tpu.memory_space<hbm>>
      %dma_wait3A_110 = arith.constant 0 : i32
      %dma_wait3A_111 = arith.constant 0 : i32
      %dma_wait3A_112 = tpu.memref_slice %arg2[%dma_wait3A_110, %dma_wait3A_111] : memref<160000x128xf32, #tpu.memory_space<hbm>> -> memref<128x128xf32, #tpu.memory_space<hbm>>
      tpu.wait_dma2 semaphore(%arg15 : memref<!tpu.dma_semaphore, #tpu.memory_space<semaphore_mem>>) src(%dma_wait3A_112 : memref<128x128xf32, #tpu.memory_space<hbm>>) dst(%arg8 : memref<128x128xf32, #tpu.memory_space<vmem>>)
      %dma_start3A_113 = arith.constant 0 : i32
      %dma_start3A_114 = arith.constant 0 : i32
      %dma_start3A_115 = tpu.memref_slice %arg11[%dma_start3A_113, %dma_start3A_114] : memref<10112x128xf32, #tpu.memory_space<vmem_shared>> -> memref<10112x128xf32, #tpu.memory_space<vmem_shared>>
      tpu.enqueue_indirect_dma source(%arg8 : memref<128x128xf32, #tpu.memory_space<vmem>>) target(%dma_start3A_115 : memref<10112x128xf32, #tpu.memory_space<vmem_shared>>) offsets(%arg5 : memref<128xi32, #tpu.memory_space<vmem>>) semaphore(%arg18 : memref<!tpu.dma_semaphore, #tpu.memory_space<semaphore_mem>>) {add = true}
      %mul3A_116 = arith.constant 3 : i32
      %mul3A_117 = arith.muli %mul3A_116, %scan3A_88 : i32
      %add3A_118 = arith.constant 1 : i32
      %add3A_119 = arith.addi %mul3A_117, %add3A_118 : i32
      %mul3A_120 = arith.constant 32 : i32
      %mul3A_121 = arith.muli %add3A_119, %mul3A_120 : i32
      %add3A_122 = arith.addi %add3A, %mul3A_121 : i32
      %add3A_123 = arith.constant 2 : i32
      %add3A_124 = arith.addi %add3A_119, %add3A_123 : i32
      %lt3A_125 = arith.constant 39 : i32
      %lt3A_126 = arith.cmpi slt, %add3A_124, %lt3A_125 : i32
      %convert_element_type3A_127 = arith.extui %lt3A_126 : i1 to i32
      %cond3A_128 = arith.constant 0 : i32
      %cond3A_129 = arith.cmpi ne, %convert_element_type3A_127, %cond3A_128 : i32
      scf.if %cond3A_129 {
        %ge3A = arith.constant 1 : i32
        %ge3A_170 = arith.cmpi sge, %add3A_119, %ge3A : i32
        %convert_element_type3A_171 = arith.extui %ge3A_170 : i1 to i32
        %cond3A_172 = arith.constant 0 : i32
        %cond3A_173 = arith.cmpi ne, %convert_element_type3A_171, %cond3A_172 : i32
        scf.if %cond3A_173 {
          %dma_wait3A_188 = arith.constant 0 : i32
          %dma_wait3A_189 = arith.constant 0 : i32
          %dma_wait3A_190 = tpu.memref_slice %arg11[%dma_wait3A_188, %dma_wait3A_189] : memref<10112x128xf32, #tpu.memory_space<vmem_shared>> -> memref<10112x128xf32, #tpu.memory_space<vmem_shared>>
          tpu.wait_indirect_dma semaphore(%arg18 : memref<!tpu.dma_semaphore, #tpu.memory_space<semaphore_mem>>) src(%arg8 : memref<128x128xf32, #tpu.memory_space<vmem>>) dst(%dma_wait3A_190 : memref<10112x128xf32, #tpu.memory_space<vmem_shared>>)
        } else {
        }
        %add3A_174 = arith.constant 64 : i32
        %add3A_175 = arith.addi %add3A_122, %add3A_174 : i32
        %mul3A_176 = arith.constant 128 : i32
        %mul3A_177 = arith.muli %add3A_175, %mul3A_176 : i32
        %add3A_178 = arith.constant 320000 : i32
        %add3A_179 = arith.addi %add3A_178, %mul3A_177 : i32
        %dma_start3A_180 = tpu.memref_slice %arg3[%add3A_179] : memref<640000xi32, #tpu.memory_space<hbm>> -> memref<128xi32, #tpu.memory_space<hbm>>
        %dma_start3A_181 = tpu.memref_slice %arg3[%add3A_179] : memref<640000xi32, #tpu.memory_space<hbm>> -> memref<128xi32, #tpu.memory_space<hbm>>
        tpu.enqueue_dma source(%dma_start3A_181 : memref<128xi32, #tpu.memory_space<hbm>>) target(%arg5 : memref<128xi32, #tpu.memory_space<vmem>>) target_semaphore(%arg12 : memref<!tpu.dma_semaphore, #tpu.memory_space<semaphore_mem>>)
        %mul3A_182 = arith.constant 128 : i32
        %mul3A_183 = arith.muli %add3A_175, %mul3A_182 : i32
        %dma_start3A_184 = arith.constant 0 : i32
        %dma_start3A_185 = tpu.memref_slice %arg2[%mul3A_183, %dma_start3A_184] : memref<160000x128xf32, #tpu.memory_space<hbm>> -> memref<128x128xf32, #tpu.memory_space<hbm>>
        %dma_start3A_186 = arith.constant 0 : i32
        %dma_start3A_187 = tpu.memref_slice %arg2[%mul3A_183, %dma_start3A_186] : memref<160000x128xf32, #tpu.memory_space<hbm>> -> memref<128x128xf32, #tpu.memory_space<hbm>>
        tpu.enqueue_dma source(%dma_start3A_187 : memref<128x128xf32, #tpu.memory_space<hbm>>) target(%arg8 : memref<128x128xf32, #tpu.memory_space<vmem>>) target_semaphore(%arg15 : memref<!tpu.dma_semaphore, #tpu.memory_space<semaphore_mem>>)
      } else {
      }
      %dma_wait3A_130 = arith.constant 0 : i32
      %dma_wait3A_131 = tpu.memref_slice %arg3[%dma_wait3A_130] : memref<640000xi32, #tpu.memory_space<hbm>> -> memref<128xi32, #tpu.memory_space<hbm>>
      %dma_wait3A_132 = arith.constant 0 : i32
      %dma_wait3A_133 = tpu.memref_slice %arg3[%dma_wait3A_132] : memref<640000xi32, #tpu.memory_space<hbm>> -> memref<128xi32, #tpu.memory_space<hbm>>
      tpu.wait_dma2 semaphore(%arg13 : memref<!tpu.dma_semaphore, #tpu.memory_space<semaphore_mem>>) src(%dma_wait3A_133 : memref<128xi32, #tpu.memory_space<hbm>>) dst(%arg6 : memref<128xi32, #tpu.memory_space<vmem>>)
      %dma_wait3A_134 = arith.constant 0 : i32
      %dma_wait3A_135 = arith.constant 0 : i32
      %dma_wait3A_136 = tpu.memref_slice %arg2[%dma_wait3A_134, %dma_wait3A_135] : memref<160000x128xf32, #tpu.memory_space<hbm>> -> memref<128x128xf32, #tpu.memory_space<hbm>>
      %dma_wait3A_137 = arith.constant 0 : i32
      %dma_wait3A_138 = arith.constant 0 : i32
      %dma_wait3A_139 = tpu.memref_slice %arg2[%dma_wait3A_137, %dma_wait3A_138] : memref<160000x128xf32, #tpu.memory_space<hbm>> -> memref<128x128xf32, #tpu.memory_space<hbm>>
      tpu.wait_dma2 semaphore(%arg16 : memref<!tpu.dma_semaphore, #tpu.memory_space<semaphore_mem>>) src(%dma_wait3A_139 : memref<128x128xf32, #tpu.memory_space<hbm>>) dst(%arg9 : memref<128x128xf32, #tpu.memory_space<vmem>>)
      %dma_start3A_140 = arith.constant 0 : i32
      %dma_start3A_141 = arith.constant 0 : i32
      %dma_start3A_142 = tpu.memref_slice %arg11[%dma_start3A_140, %dma_start3A_141] : memref<10112x128xf32, #tpu.memory_space<vmem_shared>> -> memref<10112x128xf32, #tpu.memory_space<vmem_shared>>
      tpu.enqueue_indirect_dma source(%arg9 : memref<128x128xf32, #tpu.memory_space<vmem>>) target(%dma_start3A_142 : memref<10112x128xf32, #tpu.memory_space<vmem_shared>>) offsets(%arg6 : memref<128xi32, #tpu.memory_space<vmem>>) semaphore(%arg19 : memref<!tpu.dma_semaphore, #tpu.memory_space<semaphore_mem>>) {add = true}
      %mul3A_143 = arith.constant 3 : i32
      %mul3A_144 = arith.muli %mul3A_143, %scan3A_88 : i32
      %add3A_145 = arith.constant 2 : i32
      %add3A_146 = arith.addi %mul3A_144, %add3A_145 : i32
      %mul3A_147 = arith.constant 32 : i32
      %mul3A_148 = arith.muli %add3A_146, %mul3A_147 : i32
      %add3A_149 = arith.addi %add3A, %mul3A_148 : i32
      %add3A_150 = arith.constant 2 : i32
      %add3A_151 = arith.addi %add3A_146, %add3A_150 : i32
      %lt3A_152 = arith.constant 39 : i32
      %lt3A_153 = arith.cmpi slt, %add3A_151, %lt3A_152 : i32
      %convert_element_type3A_154 = arith.extui %lt3A_153 : i1 to i32
      %cond3A_155 = arith.constant 0 : i32
      %cond3A_156 = arith.cmpi ne, %convert_element_type3A_154, %cond3A_155 : i32
      scf.if %cond3A_156 {
        %ge3A = arith.constant 1 : i32
        %ge3A_170 = arith.cmpi sge, %add3A_146, %ge3A : i32
        %convert_element_type3A_171 = arith.extui %ge3A_170 : i1 to i32
        %cond3A_172 = arith.constant 0 : i32
        %cond3A_173 = arith.cmpi ne, %convert_element_type3A_171, %cond3A_172 : i32
        scf.if %cond3A_173 {
          %dma_wait3A_188 = arith.constant 0 : i32
          %dma_wait3A_189 = arith.constant 0 : i32
          %dma_wait3A_190 = tpu.memref_slice %arg11[%dma_wait3A_188, %dma_wait3A_189] : memref<10112x128xf32, #tpu.memory_space<vmem_shared>> -> memref<10112x128xf32, #tpu.memory_space<vmem_shared>>
          tpu.wait_indirect_dma semaphore(%arg19 : memref<!tpu.dma_semaphore, #tpu.memory_space<semaphore_mem>>) src(%arg9 : memref<128x128xf32, #tpu.memory_space<vmem>>) dst(%dma_wait3A_190 : memref<10112x128xf32, #tpu.memory_space<vmem_shared>>)
        } else {
        }
        %add3A_174 = arith.constant 64 : i32
        %add3A_175 = arith.addi %add3A_149, %add3A_174 : i32
        %mul3A_176 = arith.constant 128 : i32
        %mul3A_177 = arith.muli %add3A_175, %mul3A_176 : i32
        %add3A_178 = arith.constant 320000 : i32
        %add3A_179 = arith.addi %add3A_178, %mul3A_177 : i32
        %dma_start3A_180 = tpu.memref_slice %arg3[%add3A_179] : memref<640000xi32, #tpu.memory_space<hbm>> -> memref<128xi32, #tpu.memory_space<hbm>>
        %dma_start3A_181 = tpu.memref_slice %arg3[%add3A_179] : memref<640000xi32, #tpu.memory_space<hbm>> -> memref<128xi32, #tpu.memory_space<hbm>>
        tpu.enqueue_dma source(%dma_start3A_181 : memref<128xi32, #tpu.memory_space<hbm>>) target(%arg6 : memref<128xi32, #tpu.memory_space<vmem>>) target_semaphore(%arg13 : memref<!tpu.dma_semaphore, #tpu.memory_space<semaphore_mem>>)
        %mul3A_182 = arith.constant 128 : i32
        %mul3A_183 = arith.muli %add3A_175, %mul3A_182 : i32
        %dma_start3A_184 = arith.constant 0 : i32
        %dma_start3A_185 = tpu.memref_slice %arg2[%mul3A_183, %dma_start3A_184] : memref<160000x128xf32, #tpu.memory_space<hbm>> -> memref<128x128xf32, #tpu.memory_space<hbm>>
        %dma_start3A_186 = arith.constant 0 : i32
        %dma_start3A_187 = tpu.memref_slice %arg2[%mul3A_183, %dma_start3A_186] : memref<160000x128xf32, #tpu.memory_space<hbm>> -> memref<128x128xf32, #tpu.memory_space<hbm>>
        tpu.enqueue_dma source(%dma_start3A_187 : memref<128x128xf32, #tpu.memory_space<hbm>>) target(%arg9 : memref<128x128xf32, #tpu.memory_space<vmem>>) target_semaphore(%arg16 : memref<!tpu.dma_semaphore, #tpu.memory_space<semaphore_mem>>)
      } else {
      }
      %dma_wait3A_157 = arith.constant 0 : i32
      %dma_wait3A_158 = tpu.memref_slice %arg3[%dma_wait3A_157] : memref<640000xi32, #tpu.memory_space<hbm>> -> memref<128xi32, #tpu.memory_space<hbm>>
      %dma_wait3A_159 = arith.constant 0 : i32
      %dma_wait3A_160 = tpu.memref_slice %arg3[%dma_wait3A_159] : memref<640000xi32, #tpu.memory_space<hbm>> -> memref<128xi32, #tpu.memory_space<hbm>>
      tpu.wait_dma2 semaphore(%arg14 : memref<!tpu.dma_semaphore, #tpu.memory_space<semaphore_mem>>) src(%dma_wait3A_160 : memref<128xi32, #tpu.memory_space<hbm>>) dst(%arg7 : memref<128xi32, #tpu.memory_space<vmem>>)
      %dma_wait3A_161 = arith.constant 0 : i32
      %dma_wait3A_162 = arith.constant 0 : i32
      %dma_wait3A_163 = tpu.memref_slice %arg2[%dma_wait3A_161, %dma_wait3A_162] : memref<160000x128xf32, #tpu.memory_space<hbm>> -> memref<128x128xf32, #tpu.memory_space<hbm>>
      %dma_wait3A_164 = arith.constant 0 : i32
      %dma_wait3A_165 = arith.constant 0 : i32
      %dma_wait3A_166 = tpu.memref_slice %arg2[%dma_wait3A_164, %dma_wait3A_165] : memref<160000x128xf32, #tpu.memory_space<hbm>> -> memref<128x128xf32, #tpu.memory_space<hbm>>
      tpu.wait_dma2 semaphore(%arg17 : memref<!tpu.dma_semaphore, #tpu.memory_space<semaphore_mem>>) src(%dma_wait3A_166 : memref<128x128xf32, #tpu.memory_space<hbm>>) dst(%arg10 : memref<128x128xf32, #tpu.memory_space<vmem>>)
      %dma_start3A_167 = arith.constant 0 : i32
      %dma_start3A_168 = arith.constant 0 : i32
      %dma_start3A_169 = tpu.memref_slice %arg11[%dma_start3A_167, %dma_start3A_168] : memref<10112x128xf32, #tpu.memory_space<vmem_shared>> -> memref<10112x128xf32, #tpu.memory_space<vmem_shared>>
      tpu.enqueue_indirect_dma source(%arg10 : memref<128x128xf32, #tpu.memory_space<vmem>>) target(%dma_start3A_169 : memref<10112x128xf32, #tpu.memory_space<vmem_shared>>) offsets(%arg7 : memref<128xi32, #tpu.memory_space<vmem>>) semaphore(%arg20 : memref<!tpu.dma_semaphore, #tpu.memory_space<semaphore_mem>>) {add = true}
    }
    %scan3A_56 = arith.constant 13 : i32
    %dma_wait3A = arith.constant 0 : i32
    %dma_wait3A_57 = arith.constant 0 : i32
    %dma_wait3A_58 = tpu.memref_slice %arg11[%dma_wait3A, %dma_wait3A_57] : memref<10112x128xf32, #tpu.memory_space<vmem_shared>> -> memref<10112x128xf32, #tpu.memory_space<vmem_shared>>
    tpu.wait_indirect_dma semaphore(%arg18 : memref<!tpu.dma_semaphore, #tpu.memory_space<semaphore_mem>>) src(%arg8 : memref<128x128xf32, #tpu.memory_space<vmem>>) dst(%dma_wait3A_58 : memref<10112x128xf32, #tpu.memory_space<vmem_shared>>)
    %dma_wait3A_59 = arith.constant 0 : i32
    %dma_wait3A_60 = arith.constant 0 : i32
    %dma_wait3A_61 = tpu.memref_slice %arg11[%dma_wait3A_59, %dma_wait3A_60] : memref<10112x128xf32, #tpu.memory_space<vmem_shared>> -> memref<10112x128xf32, #tpu.memory_space<vmem_shared>>
    tpu.wait_indirect_dma semaphore(%arg19 : memref<!tpu.dma_semaphore, #tpu.memory_space<semaphore_mem>>) src(%arg9 : memref<128x128xf32, #tpu.memory_space<vmem>>) dst(%dma_wait3A_61 : memref<10112x128xf32, #tpu.memory_space<vmem_shared>>)
    %dma_wait3A_62 = arith.constant 0 : i32
    %dma_wait3A_63 = arith.constant 0 : i32
    %dma_wait3A_64 = tpu.memref_slice %arg11[%dma_wait3A_62, %dma_wait3A_63] : memref<10112x128xf32, #tpu.memory_space<vmem_shared>> -> memref<10112x128xf32, #tpu.memory_space<vmem_shared>>
    tpu.wait_indirect_dma semaphore(%arg20 : memref<!tpu.dma_semaphore, #tpu.memory_space<semaphore_mem>>) src(%arg10 : memref<128x128xf32, #tpu.memory_space<vmem>>) dst(%dma_wait3A_64 : memref<10112x128xf32, #tpu.memory_space<vmem_shared>>)
    %lt3A = arith.constant 2 : i32
    %lt3A_65 = arith.cmpi slt, %add3A, %lt3A : i32
    %convert_element_type3A = arith.extui %lt3A_65 : i1 to i32
    %cond3A = arith.constant 0 : i32
    %cond3A_66 = arith.cmpi ne, %convert_element_type3A, %cond3A : i32
    scf.if %cond3A_66 {
      %add3A_88 = arith.constant 1248 : i32
      %add3A_89 = arith.addi %add3A, %add3A_88 : i32
      %mul3A_90 = arith.constant 128 : i32
      %mul3A_91 = arith.muli %add3A_89, %mul3A_90 : i32
      %add3A_92 = arith.constant 320000 : i32
      %add3A_93 = arith.addi %add3A_92, %mul3A_91 : i32
      %dma_start3A_94 = tpu.memref_slice %arg3[%add3A_93] : memref<640000xi32, #tpu.memory_space<hbm>> -> memref<128xi32, #tpu.memory_space<hbm>>
      %dma_start3A_95 = tpu.memref_slice %arg3[%add3A_93] : memref<640000xi32, #tpu.memory_space<hbm>> -> memref<128xi32, #tpu.memory_space<hbm>>
      tpu.enqueue_dma source(%dma_start3A_95 : memref<128xi32, #tpu.memory_space<hbm>>) target(%arg5 : memref<128xi32, #tpu.memory_space<vmem>>) target_semaphore(%arg12 : memref<!tpu.dma_semaphore, #tpu.memory_space<semaphore_mem>>)
      %mul3A_96 = arith.constant 128 : i32
      %mul3A_97 = arith.muli %add3A_89, %mul3A_96 : i32
      %dma_start3A_98 = arith.constant 0 : i32
      %dma_start3A_99 = tpu.memref_slice %arg2[%mul3A_97, %dma_start3A_98] : memref<160000x128xf32, #tpu.memory_space<hbm>> -> memref<128x128xf32, #tpu.memory_space<hbm>>
      %dma_start3A_100 = arith.constant 0 : i32
      %dma_start3A_101 = tpu.memref_slice %arg2[%mul3A_97, %dma_start3A_100] : memref<160000x128xf32, #tpu.memory_space<hbm>> -> memref<128x128xf32, #tpu.memory_space<hbm>>
      tpu.enqueue_dma source(%dma_start3A_101 : memref<128x128xf32, #tpu.memory_space<hbm>>) target(%arg8 : memref<128x128xf32, #tpu.memory_space<vmem>>) target_semaphore(%arg15 : memref<!tpu.dma_semaphore, #tpu.memory_space<semaphore_mem>>)
      %dma_wait3A_102 = arith.constant 0 : i32
      %dma_wait3A_103 = tpu.memref_slice %arg3[%dma_wait3A_102] : memref<640000xi32, #tpu.memory_space<hbm>> -> memref<128xi32, #tpu.memory_space<hbm>>
      %dma_wait3A_104 = arith.constant 0 : i32
      %dma_wait3A_105 = tpu.memref_slice %arg3[%dma_wait3A_104] : memref<640000xi32, #tpu.memory_space<hbm>> -> memref<128xi32, #tpu.memory_space<hbm>>
      tpu.wait_dma2 semaphore(%arg12 : memref<!tpu.dma_semaphore, #tpu.memory_space<semaphore_mem>>) src(%dma_wait3A_105 : memref<128xi32, #tpu.memory_space<hbm>>) dst(%arg5 : memref<128xi32, #tpu.memory_space<vmem>>)
      %dma_wait3A_106 = arith.constant 0 : i32
      %dma_wait3A_107 = arith.constant 0 : i32
      %dma_wait3A_108 = tpu.memref_slice %arg2[%dma_wait3A_106, %dma_wait3A_107] : memref<160000x128xf32, #tpu.memory_space<hbm>> -> memref<128x128xf32, #tpu.memory_space<hbm>>
      %dma_wait3A_109 = arith.constant 0 : i32
      %dma_wait3A_110 = arith.constant 0 : i32
      %dma_wait3A_111 = tpu.memref_slice %arg2[%dma_wait3A_109, %dma_wait3A_110] : memref<160000x128xf32, #tpu.memory_space<hbm>> -> memref<128x128xf32, #tpu.memory_space<hbm>>
      tpu.wait_dma2 semaphore(%arg15 : memref<!tpu.dma_semaphore, #tpu.memory_space<semaphore_mem>>) src(%dma_wait3A_111 : memref<128x128xf32, #tpu.memory_space<hbm>>) dst(%arg8 : memref<128x128xf32, #tpu.memory_space<vmem>>)
      "tpu.region"() ({
        %run_scoped3A = tpu.sem_alloc : memref<!tpu.dma_semaphore, #tpu.memory_space<semaphore_mem>>
        %dma_start3A_112 = arith.constant 0 : i32
        %dma_start3A_113 = arith.constant 0 : i32
        %dma_start3A_114 = tpu.memref_slice %arg11[%dma_start3A_112, %dma_start3A_113] : memref<10112x128xf32, #tpu.memory_space<vmem_shared>> -> memref<10112x128xf32, #tpu.memory_space<vmem_shared>>
        tpu.enqueue_indirect_dma source(%arg8 : memref<128x128xf32, #tpu.memory_space<vmem>>) target(%dma_start3A_114 : memref<10112x128xf32, #tpu.memory_space<vmem_shared>>) offsets(%arg5 : memref<128xi32, #tpu.memory_space<vmem>>) semaphore(%run_scoped3A : memref<!tpu.dma_semaphore, #tpu.memory_space<semaphore_mem>>) {add = true}
        %dma_wait3A_115 = arith.constant 0 : i32
        %dma_wait3A_116 = arith.constant 0 : i32
        %dma_wait3A_117 = tpu.memref_slice %arg11[%dma_wait3A_115, %dma_wait3A_116] : memref<10112x128xf32, #tpu.memory_space<vmem_shared>> -> memref<10112x128xf32, #tpu.memory_space<vmem_shared>>
        tpu.wait_indirect_dma semaphore(%run_scoped3A : memref<!tpu.dma_semaphore, #tpu.memory_space<semaphore_mem>>) src(%arg8 : memref<128x128xf32, #tpu.memory_space<vmem>>) dst(%dma_wait3A_117 : memref<10112x128xf32, #tpu.memory_space<vmem_shared>>)
        tpu.yield
      }) : () -> ()
    } else {
    }
    %barrier3A_67 = arith.constant 0 : index
    tpu.barrier barrier_id(%barrier3A_67)
    %mul3A_68 = arith.constant 632 : i32
    %mul3A_69 = arith.muli %arg1, %mul3A_68 : i32
    %add3A_70 = arith.constant 0 : i32
    %add3A_71 = arith.addi %mul3A_69, %add3A_70 : i32
    "tpu.region"() ({
      %run_scoped3A = tpu.sem_alloc : memref<!tpu.dma_semaphore, #tpu.memory_space<semaphore_mem>>
      %dma_start3A_88 = arith.constant 0 : i32
      %dma_start3A_89 = arith.constant 0 : i32
      %dma_start3A_90 = tpu.memref_slice %arg8[%dma_start3A_88, %dma_start3A_89] : memref<128x128xf32, #tpu.memory_space<vmem>> -> memref<128x128xf32, #tpu.memory_space<vmem>>
      %dma_start3A_91 = arith.constant 0 : i32
      %dma_start3A_92 = tpu.memref_slice %arg11[%add3A_71, %dma_start3A_91] : memref<10112x128xf32, #tpu.memory_space<vmem_shared>> -> memref<128x128xf32, #tpu.memory_space<vmem_shared>>
      %dma_start3A_93 = arith.constant 0 : i32
      %dma_start3A_94 = arith.constant 0 : i32
      %dma_start3A_95 = tpu.memref_slice %arg8[%dma_start3A_93, %dma_start3A_94] : memref<128x128xf32, #tpu.memory_space<vmem>> -> memref<128x128xf32, #tpu.memory_space<vmem>>
      %dma_start3A_96 = arith.constant 0 : i32
      %dma_start3A_97 = tpu.memref_slice %arg11[%add3A_71, %dma_start3A_96] : memref<10112x128xf32, #tpu.memory_space<vmem_shared>> -> memref<128x128xf32, #tpu.memory_space<vmem_shared>>
      tpu.enqueue_dma source(%dma_start3A_97 : memref<128x128xf32, #tpu.memory_space<vmem_shared>>) target(%dma_start3A_95 : memref<128x128xf32, #tpu.memory_space<vmem>>) target_semaphore(%run_scoped3A : memref<!tpu.dma_semaphore, #tpu.memory_space<semaphore_mem>>)
      %dma_wait3A_98 = arith.constant 0 : i32
      %dma_wait3A_99 = arith.constant 0 : i32
      %dma_wait3A_100 = tpu.memref_slice %arg8[%dma_wait3A_98, %dma_wait3A_99] : memref<128x128xf32, #tpu.memory_space<vmem>> -> memref<128x128xf32, #tpu.memory_space<vmem>>
      %dma_wait3A_101 = arith.constant 0 : i32
      %dma_wait3A_102 = tpu.memref_slice %arg11[%add3A_71, %dma_wait3A_101] : memref<10112x128xf32, #tpu.memory_space<vmem_shared>> -> memref<128x128xf32, #tpu.memory_space<vmem_shared>>
      %dma_wait3A_103 = arith.constant 0 : i32
      %dma_wait3A_104 = arith.constant 0 : i32
      %dma_wait3A_105 = tpu.memref_slice %arg8[%dma_wait3A_103, %dma_wait3A_104] : memref<128x128xf32, #tpu.memory_space<vmem>> -> memref<128x128xf32, #tpu.memory_space<vmem>>
      %dma_wait3A_106 = arith.constant 0 : i32
      %dma_wait3A_107 = tpu.memref_slice %arg11[%add3A_71, %dma_wait3A_106] : memref<10112x128xf32, #tpu.memory_space<vmem_shared>> -> memref<128x128xf32, #tpu.memory_space<vmem_shared>>
      tpu.wait_dma2 semaphore(%run_scoped3A : memref<!tpu.dma_semaphore, #tpu.memory_space<semaphore_mem>>) src(%dma_wait3A_107 : memref<128x128xf32, #tpu.memory_space<vmem_shared>>) dst(%dma_wait3A_105 : memref<128x128xf32, #tpu.memory_space<vmem>>)
      tpu.yield
    }) : () -> ()
    "tpu.region"() ({
      %run_scoped3A = tpu.sem_alloc : memref<!tpu.dma_semaphore, #tpu.memory_space<semaphore_mem>>
      %dma_start3A_88 = arith.constant 0 : i32
      %dma_start3A_89 = arith.constant 0 : i32
      %dma_start3A_90 = tpu.memref_slice %arg8[%dma_start3A_88, %dma_start3A_89] : memref<128x128xf32, #tpu.memory_space<vmem>> -> memref<128x128xf32, #tpu.memory_space<vmem>>
      %dma_start3A_91 = arith.constant 0 : i32
      %dma_start3A_92 = tpu.memref_slice %arg4[%arg0, %add3A_71, %dma_start3A_91] : memref<2x10112x128xf32, #tpu.memory_space<hbm>> -> memref<1x128x128xf32, #tpu.memory_space<hbm>>
      %dma_start3A_93 = tpu.memref_squeeze %dma_start3A_92 : memref<1x128x128xf32, #tpu.memory_space<hbm>> -> memref<128x128xf32, #tpu.memory_space<hbm>>
      %dma_start3A_94 = arith.constant 0 : i32
      %dma_start3A_95 = tpu.memref_slice %arg4[%arg0, %add3A_71, %dma_start3A_94] : memref<2x10112x128xf32, #tpu.memory_space<hbm>> -> memref<1x128x128xf32, #tpu.memory_space<hbm>>
      %dma_start3A_96 = tpu.memref_squeeze %dma_start3A_95 : memref<1x128x128xf32, #tpu.memory_space<hbm>> -> memref<128x128xf32, #tpu.memory_space<hbm>>
      %dma_start3A_97 = arith.constant 0 : i32
      %dma_start3A_98 = arith.constant 0 : i32
      %dma_start3A_99 = tpu.memref_slice %arg8[%dma_start3A_97, %dma_start3A_98] : memref<128x128xf32, #tpu.memory_space<vmem>> -> memref<128x128xf32, #tpu.memory_space<vmem>>
      tpu.enqueue_dma source(%dma_start3A_99 : memref<128x128xf32, #tpu.memory_space<vmem>>) target(%dma_start3A_96 : memref<128x128xf32, #tpu.memory_space<hbm>>) target_semaphore(%run_scoped3A : memref<!tpu.dma_semaphore, #tpu.memory_space<semaphore_mem>>)
      %dma_wait3A_100 = arith.constant 0 : i32
      %dma_wait3A_101 = arith.constant 0 : i32
      %dma_wait3A_102 = tpu.memref_slice %arg8[%dma_wait3A_100, %dma_wait3A_101] : memref<128x128xf32, #tpu.memory_space<vmem>> -> memref<128x128xf32, #tpu.memory_space<vmem>>
      %dma_wait3A_103 = arith.constant 0 : i32
      %dma_wait3A_104 = tpu.memref_slice %arg4[%arg0, %add3A_71, %dma_wait3A_103] : memref<2x10112x128xf32, #tpu.memory_space<hbm>> -> memref<1x128x128xf32, #tpu.memory_space<hbm>>
      %dma_wait3A_105 = tpu.memref_squeeze %dma_wait3A_104 : memref<1x128x128xf32, #tpu.memory_space<hbm>> -> memref<128x128xf32, #tpu.memory_space<hbm>>
      %dma_wait3A_106 = arith.constant 0 : i32
      %dma_wait3A_107 = tpu.memref_slice %arg4[%arg0, %add3A_71, %dma_wait3A_106] : memref<2x10112x128xf32, #tpu.memory_space<hbm>> -> memref<1x128x128xf32, #tpu.memory_space<hbm>>
      %dma_wait3A_108 = tpu.memref_squeeze %dma_wait3A_107 : memref<1x128x128xf32, #tpu.memory_space<hbm>> -> memref<128x128xf32, #tpu.memory_space<hbm>>
      %dma_wait3A_109 = arith.constant 0 : i32
      %dma_wait3A_110 = arith.constant 0 : i32
      %dma_wait3A_111 = tpu.memref_slice %arg8[%dma_wait3A_109, %dma_wait3A_110] : memref<128x128xf32, #tpu.memory_space<vmem>> -> memref<128x128xf32, #tpu.memory_space<vmem>>
      tpu.wait_dma2 semaphore(%run_scoped3A : memref<!tpu.dma_semaphore, #tpu.memory_space<semaphore_mem>>) src(%dma_wait3A_111 : memref<128x128xf32, #tpu.memory_space<vmem>>) dst(%dma_wait3A_108 : memref<128x128xf32, #tpu.memory_space<hbm>>)
      tpu.yield
    }) : () -> ()
    %mul3A_72 = arith.constant 632 : i32
    %mul3A_73 = arith.muli %arg1, %mul3A_72 : i32
    %add3A_74 = arith.constant 128 : i32
    %add3A_75 = arith.addi %mul3A_73, %add3A_74 : i32
    "tpu.region"() ({
      %run_scoped3A = tpu.sem_alloc : memref<!tpu.dma_semaphore, #tpu.memory_space<semaphore_mem>>
      %dma_start3A_88 = arith.constant 0 : i32
      %dma_start3A_89 = arith.constant 0 : i32
      %dma_start3A_90 = tpu.memref_slice %arg8[%dma_start3A_88, %dma_start3A_89] : memref<128x128xf32, #tpu.memory_space<vmem>> -> memref<128x128xf32, #tpu.memory_space<vmem>>
      %dma_start3A_91 = arith.constant 0 : i32
      %dma_start3A_92 = tpu.memref_slice %arg11[%add3A_75, %dma_start3A_91] : memref<10112x128xf32, #tpu.memory_space<vmem_shared>> -> memref<128x128xf32, #tpu.memory_space<vmem_shared>>
      %dma_start3A_93 = arith.constant 0 : i32
      %dma_start3A_94 = arith.constant 0 : i32
      %dma_start3A_95 = tpu.memref_slice %arg8[%dma_start3A_93, %dma_start3A_94] : memref<128x128xf32, #tpu.memory_space<vmem>> -> memref<128x128xf32, #tpu.memory_space<vmem>>
      %dma_start3A_96 = arith.constant 0 : i32
      %dma_start3A_97 = tpu.memref_slice %arg11[%add3A_75, %dma_start3A_96] : memref<10112x128xf32, #tpu.memory_space<vmem_shared>> -> memref<128x128xf32, #tpu.memory_space<vmem_shared>>
      tpu.enqueue_dma source(%dma_start3A_97 : memref<128x128xf32, #tpu.memory_space<vmem_shared>>) target(%dma_start3A_95 : memref<128x128xf32, #tpu.memory_space<vmem>>) target_semaphore(%run_scoped3A : memref<!tpu.dma_semaphore, #tpu.memory_space<semaphore_mem>>)
      %dma_wait3A_98 = arith.constant 0 : i32
      %dma_wait3A_99 = arith.constant 0 : i32
      %dma_wait3A_100 = tpu.memref_slice %arg8[%dma_wait3A_98, %dma_wait3A_99] : memref<128x128xf32, #tpu.memory_space<vmem>> -> memref<128x128xf32, #tpu.memory_space<vmem>>
      %dma_wait3A_101 = arith.constant 0 : i32
      %dma_wait3A_102 = tpu.memref_slice %arg11[%add3A_75, %dma_wait3A_101] : memref<10112x128xf32, #tpu.memory_space<vmem_shared>> -> memref<128x128xf32, #tpu.memory_space<vmem_shared>>
      %dma_wait3A_103 = arith.constant 0 : i32
      %dma_wait3A_104 = arith.constant 0 : i32
      %dma_wait3A_105 = tpu.memref_slice %arg8[%dma_wait3A_103, %dma_wait3A_104] : memref<128x128xf32, #tpu.memory_space<vmem>> -> memref<128x128xf32, #tpu.memory_space<vmem>>
      %dma_wait3A_106 = arith.constant 0 : i32
      %dma_wait3A_107 = tpu.memref_slice %arg11[%add3A_75, %dma_wait3A_106] : memref<10112x128xf32, #tpu.memory_space<vmem_shared>> -> memref<128x128xf32, #tpu.memory_space<vmem_shared>>
      tpu.wait_dma2 semaphore(%run_scoped3A : memref<!tpu.dma_semaphore, #tpu.memory_space<semaphore_mem>>) src(%dma_wait3A_107 : memref<128x128xf32, #tpu.memory_space<vmem_shared>>) dst(%dma_wait3A_105 : memref<128x128xf32, #tpu.memory_space<vmem>>)
      tpu.yield
    }) : () -> ()
    "tpu.region"() ({
      %run_scoped3A = tpu.sem_alloc : memref<!tpu.dma_semaphore, #tpu.memory_space<semaphore_mem>>
      %dma_start3A_88 = arith.constant 0 : i32
      %dma_start3A_89 = arith.constant 0 : i32
      %dma_start3A_90 = tpu.memref_slice %arg8[%dma_start3A_88, %dma_start3A_89] : memref<128x128xf32, #tpu.memory_space<vmem>> -> memref<128x128xf32, #tpu.memory_space<vmem>>
      %dma_start3A_91 = arith.constant 0 : i32
      %dma_start3A_92 = tpu.memref_slice %arg4[%arg0, %add3A_75, %dma_start3A_91] : memref<2x10112x128xf32, #tpu.memory_space<hbm>> -> memref<1x128x128xf32, #tpu.memory_space<hbm>>
      %dma_start3A_93 = tpu.memref_squeeze %dma_start3A_92 : memref<1x128x128xf32, #tpu.memory_space<hbm>> -> memref<128x128xf32, #tpu.memory_space<hbm>>
      %dma_start3A_94 = arith.constant 0 : i32
      %dma_start3A_95 = tpu.memref_slice %arg4[%arg0, %add3A_75, %dma_start3A_94] : memref<2x10112x128xf32, #tpu.memory_space<hbm>> -> memref<1x128x128xf32, #tpu.memory_space<hbm>>
      %dma_start3A_96 = tpu.memref_squeeze %dma_start3A_95 : memref<1x128x128xf32, #tpu.memory_space<hbm>> -> memref<128x128xf32, #tpu.memory_space<hbm>>
      %dma_start3A_97 = arith.constant 0 : i32
      %dma_start3A_98 = arith.constant 0 : i32
      %dma_start3A_99 = tpu.memref_slice %arg8[%dma_start3A_97, %dma_start3A_98] : memref<128x128xf32, #tpu.memory_space<vmem>> -> memref<128x128xf32, #tpu.memory_space<vmem>>
      tpu.enqueue_dma source(%dma_start3A_99 : memref<128x128xf32, #tpu.memory_space<vmem>>) target(%dma_start3A_96 : memref<128x128xf32, #tpu.memory_space<hbm>>) target_semaphore(%run_scoped3A : memref<!tpu.dma_semaphore, #tpu.memory_space<semaphore_mem>>)
      %dma_wait3A_100 = arith.constant 0 : i32
      %dma_wait3A_101 = arith.constant 0 : i32
      %dma_wait3A_102 = tpu.memref_slice %arg8[%dma_wait3A_100, %dma_wait3A_101] : memref<128x128xf32, #tpu.memory_space<vmem>> -> memref<128x128xf32, #tpu.memory_space<vmem>>
      %dma_wait3A_103 = arith.constant 0 : i32
      %dma_wait3A_104 = tpu.memref_slice %arg4[%arg0, %add3A_75, %dma_wait3A_103] : memref<2x10112x128xf32, #tpu.memory_space<hbm>> -> memref<1x128x128xf32, #tpu.memory_space<hbm>>
      %dma_wait3A_105 = tpu.memref_squeeze %dma_wait3A_104 : memref<1x128x128xf32, #tpu.memory_space<hbm>> -> memref<128x128xf32, #tpu.memory_space<hbm>>
      %dma_wait3A_106 = arith.constant 0 : i32
      %dma_wait3A_107 = tpu.memref_slice %arg4[%arg0, %add3A_75, %dma_wait3A_106] : memref<2x10112x128xf32, #tpu.memory_space<hbm>> -> memref<1x128x128xf32, #tpu.memory_space<hbm>>
      %dma_wait3A_108 = tpu.memref_squeeze %dma_wait3A_107 : memref<1x128x128xf32, #tpu.memory_space<hbm>> -> memref<128x128xf32, #tpu.memory_space<hbm>>
      %dma_wait3A_109 = arith.constant 0 : i32
      %dma_wait3A_110 = arith.constant 0 : i32
      %dma_wait3A_111 = tpu.memref_slice %arg8[%dma_wait3A_109, %dma_wait3A_110] : memref<128x128xf32, #tpu.memory_space<vmem>> -> memref<128x128xf32, #tpu.memory_space<vmem>>
      tpu.wait_dma2 semaphore(%run_scoped3A : memref<!tpu.dma_semaphore, #tpu.memory_space<semaphore_mem>>) src(%dma_wait3A_111 : memref<128x128xf32, #tpu.memory_space<vmem>>) dst(%dma_wait3A_108 : memref<128x128xf32, #tpu.memory_space<hbm>>)
      tpu.yield
    }) : () -> ()
    %mul3A_76 = arith.constant 632 : i32
    %mul3A_77 = arith.muli %arg1, %mul3A_76 : i32
    %add3A_78 = arith.constant 256 : i32
    %add3A_79 = arith.addi %mul3A_77, %add3A_78 : i32
    "tpu.region"() ({
      %run_scoped3A = tpu.sem_alloc : memref<!tpu.dma_semaphore, #tpu.memory_space<semaphore_mem>>
      %dma_start3A_88 = arith.constant 0 : i32
      %dma_start3A_89 = arith.constant 0 : i32
      %dma_start3A_90 = tpu.memref_slice %arg8[%dma_start3A_88, %dma_start3A_89] : memref<128x128xf32, #tpu.memory_space<vmem>> -> memref<128x128xf32, #tpu.memory_space<vmem>>
      %dma_start3A_91 = arith.constant 0 : i32
      %dma_start3A_92 = tpu.memref_slice %arg11[%add3A_79, %dma_start3A_91] : memref<10112x128xf32, #tpu.memory_space<vmem_shared>> -> memref<128x128xf32, #tpu.memory_space<vmem_shared>>
      %dma_start3A_93 = arith.constant 0 : i32
      %dma_start3A_94 = arith.constant 0 : i32
      %dma_start3A_95 = tpu.memref_slice %arg8[%dma_start3A_93, %dma_start3A_94] : memref<128x128xf32, #tpu.memory_space<vmem>> -> memref<128x128xf32, #tpu.memory_space<vmem>>
      %dma_start3A_96 = arith.constant 0 : i32
      %dma_start3A_97 = tpu.memref_slice %arg11[%add3A_79, %dma_start3A_96] : memref<10112x128xf32, #tpu.memory_space<vmem_shared>> -> memref<128x128xf32, #tpu.memory_space<vmem_shared>>
      tpu.enqueue_dma source(%dma_start3A_97 : memref<128x128xf32, #tpu.memory_space<vmem_shared>>) target(%dma_start3A_95 : memref<128x128xf32, #tpu.memory_space<vmem>>) target_semaphore(%run_scoped3A : memref<!tpu.dma_semaphore, #tpu.memory_space<semaphore_mem>>)
      %dma_wait3A_98 = arith.constant 0 : i32
      %dma_wait3A_99 = arith.constant 0 : i32
      %dma_wait3A_100 = tpu.memref_slice %arg8[%dma_wait3A_98, %dma_wait3A_99] : memref<128x128xf32, #tpu.memory_space<vmem>> -> memref<128x128xf32, #tpu.memory_space<vmem>>
      %dma_wait3A_101 = arith.constant 0 : i32
      %dma_wait3A_102 = tpu.memref_slice %arg11[%add3A_79, %dma_wait3A_101] : memref<10112x128xf32, #tpu.memory_space<vmem_shared>> -> memref<128x128xf32, #tpu.memory_space<vmem_shared>>
      %dma_wait3A_103 = arith.constant 0 : i32
      %dma_wait3A_104 = arith.constant 0 : i32
      %dma_wait3A_105 = tpu.memref_slice %arg8[%dma_wait3A_103, %dma_wait3A_104] : memref<128x128xf32, #tpu.memory_space<vmem>> -> memref<128x128xf32, #tpu.memory_space<vmem>>
      %dma_wait3A_106 = arith.constant 0 : i32
      %dma_wait3A_107 = tpu.memref_slice %arg11[%add3A_79, %dma_wait3A_106] : memref<10112x128xf32, #tpu.memory_space<vmem_shared>> -> memref<128x128xf32, #tpu.memory_space<vmem_shared>>
      tpu.wait_dma2 semaphore(%run_scoped3A : memref<!tpu.dma_semaphore, #tpu.memory_space<semaphore_mem>>) src(%dma_wait3A_107 : memref<128x128xf32, #tpu.memory_space<vmem_shared>>) dst(%dma_wait3A_105 : memref<128x128xf32, #tpu.memory_space<vmem>>)
      tpu.yield
    }) : () -> ()
    "tpu.region"() ({
      %run_scoped3A = tpu.sem_alloc : memref<!tpu.dma_semaphore, #tpu.memory_space<semaphore_mem>>
      %dma_start3A_88 = arith.constant 0 : i32
      %dma_start3A_89 = arith.constant 0 : i32
      %dma_start3A_90 = tpu.memref_slice %arg8[%dma_start3A_88, %dma_start3A_89] : memref<128x128xf32, #tpu.memory_space<vmem>> -> memref<128x128xf32, #tpu.memory_space<vmem>>
      %dma_start3A_91 = arith.constant 0 : i32
      %dma_start3A_92 = tpu.memref_slice %arg4[%arg0, %add3A_79, %dma_start3A_91] : memref<2x10112x128xf32, #tpu.memory_space<hbm>> -> memref<1x128x128xf32, #tpu.memory_space<hbm>>
      %dma_start3A_93 = tpu.memref_squeeze %dma_start3A_92 : memref<1x128x128xf32, #tpu.memory_space<hbm>> -> memref<128x128xf32, #tpu.memory_space<hbm>>
      %dma_start3A_94 = arith.constant 0 : i32
      %dma_start3A_95 = tpu.memref_slice %arg4[%arg0, %add3A_79, %dma_start3A_94] : memref<2x10112x128xf32, #tpu.memory_space<hbm>> -> memref<1x128x128xf32, #tpu.memory_space<hbm>>
      %dma_start3A_96 = tpu.memref_squeeze %dma_start3A_95 : memref<1x128x128xf32, #tpu.memory_space<hbm>> -> memref<128x128xf32, #tpu.memory_space<hbm>>
      %dma_start3A_97 = arith.constant 0 : i32
      %dma_start3A_98 = arith.constant 0 : i32
      %dma_start3A_99 = tpu.memref_slice %arg8[%dma_start3A_97, %dma_start3A_98] : memref<128x128xf32, #tpu.memory_space<vmem>> -> memref<128x128xf32, #tpu.memory_space<vmem>>
      tpu.enqueue_dma source(%dma_start3A_99 : memref<128x128xf32, #tpu.memory_space<vmem>>) target(%dma_start3A_96 : memref<128x128xf32, #tpu.memory_space<hbm>>) target_semaphore(%run_scoped3A : memref<!tpu.dma_semaphore, #tpu.memory_space<semaphore_mem>>)
      %dma_wait3A_100 = arith.constant 0 : i32
      %dma_wait3A_101 = arith.constant 0 : i32
      %dma_wait3A_102 = tpu.memref_slice %arg8[%dma_wait3A_100, %dma_wait3A_101] : memref<128x128xf32, #tpu.memory_space<vmem>> -> memref<128x128xf32, #tpu.memory_space<vmem>>
      %dma_wait3A_103 = arith.constant 0 : i32
      %dma_wait3A_104 = tpu.memref_slice %arg4[%arg0, %add3A_79, %dma_wait3A_103] : memref<2x10112x128xf32, #tpu.memory_space<hbm>> -> memref<1x128x128xf32, #tpu.memory_space<hbm>>
      %dma_wait3A_105 = tpu.memref_squeeze %dma_wait3A_104 : memref<1x128x128xf32, #tpu.memory_space<hbm>> -> memref<128x128xf32, #tpu.memory_space<hbm>>
      %dma_wait3A_106 = arith.constant 0 : i32
      %dma_wait3A_107 = tpu.memref_slice %arg4[%arg0, %add3A_79, %dma_wait3A_106] : memref<2x10112x128xf32, #tpu.memory_space<hbm>> -> memref<1x128x128xf32, #tpu.memory_space<hbm>>
      %dma_wait3A_108 = tpu.memref_squeeze %dma_wait3A_107 : memref<1x128x128xf32, #tpu.memory_space<hbm>> -> memref<128x128xf32, #tpu.memory_space<hbm>>
      %dma_wait3A_109 = arith.constant 0 : i32
      %dma_wait3A_110 = arith.constant 0 : i32
      %dma_wait3A_111 = tpu.memref_slice %arg8[%dma_wait3A_109, %dma_wait3A_110] : memref<128x128xf32, #tpu.memory_space<vmem>> -> memref<128x128xf32, #tpu.memory_space<vmem>>
      tpu.wait_dma2 semaphore(%run_scoped3A : memref<!tpu.dma_semaphore, #tpu.memory_space<semaphore_mem>>) src(%dma_wait3A_111 : memref<128x128xf32, #tpu.memory_space<vmem>>) dst(%dma_wait3A_108 : memref<128x128xf32, #tpu.memory_space<hbm>>)
      tpu.yield
    }) : () -> ()
    %mul3A_80 = arith.constant 632 : i32
    %mul3A_81 = arith.muli %arg1, %mul3A_80 : i32
    %add3A_82 = arith.constant 384 : i32
    %add3A_83 = arith.addi %mul3A_81, %add3A_82 : i32
    "tpu.region"() ({
      %run_scoped3A = tpu.sem_alloc : memref<!tpu.dma_semaphore, #tpu.memory_space<semaphore_mem>>
      %dma_start3A_88 = arith.constant 0 : i32
      %dma_start3A_89 = arith.constant 0 : i32
      %dma_start3A_90 = tpu.memref_slice %arg8[%dma_start3A_88, %dma_start3A_89] : memref<128x128xf32, #tpu.memory_space<vmem>> -> memref<128x128xf32, #tpu.memory_space<vmem>>
      %dma_start3A_91 = arith.constant 0 : i32
      %dma_start3A_92 = tpu.memref_slice %arg11[%add3A_83, %dma_start3A_91] : memref<10112x128xf32, #tpu.memory_space<vmem_shared>> -> memref<128x128xf32, #tpu.memory_space<vmem_shared>>
      %dma_start3A_93 = arith.constant 0 : i32
      %dma_start3A_94 = arith.constant 0 : i32
      %dma_start3A_95 = tpu.memref_slice %arg8[%dma_start3A_93, %dma_start3A_94] : memref<128x128xf32, #tpu.memory_space<vmem>> -> memref<128x128xf32, #tpu.memory_space<vmem>>
      %dma_start3A_96 = arith.constant 0 : i32
      %dma_start3A_97 = tpu.memref_slice %arg11[%add3A_83, %dma_start3A_96] : memref<10112x128xf32, #tpu.memory_space<vmem_shared>> -> memref<128x128xf32, #tpu.memory_space<vmem_shared>>
      tpu.enqueue_dma source(%dma_start3A_97 : memref<128x128xf32, #tpu.memory_space<vmem_shared>>) target(%dma_start3A_95 : memref<128x128xf32, #tpu.memory_space<vmem>>) target_semaphore(%run_scoped3A : memref<!tpu.dma_semaphore, #tpu.memory_space<semaphore_mem>>)
      %dma_wait3A_98 = arith.constant 0 : i32
      %dma_wait3A_99 = arith.constant 0 : i32
      %dma_wait3A_100 = tpu.memref_slice %arg8[%dma_wait3A_98, %dma_wait3A_99] : memref<128x128xf32, #tpu.memory_space<vmem>> -> memref<128x128xf32, #tpu.memory_space<vmem>>
      %dma_wait3A_101 = arith.constant 0 : i32
      %dma_wait3A_102 = tpu.memref_slice %arg11[%add3A_83, %dma_wait3A_101] : memref<10112x128xf32, #tpu.memory_space<vmem_shared>> -> memref<128x128xf32, #tpu.memory_space<vmem_shared>>
      %dma_wait3A_103 = arith.constant 0 : i32
      %dma_wait3A_104 = arith.constant 0 : i32
      %dma_wait3A_105 = tpu.memref_slice %arg8[%dma_wait3A_103, %dma_wait3A_104] : memref<128x128xf32, #tpu.memory_space<vmem>> -> memref<128x128xf32, #tpu.memory_space<vmem>>
      %dma_wait3A_106 = arith.constant 0 : i32
      %dma_wait3A_107 = tpu.memref_slice %arg11[%add3A_83, %dma_wait3A_106] : memref<10112x128xf32, #tpu.memory_space<vmem_shared>> -> memref<128x128xf32, #tpu.memory_space<vmem_shared>>
      tpu.wait_dma2 semaphore(%run_scoped3A : memref<!tpu.dma_semaphore, #tpu.memory_space<semaphore_mem>>) src(%dma_wait3A_107 : memref<128x128xf32, #tpu.memory_space<vmem_shared>>) dst(%dma_wait3A_105 : memref<128x128xf32, #tpu.memory_space<vmem>>)
      tpu.yield
    }) : () -> ()
    "tpu.region"() ({
      %run_scoped3A = tpu.sem_alloc : memref<!tpu.dma_semaphore, #tpu.memory_space<semaphore_mem>>
      %dma_start3A_88 = arith.constant 0 : i32
      %dma_start3A_89 = arith.constant 0 : i32
      %dma_start3A_90 = tpu.memref_slice %arg8[%dma_start3A_88, %dma_start3A_89] : memref<128x128xf32, #tpu.memory_space<vmem>> -> memref<128x128xf32, #tpu.memory_space<vmem>>
      %dma_start3A_91 = arith.constant 0 : i32
      %dma_start3A_92 = tpu.memref_slice %arg4[%arg0, %add3A_83, %dma_start3A_91] : memref<2x10112x128xf32, #tpu.memory_space<hbm>> -> memref<1x128x128xf32, #tpu.memory_space<hbm>>
      %dma_start3A_93 = tpu.memref_squeeze %dma_start3A_92 : memref<1x128x128xf32, #tpu.memory_space<hbm>> -> memref<128x128xf32, #tpu.memory_space<hbm>>
      %dma_start3A_94 = arith.constant 0 : i32
      %dma_start3A_95 = tpu.memref_slice %arg4[%arg0, %add3A_83, %dma_start3A_94] : memref<2x10112x128xf32, #tpu.memory_space<hbm>> -> memref<1x128x128xf32, #tpu.memory_space<hbm>>
      %dma_start3A_96 = tpu.memref_squeeze %dma_start3A_95 : memref<1x128x128xf32, #tpu.memory_space<hbm>> -> memref<128x128xf32, #tpu.memory_space<hbm>>
      %dma_start3A_97 = arith.constant 0 : i32
      %dma_start3A_98 = arith.constant 0 : i32
      %dma_start3A_99 = tpu.memref_slice %arg8[%dma_start3A_97, %dma_start3A_98] : memref<128x128xf32, #tpu.memory_space<vmem>> -> memref<128x128xf32, #tpu.memory_space<vmem>>
      tpu.enqueue_dma source(%dma_start3A_99 : memref<128x128xf32, #tpu.memory_space<vmem>>) target(%dma_start3A_96 : memref<128x128xf32, #tpu.memory_space<hbm>>) target_semaphore(%run_scoped3A : memref<!tpu.dma_semaphore, #tpu.memory_space<semaphore_mem>>)
      %dma_wait3A_100 = arith.constant 0 : i32
      %dma_wait3A_101 = arith.constant 0 : i32
      %dma_wait3A_102 = tpu.memref_slice %arg8[%dma_wait3A_100, %dma_wait3A_101] : memref<128x128xf32, #tpu.memory_space<vmem>> -> memref<128x128xf32, #tpu.memory_space<vmem>>
      %dma_wait3A_103 = arith.constant 0 : i32
      %dma_wait3A_104 = tpu.memref_slice %arg4[%arg0, %add3A_83, %dma_wait3A_103] : memref<2x10112x128xf32, #tpu.memory_space<hbm>> -> memref<1x128x128xf32, #tpu.memory_space<hbm>>
      %dma_wait3A_105 = tpu.memref_squeeze %dma_wait3A_104 : memref<1x128x128xf32, #tpu.memory_space<hbm>> -> memref<128x128xf32, #tpu.memory_space<hbm>>
      %dma_wait3A_106 = arith.constant 0 : i32
      %dma_wait3A_107 = tpu.memref_slice %arg4[%arg0, %add3A_83, %dma_wait3A_106] : memref<2x10112x128xf32, #tpu.memory_space<hbm>> -> memref<1x128x128xf32, #tpu.memory_space<hbm>>
      %dma_wait3A_108 = tpu.memref_squeeze %dma_wait3A_107 : memref<1x128x128xf32, #tpu.memory_space<hbm>> -> memref<128x128xf32, #tpu.memory_space<hbm>>
      %dma_wait3A_109 = arith.constant 0 : i32
      %dma_wait3A_110 = arith.constant 0 : i32
      %dma_wait3A_111 = tpu.memref_slice %arg8[%dma_wait3A_109, %dma_wait3A_110] : memref<128x128xf32, #tpu.memory_space<vmem>> -> memref<128x128xf32, #tpu.memory_space<vmem>>
      tpu.wait_dma2 semaphore(%run_scoped3A : memref<!tpu.dma_semaphore, #tpu.memory_space<semaphore_mem>>) src(%dma_wait3A_111 : memref<128x128xf32, #tpu.memory_space<vmem>>) dst(%dma_wait3A_108 : memref<128x128xf32, #tpu.memory_space<hbm>>)
      tpu.yield
    }) : () -> ()
    %mul3A_84 = arith.constant 632 : i32
    %mul3A_85 = arith.muli %arg1, %mul3A_84 : i32
    %add3A_86 = arith.constant 512 : i32
    %add3A_87 = arith.addi %mul3A_85, %add3A_86 : i32
    "tpu.region"() ({
      %run_scoped3A = tpu.sem_alloc : memref<!tpu.dma_semaphore, #tpu.memory_space<semaphore_mem>>
      %dma_start3A_88 = arith.constant 0 : i32
      %dma_start3A_89 = arith.constant 0 : i32
      %dma_start3A_90 = tpu.memref_slice %arg8[%dma_start3A_88, %dma_start3A_89] : memref<128x128xf32, #tpu.memory_space<vmem>> -> memref<120x128xf32, #tpu.memory_space<vmem>>
      %dma_start3A_91 = arith.constant 0 : i32
      %dma_start3A_92 = tpu.memref_slice %arg11[%add3A_87, %dma_start3A_91] : memref<10112x128xf32, #tpu.memory_space<vmem_shared>> -> memref<120x128xf32, #tpu.memory_space<vmem_shared>>
      %dma_start3A_93 = arith.constant 0 : i32
      %dma_start3A_94 = arith.constant 0 : i32
      %dma_start3A_95 = tpu.memref_slice %arg8[%dma_start3A_93, %dma_start3A_94] : memref<128x128xf32, #tpu.memory_space<vmem>> -> memref<120x128xf32, #tpu.memory_space<vmem>>
      %dma_start3A_96 = arith.constant 0 : i32
      %dma_start3A_97 = tpu.memref_slice %arg11[%add3A_87, %dma_start3A_96] : memref<10112x128xf32, #tpu.memory_space<vmem_shared>> -> memref<120x128xf32, #tpu.memory_space<vmem_shared>>
      tpu.enqueue_dma source(%dma_start3A_97 : memref<120x128xf32, #tpu.memory_space<vmem_shared>>) target(%dma_start3A_95 : memref<120x128xf32, #tpu.memory_space<vmem>>) target_semaphore(%run_scoped3A : memref<!tpu.dma_semaphore, #tpu.memory_space<semaphore_mem>>)
      %dma_wait3A_98 = arith.constant 0 : i32
      %dma_wait3A_99 = arith.constant 0 : i32
      %dma_wait3A_100 = tpu.memref_slice %arg8[%dma_wait3A_98, %dma_wait3A_99] : memref<128x128xf32, #tpu.memory_space<vmem>> -> memref<120x128xf32, #tpu.memory_space<vmem>>
      %dma_wait3A_101 = arith.constant 0 : i32
      %dma_wait3A_102 = tpu.memref_slice %arg11[%add3A_87, %dma_wait3A_101] : memref<10112x128xf32, #tpu.memory_space<vmem_shared>> -> memref<120x128xf32, #tpu.memory_space<vmem_shared>>
      %dma_wait3A_103 = arith.constant 0 : i32
      %dma_wait3A_104 = arith.constant 0 : i32
      %dma_wait3A_105 = tpu.memref_slice %arg8[%dma_wait3A_103, %dma_wait3A_104] : memref<128x128xf32, #tpu.memory_space<vmem>> -> memref<120x128xf32, #tpu.memory_space<vmem>>
      %dma_wait3A_106 = arith.constant 0 : i32
      %dma_wait3A_107 = tpu.memref_slice %arg11[%add3A_87, %dma_wait3A_106] : memref<10112x128xf32, #tpu.memory_space<vmem_shared>> -> memref<120x128xf32, #tpu.memory_space<vmem_shared>>
      tpu.wait_dma2 semaphore(%run_scoped3A : memref<!tpu.dma_semaphore, #tpu.memory_space<semaphore_mem>>) src(%dma_wait3A_107 : memref<120x128xf32, #tpu.memory_space<vmem_shared>>) dst(%dma_wait3A_105 : memref<120x128xf32, #tpu.memory_space<vmem>>)
      tpu.yield
    }) : () -> ()
    "tpu.region"() ({
      %run_scoped3A = tpu.sem_alloc : memref<!tpu.dma_semaphore, #tpu.memory_space<semaphore_mem>>
      %dma_start3A_88 = arith.constant 0 : i32
      %dma_start3A_89 = arith.constant 0 : i32
      %dma_start3A_90 = tpu.memref_slice %arg8[%dma_start3A_88, %dma_start3A_89] : memref<128x128xf32, #tpu.memory_space<vmem>> -> memref<120x128xf32, #tpu.memory_space<vmem>>
      %dma_start3A_91 = arith.constant 0 : i32
      %dma_start3A_92 = tpu.memref_slice %arg4[%arg0, %add3A_87, %dma_start3A_91] : memref<2x10112x128xf32, #tpu.memory_space<hbm>> -> memref<1x120x128xf32, #tpu.memory_space<hbm>>
      %dma_start3A_93 = tpu.memref_squeeze %dma_start3A_92 : memref<1x120x128xf32, #tpu.memory_space<hbm>> -> memref<120x128xf32, #tpu.memory_space<hbm>>
      %dma_start3A_94 = arith.constant 0 : i32
      %dma_start3A_95 = tpu.memref_slice %arg4[%arg0, %add3A_87, %dma_start3A_94] : memref<2x10112x128xf32, #tpu.memory_space<hbm>> -> memref<1x120x128xf32, #tpu.memory_space<hbm>>
      %dma_start3A_96 = tpu.memref_squeeze %dma_start3A_95 : memref<1x120x128xf32, #tpu.memory_space<hbm>> -> memref<120x128xf32, #tpu.memory_space<hbm>>
      %dma_start3A_97 = arith.constant 0 : i32
      %dma_start3A_98 = arith.constant 0 : i32
      %dma_start3A_99 = tpu.memref_slice %arg8[%dma_start3A_97, %dma_start3A_98] : memref<128x128xf32, #tpu.memory_space<vmem>> -> memref<120x128xf32, #tpu.memory_space<vmem>>
      tpu.enqueue_dma source(%dma_start3A_99 : memref<120x128xf32, #tpu.memory_space<vmem>>) target(%dma_start3A_96 : memref<120x128xf32, #tpu.memory_space<hbm>>) target_semaphore(%run_scoped3A : memref<!tpu.dma_semaphore, #tpu.memory_space<semaphore_mem>>)
      %dma_wait3A_100 = arith.constant 0 : i32
      %dma_wait3A_101 = arith.constant 0 : i32
      %dma_wait3A_102 = tpu.memref_slice %arg8[%dma_wait3A_100, %dma_wait3A_101] : memref<128x128xf32, #tpu.memory_space<vmem>> -> memref<120x128xf32, #tpu.memory_space<vmem>>
      %dma_wait3A_103 = arith.constant 0 : i32
      %dma_wait3A_104 = tpu.memref_slice %arg4[%arg0, %add3A_87, %dma_wait3A_103] : memref<2x10112x128xf32, #tpu.memory_space<hbm>> -> memref<1x120x128xf32, #tpu.memory_space<hbm>>
      %dma_wait3A_105 = tpu.memref_squeeze %dma_wait3A_104 : memref<1x120x128xf32, #tpu.memory_space<hbm>> -> memref<120x128xf32, #tpu.memory_space<hbm>>
      %dma_wait3A_106 = arith.constant 0 : i32
      %dma_wait3A_107 = tpu.memref_slice %arg4[%arg0, %add3A_87, %dma_wait3A_106] : memref<2x10112x128xf32, #tpu.memory_space<hbm>> -> memref<1x120x128xf32, #tpu.memory_space<hbm>>
      %dma_wait3A_108 = tpu.memref_squeeze %dma_wait3A_107 : memref<1x120x128xf32, #tpu.memory_space<hbm>> -> memref<120x128xf32, #tpu.memory_space<hbm>>
      %dma_wait3A_109 = arith.constant 0 : i32
      %dma_wait3A_110 = arith.constant 0 : i32
      %dma_wait3A_111 = tpu.memref_slice %arg8[%dma_wait3A_109, %dma_wait3A_110] : memref<128x128xf32, #tpu.memory_space<vmem>> -> memref<120x128xf32, #tpu.memory_space<vmem>>
      tpu.wait_dma2 semaphore(%run_scoped3A : memref<!tpu.dma_semaphore, #tpu.memory_space<semaphore_mem>>) src(%dma_wait3A_111 : memref<120x128xf32, #tpu.memory_space<vmem>>) dst(%dma_wait3A_108 : memref<120x128xf32, #tpu.memory_space<hbm>>)
      tpu.yield
    }) : () -> ()
    return
  }
}

#map = affine_map<(d0, d1) -> (0, 0)>
#map1 = affine_map<(d0, d1) -> (0)>
#map2 = affine_map<(d0, d1) -> (0, 0, 0)>
module attributes {stable_mosaic.version = 14 : i64} {
  func.func @_scatter(%arg0: i32, %arg1: i32, %arg2: memref<160000x128xf32, #tpu.memory_space<hbm>>, %arg3: memref<640000xi32, #tpu.memory_space<hbm>>, %arg4: memref<2x10112x128xf32, #tpu.memory_space<hbm>>, %arg5: memref<128xi32, #tpu.memory_space<vmem>>, %arg6: memref<128xi32, #tpu.memory_space<vmem>>, %arg7: memref<128xi32, #tpu.memory_space<vmem>>, %arg8: memref<128x128xf32, #tpu.memory_space<vmem>>, %arg9: memref<128x128xf32, #tpu.memory_space<vmem>>, %arg10: memref<128x128xf32, #tpu.memory_space<vmem>>, %arg11: memref<10112x128xf32, #tpu.memory_space<vmem_shared>>, %arg12: memref<!tpu.dma_semaphore, #tpu.memory_space<semaphore_mem>>, %arg13: memref<!tpu.dma_semaphore, #tpu.memory_space<semaphore_mem>>, %arg14: memref<!tpu.dma_semaphore, #tpu.memory_space<semaphore_mem>>, %arg15: memref<!tpu.dma_semaphore, #tpu.memory_space<semaphore_mem>>, %arg16: memref<!tpu.dma_semaphore, #tpu.memory_space<semaphore_mem>>, %arg17: memref<!tpu.dma_semaphore, #tpu.memory_space<semaphore_mem>>, %arg18: memref<!tpu.dma_semaphore, #tpu.memory_space<semaphore_mem>>, %arg19: memref<!tpu.dma_semaphore, #tpu.memory_space<semaphore_mem>>, %arg20: memref<!tpu.dma_semaphore, #tpu.memory_space<semaphore_mem>>) attributes {dimension_semantics = [#tpu.dimension_semantics<core_parallel>, #tpu.dimension_semantics<subcore_parallel>], iteration_bounds = array<i64: 2, 16>, scalar_prefetch = 0 : i64, scratch_operands = 16 : i64, tpu.core_type = #tpu.core_type<sc_vector_subcore>, window_params = [{transform_indices = #map}, {transform_indices = #map1}, {transform_indices = #map2}]} {
    %mul3A = arith.constant 2 : i32
    %mul3A_0 = arith.muli %arg1, %mul3A : i32
    %add3A = arith.addi %mul3A_0, %arg0 : i32
    %scan3A = arith.constant 0 : i32
    %scan3A_1 = arith.constant 0 : i32
    %scan3A_2 = arith.constant 128 : i32
    %scan3A_3 = arith.addi %scan3A_1, %scan3A_2 : i32
    %scan3A_4 = arith.constant 1 : i32
    scf.for %scan3A_88 = %scan3A_1 to %scan3A_3 step %scan3A_4  : i32 {
      %broadcast_in_dim3A = arith.constant 0.000000e+00 : f32
      %broadcast_in_dim3A_89 = vector.broadcast %broadcast_in_dim3A : f32 to vector<16xf32>
      %swap3A = arith.index_cast %scan3A_88 : i32 to index
      %swap3A_90 = arith.constant 0 : index
      %swap3A_91 = tpu.vector_load %arg8[%swap3A, %swap3A_90] {strides = array<i32>} : memref<128x128xf32, #tpu.memory_space<vmem>>, vector<1x16xf32>,
      %swap3A_92 = vector.shape_cast %swap3A_91 : vector<1x16xf32> to vector<16xf32>
      %swap3A_93 = vector.shape_cast %broadcast_in_dim3A_89 : vector<16xf32> to vector<1x16xf32>
      tpu.vector_store %arg8[%swap3A, %swap3A_90], %swap3A_93 {strides = array<i32>} : memref<128x128xf32, #tpu.memory_space<vmem>>, vector<1x16xf32>,
      %broadcast_in_dim3A_94 = arith.constant 0.000000e+00 : f32
      %broadcast_in_dim3A_95 = vector.broadcast %broadcast_in_dim3A_94 : f32 to vector<16xf32>
      %swap3A_96 = arith.index_cast %scan3A_88 : i32 to index
      %swap3A_97 = arith.constant 16 : index
      %swap3A_98 = tpu.vector_load %arg8[%swap3A_96, %swap3A_97] {strides = array<i32>} : memref<128x128xf32, #tpu.memory_space<vmem>>, vector<1x16xf32>,
      %swap3A_99 = vector.shape_cast %swap3A_98 : vector<1x16xf32> to vector<16xf32>
      %swap3A_100 = vector.shape_cast %broadcast_in_dim3A_95 : vector<16xf32> to vector<1x16xf32>
      tpu.vector_store %arg8[%swap3A_96, %swap3A_97], %swap3A_100 {strides = array<i32>} : memref<128x128xf32, #tpu.memory_space<vmem>>, vector<1x16xf32>,
      %broadcast_in_dim3A_101 = arith.constant 0.000000e+00 : f32
      %broadcast_in_dim3A_102 = vector.broadcast %broadcast_in_dim3A_101 : f32 to vector<16xf32>
      %swap3A_103 = arith.index_cast %scan3A_88 : i32 to index
      %swap3A_104 = arith.constant 32 : index
      %swap3A_105 = tpu.vector_load %arg8[%swap3A_103, %swap3A_104] {strides = array<i32>} : memref<128x128xf32, #tpu.memory_space<vmem>>, vector<1x16xf32>,
      %swap3A_106 = vector.shape_cast %swap3A_105 : vector<1x16xf32> to vector<16xf32>
      %swap3A_107 = vector.shape_cast %broadcast_in_dim3A_102 : vector<16xf32> to vector<1x16xf32>
      tpu.vector_store %arg8[%swap3A_103, %swap3A_104], %swap3A_107 {strides = array<i32>} : memref<128x128xf32, #tpu.memory_space<vmem>>, vector<1x16xf32>,
      %broadcast_in_dim3A_108 = arith.constant 0.000000e+00 : f32
      %broadcast_in_dim3A_109 = vector.broadcast %broadcast_in_dim3A_108 : f32 to vector<16xf32>
      %swap3A_110 = arith.index_cast %scan3A_88 : i32 to index
      %swap3A_111 = arith.constant 48 : index
      %swap3A_112 = tpu.vector_load %arg8[%swap3A_110, %swap3A_111] {strides = array<i32>} : memref<128x128xf32, #tpu.memory_space<vmem>>, vector<1x16xf32>,
      %swap3A_113 = vector.shape_cast %swap3A_112 : vector<1x16xf32> to vector<16xf32>
      %swap3A_114 = vector.shape_cast %broadcast_in_dim3A_109 : vector<16xf32> to vector<1x16xf32>
      tpu.vector_store %arg8[%swap3A_110, %swap3A_111], %swap3A_114 {strides = array<i32>} : memref<128x128xf32, #tpu.memory_space<vmem>>, vector<1x16xf32>,
      %broadcast_in_dim3A_115 = arith.constant 0.000000e+00 : f32
      %broadcast_in_dim3A_116 = vector.broadcast %broadcast_in_dim3A_115 : f32 to vector<16xf32>
      %swap3A_117 = arith.index_cast %scan3A_88 : i32 to index
      %swap3A_118 = arith.constant 64 : index
      %swap3A_119 = tpu.vector_load %arg8[%swap3A_117, %swap3A_118] {strides = array<i32>} : memref<128x128xf32, #tpu.memory_space<vmem>>, vector<1x16xf32>,
      %swap3A_120 = vector.shape_cast %swap3A_119 : vector<1x16xf32> to vector<16xf32>
      %swap3A_121 = vector.shape_cast %broadcast_in_dim3A_116 : vector<16xf32> to vector<1x16xf32>
      tpu.vector_store %arg8[%swap3A_117, %swap3A_118], %swap3A_121 {strides = array<i32>} : memref<128x128xf32, #tpu.memory_space<vmem>>, vector<1x16xf32>,
      %broadcast_in_dim3A_122 = arith.constant 0.000000e+00 : f32
      %broadcast_in_dim3A_123 = vector.broadcast %broadcast_in_dim3A_122 : f32 to vector<16xf32>
      %swap3A_124 = arith.index_cast %scan3A_88 : i32 to index
      %swap3A_125 = arith.constant 80 : index
      %swap3A_126 = tpu.vector_load %arg8[%swap3A_124, %swap3A_125] {strides = array<i32>} : memref<128x128xf32, #tpu.memory_space<vmem>>, vector<1x16xf32>,
      %swap3A_127 = vector.shape_cast %swap3A_126 : vector<1x16xf32> to vector<16xf32>
      %swap3A_128 = vector.shape_cast %broadcast_in_dim3A_123 : vector<16xf32> to vector<1x16xf32>
      tpu.vector_store %arg8[%swap3A_124, %swap3A_125], %swap3A_128 {strides = array<i32>} : memref<128x128xf32, #tpu.memory_space<vmem>>, vector<1x16xf32>,
      %broadcast_in_dim3A_129 = arith.constant 0.000000e+00 : f32
      %broadcast_in_dim3A_130 = vector.broadcast %broadcast_in_dim3A_129 : f32 to vector<16xf32>
      %swap3A_131 = arith.index_cast %scan3A_88 : i32 to index
      %swap3A_132 = arith.constant 96 : index
      %swap3A_133 = tpu.vector_load %arg8[%swap3A_131, %swap3A_132] {strides = array<i32>} : memref<128x128xf32, #tpu.memory_space<vmem>>, vector<1x16xf32>,
      %swap3A_134 = vector.shape_cast %swap3A_133 : vector<1x16xf32> to vector<16xf32>
      %swap3A_135 = vector.shape_cast %broadcast_in_dim3A_130 : vector<16xf32> to vector<1x16xf32>
      tpu.vector_store %arg8[%swap3A_131, %swap3A_132], %swap3A_135 {strides = array<i32>} : memref<128x128xf32, #tpu.memory_space<vmem>>, vector<1x16xf32>,
      %broadcast_in_dim3A_136 = arith.constant 0.000000e+00 : f32
      %broadcast_in_dim3A_137 = vector.broadcast %broadcast_in_dim3A_136 : f32 to vector<16xf32>
      %swap3A_138 = arith.index_cast %scan3A_88 : i32 to index
      %swap3A_139 = arith.constant 112 : index
      %swap3A_140 = tpu.vector_load %arg8[%swap3A_138, %swap3A_139] {strides = array<i32>} : memref<128x128xf32, #tpu.memory_space<vmem>>, vector<1x16xf32>,
      %swap3A_141 = vector.shape_cast %swap3A_140 : vector<1x16xf32> to vector<16xf32>
      %swap3A_142 = vector.shape_cast %broadcast_in_dim3A_137 : vector<16xf32> to vector<1x16xf32>
      tpu.vector_store %arg8[%swap3A_138, %swap3A_139], %swap3A_142 {strides = array<i32>} : memref<128x128xf32, #tpu.memory_space<vmem>>, vector<1x16xf32>,
    }
    %scan3A_5 = arith.constant 128 : i32
    %mul3A_6 = arith.constant 632 : i32
    %mul3A_7 = arith.muli %arg1, %mul3A_6 : i32
    %add3A_8 = arith.constant 0 : i32
    %add3A_9 = arith.addi %mul3A_7, %add3A_8 : i32
    "tpu.region"() ({
      %run_scoped3A = tpu.sem_alloc : memref<!tpu.dma_semaphore, #tpu.memory_space<semaphore_mem>>
      %dma_start3A_88 = arith.constant 0 : i32
      %dma_start3A_89 = arith.constant 0 : i32
      %dma_start3A_90 = tpu.memref_slice %arg8[%dma_start3A_88, %dma_start3A_89] : memref<128x128xf32, #tpu.memory_space<vmem>> -> memref<128x128xf32, #tpu.memory_space<vmem>>
      %dma_start3A_91 = arith.constant 0 : i32
      %dma_start3A_92 = tpu.memref_slice %arg11[%add3A_9, %dma_start3A_91] : memref<10112x128xf32, #tpu.memory_space<vmem_shared>> -> memref<128x128xf32, #tpu.memory_space<vmem_shared>>
      %dma_start3A_93 = arith.constant 0 : i32
      %dma_start3A_94 = tpu.memref_slice %arg11[%add3A_9, %dma_start3A_93] : memref<10112x128xf32, #tpu.memory_space<vmem_shared>> -> memref<128x128xf32, #tpu.memory_space<vmem_shared>>
      %dma_start3A_95 = arith.constant 0 : i32
      %dma_start3A_96 = arith.constant 0 : i32
      %dma_start3A_97 = tpu.memref_slice %arg8[%dma_start3A_95, %dma_start3A_96] : memref<128x128xf32, #tpu.memory_space<vmem>> -> memref<128x128xf32, #tpu.memory_space<vmem>>
      tpu.enqueue_dma source(%dma_start3A_97 : memref<128x128xf32, #tpu.memory_space<vmem>>) target(%dma_start3A_94 : memref<128x128xf32, #tpu.memory_space<vmem_shared>>) target_semaphore(%run_scoped3A : memref<!tpu.dma_semaphore, #tpu.memory_space<semaphore_mem>>)
      %dma_wait3A_98 = arith.constant 0 : i32
      %dma_wait3A_99 = arith.constant 0 : i32
      %dma_wait3A_100 = tpu.memref_slice %arg8[%dma_wait3A_98, %dma_wait3A_99] : memref<128x128xf32, #tpu.memory_space<vmem>> -> memref<128x128xf32, #tpu.memory_space<vmem>>
      %dma_wait3A_101 = arith.constant 0 : i32
      %dma_wait3A_102 = tpu.memref_slice %arg11[%add3A_9, %dma_wait3A_101] : memref<10112x128xf32, #tpu.memory_space<vmem_shared>> -> memref<128x128xf32, #tpu.memory_space<vmem_shared>>
      %dma_wait3A_103 = arith.constant 0 : i32
      %dma_wait3A_104 = tpu.memref_slice %arg11[%add3A_9, %dma_wait3A_103] : memref<10112x128xf32, #tpu.memory_space<vmem_shared>> -> memref<128x128xf32, #tpu.memory_space<vmem_shared>>
      %dma_wait3A_105 = arith.constant 0 : i32
      %dma_wait3A_106 = arith.constant 0 : i32
      %dma_wait3A_107 = tpu.memref_slice %arg8[%dma_wait3A_105, %dma_wait3A_106] : memref<128x128xf32, #tpu.memory_space<vmem>> -> memref<128x128xf32, #tpu.memory_space<vmem>>
      tpu.wait_dma2 semaphore(%run_scoped3A : memref<!tpu.dma_semaphore, #tpu.memory_space<semaphore_mem>>) src(%dma_wait3A_107 : memref<128x128xf32, #tpu.memory_space<vmem>>) dst(%dma_wait3A_104 : memref<128x128xf32, #tpu.memory_space<vmem_shared>>)
      tpu.yield
    }) : () -> ()
    %mul3A_10 = arith.constant 632 : i32
    %mul3A_11 = arith.muli %arg1, %mul3A_10 : i32
    %add3A_12 = arith.constant 128 : i32
    %add3A_13 = arith.addi %mul3A_11, %add3A_12 : i32
    "tpu.region"() ({
      %run_scoped3A = tpu.sem_alloc : memref<!tpu.dma_semaphore, #tpu.memory_space<semaphore_mem>>
      %dma_start3A_88 = arith.constant 0 : i32
      %dma_start3A_89 = arith.constant 0 : i32
      %dma_start3A_90 = tpu.memref_slice %arg8[%dma_start3A_88, %dma_start3A_89] : memref<128x128xf32, #tpu.memory_space<vmem>> -> memref<128x128xf32, #tpu.memory_space<vmem>>
      %dma_start3A_91 = arith.constant 0 : i32
      %dma_start3A_92 = tpu.memref_slice %arg11[%add3A_13, %dma_start3A_91] : memref<10112x128xf32, #tpu.memory_space<vmem_shared>> -> memref<128x128xf32, #tpu.memory_space<vmem_shared>>
      %dma_start3A_93 = arith.constant 0 : i32
      %dma_start3A_94 = tpu.memref_slice %arg11[%add3A_13, %dma_start3A_93] : memref<10112x128xf32, #tpu.memory_space<vmem_shared>> -> memref<128x128xf32, #tpu.memory_space<vmem_shared>>
      %dma_start3A_95 = arith.constant 0 : i32
      %dma_start3A_96 = arith.constant 0 : i32
      %dma_start3A_97 = tpu.memref_slice %arg8[%dma_start3A_95, %dma_start3A_96] : memref<128x128xf32, #tpu.memory_space<vmem>> -> memref<128x128xf32, #tpu.memory_space<vmem>>
      tpu.enqueue_dma source(%dma_start3A_97 : memref<128x128xf32, #tpu.memory_space<vmem>>) target(%dma_start3A_94 : memref<128x128xf32, #tpu.memory_space<vmem_shared>>) target_semaphore(%run_scoped3A : memref<!tpu.dma_semaphore, #tpu.memory_space<semaphore_mem>>)
      %dma_wait3A_98 = arith.constant 0 : i32
      %dma_wait3A_99 = arith.constant 0 : i32
      %dma_wait3A_100 = tpu.memref_slice %arg8[%dma_wait3A_98, %dma_wait3A_99] : memref<128x128xf32, #tpu.memory_space<vmem>> -> memref<128x128xf32, #tpu.memory_space<vmem>>
      %dma_wait3A_101 = arith.constant 0 : i32
      %dma_wait3A_102 = tpu.memref_slice %arg11[%add3A_13, %dma_wait3A_101] : memref<10112x128xf32, #tpu.memory_space<vmem_shared>> -> memref<128x128xf32, #tpu.memory_space<vmem_shared>>
      %dma_wait3A_103 = arith.constant 0 : i32
      %dma_wait3A_104 = tpu.memref_slice %arg11[%add3A_13, %dma_wait3A_103] : memref<10112x128xf32, #tpu.memory_space<vmem_shared>> -> memref<128x128xf32, #tpu.memory_space<vmem_shared>>
      %dma_wait3A_105 = arith.constant 0 : i32
      %dma_wait3A_106 = arith.constant 0 : i32
      %dma_wait3A_107 = tpu.memref_slice %arg8[%dma_wait3A_105, %dma_wait3A_106] : memref<128x128xf32, #tpu.memory_space<vmem>> -> memref<128x128xf32, #tpu.memory_space<vmem>>
      tpu.wait_dma2 semaphore(%run_scoped3A : memref<!tpu.dma_semaphore, #tpu.memory_space<semaphore_mem>>) src(%dma_wait3A_107 : memref<128x128xf32, #tpu.memory_space<vmem>>) dst(%dma_wait3A_104 : memref<128x128xf32, #tpu.memory_space<vmem_shared>>)
      tpu.yield
    }) : () -> ()
    %mul3A_14 = arith.constant 632 : i32
    %mul3A_15 = arith.muli %arg1, %mul3A_14 : i32
    %add3A_16 = arith.constant 256 : i32
    %add3A_17 = arith.addi %mul3A_15, %add3A_16 : i32
    "tpu.region"() ({
      %run_scoped3A = tpu.sem_alloc : memref<!tpu.dma_semaphore, #tpu.memory_space<semaphore_mem>>
      %dma_start3A_88 = arith.constant 0 : i32
      %dma_start3A_89 = arith.constant 0 : i32
      %dma_start3A_90 = tpu.memref_slice %arg8[%dma_start3A_88, %dma_start3A_89] : memref<128x128xf32, #tpu.memory_space<vmem>> -> memref<128x128xf32, #tpu.memory_space<vmem>>
      %dma_start3A_91 = arith.constant 0 : i32
      %dma_start3A_92 = tpu.memref_slice %arg11[%add3A_17, %dma_start3A_91] : memref<10112x128xf32, #tpu.memory_space<vmem_shared>> -> memref<128x128xf32, #tpu.memory_space<vmem_shared>>
      %dma_start3A_93 = arith.constant 0 : i32
      %dma_start3A_94 = tpu.memref_slice %arg11[%add3A_17, %dma_start3A_93] : memref<10112x128xf32, #tpu.memory_space<vmem_shared>> -> memref<128x128xf32, #tpu.memory_space<vmem_shared>>
      %dma_start3A_95 = arith.constant 0 : i32
      %dma_start3A_96 = arith.constant 0 : i32
      %dma_start3A_97 = tpu.memref_slice %arg8[%dma_start3A_95, %dma_start3A_96] : memref<128x128xf32, #tpu.memory_space<vmem>> -> memref<128x128xf32, #tpu.memory_space<vmem>>
      tpu.enqueue_dma source(%dma_start3A_97 : memref<128x128xf32, #tpu.memory_space<vmem>>) target(%dma_start3A_94 : memref<128x128xf32, #tpu.memory_space<vmem_shared>>) target_semaphore(%run_scoped3A : memref<!tpu.dma_semaphore, #tpu.memory_space<semaphore_mem>>)
      %dma_wait3A_98 = arith.constant 0 : i32
      %dma_wait3A_99 = arith.constant 0 : i32
      %dma_wait3A_100 = tpu.memref_slice %arg8[%dma_wait3A_98, %dma_wait3A_99] : memref<128x128xf32, #tpu.memory_space<vmem>> -> memref<128x128xf32, #tpu.memory_space<vmem>>
      %dma_wait3A_101 = arith.constant 0 : i32
      %dma_wait3A_102 = tpu.memref_slice %arg11[%add3A_17, %dma_wait3A_101] : memref<10112x128xf32, #tpu.memory_space<vmem_shared>> -> memref<128x128xf32, #tpu.memory_space<vmem_shared>>
      %dma_wait3A_103 = arith.constant 0 : i32
      %dma_wait3A_104 = tpu.memref_slice %arg11[%add3A_17, %dma_wait3A_103] : memref<10112x128xf32, #tpu.memory_space<vmem_shared>> -> memref<128x128xf32, #tpu.memory_space<vmem_shared>>
      %dma_wait3A_105 = arith.constant 0 : i32
      %dma_wait3A_106 = arith.constant 0 : i32
      %dma_wait3A_107 = tpu.memref_slice %arg8[%dma_wait3A_105, %dma_wait3A_106] : memref<128x128xf32, #tpu.memory_space<vmem>> -> memref<128x128xf32, #tpu.memory_space<vmem>>
      tpu.wait_dma2 semaphore(%run_scoped3A : memref<!tpu.dma_semaphore, #tpu.memory_space<semaphore_mem>>) src(%dma_wait3A_107 : memref<128x128xf32, #tpu.memory_space<vmem>>) dst(%dma_wait3A_104 : memref<128x128xf32, #tpu.memory_space<vmem_shared>>)
      tpu.yield
    }) : () -> ()
    %mul3A_18 = arith.constant 632 : i32
    %mul3A_19 = arith.muli %arg1, %mul3A_18 : i32
    %add3A_20 = arith.constant 384 : i32
    %add3A_21 = arith.addi %mul3A_19, %add3A_20 : i32
    "tpu.region"() ({
      %run_scoped3A = tpu.sem_alloc : memref<!tpu.dma_semaphore, #tpu.memory_space<semaphore_mem>>
      %dma_start3A_88 = arith.constant 0 : i32
      %dma_start3A_89 = arith.constant 0 : i32
      %dma_start3A_90 = tpu.memref_slice %arg8[%dma_start3A_88, %dma_start3A_89] : memref<128x128xf32, #tpu.memory_space<vmem>> -> memref<128x128xf32, #tpu.memory_space<vmem>>
      %dma_start3A_91 = arith.constant 0 : i32
      %dma_start3A_92 = tpu.memref_slice %arg11[%add3A_21, %dma_start3A_91] : memref<10112x128xf32, #tpu.memory_space<vmem_shared>> -> memref<128x128xf32, #tpu.memory_space<vmem_shared>>
      %dma_start3A_93 = arith.constant 0 : i32
      %dma_start3A_94 = tpu.memref_slice %arg11[%add3A_21, %dma_start3A_93] : memref<10112x128xf32, #tpu.memory_space<vmem_shared>> -> memref<128x128xf32, #tpu.memory_space<vmem_shared>>
      %dma_start3A_95 = arith.constant 0 : i32
      %dma_start3A_96 = arith.constant 0 : i32
      %dma_start3A_97 = tpu.memref_slice %arg8[%dma_start3A_95, %dma_start3A_96] : memref<128x128xf32, #tpu.memory_space<vmem>> -> memref<128x128xf32, #tpu.memory_space<vmem>>
      tpu.enqueue_dma source(%dma_start3A_97 : memref<128x128xf32, #tpu.memory_space<vmem>>) target(%dma_start3A_94 : memref<128x128xf32, #tpu.memory_space<vmem_shared>>) target_semaphore(%run_scoped3A : memref<!tpu.dma_semaphore, #tpu.memory_space<semaphore_mem>>)
      %dma_wait3A_98 = arith.constant 0 : i32
      %dma_wait3A_99 = arith.constant 0 : i32
      %dma_wait3A_100 = tpu.memref_slice %arg8[%dma_wait3A_98, %dma_wait3A_99] : memref<128x128xf32, #tpu.memory_space<vmem>> -> memref<128x128xf32, #tpu.memory_space<vmem>>
      %dma_wait3A_101 = arith.constant 0 : i32
      %dma_wait3A_102 = tpu.memref_slice %arg11[%add3A_21, %dma_wait3A_101] : memref<10112x128xf32, #tpu.memory_space<vmem_shared>> -> memref<128x128xf32, #tpu.memory_space<vmem_shared>>
      %dma_wait3A_103 = arith.constant 0 : i32
      %dma_wait3A_104 = tpu.memref_slice %arg11[%add3A_21, %dma_wait3A_103] : memref<10112x128xf32, #tpu.memory_space<vmem_shared>> -> memref<128x128xf32, #tpu.memory_space<vmem_shared>>
      %dma_wait3A_105 = arith.constant 0 : i32
      %dma_wait3A_106 = arith.constant 0 : i32
      %dma_wait3A_107 = tpu.memref_slice %arg8[%dma_wait3A_105, %dma_wait3A_106] : memref<128x128xf32, #tpu.memory_space<vmem>> -> memref<128x128xf32, #tpu.memory_space<vmem>>
      tpu.wait_dma2 semaphore(%run_scoped3A : memref<!tpu.dma_semaphore, #tpu.memory_space<semaphore_mem>>) src(%dma_wait3A_107 : memref<128x128xf32, #tpu.memory_space<vmem>>) dst(%dma_wait3A_104 : memref<128x128xf32, #tpu.memory_space<vmem_shared>>)
      tpu.yield
    }) : () -> ()
    %mul3A_22 = arith.constant 632 : i32
    %mul3A_23 = arith.muli %arg1, %mul3A_22 : i32
    %add3A_24 = arith.constant 512 : i32
    %add3A_25 = arith.addi %mul3A_23, %add3A_24 : i32
    "tpu.region"() ({
      %run_scoped3A = tpu.sem_alloc : memref<!tpu.dma_semaphore, #tpu.memory_space<semaphore_mem>>
      %dma_start3A_88 = arith.constant 0 : i32
      %dma_start3A_89 = arith.constant 0 : i32
      %dma_start3A_90 = tpu.memref_slice %arg8[%dma_start3A_88, %dma_start3A_89] : memref<128x128xf32, #tpu.memory_space<vmem>> -> memref<120x128xf32, #tpu.memory_space<vmem>>
      %dma_start3A_91 = arith.constant 0 : i32
      %dma_start3A_92 = tpu.memref_slice %arg11[%add3A_25, %dma_start3A_91] : memref<10112x128xf32, #tpu.memory_space<vmem_shared>> -> memref<120x128xf32, #tpu.memory_space<vmem_shared>>
      %dma_start3A_93 = arith.constant 0 : i32
      %dma_start3A_94 = tpu.memref_slice %arg11[%add3A_25, %dma_start3A_93] : memref<10112x128xf32, #tpu.memory_space<vmem_shared>> -> memref<120x128xf32, #tpu.memory_space<vmem_shared>>
      %dma_start3A_95 = arith.constant 0 : i32
      %dma_start3A_96 = arith.constant 0 : i32
      %dma_start3A_97 = tpu.memref_slice %arg8[%dma_start3A_95, %dma_start3A_96] : memref<128x128xf32, #tpu.memory_space<vmem>> -> memref<120x128xf32, #tpu.memory_space<vmem>>
      tpu.enqueue_dma source(%dma_start3A_97 : memref<120x128xf32, #tpu.memory_space<vmem>>) target(%dma_start3A_94 : memref<120x128xf32, #tpu.memory_space<vmem_shared>>) target_semaphore(%run_scoped3A : memref<!tpu.dma_semaphore, #tpu.memory_space<semaphore_mem>>)
      %dma_wait3A_98 = arith.constant 0 : i32
      %dma_wait3A_99 = arith.constant 0 : i32
      %dma_wait3A_100 = tpu.memref_slice %arg8[%dma_wait3A_98, %dma_wait3A_99] : memref<128x128xf32, #tpu.memory_space<vmem>> -> memref<120x128xf32, #tpu.memory_space<vmem>>
      %dma_wait3A_101 = arith.constant 0 : i32
      %dma_wait3A_102 = tpu.memref_slice %arg11[%add3A_25, %dma_wait3A_101] : memref<10112x128xf32, #tpu.memory_space<vmem_shared>> -> memref<120x128xf32, #tpu.memory_space<vmem_shared>>
      %dma_wait3A_103 = arith.constant 0 : i32
      %dma_wait3A_104 = tpu.memref_slice %arg11[%add3A_25, %dma_wait3A_103] : memref<10112x128xf32, #tpu.memory_space<vmem_shared>> -> memref<120x128xf32, #tpu.memory_space<vmem_shared>>
      %dma_wait3A_105 = arith.constant 0 : i32
      %dma_wait3A_106 = arith.constant 0 : i32
      %dma_wait3A_107 = tpu.memref_slice %arg8[%dma_wait3A_105, %dma_wait3A_106] : memref<128x128xf32, #tpu.memory_space<vmem>> -> memref<120x128xf32, #tpu.memory_space<vmem>>
      tpu.wait_dma2 semaphore(%run_scoped3A : memref<!tpu.dma_semaphore, #tpu.memory_space<semaphore_mem>>) src(%dma_wait3A_107 : memref<120x128xf32, #tpu.memory_space<vmem>>) dst(%dma_wait3A_104 : memref<120x128xf32, #tpu.memory_space<vmem_shared>>)
      tpu.yield
    }) : () -> ()
    %barrier3A = arith.constant 0 : index
    tpu.barrier barrier_id(%barrier3A)
    %mul3A_26 = arith.constant 128 : i32
    %mul3A_27 = arith.muli %add3A, %mul3A_26 : i32
    %add3A_28 = arith.constant 480000 : i32
    %add3A_29 = arith.addi %add3A_28, %mul3A_27 : i32
    %dma_start3A = tpu.memref_slice %arg3[%add3A_29] : memref<640000xi32, #tpu.memory_space<hbm>> -> memref<128xi32, #tpu.memory_space<hbm>>
    %dma_start3A_30 = tpu.memref_slice %arg3[%add3A_29] : memref<640000xi32, #tpu.memory_space<hbm>> -> memref<128xi32, #tpu.memory_space<hbm>>
    tpu.enqueue_dma source(%dma_start3A_30 : memref<128xi32, #tpu.memory_space<hbm>>) target(%arg5 : memref<128xi32, #tpu.memory_space<vmem>>) target_semaphore(%arg12 : memref<!tpu.dma_semaphore, #tpu.memory_space<semaphore_mem>>)
    %mul3A_31 = arith.constant 128 : i32
    %mul3A_32 = arith.muli %add3A, %mul3A_31 : i32
    %dma_start3A_33 = arith.constant 0 : i32
    %dma_start3A_34 = tpu.memref_slice %arg2[%mul3A_32, %dma_start3A_33] : memref<160000x128xf32, #tpu.memory_space<hbm>> -> memref<128x128xf32, #tpu.memory_space<hbm>>
    %dma_start3A_35 = arith.constant 0 : i32
    %dma_start3A_36 = tpu.memref_slice %arg2[%mul3A_32, %dma_start3A_35] : memref<160000x128xf32, #tpu.memory_space<hbm>> -> memref<128x128xf32, #tpu.memory_space<hbm>>
    tpu.enqueue_dma source(%dma_start3A_36 : memref<128x128xf32, #tpu.memory_space<hbm>>) target(%arg8 : memref<128x128xf32, #tpu.memory_space<vmem>>) target_semaphore(%arg15 : memref<!tpu.dma_semaphore, #tpu.memory_space<semaphore_mem>>)
    %add3A_37 = arith.constant 32 : i32
    %add3A_38 = arith.addi %add3A, %add3A_37 : i32
    %mul3A_39 = arith.constant 128 : i32
    %mul3A_40 = arith.muli %add3A_38, %mul3A_39 : i32
    %add3A_41 = arith.constant 480000 : i32
    %add3A_42 = arith.addi %add3A_41, %mul3A_40 : i32
    %dma_start3A_43 = tpu.memref_slice %arg3[%add3A_42] : memref<640000xi32, #tpu.memory_space<hbm>> -> memref<128xi32, #tpu.memory_space<hbm>>
    %dma_start3A_44 = tpu.memref_slice %arg3[%add3A_42] : memref<640000xi32, #tpu.memory_space<hbm>> -> memref<128xi32, #tpu.memory_space<hbm>>
    tpu.enqueue_dma source(%dma_start3A_44 : memref<128xi32, #tpu.memory_space<hbm>>) target(%arg6 : memref<128xi32, #tpu.memory_space<vmem>>) target_semaphore(%arg13 : memref<!tpu.dma_semaphore, #tpu.memory_space<semaphore_mem>>)
    %mul3A_45 = arith.constant 128 : i32
    %mul3A_46 = arith.muli %add3A_38, %mul3A_45 : i32
    %dma_start3A_47 = arith.constant 0 : i32
    %dma_start3A_48 = tpu.memref_slice %arg2[%mul3A_46, %dma_start3A_47] : memref<160000x128xf32, #tpu.memory_space<hbm>> -> memref<128x128xf32, #tpu.memory_space<hbm>>
    %dma_start3A_49 = arith.constant 0 : i32
    %dma_start3A_50 = tpu.memref_slice %arg2[%mul3A_46, %dma_start3A_49] : memref<160000x128xf32, #tpu.memory_space<hbm>> -> memref<128x128xf32, #tpu.memory_space<hbm>>
    tpu.enqueue_dma source(%dma_start3A_50 : memref<128x128xf32, #tpu.memory_space<hbm>>) target(%arg9 : memref<128x128xf32, #tpu.memory_space<vmem>>) target_semaphore(%arg16 : memref<!tpu.dma_semaphore, #tpu.memory_space<semaphore_mem>>)
    %scan3A_51 = arith.constant 0 : i32
    %scan3A_52 = arith.constant 0 : i32
    %scan3A_53 = arith.constant 13 : i32
    %scan3A_54 = arith.addi %scan3A_52, %scan3A_53 : i32
    %scan3A_55 = arith.constant 1 : i32
    scf.for %scan3A_88 = %scan3A_52 to %scan3A_54 step %scan3A_55  : i32 {
      %mul3A_89 = arith.constant 3 : i32
      %mul3A_90 = arith.muli %mul3A_89, %scan3A_88 : i32
      %add3A_91 = arith.constant 0 : i32
      %add3A_92 = arith.addi %mul3A_90, %add3A_91 : i32
      %mul3A_93 = arith.constant 32 : i32
      %mul3A_94 = arith.muli %add3A_92, %mul3A_93 : i32
      %add3A_95 = arith.addi %add3A, %mul3A_94 : i32
      %add3A_96 = arith.constant 2 : i32
      %add3A_97 = arith.addi %add3A_92, %add3A_96 : i32
      %lt3A_98 = arith.constant 39 : i32
      %lt3A_99 = arith.cmpi slt, %add3A_97, %lt3A_98 : i32
      %convert_element_type3A_100 = arith.extui %lt3A_99 : i1 to i32
      %cond3A_101 = arith.constant 0 : i32
      %cond3A_102 = arith.cmpi ne, %convert_element_type3A_100, %cond3A_101 : i32
      scf.if %cond3A_102 {
        %ge3A = arith.constant 1 : i32
        %ge3A_170 = arith.cmpi sge, %add3A_92, %ge3A : i32
        %convert_element_type3A_171 = arith.extui %ge3A_170 : i1 to i32
        %cond3A_172 = arith.constant 0 : i32
        %cond3A_173 = arith.cmpi ne, %convert_element_type3A_171, %cond3A_172 : i32
        scf.if %cond3A_173 {
          %dma_wait3A_188 = arith.constant 0 : i32
          %dma_wait3A_189 = arith.constant 0 : i32
          %dma_wait3A_190 = tpu.memref_slice %arg11[%dma_wait3A_188, %dma_wait3A_189] : memref<10112x128xf32, #tpu.memory_space<vmem_shared>> -> memref<10112x128xf32, #tpu.memory_space<vmem_shared>>
          tpu.wait_indirect_dma semaphore(%arg20 : memref<!tpu.dma_semaphore, #tpu.memory_space<semaphore_mem>>) src(%arg10 : memref<128x128xf32, #tpu.memory_space<vmem>>) dst(%dma_wait3A_190 : memref<10112x128xf32, #tpu.memory_space<vmem_shared>>)
        } else {
        }
        %add3A_174 = arith.constant 64 : i32
        %add3A_175 = arith.addi %add3A_95, %add3A_174 : i32
        %mul3A_176 = arith.constant 128 : i32
        %mul3A_177 = arith.muli %add3A_175, %mul3A_176 : i32
        %add3A_178 = arith.constant 480000 : i32
        %add3A_179 = arith.addi %add3A_178, %mul3A_177 : i32
        %dma_start3A_180 = tpu.memref_slice %arg3[%add3A_179] : memref<640000xi32, #tpu.memory_space<hbm>> -> memref<128xi32, #tpu.memory_space<hbm>>
        %dma_start3A_181 = tpu.memref_slice %arg3[%add3A_179] : memref<640000xi32, #tpu.memory_space<hbm>> -> memref<128xi32, #tpu.memory_space<hbm>>
        tpu.enqueue_dma source(%dma_start3A_181 : memref<128xi32, #tpu.memory_space<hbm>>) target(%arg7 : memref<128xi32, #tpu.memory_space<vmem>>) target_semaphore(%arg14 : memref<!tpu.dma_semaphore, #tpu.memory_space<semaphore_mem>>)
        %mul3A_182 = arith.constant 128 : i32
        %mul3A_183 = arith.muli %add3A_175, %mul3A_182 : i32
        %dma_start3A_184 = arith.constant 0 : i32
        %dma_start3A_185 = tpu.memref_slice %arg2[%mul3A_183, %dma_start3A_184] : memref<160000x128xf32, #tpu.memory_space<hbm>> -> memref<128x128xf32, #tpu.memory_space<hbm>>
        %dma_start3A_186 = arith.constant 0 : i32
        %dma_start3A_187 = tpu.memref_slice %arg2[%mul3A_183, %dma_start3A_186] : memref<160000x128xf32, #tpu.memory_space<hbm>> -> memref<128x128xf32, #tpu.memory_space<hbm>>
        tpu.enqueue_dma source(%dma_start3A_187 : memref<128x128xf32, #tpu.memory_space<hbm>>) target(%arg10 : memref<128x128xf32, #tpu.memory_space<vmem>>) target_semaphore(%arg17 : memref<!tpu.dma_semaphore, #tpu.memory_space<semaphore_mem>>)
      } else {
      }
      %dma_wait3A_103 = arith.constant 0 : i32
      %dma_wait3A_104 = tpu.memref_slice %arg3[%dma_wait3A_103] : memref<640000xi32, #tpu.memory_space<hbm>> -> memref<128xi32, #tpu.memory_space<hbm>>
      %dma_wait3A_105 = arith.constant 0 : i32
      %dma_wait3A_106 = tpu.memref_slice %arg3[%dma_wait3A_105] : memref<640000xi32, #tpu.memory_space<hbm>> -> memref<128xi32, #tpu.memory_space<hbm>>
      tpu.wait_dma2 semaphore(%arg12 : memref<!tpu.dma_semaphore, #tpu.memory_space<semaphore_mem>>) src(%dma_wait3A_106 : memref<128xi32, #tpu.memory_space<hbm>>) dst(%arg5 : memref<128xi32, #tpu.memory_space<vmem>>)
      %dma_wait3A_107 = arith.constant 0 : i32
      %dma_wait3A_108 = arith.constant 0 : i32
      %dma_wait3A_109 = tpu.memref_slice %arg2[%dma_wait3A_107, %dma_wait3A_108] : memref<160000x128xf32, #tpu.memory_space<hbm>> -> memref<128x128xf32, #tpu.memory_space<hbm>>
      %dma_wait3A_110 = arith.constant 0 : i32
      %dma_wait3A_111 = arith.constant 0 : i32
      %dma_wait3A_112 = tpu.memref_slice %arg2[%dma_wait3A_110, %dma_wait3A_111] : memref<160000x128xf32, #tpu.memory_space<hbm>> -> memref<128x128xf32, #tpu.memory_space<hbm>>
      tpu.wait_dma2 semaphore(%arg15 : memref<!tpu.dma_semaphore, #tpu.memory_space<semaphore_mem>>) src(%dma_wait3A_112 : memref<128x128xf32, #tpu.memory_space<hbm>>) dst(%arg8 : memref<128x128xf32, #tpu.memory_space<vmem>>)
      %dma_start3A_113 = arith.constant 0 : i32
      %dma_start3A_114 = arith.constant 0 : i32
      %dma_start3A_115 = tpu.memref_slice %arg11[%dma_start3A_113, %dma_start3A_114] : memref<10112x128xf32, #tpu.memory_space<vmem_shared>> -> memref<10112x128xf32, #tpu.memory_space<vmem_shared>>
      tpu.enqueue_indirect_dma source(%arg8 : memref<128x128xf32, #tpu.memory_space<vmem>>) target(%dma_start3A_115 : memref<10112x128xf32, #tpu.memory_space<vmem_shared>>) offsets(%arg5 : memref<128xi32, #tpu.memory_space<vmem>>) semaphore(%arg18 : memref<!tpu.dma_semaphore, #tpu.memory_space<semaphore_mem>>) {add = true}
      %mul3A_116 = arith.constant 3 : i32
      %mul3A_117 = arith.muli %mul3A_116, %scan3A_88 : i32
      %add3A_118 = arith.constant 1 : i32
      %add3A_119 = arith.addi %mul3A_117, %add3A_118 : i32
      %mul3A_120 = arith.constant 32 : i32
      %mul3A_121 = arith.muli %add3A_119, %mul3A_120 : i32
      %add3A_122 = arith.addi %add3A, %mul3A_121 : i32
      %add3A_123 = arith.constant 2 : i32
      %add3A_124 = arith.addi %add3A_119, %add3A_123 : i32
      %lt3A_125 = arith.constant 39 : i32
      %lt3A_126 = arith.cmpi slt, %add3A_124, %lt3A_125 : i32
      %convert_element_type3A_127 = arith.extui %lt3A_126 : i1 to i32
      %cond3A_128 = arith.constant 0 : i32
      %cond3A_129 = arith.cmpi ne, %convert_element_type3A_127, %cond3A_128 : i32
      scf.if %cond3A_129 {
        %ge3A = arith.constant 1 : i32
        %ge3A_170 = arith.cmpi sge, %add3A_119, %ge3A : i32
        %convert_element_type3A_171 = arith.extui %ge3A_170 : i1 to i32
        %cond3A_172 = arith.constant 0 : i32
        %cond3A_173 = arith.cmpi ne, %convert_element_type3A_171, %cond3A_172 : i32
        scf.if %cond3A_173 {
          %dma_wait3A_188 = arith.constant 0 : i32
          %dma_wait3A_189 = arith.constant 0 : i32
          %dma_wait3A_190 = tpu.memref_slice %arg11[%dma_wait3A_188, %dma_wait3A_189] : memref<10112x128xf32, #tpu.memory_space<vmem_shared>> -> memref<10112x128xf32, #tpu.memory_space<vmem_shared>>
          tpu.wait_indirect_dma semaphore(%arg18 : memref<!tpu.dma_semaphore, #tpu.memory_space<semaphore_mem>>) src(%arg8 : memref<128x128xf32, #tpu.memory_space<vmem>>) dst(%dma_wait3A_190 : memref<10112x128xf32, #tpu.memory_space<vmem_shared>>)
        } else {
        }
        %add3A_174 = arith.constant 64 : i32
        %add3A_175 = arith.addi %add3A_122, %add3A_174 : i32
        %mul3A_176 = arith.constant 128 : i32
        %mul3A_177 = arith.muli %add3A_175, %mul3A_176 : i32
        %add3A_178 = arith.constant 480000 : i32
        %add3A_179 = arith.addi %add3A_178, %mul3A_177 : i32
        %dma_start3A_180 = tpu.memref_slice %arg3[%add3A_179] : memref<640000xi32, #tpu.memory_space<hbm>> -> memref<128xi32, #tpu.memory_space<hbm>>
        %dma_start3A_181 = tpu.memref_slice %arg3[%add3A_179] : memref<640000xi32, #tpu.memory_space<hbm>> -> memref<128xi32, #tpu.memory_space<hbm>>
        tpu.enqueue_dma source(%dma_start3A_181 : memref<128xi32, #tpu.memory_space<hbm>>) target(%arg5 : memref<128xi32, #tpu.memory_space<vmem>>) target_semaphore(%arg12 : memref<!tpu.dma_semaphore, #tpu.memory_space<semaphore_mem>>)
        %mul3A_182 = arith.constant 128 : i32
        %mul3A_183 = arith.muli %add3A_175, %mul3A_182 : i32
        %dma_start3A_184 = arith.constant 0 : i32
        %dma_start3A_185 = tpu.memref_slice %arg2[%mul3A_183, %dma_start3A_184] : memref<160000x128xf32, #tpu.memory_space<hbm>> -> memref<128x128xf32, #tpu.memory_space<hbm>>
        %dma_start3A_186 = arith.constant 0 : i32
        %dma_start3A_187 = tpu.memref_slice %arg2[%mul3A_183, %dma_start3A_186] : memref<160000x128xf32, #tpu.memory_space<hbm>> -> memref<128x128xf32, #tpu.memory_space<hbm>>
        tpu.enqueue_dma source(%dma_start3A_187 : memref<128x128xf32, #tpu.memory_space<hbm>>) target(%arg8 : memref<128x128xf32, #tpu.memory_space<vmem>>) target_semaphore(%arg15 : memref<!tpu.dma_semaphore, #tpu.memory_space<semaphore_mem>>)
      } else {
      }
      %dma_wait3A_130 = arith.constant 0 : i32
      %dma_wait3A_131 = tpu.memref_slice %arg3[%dma_wait3A_130] : memref<640000xi32, #tpu.memory_space<hbm>> -> memref<128xi32, #tpu.memory_space<hbm>>
      %dma_wait3A_132 = arith.constant 0 : i32
      %dma_wait3A_133 = tpu.memref_slice %arg3[%dma_wait3A_132] : memref<640000xi32, #tpu.memory_space<hbm>> -> memref<128xi32, #tpu.memory_space<hbm>>
      tpu.wait_dma2 semaphore(%arg13 : memref<!tpu.dma_semaphore, #tpu.memory_space<semaphore_mem>>) src(%dma_wait3A_133 : memref<128xi32, #tpu.memory_space<hbm>>) dst(%arg6 : memref<128xi32, #tpu.memory_space<vmem>>)
      %dma_wait3A_134 = arith.constant 0 : i32
      %dma_wait3A_135 = arith.constant 0 : i32
      %dma_wait3A_136 = tpu.memref_slice %arg2[%dma_wait3A_134, %dma_wait3A_135] : memref<160000x128xf32, #tpu.memory_space<hbm>> -> memref<128x128xf32, #tpu.memory_space<hbm>>
      %dma_wait3A_137 = arith.constant 0 : i32
      %dma_wait3A_138 = arith.constant 0 : i32
      %dma_wait3A_139 = tpu.memref_slice %arg2[%dma_wait3A_137, %dma_wait3A_138] : memref<160000x128xf32, #tpu.memory_space<hbm>> -> memref<128x128xf32, #tpu.memory_space<hbm>>
      tpu.wait_dma2 semaphore(%arg16 : memref<!tpu.dma_semaphore, #tpu.memory_space<semaphore_mem>>) src(%dma_wait3A_139 : memref<128x128xf32, #tpu.memory_space<hbm>>) dst(%arg9 : memref<128x128xf32, #tpu.memory_space<vmem>>)
      %dma_start3A_140 = arith.constant 0 : i32
      %dma_start3A_141 = arith.constant 0 : i32
      %dma_start3A_142 = tpu.memref_slice %arg11[%dma_start3A_140, %dma_start3A_141] : memref<10112x128xf32, #tpu.memory_space<vmem_shared>> -> memref<10112x128xf32, #tpu.memory_space<vmem_shared>>
      tpu.enqueue_indirect_dma source(%arg9 : memref<128x128xf32, #tpu.memory_space<vmem>>) target(%dma_start3A_142 : memref<10112x128xf32, #tpu.memory_space<vmem_shared>>) offsets(%arg6 : memref<128xi32, #tpu.memory_space<vmem>>) semaphore(%arg19 : memref<!tpu.dma_semaphore, #tpu.memory_space<semaphore_mem>>) {add = true}
      %mul3A_143 = arith.constant 3 : i32
      %mul3A_144 = arith.muli %mul3A_143, %scan3A_88 : i32
      %add3A_145 = arith.constant 2 : i32
      %add3A_146 = arith.addi %mul3A_144, %add3A_145 : i32
      %mul3A_147 = arith.constant 32 : i32
      %mul3A_148 = arith.muli %add3A_146, %mul3A_147 : i32
      %add3A_149 = arith.addi %add3A, %mul3A_148 : i32
      %add3A_150 = arith.constant 2 : i32
      %add3A_151 = arith.addi %add3A_146, %add3A_150 : i32
      %lt3A_152 = arith.constant 39 : i32
      %lt3A_153 = arith.cmpi slt, %add3A_151, %lt3A_152 : i32
      %convert_element_type3A_154 = arith.extui %lt3A_153 : i1 to i32
      %cond3A_155 = arith.constant 0 : i32
      %cond3A_156 = arith.cmpi ne, %convert_element_type3A_154, %cond3A_155 : i32
      scf.if %cond3A_156 {
        %ge3A = arith.constant 1 : i32
        %ge3A_170 = arith.cmpi sge, %add3A_146, %ge3A : i32
        %convert_element_type3A_171 = arith.extui %ge3A_170 : i1 to i32
        %cond3A_172 = arith.constant 0 : i32
        %cond3A_173 = arith.cmpi ne, %convert_element_type3A_171, %cond3A_172 : i32
        scf.if %cond3A_173 {
          %dma_wait3A_188 = arith.constant 0 : i32
          %dma_wait3A_189 = arith.constant 0 : i32
          %dma_wait3A_190 = tpu.memref_slice %arg11[%dma_wait3A_188, %dma_wait3A_189] : memref<10112x128xf32, #tpu.memory_space<vmem_shared>> -> memref<10112x128xf32, #tpu.memory_space<vmem_shared>>
          tpu.wait_indirect_dma semaphore(%arg19 : memref<!tpu.dma_semaphore, #tpu.memory_space<semaphore_mem>>) src(%arg9 : memref<128x128xf32, #tpu.memory_space<vmem>>) dst(%dma_wait3A_190 : memref<10112x128xf32, #tpu.memory_space<vmem_shared>>)
        } else {
        }
        %add3A_174 = arith.constant 64 : i32
        %add3A_175 = arith.addi %add3A_149, %add3A_174 : i32
        %mul3A_176 = arith.constant 128 : i32
        %mul3A_177 = arith.muli %add3A_175, %mul3A_176 : i32
        %add3A_178 = arith.constant 480000 : i32
        %add3A_179 = arith.addi %add3A_178, %mul3A_177 : i32
        %dma_start3A_180 = tpu.memref_slice %arg3[%add3A_179] : memref<640000xi32, #tpu.memory_space<hbm>> -> memref<128xi32, #tpu.memory_space<hbm>>
        %dma_start3A_181 = tpu.memref_slice %arg3[%add3A_179] : memref<640000xi32, #tpu.memory_space<hbm>> -> memref<128xi32, #tpu.memory_space<hbm>>
        tpu.enqueue_dma source(%dma_start3A_181 : memref<128xi32, #tpu.memory_space<hbm>>) target(%arg6 : memref<128xi32, #tpu.memory_space<vmem>>) target_semaphore(%arg13 : memref<!tpu.dma_semaphore, #tpu.memory_space<semaphore_mem>>)
        %mul3A_182 = arith.constant 128 : i32
        %mul3A_183 = arith.muli %add3A_175, %mul3A_182 : i32
        %dma_start3A_184 = arith.constant 0 : i32
        %dma_start3A_185 = tpu.memref_slice %arg2[%mul3A_183, %dma_start3A_184] : memref<160000x128xf32, #tpu.memory_space<hbm>> -> memref<128x128xf32, #tpu.memory_space<hbm>>
        %dma_start3A_186 = arith.constant 0 : i32
        %dma_start3A_187 = tpu.memref_slice %arg2[%mul3A_183, %dma_start3A_186] : memref<160000x128xf32, #tpu.memory_space<hbm>> -> memref<128x128xf32, #tpu.memory_space<hbm>>
        tpu.enqueue_dma source(%dma_start3A_187 : memref<128x128xf32, #tpu.memory_space<hbm>>) target(%arg9 : memref<128x128xf32, #tpu.memory_space<vmem>>) target_semaphore(%arg16 : memref<!tpu.dma_semaphore, #tpu.memory_space<semaphore_mem>>)
      } else {
      }
      %dma_wait3A_157 = arith.constant 0 : i32
      %dma_wait3A_158 = tpu.memref_slice %arg3[%dma_wait3A_157] : memref<640000xi32, #tpu.memory_space<hbm>> -> memref<128xi32, #tpu.memory_space<hbm>>
      %dma_wait3A_159 = arith.constant 0 : i32
      %dma_wait3A_160 = tpu.memref_slice %arg3[%dma_wait3A_159] : memref<640000xi32, #tpu.memory_space<hbm>> -> memref<128xi32, #tpu.memory_space<hbm>>
      tpu.wait_dma2 semaphore(%arg14 : memref<!tpu.dma_semaphore, #tpu.memory_space<semaphore_mem>>) src(%dma_wait3A_160 : memref<128xi32, #tpu.memory_space<hbm>>) dst(%arg7 : memref<128xi32, #tpu.memory_space<vmem>>)
      %dma_wait3A_161 = arith.constant 0 : i32
      %dma_wait3A_162 = arith.constant 0 : i32
      %dma_wait3A_163 = tpu.memref_slice %arg2[%dma_wait3A_161, %dma_wait3A_162] : memref<160000x128xf32, #tpu.memory_space<hbm>> -> memref<128x128xf32, #tpu.memory_space<hbm>>
      %dma_wait3A_164 = arith.constant 0 : i32
      %dma_wait3A_165 = arith.constant 0 : i32
      %dma_wait3A_166 = tpu.memref_slice %arg2[%dma_wait3A_164, %dma_wait3A_165] : memref<160000x128xf32, #tpu.memory_space<hbm>> -> memref<128x128xf32, #tpu.memory_space<hbm>>
      tpu.wait_dma2 semaphore(%arg17 : memref<!tpu.dma_semaphore, #tpu.memory_space<semaphore_mem>>) src(%dma_wait3A_166 : memref<128x128xf32, #tpu.memory_space<hbm>>) dst(%arg10 : memref<128x128xf32, #tpu.memory_space<vmem>>)
      %dma_start3A_167 = arith.constant 0 : i32
      %dma_start3A_168 = arith.constant 0 : i32
      %dma_start3A_169 = tpu.memref_slice %arg11[%dma_start3A_167, %dma_start3A_168] : memref<10112x128xf32, #tpu.memory_space<vmem_shared>> -> memref<10112x128xf32, #tpu.memory_space<vmem_shared>>
      tpu.enqueue_indirect_dma source(%arg10 : memref<128x128xf32, #tpu.memory_space<vmem>>) target(%dma_start3A_169 : memref<10112x128xf32, #tpu.memory_space<vmem_shared>>) offsets(%arg7 : memref<128xi32, #tpu.memory_space<vmem>>) semaphore(%arg20 : memref<!tpu.dma_semaphore, #tpu.memory_space<semaphore_mem>>) {add = true}
    }
    %scan3A_56 = arith.constant 13 : i32
    %dma_wait3A = arith.constant 0 : i32
    %dma_wait3A_57 = arith.constant 0 : i32
    %dma_wait3A_58 = tpu.memref_slice %arg11[%dma_wait3A, %dma_wait3A_57] : memref<10112x128xf32, #tpu.memory_space<vmem_shared>> -> memref<10112x128xf32, #tpu.memory_space<vmem_shared>>
    tpu.wait_indirect_dma semaphore(%arg18 : memref<!tpu.dma_semaphore, #tpu.memory_space<semaphore_mem>>) src(%arg8 : memref<128x128xf32, #tpu.memory_space<vmem>>) dst(%dma_wait3A_58 : memref<10112x128xf32, #tpu.memory_space<vmem_shared>>)
    %dma_wait3A_59 = arith.constant 0 : i32
    %dma_wait3A_60 = arith.constant 0 : i32
    %dma_wait3A_61 = tpu.memref_slice %arg11[%dma_wait3A_59, %dma_wait3A_60] : memref<10112x128xf32, #tpu.memory_space<vmem_shared>> -> memref<10112x128xf32, #tpu.memory_space<vmem_shared>>
    tpu.wait_indirect_dma semaphore(%arg19 : memref<!tpu.dma_semaphore, #tpu.memory_space<semaphore_mem>>) src(%arg9 : memref<128x128xf32, #tpu.memory_space<vmem>>) dst(%dma_wait3A_61 : memref<10112x128xf32, #tpu.memory_space<vmem_shared>>)
    %dma_wait3A_62 = arith.constant 0 : i32
    %dma_wait3A_63 = arith.constant 0 : i32
    %dma_wait3A_64 = tpu.memref_slice %arg11[%dma_wait3A_62, %dma_wait3A_63] : memref<10112x128xf32, #tpu.memory_space<vmem_shared>> -> memref<10112x128xf32, #tpu.memory_space<vmem_shared>>
    tpu.wait_indirect_dma semaphore(%arg20 : memref<!tpu.dma_semaphore, #tpu.memory_space<semaphore_mem>>) src(%arg10 : memref<128x128xf32, #tpu.memory_space<vmem>>) dst(%dma_wait3A_64 : memref<10112x128xf32, #tpu.memory_space<vmem_shared>>)
    %lt3A = arith.constant 2 : i32
    %lt3A_65 = arith.cmpi slt, %add3A, %lt3A : i32
    %convert_element_type3A = arith.extui %lt3A_65 : i1 to i32
    %cond3A = arith.constant 0 : i32
    %cond3A_66 = arith.cmpi ne, %convert_element_type3A, %cond3A : i32
    scf.if %cond3A_66 {
      %add3A_88 = arith.constant 1248 : i32
      %add3A_89 = arith.addi %add3A, %add3A_88 : i32
      %mul3A_90 = arith.constant 128 : i32
      %mul3A_91 = arith.muli %add3A_89, %mul3A_90 : i32
      %add3A_92 = arith.constant 480000 : i32
      %add3A_93 = arith.addi %add3A_92, %mul3A_91 : i32
      %dma_start3A_94 = tpu.memref_slice %arg3[%add3A_93] : memref<640000xi32, #tpu.memory_space<hbm>> -> memref<128xi32, #tpu.memory_space<hbm>>
      %dma_start3A_95 = tpu.memref_slice %arg3[%add3A_93] : memref<640000xi32, #tpu.memory_space<hbm>> -> memref<128xi32, #tpu.memory_space<hbm>>
      tpu.enqueue_dma source(%dma_start3A_95 : memref<128xi32, #tpu.memory_space<hbm>>) target(%arg5 : memref<128xi32, #tpu.memory_space<vmem>>) target_semaphore(%arg12 : memref<!tpu.dma_semaphore, #tpu.memory_space<semaphore_mem>>)
      %mul3A_96 = arith.constant 128 : i32
      %mul3A_97 = arith.muli %add3A_89, %mul3A_96 : i32
      %dma_start3A_98 = arith.constant 0 : i32
      %dma_start3A_99 = tpu.memref_slice %arg2[%mul3A_97, %dma_start3A_98] : memref<160000x128xf32, #tpu.memory_space<hbm>> -> memref<128x128xf32, #tpu.memory_space<hbm>>
      %dma_start3A_100 = arith.constant 0 : i32
      %dma_start3A_101 = tpu.memref_slice %arg2[%mul3A_97, %dma_start3A_100] : memref<160000x128xf32, #tpu.memory_space<hbm>> -> memref<128x128xf32, #tpu.memory_space<hbm>>
      tpu.enqueue_dma source(%dma_start3A_101 : memref<128x128xf32, #tpu.memory_space<hbm>>) target(%arg8 : memref<128x128xf32, #tpu.memory_space<vmem>>) target_semaphore(%arg15 : memref<!tpu.dma_semaphore, #tpu.memory_space<semaphore_mem>>)
      %dma_wait3A_102 = arith.constant 0 : i32
      %dma_wait3A_103 = tpu.memref_slice %arg3[%dma_wait3A_102] : memref<640000xi32, #tpu.memory_space<hbm>> -> memref<128xi32, #tpu.memory_space<hbm>>
      %dma_wait3A_104 = arith.constant 0 : i32
      %dma_wait3A_105 = tpu.memref_slice %arg3[%dma_wait3A_104] : memref<640000xi32, #tpu.memory_space<hbm>> -> memref<128xi32, #tpu.memory_space<hbm>>
      tpu.wait_dma2 semaphore(%arg12 : memref<!tpu.dma_semaphore, #tpu.memory_space<semaphore_mem>>) src(%dma_wait3A_105 : memref<128xi32, #tpu.memory_space<hbm>>) dst(%arg5 : memref<128xi32, #tpu.memory_space<vmem>>)
      %dma_wait3A_106 = arith.constant 0 : i32
      %dma_wait3A_107 = arith.constant 0 : i32
      %dma_wait3A_108 = tpu.memref_slice %arg2[%dma_wait3A_106, %dma_wait3A_107] : memref<160000x128xf32, #tpu.memory_space<hbm>> -> memref<128x128xf32, #tpu.memory_space<hbm>>
      %dma_wait3A_109 = arith.constant 0 : i32
      %dma_wait3A_110 = arith.constant 0 : i32
      %dma_wait3A_111 = tpu.memref_slice %arg2[%dma_wait3A_109, %dma_wait3A_110] : memref<160000x128xf32, #tpu.memory_space<hbm>> -> memref<128x128xf32, #tpu.memory_space<hbm>>
      tpu.wait_dma2 semaphore(%arg15 : memref<!tpu.dma_semaphore, #tpu.memory_space<semaphore_mem>>) src(%dma_wait3A_111 : memref<128x128xf32, #tpu.memory_space<hbm>>) dst(%arg8 : memref<128x128xf32, #tpu.memory_space<vmem>>)
      "tpu.region"() ({
        %run_scoped3A = tpu.sem_alloc : memref<!tpu.dma_semaphore, #tpu.memory_space<semaphore_mem>>
        %dma_start3A_112 = arith.constant 0 : i32
        %dma_start3A_113 = arith.constant 0 : i32
        %dma_start3A_114 = tpu.memref_slice %arg11[%dma_start3A_112, %dma_start3A_113] : memref<10112x128xf32, #tpu.memory_space<vmem_shared>> -> memref<10112x128xf32, #tpu.memory_space<vmem_shared>>
        tpu.enqueue_indirect_dma source(%arg8 : memref<128x128xf32, #tpu.memory_space<vmem>>) target(%dma_start3A_114 : memref<10112x128xf32, #tpu.memory_space<vmem_shared>>) offsets(%arg5 : memref<128xi32, #tpu.memory_space<vmem>>) semaphore(%run_scoped3A : memref<!tpu.dma_semaphore, #tpu.memory_space<semaphore_mem>>) {add = true}
        %dma_wait3A_115 = arith.constant 0 : i32
        %dma_wait3A_116 = arith.constant 0 : i32
        %dma_wait3A_117 = tpu.memref_slice %arg11[%dma_wait3A_115, %dma_wait3A_116] : memref<10112x128xf32, #tpu.memory_space<vmem_shared>> -> memref<10112x128xf32, #tpu.memory_space<vmem_shared>>
        tpu.wait_indirect_dma semaphore(%run_scoped3A : memref<!tpu.dma_semaphore, #tpu.memory_space<semaphore_mem>>) src(%arg8 : memref<128x128xf32, #tpu.memory_space<vmem>>) dst(%dma_wait3A_117 : memref<10112x128xf32, #tpu.memory_space<vmem_shared>>)
        tpu.yield
      }) : () -> ()
    } else {
    }
    %barrier3A_67 = arith.constant 0 : index
    tpu.barrier barrier_id(%barrier3A_67)
    %mul3A_68 = arith.constant 632 : i32
    %mul3A_69 = arith.muli %arg1, %mul3A_68 : i32
    %add3A_70 = arith.constant 0 : i32
    %add3A_71 = arith.addi %mul3A_69, %add3A_70 : i32
    "tpu.region"() ({
      %run_scoped3A = tpu.sem_alloc : memref<!tpu.dma_semaphore, #tpu.memory_space<semaphore_mem>>
      %dma_start3A_88 = arith.constant 0 : i32
      %dma_start3A_89 = arith.constant 0 : i32
      %dma_start3A_90 = tpu.memref_slice %arg8[%dma_start3A_88, %dma_start3A_89] : memref<128x128xf32, #tpu.memory_space<vmem>> -> memref<128x128xf32, #tpu.memory_space<vmem>>
      %dma_start3A_91 = arith.constant 0 : i32
      %dma_start3A_92 = tpu.memref_slice %arg11[%add3A_71, %dma_start3A_91] : memref<10112x128xf32, #tpu.memory_space<vmem_shared>> -> memref<128x128xf32, #tpu.memory_space<vmem_shared>>
      %dma_start3A_93 = arith.constant 0 : i32
      %dma_start3A_94 = arith.constant 0 : i32
      %dma_start3A_95 = tpu.memref_slice %arg8[%dma_start3A_93, %dma_start3A_94] : memref<128x128xf32, #tpu.memory_space<vmem>> -> memref<128x128xf32, #tpu.memory_space<vmem>>
      %dma_start3A_96 = arith.constant 0 : i32
      %dma_start3A_97 = tpu.memref_slice %arg11[%add3A_71, %dma_start3A_96] : memref<10112x128xf32, #tpu.memory_space<vmem_shared>> -> memref<128x128xf32, #tpu.memory_space<vmem_shared>>
      tpu.enqueue_dma source(%dma_start3A_97 : memref<128x128xf32, #tpu.memory_space<vmem_shared>>) target(%dma_start3A_95 : memref<128x128xf32, #tpu.memory_space<vmem>>) target_semaphore(%run_scoped3A : memref<!tpu.dma_semaphore, #tpu.memory_space<semaphore_mem>>)
      %dma_wait3A_98 = arith.constant 0 : i32
      %dma_wait3A_99 = arith.constant 0 : i32
      %dma_wait3A_100 = tpu.memref_slice %arg8[%dma_wait3A_98, %dma_wait3A_99] : memref<128x128xf32, #tpu.memory_space<vmem>> -> memref<128x128xf32, #tpu.memory_space<vmem>>
      %dma_wait3A_101 = arith.constant 0 : i32
      %dma_wait3A_102 = tpu.memref_slice %arg11[%add3A_71, %dma_wait3A_101] : memref<10112x128xf32, #tpu.memory_space<vmem_shared>> -> memref<128x128xf32, #tpu.memory_space<vmem_shared>>
      %dma_wait3A_103 = arith.constant 0 : i32
      %dma_wait3A_104 = arith.constant 0 : i32
      %dma_wait3A_105 = tpu.memref_slice %arg8[%dma_wait3A_103, %dma_wait3A_104] : memref<128x128xf32, #tpu.memory_space<vmem>> -> memref<128x128xf32, #tpu.memory_space<vmem>>
      %dma_wait3A_106 = arith.constant 0 : i32
      %dma_wait3A_107 = tpu.memref_slice %arg11[%add3A_71, %dma_wait3A_106] : memref<10112x128xf32, #tpu.memory_space<vmem_shared>> -> memref<128x128xf32, #tpu.memory_space<vmem_shared>>
      tpu.wait_dma2 semaphore(%run_scoped3A : memref<!tpu.dma_semaphore, #tpu.memory_space<semaphore_mem>>) src(%dma_wait3A_107 : memref<128x128xf32, #tpu.memory_space<vmem_shared>>) dst(%dma_wait3A_105 : memref<128x128xf32, #tpu.memory_space<vmem>>)
      tpu.yield
    }) : () -> ()
    "tpu.region"() ({
      %run_scoped3A = tpu.sem_alloc : memref<!tpu.dma_semaphore, #tpu.memory_space<semaphore_mem>>
      %dma_start3A_88 = arith.constant 0 : i32
      %dma_start3A_89 = arith.constant 0 : i32
      %dma_start3A_90 = tpu.memref_slice %arg8[%dma_start3A_88, %dma_start3A_89] : memref<128x128xf32, #tpu.memory_space<vmem>> -> memref<128x128xf32, #tpu.memory_space<vmem>>
      %dma_start3A_91 = arith.constant 0 : i32
      %dma_start3A_92 = tpu.memref_slice %arg4[%arg0, %add3A_71, %dma_start3A_91] : memref<2x10112x128xf32, #tpu.memory_space<hbm>> -> memref<1x128x128xf32, #tpu.memory_space<hbm>>
      %dma_start3A_93 = tpu.memref_squeeze %dma_start3A_92 : memref<1x128x128xf32, #tpu.memory_space<hbm>> -> memref<128x128xf32, #tpu.memory_space<hbm>>
      %dma_start3A_94 = arith.constant 0 : i32
      %dma_start3A_95 = tpu.memref_slice %arg4[%arg0, %add3A_71, %dma_start3A_94] : memref<2x10112x128xf32, #tpu.memory_space<hbm>> -> memref<1x128x128xf32, #tpu.memory_space<hbm>>
      %dma_start3A_96 = tpu.memref_squeeze %dma_start3A_95 : memref<1x128x128xf32, #tpu.memory_space<hbm>> -> memref<128x128xf32, #tpu.memory_space<hbm>>
      %dma_start3A_97 = arith.constant 0 : i32
      %dma_start3A_98 = arith.constant 0 : i32
      %dma_start3A_99 = tpu.memref_slice %arg8[%dma_start3A_97, %dma_start3A_98] : memref<128x128xf32, #tpu.memory_space<vmem>> -> memref<128x128xf32, #tpu.memory_space<vmem>>
      tpu.enqueue_dma source(%dma_start3A_99 : memref<128x128xf32, #tpu.memory_space<vmem>>) target(%dma_start3A_96 : memref<128x128xf32, #tpu.memory_space<hbm>>) target_semaphore(%run_scoped3A : memref<!tpu.dma_semaphore, #tpu.memory_space<semaphore_mem>>)
      %dma_wait3A_100 = arith.constant 0 : i32
      %dma_wait3A_101 = arith.constant 0 : i32
      %dma_wait3A_102 = tpu.memref_slice %arg8[%dma_wait3A_100, %dma_wait3A_101] : memref<128x128xf32, #tpu.memory_space<vmem>> -> memref<128x128xf32, #tpu.memory_space<vmem>>
      %dma_wait3A_103 = arith.constant 0 : i32
      %dma_wait3A_104 = tpu.memref_slice %arg4[%arg0, %add3A_71, %dma_wait3A_103] : memref<2x10112x128xf32, #tpu.memory_space<hbm>> -> memref<1x128x128xf32, #tpu.memory_space<hbm>>
      %dma_wait3A_105 = tpu.memref_squeeze %dma_wait3A_104 : memref<1x128x128xf32, #tpu.memory_space<hbm>> -> memref<128x128xf32, #tpu.memory_space<hbm>>
      %dma_wait3A_106 = arith.constant 0 : i32
      %dma_wait3A_107 = tpu.memref_slice %arg4[%arg0, %add3A_71, %dma_wait3A_106] : memref<2x10112x128xf32, #tpu.memory_space<hbm>> -> memref<1x128x128xf32, #tpu.memory_space<hbm>>
      %dma_wait3A_108 = tpu.memref_squeeze %dma_wait3A_107 : memref<1x128x128xf32, #tpu.memory_space<hbm>> -> memref<128x128xf32, #tpu.memory_space<hbm>>
      %dma_wait3A_109 = arith.constant 0 : i32
      %dma_wait3A_110 = arith.constant 0 : i32
      %dma_wait3A_111 = tpu.memref_slice %arg8[%dma_wait3A_109, %dma_wait3A_110] : memref<128x128xf32, #tpu.memory_space<vmem>> -> memref<128x128xf32, #tpu.memory_space<vmem>>
      tpu.wait_dma2 semaphore(%run_scoped3A : memref<!tpu.dma_semaphore, #tpu.memory_space<semaphore_mem>>) src(%dma_wait3A_111 : memref<128x128xf32, #tpu.memory_space<vmem>>) dst(%dma_wait3A_108 : memref<128x128xf32, #tpu.memory_space<hbm>>)
      tpu.yield
    }) : () -> ()
    %mul3A_72 = arith.constant 632 : i32
    %mul3A_73 = arith.muli %arg1, %mul3A_72 : i32
    %add3A_74 = arith.constant 128 : i32
    %add3A_75 = arith.addi %mul3A_73, %add3A_74 : i32
    "tpu.region"() ({
      %run_scoped3A = tpu.sem_alloc : memref<!tpu.dma_semaphore, #tpu.memory_space<semaphore_mem>>
      %dma_start3A_88 = arith.constant 0 : i32
      %dma_start3A_89 = arith.constant 0 : i32
      %dma_start3A_90 = tpu.memref_slice %arg8[%dma_start3A_88, %dma_start3A_89] : memref<128x128xf32, #tpu.memory_space<vmem>> -> memref<128x128xf32, #tpu.memory_space<vmem>>
      %dma_start3A_91 = arith.constant 0 : i32
      %dma_start3A_92 = tpu.memref_slice %arg11[%add3A_75, %dma_start3A_91] : memref<10112x128xf32, #tpu.memory_space<vmem_shared>> -> memref<128x128xf32, #tpu.memory_space<vmem_shared>>
      %dma_start3A_93 = arith.constant 0 : i32
      %dma_start3A_94 = arith.constant 0 : i32
      %dma_start3A_95 = tpu.memref_slice %arg8[%dma_start3A_93, %dma_start3A_94] : memref<128x128xf32, #tpu.memory_space<vmem>> -> memref<128x128xf32, #tpu.memory_space<vmem>>
      %dma_start3A_96 = arith.constant 0 : i32
      %dma_start3A_97 = tpu.memref_slice %arg11[%add3A_75, %dma_start3A_96] : memref<10112x128xf32, #tpu.memory_space<vmem_shared>> -> memref<128x128xf32, #tpu.memory_space<vmem_shared>>
      tpu.enqueue_dma source(%dma_start3A_97 : memref<128x128xf32, #tpu.memory_space<vmem_shared>>) target(%dma_start3A_95 : memref<128x128xf32, #tpu.memory_space<vmem>>) target_semaphore(%run_scoped3A : memref<!tpu.dma_semaphore, #tpu.memory_space<semaphore_mem>>)
      %dma_wait3A_98 = arith.constant 0 : i32
      %dma_wait3A_99 = arith.constant 0 : i32
      %dma_wait3A_100 = tpu.memref_slice %arg8[%dma_wait3A_98, %dma_wait3A_99] : memref<128x128xf32, #tpu.memory_space<vmem>> -> memref<128x128xf32, #tpu.memory_space<vmem>>
      %dma_wait3A_101 = arith.constant 0 : i32
      %dma_wait3A_102 = tpu.memref_slice %arg11[%add3A_75, %dma_wait3A_101] : memref<10112x128xf32, #tpu.memory_space<vmem_shared>> -> memref<128x128xf32, #tpu.memory_space<vmem_shared>>
      %dma_wait3A_103 = arith.constant 0 : i32
      %dma_wait3A_104 = arith.constant 0 : i32
      %dma_wait3A_105 = tpu.memref_slice %arg8[%dma_wait3A_103, %dma_wait3A_104] : memref<128x128xf32, #tpu.memory_space<vmem>> -> memref<128x128xf32, #tpu.memory_space<vmem>>
      %dma_wait3A_106 = arith.constant 0 : i32
      %dma_wait3A_107 = tpu.memref_slice %arg11[%add3A_75, %dma_wait3A_106] : memref<10112x128xf32, #tpu.memory_space<vmem_shared>> -> memref<128x128xf32, #tpu.memory_space<vmem_shared>>
      tpu.wait_dma2 semaphore(%run_scoped3A : memref<!tpu.dma_semaphore, #tpu.memory_space<semaphore_mem>>) src(%dma_wait3A_107 : memref<128x128xf32, #tpu.memory_space<vmem_shared>>) dst(%dma_wait3A_105 : memref<128x128xf32, #tpu.memory_space<vmem>>)
      tpu.yield
    }) : () -> ()
    "tpu.region"() ({
      %run_scoped3A = tpu.sem_alloc : memref<!tpu.dma_semaphore, #tpu.memory_space<semaphore_mem>>
      %dma_start3A_88 = arith.constant 0 : i32
      %dma_start3A_89 = arith.constant 0 : i32
      %dma_start3A_90 = tpu.memref_slice %arg8[%dma_start3A_88, %dma_start3A_89] : memref<128x128xf32, #tpu.memory_space<vmem>> -> memref<128x128xf32, #tpu.memory_space<vmem>>
      %dma_start3A_91 = arith.constant 0 : i32
      %dma_start3A_92 = tpu.memref_slice %arg4[%arg0, %add3A_75, %dma_start3A_91] : memref<2x10112x128xf32, #tpu.memory_space<hbm>> -> memref<1x128x128xf32, #tpu.memory_space<hbm>>
      %dma_start3A_93 = tpu.memref_squeeze %dma_start3A_92 : memref<1x128x128xf32, #tpu.memory_space<hbm>> -> memref<128x128xf32, #tpu.memory_space<hbm>>
      %dma_start3A_94 = arith.constant 0 : i32
      %dma_start3A_95 = tpu.memref_slice %arg4[%arg0, %add3A_75, %dma_start3A_94] : memref<2x10112x128xf32, #tpu.memory_space<hbm>> -> memref<1x128x128xf32, #tpu.memory_space<hbm>>
      %dma_start3A_96 = tpu.memref_squeeze %dma_start3A_95 : memref<1x128x128xf32, #tpu.memory_space<hbm>> -> memref<128x128xf32, #tpu.memory_space<hbm>>
      %dma_start3A_97 = arith.constant 0 : i32
      %dma_start3A_98 = arith.constant 0 : i32
      %dma_start3A_99 = tpu.memref_slice %arg8[%dma_start3A_97, %dma_start3A_98] : memref<128x128xf32, #tpu.memory_space<vmem>> -> memref<128x128xf32, #tpu.memory_space<vmem>>
      tpu.enqueue_dma source(%dma_start3A_99 : memref<128x128xf32, #tpu.memory_space<vmem>>) target(%dma_start3A_96 : memref<128x128xf32, #tpu.memory_space<hbm>>) target_semaphore(%run_scoped3A : memref<!tpu.dma_semaphore, #tpu.memory_space<semaphore_mem>>)
      %dma_wait3A_100 = arith.constant 0 : i32
      %dma_wait3A_101 = arith.constant 0 : i32
      %dma_wait3A_102 = tpu.memref_slice %arg8[%dma_wait3A_100, %dma_wait3A_101] : memref<128x128xf32, #tpu.memory_space<vmem>> -> memref<128x128xf32, #tpu.memory_space<vmem>>
      %dma_wait3A_103 = arith.constant 0 : i32
      %dma_wait3A_104 = tpu.memref_slice %arg4[%arg0, %add3A_75, %dma_wait3A_103] : memref<2x10112x128xf32, #tpu.memory_space<hbm>> -> memref<1x128x128xf32, #tpu.memory_space<hbm>>
      %dma_wait3A_105 = tpu.memref_squeeze %dma_wait3A_104 : memref<1x128x128xf32, #tpu.memory_space<hbm>> -> memref<128x128xf32, #tpu.memory_space<hbm>>
      %dma_wait3A_106 = arith.constant 0 : i32
      %dma_wait3A_107 = tpu.memref_slice %arg4[%arg0, %add3A_75, %dma_wait3A_106] : memref<2x10112x128xf32, #tpu.memory_space<hbm>> -> memref<1x128x128xf32, #tpu.memory_space<hbm>>
      %dma_wait3A_108 = tpu.memref_squeeze %dma_wait3A_107 : memref<1x128x128xf32, #tpu.memory_space<hbm>> -> memref<128x128xf32, #tpu.memory_space<hbm>>
      %dma_wait3A_109 = arith.constant 0 : i32
      %dma_wait3A_110 = arith.constant 0 : i32
      %dma_wait3A_111 = tpu.memref_slice %arg8[%dma_wait3A_109, %dma_wait3A_110] : memref<128x128xf32, #tpu.memory_space<vmem>> -> memref<128x128xf32, #tpu.memory_space<vmem>>
      tpu.wait_dma2 semaphore(%run_scoped3A : memref<!tpu.dma_semaphore, #tpu.memory_space<semaphore_mem>>) src(%dma_wait3A_111 : memref<128x128xf32, #tpu.memory_space<vmem>>) dst(%dma_wait3A_108 : memref<128x128xf32, #tpu.memory_space<hbm>>)
      tpu.yield
    }) : () -> ()
    %mul3A_76 = arith.constant 632 : i32
    %mul3A_77 = arith.muli %arg1, %mul3A_76 : i32
    %add3A_78 = arith.constant 256 : i32
    %add3A_79 = arith.addi %mul3A_77, %add3A_78 : i32
    "tpu.region"() ({
      %run_scoped3A = tpu.sem_alloc : memref<!tpu.dma_semaphore, #tpu.memory_space<semaphore_mem>>
      %dma_start3A_88 = arith.constant 0 : i32
      %dma_start3A_89 = arith.constant 0 : i32
      %dma_start3A_90 = tpu.memref_slice %arg8[%dma_start3A_88, %dma_start3A_89] : memref<128x128xf32, #tpu.memory_space<vmem>> -> memref<128x128xf32, #tpu.memory_space<vmem>>
      %dma_start3A_91 = arith.constant 0 : i32
      %dma_start3A_92 = tpu.memref_slice %arg11[%add3A_79, %dma_start3A_91] : memref<10112x128xf32, #tpu.memory_space<vmem_shared>> -> memref<128x128xf32, #tpu.memory_space<vmem_shared>>
      %dma_start3A_93 = arith.constant 0 : i32
      %dma_start3A_94 = arith.constant 0 : i32
      %dma_start3A_95 = tpu.memref_slice %arg8[%dma_start3A_93, %dma_start3A_94] : memref<128x128xf32, #tpu.memory_space<vmem>> -> memref<128x128xf32, #tpu.memory_space<vmem>>
      %dma_start3A_96 = arith.constant 0 : i32
      %dma_start3A_97 = tpu.memref_slice %arg11[%add3A_79, %dma_start3A_96] : memref<10112x128xf32, #tpu.memory_space<vmem_shared>> -> memref<128x128xf32, #tpu.memory_space<vmem_shared>>
      tpu.enqueue_dma source(%dma_start3A_97 : memref<128x128xf32, #tpu.memory_space<vmem_shared>>) target(%dma_start3A_95 : memref<128x128xf32, #tpu.memory_space<vmem>>) target_semaphore(%run_scoped3A : memref<!tpu.dma_semaphore, #tpu.memory_space<semaphore_mem>>)
      %dma_wait3A_98 = arith.constant 0 : i32
      %dma_wait3A_99 = arith.constant 0 : i32
      %dma_wait3A_100 = tpu.memref_slice %arg8[%dma_wait3A_98, %dma_wait3A_99] : memref<128x128xf32, #tpu.memory_space<vmem>> -> memref<128x128xf32, #tpu.memory_space<vmem>>
      %dma_wait3A_101 = arith.constant 0 : i32
      %dma_wait3A_102 = tpu.memref_slice %arg11[%add3A_79, %dma_wait3A_101] : memref<10112x128xf32, #tpu.memory_space<vmem_shared>> -> memref<128x128xf32, #tpu.memory_space<vmem_shared>>
      %dma_wait3A_103 = arith.constant 0 : i32
      %dma_wait3A_104 = arith.constant 0 : i32
      %dma_wait3A_105 = tpu.memref_slice %arg8[%dma_wait3A_103, %dma_wait3A_104] : memref<128x128xf32, #tpu.memory_space<vmem>> -> memref<128x128xf32, #tpu.memory_space<vmem>>
      %dma_wait3A_106 = arith.constant 0 : i32
      %dma_wait3A_107 = tpu.memref_slice %arg11[%add3A_79, %dma_wait3A_106] : memref<10112x128xf32, #tpu.memory_space<vmem_shared>> -> memref<128x128xf32, #tpu.memory_space<vmem_shared>>
      tpu.wait_dma2 semaphore(%run_scoped3A : memref<!tpu.dma_semaphore, #tpu.memory_space<semaphore_mem>>) src(%dma_wait3A_107 : memref<128x128xf32, #tpu.memory_space<vmem_shared>>) dst(%dma_wait3A_105 : memref<128x128xf32, #tpu.memory_space<vmem>>)
      tpu.yield
    }) : () -> ()
    "tpu.region"() ({
      %run_scoped3A = tpu.sem_alloc : memref<!tpu.dma_semaphore, #tpu.memory_space<semaphore_mem>>
      %dma_start3A_88 = arith.constant 0 : i32
      %dma_start3A_89 = arith.constant 0 : i32
      %dma_start3A_90 = tpu.memref_slice %arg8[%dma_start3A_88, %dma_start3A_89] : memref<128x128xf32, #tpu.memory_space<vmem>> -> memref<128x128xf32, #tpu.memory_space<vmem>>
      %dma_start3A_91 = arith.constant 0 : i32
      %dma_start3A_92 = tpu.memref_slice %arg4[%arg0, %add3A_79, %dma_start3A_91] : memref<2x10112x128xf32, #tpu.memory_space<hbm>> -> memref<1x128x128xf32, #tpu.memory_space<hbm>>
      %dma_start3A_93 = tpu.memref_squeeze %dma_start3A_92 : memref<1x128x128xf32, #tpu.memory_space<hbm>> -> memref<128x128xf32, #tpu.memory_space<hbm>>
      %dma_start3A_94 = arith.constant 0 : i32
      %dma_start3A_95 = tpu.memref_slice %arg4[%arg0, %add3A_79, %dma_start3A_94] : memref<2x10112x128xf32, #tpu.memory_space<hbm>> -> memref<1x128x128xf32, #tpu.memory_space<hbm>>
      %dma_start3A_96 = tpu.memref_squeeze %dma_start3A_95 : memref<1x128x128xf32, #tpu.memory_space<hbm>> -> memref<128x128xf32, #tpu.memory_space<hbm>>
      %dma_start3A_97 = arith.constant 0 : i32
      %dma_start3A_98 = arith.constant 0 : i32
      %dma_start3A_99 = tpu.memref_slice %arg8[%dma_start3A_97, %dma_start3A_98] : memref<128x128xf32, #tpu.memory_space<vmem>> -> memref<128x128xf32, #tpu.memory_space<vmem>>
      tpu.enqueue_dma source(%dma_start3A_99 : memref<128x128xf32, #tpu.memory_space<vmem>>) target(%dma_start3A_96 : memref<128x128xf32, #tpu.memory_space<hbm>>) target_semaphore(%run_scoped3A : memref<!tpu.dma_semaphore, #tpu.memory_space<semaphore_mem>>)
      %dma_wait3A_100 = arith.constant 0 : i32
      %dma_wait3A_101 = arith.constant 0 : i32
      %dma_wait3A_102 = tpu.memref_slice %arg8[%dma_wait3A_100, %dma_wait3A_101] : memref<128x128xf32, #tpu.memory_space<vmem>> -> memref<128x128xf32, #tpu.memory_space<vmem>>
      %dma_wait3A_103 = arith.constant 0 : i32
      %dma_wait3A_104 = tpu.memref_slice %arg4[%arg0, %add3A_79, %dma_wait3A_103] : memref<2x10112x128xf32, #tpu.memory_space<hbm>> -> memref<1x128x128xf32, #tpu.memory_space<hbm>>
      %dma_wait3A_105 = tpu.memref_squeeze %dma_wait3A_104 : memref<1x128x128xf32, #tpu.memory_space<hbm>> -> memref<128x128xf32, #tpu.memory_space<hbm>>
      %dma_wait3A_106 = arith.constant 0 : i32
      %dma_wait3A_107 = tpu.memref_slice %arg4[%arg0, %add3A_79, %dma_wait3A_106] : memref<2x10112x128xf32, #tpu.memory_space<hbm>> -> memref<1x128x128xf32, #tpu.memory_space<hbm>>
      %dma_wait3A_108 = tpu.memref_squeeze %dma_wait3A_107 : memref<1x128x128xf32, #tpu.memory_space<hbm>> -> memref<128x128xf32, #tpu.memory_space<hbm>>
      %dma_wait3A_109 = arith.constant 0 : i32
      %dma_wait3A_110 = arith.constant 0 : i32
      %dma_wait3A_111 = tpu.memref_slice %arg8[%dma_wait3A_109, %dma_wait3A_110] : memref<128x128xf32, #tpu.memory_space<vmem>> -> memref<128x128xf32, #tpu.memory_space<vmem>>
      tpu.wait_dma2 semaphore(%run_scoped3A : memref<!tpu.dma_semaphore, #tpu.memory_space<semaphore_mem>>) src(%dma_wait3A_111 : memref<128x128xf32, #tpu.memory_space<vmem>>) dst(%dma_wait3A_108 : memref<128x128xf32, #tpu.memory_space<hbm>>)
      tpu.yield
    }) : () -> ()
    %mul3A_80 = arith.constant 632 : i32
    %mul3A_81 = arith.muli %arg1, %mul3A_80 : i32
    %add3A_82 = arith.constant 384 : i32
    %add3A_83 = arith.addi %mul3A_81, %add3A_82 : i32
    "tpu.region"() ({
      %run_scoped3A = tpu.sem_alloc : memref<!tpu.dma_semaphore, #tpu.memory_space<semaphore_mem>>
      %dma_start3A_88 = arith.constant 0 : i32
      %dma_start3A_89 = arith.constant 0 : i32
      %dma_start3A_90 = tpu.memref_slice %arg8[%dma_start3A_88, %dma_start3A_89] : memref<128x128xf32, #tpu.memory_space<vmem>> -> memref<128x128xf32, #tpu.memory_space<vmem>>
      %dma_start3A_91 = arith.constant 0 : i32
      %dma_start3A_92 = tpu.memref_slice %arg11[%add3A_83, %dma_start3A_91] : memref<10112x128xf32, #tpu.memory_space<vmem_shared>> -> memref<128x128xf32, #tpu.memory_space<vmem_shared>>
      %dma_start3A_93 = arith.constant 0 : i32
      %dma_start3A_94 = arith.constant 0 : i32
      %dma_start3A_95 = tpu.memref_slice %arg8[%dma_start3A_93, %dma_start3A_94] : memref<128x128xf32, #tpu.memory_space<vmem>> -> memref<128x128xf32, #tpu.memory_space<vmem>>
      %dma_start3A_96 = arith.constant 0 : i32
      %dma_start3A_97 = tpu.memref_slice %arg11[%add3A_83, %dma_start3A_96] : memref<10112x128xf32, #tpu.memory_space<vmem_shared>> -> memref<128x128xf32, #tpu.memory_space<vmem_shared>>
      tpu.enqueue_dma source(%dma_start3A_97 : memref<128x128xf32, #tpu.memory_space<vmem_shared>>) target(%dma_start3A_95 : memref<128x128xf32, #tpu.memory_space<vmem>>) target_semaphore(%run_scoped3A : memref<!tpu.dma_semaphore, #tpu.memory_space<semaphore_mem>>)
      %dma_wait3A_98 = arith.constant 0 : i32
      %dma_wait3A_99 = arith.constant 0 : i32
      %dma_wait3A_100 = tpu.memref_slice %arg8[%dma_wait3A_98, %dma_wait3A_99] : memref<128x128xf32, #tpu.memory_space<vmem>> -> memref<128x128xf32, #tpu.memory_space<vmem>>
      %dma_wait3A_101 = arith.constant 0 : i32
      %dma_wait3A_102 = tpu.memref_slice %arg11[%add3A_83, %dma_wait3A_101] : memref<10112x128xf32, #tpu.memory_space<vmem_shared>> -> memref<128x128xf32, #tpu.memory_space<vmem_shared>>
      %dma_wait3A_103 = arith.constant 0 : i32
      %dma_wait3A_104 = arith.constant 0 : i32
      %dma_wait3A_105 = tpu.memref_slice %arg8[%dma_wait3A_103, %dma_wait3A_104] : memref<128x128xf32, #tpu.memory_space<vmem>> -> memref<128x128xf32, #tpu.memory_space<vmem>>
      %dma_wait3A_106 = arith.constant 0 : i32
      %dma_wait3A_107 = tpu.memref_slice %arg11[%add3A_83, %dma_wait3A_106] : memref<10112x128xf32, #tpu.memory_space<vmem_shared>> -> memref<128x128xf32, #tpu.memory_space<vmem_shared>>
      tpu.wait_dma2 semaphore(%run_scoped3A : memref<!tpu.dma_semaphore, #tpu.memory_space<semaphore_mem>>) src(%dma_wait3A_107 : memref<128x128xf32, #tpu.memory_space<vmem_shared>>) dst(%dma_wait3A_105 : memref<128x128xf32, #tpu.memory_space<vmem>>)
      tpu.yield
    }) : () -> ()
    "tpu.region"() ({
      %run_scoped3A = tpu.sem_alloc : memref<!tpu.dma_semaphore, #tpu.memory_space<semaphore_mem>>
      %dma_start3A_88 = arith.constant 0 : i32
      %dma_start3A_89 = arith.constant 0 : i32
      %dma_start3A_90 = tpu.memref_slice %arg8[%dma_start3A_88, %dma_start3A_89] : memref<128x128xf32, #tpu.memory_space<vmem>> -> memref<128x128xf32, #tpu.memory_space<vmem>>
      %dma_start3A_91 = arith.constant 0 : i32
      %dma_start3A_92 = tpu.memref_slice %arg4[%arg0, %add3A_83, %dma_start3A_91] : memref<2x10112x128xf32, #tpu.memory_space<hbm>> -> memref<1x128x128xf32, #tpu.memory_space<hbm>>
      %dma_start3A_93 = tpu.memref_squeeze %dma_start3A_92 : memref<1x128x128xf32, #tpu.memory_space<hbm>> -> memref<128x128xf32, #tpu.memory_space<hbm>>
      %dma_start3A_94 = arith.constant 0 : i32
      %dma_start3A_95 = tpu.memref_slice %arg4[%arg0, %add3A_83, %dma_start3A_94] : memref<2x10112x128xf32, #tpu.memory_space<hbm>> -> memref<1x128x128xf32, #tpu.memory_space<hbm>>
      %dma_start3A_96 = tpu.memref_squeeze %dma_start3A_95 : memref<1x128x128xf32, #tpu.memory_space<hbm>> -> memref<128x128xf32, #tpu.memory_space<hbm>>
      %dma_start3A_97 = arith.constant 0 : i32
      %dma_start3A_98 = arith.constant 0 : i32
      %dma_start3A_99 = tpu.memref_slice %arg8[%dma_start3A_97, %dma_start3A_98] : memref<128x128xf32, #tpu.memory_space<vmem>> -> memref<128x128xf32, #tpu.memory_space<vmem>>
      tpu.enqueue_dma source(%dma_start3A_99 : memref<128x128xf32, #tpu.memory_space<vmem>>) target(%dma_start3A_96 : memref<128x128xf32, #tpu.memory_space<hbm>>) target_semaphore(%run_scoped3A : memref<!tpu.dma_semaphore, #tpu.memory_space<semaphore_mem>>)
      %dma_wait3A_100 = arith.constant 0 : i32
      %dma_wait3A_101 = arith.constant 0 : i32
      %dma_wait3A_102 = tpu.memref_slice %arg8[%dma_wait3A_100, %dma_wait3A_101] : memref<128x128xf32, #tpu.memory_space<vmem>> -> memref<128x128xf32, #tpu.memory_space<vmem>>
      %dma_wait3A_103 = arith.constant 0 : i32
      %dma_wait3A_104 = tpu.memref_slice %arg4[%arg0, %add3A_83, %dma_wait3A_103] : memref<2x10112x128xf32, #tpu.memory_space<hbm>> -> memref<1x128x128xf32, #tpu.memory_space<hbm>>
      %dma_wait3A_105 = tpu.memref_squeeze %dma_wait3A_104 : memref<1x128x128xf32, #tpu.memory_space<hbm>> -> memref<128x128xf32, #tpu.memory_space<hbm>>
      %dma_wait3A_106 = arith.constant 0 : i32
      %dma_wait3A_107 = tpu.memref_slice %arg4[%arg0, %add3A_83, %dma_wait3A_106] : memref<2x10112x128xf32, #tpu.memory_space<hbm>> -> memref<1x128x128xf32, #tpu.memory_space<hbm>>
      %dma_wait3A_108 = tpu.memref_squeeze %dma_wait3A_107 : memref<1x128x128xf32, #tpu.memory_space<hbm>> -> memref<128x128xf32, #tpu.memory_space<hbm>>
      %dma_wait3A_109 = arith.constant 0 : i32
      %dma_wait3A_110 = arith.constant 0 : i32
      %dma_wait3A_111 = tpu.memref_slice %arg8[%dma_wait3A_109, %dma_wait3A_110] : memref<128x128xf32, #tpu.memory_space<vmem>> -> memref<128x128xf32, #tpu.memory_space<vmem>>
      tpu.wait_dma2 semaphore(%run_scoped3A : memref<!tpu.dma_semaphore, #tpu.memory_space<semaphore_mem>>) src(%dma_wait3A_111 : memref<128x128xf32, #tpu.memory_space<vmem>>) dst(%dma_wait3A_108 : memref<128x128xf32, #tpu.memory_space<hbm>>)
      tpu.yield
    }) : () -> ()
    %mul3A_84 = arith.constant 632 : i32
    %mul3A_85 = arith.muli %arg1, %mul3A_84 : i32
    %add3A_86 = arith.constant 512 : i32
    %add3A_87 = arith.addi %mul3A_85, %add3A_86 : i32
    "tpu.region"() ({
      %run_scoped3A = tpu.sem_alloc : memref<!tpu.dma_semaphore, #tpu.memory_space<semaphore_mem>>
      %dma_start3A_88 = arith.constant 0 : i32
      %dma_start3A_89 = arith.constant 0 : i32
      %dma_start3A_90 = tpu.memref_slice %arg8[%dma_start3A_88, %dma_start3A_89] : memref<128x128xf32, #tpu.memory_space<vmem>> -> memref<120x128xf32, #tpu.memory_space<vmem>>
      %dma_start3A_91 = arith.constant 0 : i32
      %dma_start3A_92 = tpu.memref_slice %arg11[%add3A_87, %dma_start3A_91] : memref<10112x128xf32, #tpu.memory_space<vmem_shared>> -> memref<120x128xf32, #tpu.memory_space<vmem_shared>>
      %dma_start3A_93 = arith.constant 0 : i32
      %dma_start3A_94 = arith.constant 0 : i32
      %dma_start3A_95 = tpu.memref_slice %arg8[%dma_start3A_93, %dma_start3A_94] : memref<128x128xf32, #tpu.memory_space<vmem>> -> memref<120x128xf32, #tpu.memory_space<vmem>>
      %dma_start3A_96 = arith.constant 0 : i32
      %dma_start3A_97 = tpu.memref_slice %arg11[%add3A_87, %dma_start3A_96] : memref<10112x128xf32, #tpu.memory_space<vmem_shared>> -> memref<120x128xf32, #tpu.memory_space<vmem_shared>>
      tpu.enqueue_dma source(%dma_start3A_97 : memref<120x128xf32, #tpu.memory_space<vmem_shared>>) target(%dma_start3A_95 : memref<120x128xf32, #tpu.memory_space<vmem>>) target_semaphore(%run_scoped3A : memref<!tpu.dma_semaphore, #tpu.memory_space<semaphore_mem>>)
      %dma_wait3A_98 = arith.constant 0 : i32
      %dma_wait3A_99 = arith.constant 0 : i32
      %dma_wait3A_100 = tpu.memref_slice %arg8[%dma_wait3A_98, %dma_wait3A_99] : memref<128x128xf32, #tpu.memory_space<vmem>> -> memref<120x128xf32, #tpu.memory_space<vmem>>
      %dma_wait3A_101 = arith.constant 0 : i32
      %dma_wait3A_102 = tpu.memref_slice %arg11[%add3A_87, %dma_wait3A_101] : memref<10112x128xf32, #tpu.memory_space<vmem_shared>> -> memref<120x128xf32, #tpu.memory_space<vmem_shared>>
      %dma_wait3A_103 = arith.constant 0 : i32
      %dma_wait3A_104 = arith.constant 0 : i32
      %dma_wait3A_105 = tpu.memref_slice %arg8[%dma_wait3A_103, %dma_wait3A_104] : memref<128x128xf32, #tpu.memory_space<vmem>> -> memref<120x128xf32, #tpu.memory_space<vmem>>
      %dma_wait3A_106 = arith.constant 0 : i32
      %dma_wait3A_107 = tpu.memref_slice %arg11[%add3A_87, %dma_wait3A_106] : memref<10112x128xf32, #tpu.memory_space<vmem_shared>> -> memref<120x128xf32, #tpu.memory_space<vmem_shared>>
      tpu.wait_dma2 semaphore(%run_scoped3A : memref<!tpu.dma_semaphore, #tpu.memory_space<semaphore_mem>>) src(%dma_wait3A_107 : memref<120x128xf32, #tpu.memory_space<vmem_shared>>) dst(%dma_wait3A_105 : memref<120x128xf32, #tpu.memory_space<vmem>>)
      tpu.yield
    }) : () -> ()
    "tpu.region"() ({
      %run_scoped3A = tpu.sem_alloc : memref<!tpu.dma_semaphore, #tpu.memory_space<semaphore_mem>>
      %dma_start3A_88 = arith.constant 0 : i32
      %dma_start3A_89 = arith.constant 0 : i32
      %dma_start3A_90 = tpu.memref_slice %arg8[%dma_start3A_88, %dma_start3A_89] : memref<128x128xf32, #tpu.memory_space<vmem>> -> memref<120x128xf32, #tpu.memory_space<vmem>>
      %dma_start3A_91 = arith.constant 0 : i32
      %dma_start3A_92 = tpu.memref_slice %arg4[%arg0, %add3A_87, %dma_start3A_91] : memref<2x10112x128xf32, #tpu.memory_space<hbm>> -> memref<1x120x128xf32, #tpu.memory_space<hbm>>
      %dma_start3A_93 = tpu.memref_squeeze %dma_start3A_92 : memref<1x120x128xf32, #tpu.memory_space<hbm>> -> memref<120x128xf32, #tpu.memory_space<hbm>>
      %dma_start3A_94 = arith.constant 0 : i32
      %dma_start3A_95 = tpu.memref_slice %arg4[%arg0, %add3A_87, %dma_start3A_94] : memref<2x10112x128xf32, #tpu.memory_space<hbm>> -> memref<1x120x128xf32, #tpu.memory_space<hbm>>
      %dma_start3A_96 = tpu.memref_squeeze %dma_start3A_95 : memref<1x120x128xf32, #tpu.memory_space<hbm>> -> memref<120x128xf32, #tpu.memory_space<hbm>>
      %dma_start3A_97 = arith.constant 0 : i32
      %dma_start3A_98 = arith.constant 0 : i32
      %dma_start3A_99 = tpu.memref_slice %arg8[%dma_start3A_97, %dma_start3A_98] : memref<128x128xf32, #tpu.memory_space<vmem>> -> memref<120x128xf32, #tpu.memory_space<vmem>>
      tpu.enqueue_dma source(%dma_start3A_99 : memref<120x128xf32, #tpu.memory_space<vmem>>) target(%dma_start3A_96 : memref<120x128xf32, #tpu.memory_space<hbm>>) target_semaphore(%run_scoped3A : memref<!tpu.dma_semaphore, #tpu.memory_space<semaphore_mem>>)
      %dma_wait3A_100 = arith.constant 0 : i32
      %dma_wait3A_101 = arith.constant 0 : i32
      %dma_wait3A_102 = tpu.memref_slice %arg8[%dma_wait3A_100, %dma_wait3A_101] : memref<128x128xf32, #tpu.memory_space<vmem>> -> memref<120x128xf32, #tpu.memory_space<vmem>>
      %dma_wait3A_103 = arith.constant 0 : i32
      %dma_wait3A_104 = tpu.memref_slice %arg4[%arg0, %add3A_87, %dma_wait3A_103] : memref<2x10112x128xf32, #tpu.memory_space<hbm>> -> memref<1x120x128xf32, #tpu.memory_space<hbm>>
      %dma_wait3A_105 = tpu.memref_squeeze %dma_wait3A_104 : memref<1x120x128xf32, #tpu.memory_space<hbm>> -> memref<120x128xf32, #tpu.memory_space<hbm>>
      %dma_wait3A_106 = arith.constant 0 : i32
      %dma_wait3A_107 = tpu.memref_slice %arg4[%arg0, %add3A_87, %dma_wait3A_106] : memref<2x10112x128xf32, #tpu.memory_space<hbm>> -> memref<1x120x128xf32, #tpu.memory_space<hbm>>
      %dma_wait3A_108 = tpu.memref_squeeze %dma_wait3A_107 : memref<1x120x128xf32, #tpu.memory_space<hbm>> -> memref<120x128xf32, #tpu.memory_space<hbm>>
      %dma_wait3A_109 = arith.constant 0 : i32
      %dma_wait3A_110 = arith.constant 0 : i32
      %dma_wait3A_111 = tpu.memref_slice %arg8[%dma_wait3A_109, %dma_wait3A_110] : memref<128x128xf32, #tpu.memory_space<vmem>> -> memref<120x128xf32, #tpu.memory_space<vmem>>
      tpu.wait_dma2 semaphore(%run_scoped3A : memref<!tpu.dma_semaphore, #tpu.memory_space<semaphore_mem>>) src(%dma_wait3A_111 : memref<120x128xf32, #tpu.memory_space<vmem>>) dst(%dma_wait3A_108 : memref<120x128xf32, #tpu.memory_space<hbm>>)
      tpu.yield
    }) : () -> ()
    return
  }
}

#map = affine_map<(d0, d1) -> (0, 0)>
#map1 = affine_map<(d0, d1) -> (0)>
module attributes {stable_mosaic.version = 14 : i64} {
  func.func @_gather(%arg0: i32, %arg1: i32, %arg2: memref<10000x128xf32, #tpu.memory_space<hbm>>, %arg3: memref<10000x128xf32, #tpu.memory_space<hbm>>, %arg4: memref<640000xi32, #tpu.memory_space<hbm>>, %arg5: memref<160000x128xf32, #tpu.memory_space<hbm>>, %arg6: memref<5000xi32, #tpu.memory_space<vmem>>, %arg7: memref<5000xi32, #tpu.memory_space<vmem>>, %arg8: memref<128x128xf32, #tpu.memory_space<vmem>>, %arg9: memref<128x128xf32, #tpu.memory_space<vmem>>, %arg10: memref<128x128xf32, #tpu.memory_space<vmem>>, %arg11: memref<128x128xf32, #tpu.memory_space<vmem>>, %arg12: memref<!tpu.dma_semaphore, #tpu.memory_space<semaphore_mem>>, %arg13: memref<!tpu.dma_semaphore, #tpu.memory_space<semaphore_mem>>, %arg14: memref<!tpu.dma_semaphore, #tpu.memory_space<semaphore_mem>>, %arg15: memref<!tpu.dma_semaphore, #tpu.memory_space<semaphore_mem>>, %arg16: memref<!tpu.dma_semaphore, #tpu.memory_space<semaphore_mem>>, %arg17: memref<!tpu.dma_semaphore, #tpu.memory_space<semaphore_mem>>) attributes {dimension_semantics = [#tpu.dimension_semantics<core_parallel>, #tpu.dimension_semantics<subcore_parallel>], iteration_bounds = array<i64: 2, 16>, scalar_prefetch = 0 : i64, scratch_operands = 12 : i64, tpu.core_type = #tpu.core_type<sc_vector_subcore>, window_params = [{transform_indices = #map}, {transform_indices = #map}, {transform_indices = #map1}, {transform_indices = #map}]} {
    %mul3A = arith.constant 2 : i32
    %mul3A_0 = arith.muli %arg1, %mul3A : i32
    %add3A = arith.addi %mul3A_0, %arg0 : i32
    %mul3A_1 = arith.constant 5000 : i32
    %mul3A_2 = arith.muli %add3A, %mul3A_1 : i32
    %add3A_3 = arith.constant 320000 : i32
    %add3A_4 = arith.addi %add3A_3, %mul3A_2 : i32
    "tpu.region"() ({
      %run_scoped3A = tpu.sem_alloc : memref<!tpu.dma_semaphore, #tpu.memory_space<semaphore_mem>>
      %dma_start3A_90 = tpu.memref_slice %arg4[%add3A_4] : memref<640000xi32, #tpu.memory_space<hbm>> -> memref<5000xi32, #tpu.memory_space<hbm>>
      %dma_start3A_91 = tpu.memref_slice %arg4[%add3A_4] : memref<640000xi32, #tpu.memory_space<hbm>> -> memref<5000xi32, #tpu.memory_space<hbm>>
      tpu.enqueue_dma source(%dma_start3A_91 : memref<5000xi32, #tpu.memory_space<hbm>>) target(%arg6 : memref<5000xi32, #tpu.memory_space<vmem>>) target_semaphore(%run_scoped3A : memref<!tpu.dma_semaphore, #tpu.memory_space<semaphore_mem>>)
      %dma_wait3A_92 = tpu.memref_slice %arg4[%add3A_4] : memref<640000xi32, #tpu.memory_space<hbm>> -> memref<5000xi32, #tpu.memory_space<hbm>>
      %dma_wait3A_93 = tpu.memref_slice %arg4[%add3A_4] : memref<640000xi32, #tpu.memory_space<hbm>> -> memref<5000xi32, #tpu.memory_space<hbm>>
      tpu.wait_dma2 semaphore(%run_scoped3A : memref<!tpu.dma_semaphore, #tpu.memory_space<semaphore_mem>>) src(%dma_wait3A_93 : memref<5000xi32, #tpu.memory_space<hbm>>) dst(%arg6 : memref<5000xi32, #tpu.memory_space<vmem>>)
      tpu.yield
    }) : () -> ()
    %add3A_5 = arith.constant 0 : i32
    %add3A_6 = arith.addi %add3A_5, %mul3A_2 : i32
    "tpu.region"() ({
      %run_scoped3A = tpu.sem_alloc : memref<!tpu.dma_semaphore, #tpu.memory_space<semaphore_mem>>
      %dma_start3A_90 = tpu.memref_slice %arg4[%add3A_6] : memref<640000xi32, #tpu.memory_space<hbm>> -> memref<5000xi32, #tpu.memory_space<hbm>>
      %dma_start3A_91 = tpu.memref_slice %arg4[%add3A_6] : memref<640000xi32, #tpu.memory_space<hbm>> -> memref<5000xi32, #tpu.memory_space<hbm>>
      tpu.enqueue_dma source(%dma_start3A_91 : memref<5000xi32, #tpu.memory_space<hbm>>) target(%arg7 : memref<5000xi32, #tpu.memory_space<vmem>>) target_semaphore(%run_scoped3A : memref<!tpu.dma_semaphore, #tpu.memory_space<semaphore_mem>>)
      %dma_wait3A_92 = tpu.memref_slice %arg4[%add3A_6] : memref<640000xi32, #tpu.memory_space<hbm>> -> memref<5000xi32, #tpu.memory_space<hbm>>
      %dma_wait3A_93 = tpu.memref_slice %arg4[%add3A_6] : memref<640000xi32, #tpu.memory_space<hbm>> -> memref<5000xi32, #tpu.memory_space<hbm>>
      tpu.wait_dma2 semaphore(%run_scoped3A : memref<!tpu.dma_semaphore, #tpu.memory_space<semaphore_mem>>) src(%dma_wait3A_93 : memref<5000xi32, #tpu.memory_space<hbm>>) dst(%arg7 : memref<5000xi32, #tpu.memory_space<vmem>>)
      tpu.yield
    }) : () -> ()
    %dma_start3A = arith.constant 0 : i32
    %dma_start3A_7 = tpu.memref_slice %arg6[%dma_start3A] : memref<5000xi32, #tpu.memory_space<vmem>> -> memref<128xi32, #tpu.memory_space<vmem>>
    %dma_start3A_8 = arith.constant 0 : i32
    %dma_start3A_9 = arith.constant 0 : i32
    %dma_start3A_10 = tpu.memref_slice %arg2[%dma_start3A_8, %dma_start3A_9] : memref<10000x128xf32, #tpu.memory_space<hbm>> -> memref<10000x128xf32, #tpu.memory_space<hbm>>
    tpu.enqueue_indirect_dma source(%dma_start3A_10 : memref<10000x128xf32, #tpu.memory_space<hbm>>) target(%arg8 : memref<128x128xf32, #tpu.memory_space<vmem>>) offsets(%dma_start3A_7 : memref<128xi32, #tpu.memory_space<vmem>>) semaphore(%arg12 : memref<!tpu.dma_semaphore, #tpu.memory_space<semaphore_mem>>)
    %dma_start3A_11 = arith.constant 0 : i32
    %dma_start3A_12 = tpu.memref_slice %arg7[%dma_start3A_11] : memref<5000xi32, #tpu.memory_space<vmem>> -> memref<128xi32, #tpu.memory_space<vmem>>
    %dma_start3A_13 = arith.constant 0 : i32
    %dma_start3A_14 = arith.constant 0 : i32
    %dma_start3A_15 = tpu.memref_slice %arg3[%dma_start3A_13, %dma_start3A_14] : memref<10000x128xf32, #tpu.memory_space<hbm>> -> memref<10000x128xf32, #tpu.memory_space<hbm>>
    tpu.enqueue_indirect_dma source(%dma_start3A_15 : memref<10000x128xf32, #tpu.memory_space<hbm>>) target(%arg10 : memref<128x128xf32, #tpu.memory_space<vmem>>) offsets(%dma_start3A_12 : memref<128xi32, #tpu.memory_space<vmem>>) semaphore(%arg14 : memref<!tpu.dma_semaphore, #tpu.memory_space<semaphore_mem>>)
    %scan3A = arith.constant 0 : i32
    %scan3A_16 = arith.constant 0 : i32
    %scan3A_17 = arith.constant 19 : i32
    %scan3A_18 = arith.addi %scan3A_16, %scan3A_17 : i32
    %scan3A_19 = arith.constant 1 : i32
    scf.for %scan3A_90 = %scan3A_16 to %scan3A_18 step %scan3A_19  : i32 {
      %mul3A_91 = arith.constant 2 : i32
      %mul3A_92 = arith.muli %mul3A_91, %scan3A_90 : i32
      %add3A_93 = arith.constant 0 : i32
      %add3A_94 = arith.addi %mul3A_92, %add3A_93 : i32
      %add3A_95 = arith.constant 1 : i32
      %add3A_96 = arith.addi %add3A_94, %add3A_95 : i32
      %lt3A = arith.constant 39 : i32
      %lt3A_97 = arith.cmpi slt, %add3A_96, %lt3A : i32
      %convert_element_type3A = arith.extui %lt3A_97 : i1 to i32
      %cond3A = arith.constant 0 : i32
      %cond3A_98 = arith.cmpi ne, %convert_element_type3A, %cond3A : i32
      scf.if %cond3A_98 {
        %ge3A = arith.constant 1 : i32
        %ge3A_156 = arith.cmpi sge, %add3A_94, %ge3A : i32
        %convert_element_type3A_157 = arith.extui %ge3A_156 : i1 to i32
        %cond3A_158 = arith.constant 0 : i32
        %cond3A_159 = arith.cmpi ne, %convert_element_type3A_157, %cond3A_158 : i32
        scf.if %cond3A_159 {
          %dma_wait3A_172 = arith.constant 0 : i32
          %dma_wait3A_173 = tpu.memref_slice %arg5[%mul3A_2, %dma_wait3A_172] : memref<160000x128xf32, #tpu.memory_space<hbm>> -> memref<128x128xf32, #tpu.memory_space<hbm>>
          %dma_wait3A_174 = arith.constant 0 : i32
          %dma_wait3A_175 = tpu.memref_slice %arg5[%mul3A_2, %dma_wait3A_174] : memref<160000x128xf32, #tpu.memory_space<hbm>> -> memref<128x128xf32, #tpu.memory_space<hbm>>
          tpu.wait_dma2 semaphore(%arg17 : memref<!tpu.dma_semaphore, #tpu.memory_space<semaphore_mem>>) src(%arg9 : memref<128x128xf32, #tpu.memory_space<vmem>>) dst(%dma_wait3A_175 : memref<128x128xf32, #tpu.memory_space<hbm>>)
        } else {
        }
        %add3A_160 = arith.constant 1 : i32
        %add3A_161 = arith.addi %add3A_94, %add3A_160 : i32
        %mul3A_162 = arith.constant 128 : i32
        %mul3A_163 = arith.muli %add3A_161, %mul3A_162 : i32
        %dma_start3A_164 = tpu.memref_slice %arg6[%mul3A_163] : memref<5000xi32, #tpu.memory_space<vmem>> -> memref<128xi32, #tpu.memory_space<vmem>>
        %dma_start3A_165 = arith.constant 0 : i32
        %dma_start3A_166 = arith.constant 0 : i32
        %dma_start3A_167 = tpu.memref_slice %arg2[%dma_start3A_165, %dma_start3A_166] : memref<10000x128xf32, #tpu.memory_space<hbm>> -> memref<10000x128xf32, #tpu.memory_space<hbm>>
        tpu.enqueue_indirect_dma source(%dma_start3A_167 : memref<10000x128xf32, #tpu.memory_space<hbm>>) target(%arg9 : memref<128x128xf32, #tpu.memory_space<vmem>>) offsets(%dma_start3A_164 : memref<128xi32, #tpu.memory_space<vmem>>) semaphore(%arg13 : memref<!tpu.dma_semaphore, #tpu.memory_space<semaphore_mem>>)
        %dma_start3A_168 = tpu.memref_slice %arg7[%mul3A_163] : memref<5000xi32, #tpu.memory_space<vmem>> -> memref<128xi32, #tpu.memory_space<vmem>>
        %dma_start3A_169 = arith.constant 0 : i32
        %dma_start3A_170 = arith.constant 0 : i32
        %dma_start3A_171 = tpu.memref_slice %arg3[%dma_start3A_169, %dma_start3A_170] : memref<10000x128xf32, #tpu.memory_space<hbm>> -> memref<10000x128xf32, #tpu.memory_space<hbm>>
        tpu.enqueue_indirect_dma source(%dma_start3A_171 : memref<10000x128xf32, #tpu.memory_space<hbm>>) target(%arg11 : memref<128x128xf32, #tpu.memory_space<vmem>>) offsets(%dma_start3A_168 : memref<128xi32, #tpu.memory_space<vmem>>) semaphore(%arg15 : memref<!tpu.dma_semaphore, #tpu.memory_space<semaphore_mem>>)
      } else {
      }
      %dma_wait3A_99 = arith.constant 0 : i32
      %dma_wait3A_100 = tpu.memref_slice %arg6[%dma_wait3A_99] : memref<5000xi32, #tpu.memory_space<vmem>> -> memref<128xi32, #tpu.memory_space<vmem>>
      %dma_wait3A_101 = arith.constant 0 : i32
      %dma_wait3A_102 = arith.constant 0 : i32
      %dma_wait3A_103 = tpu.memref_slice %arg2[%dma_wait3A_101, %dma_wait3A_102] : memref<10000x128xf32, #tpu.memory_space<hbm>> -> memref<10000x128xf32, #tpu.memory_space<hbm>>
      tpu.wait_indirect_dma semaphore(%arg12 : memref<!tpu.dma_semaphore, #tpu.memory_space<semaphore_mem>>) src(%dma_wait3A_103 : memref<10000x128xf32, #tpu.memory_space<hbm>>) dst(%arg8 : memref<128x128xf32, #tpu.memory_space<vmem>>)
      %dma_wait3A_104 = arith.constant 0 : i32
      %dma_wait3A_105 = tpu.memref_slice %arg7[%dma_wait3A_104] : memref<5000xi32, #tpu.memory_space<vmem>> -> memref<128xi32, #tpu.memory_space<vmem>>
      %dma_wait3A_106 = arith.constant 0 : i32
      %dma_wait3A_107 = arith.constant 0 : i32
      %dma_wait3A_108 = tpu.memref_slice %arg3[%dma_wait3A_106, %dma_wait3A_107] : memref<10000x128xf32, #tpu.memory_space<hbm>> -> memref<10000x128xf32, #tpu.memory_space<hbm>>
      tpu.wait_indirect_dma semaphore(%arg14 : memref<!tpu.dma_semaphore, #tpu.memory_space<semaphore_mem>>) src(%dma_wait3A_108 : memref<10000x128xf32, #tpu.memory_space<hbm>>) dst(%arg10 : memref<128x128xf32, #tpu.memory_space<vmem>>)
      %scan3A_109 = arith.constant 0 : i32
      %scan3A_110 = arith.constant 0 : i32
      %scan3A_111 = arith.constant 128 : i32
      %scan3A_112 = arith.addi %scan3A_110, %scan3A_111 : i32
      %scan3A_113 = arith.constant 1 : i32
      scf.for %scan3A_156 = %scan3A_110 to %scan3A_112 step %scan3A_113  : i32 {
        %get3A = arith.index_cast %scan3A_156 : i32 to index
        %get3A_157 = arith.constant 0 : index
        %get3A_158 = tpu.vector_load %arg8[%get3A, %get3A_157] {strides = array<i32>} : memref<128x128xf32, #tpu.memory_space<vmem>>, vector<1x16xf32>,
        %get3A_159 = vector.shape_cast %get3A_158 : vector<1x16xf32> to vector<16xf32>
        %get3A_160 = arith.index_cast %scan3A_156 : i32 to index
        %get3A_161 = arith.constant 0 : index
        %get3A_162 = tpu.vector_load %arg10[%get3A_160, %get3A_161] {strides = array<i32>} : memref<128x128xf32, #tpu.memory_space<vmem>>, vector<1x16xf32>,
        %get3A_163 = vector.shape_cast %get3A_162 : vector<1x16xf32> to vector<16xf32>
        %add3A_164 = arith.addf %get3A_159, %get3A_163 : vector<16xf32>
        %swap3A = arith.index_cast %scan3A_156 : i32 to index
        %swap3A_165 = arith.constant 0 : index
        %swap3A_166 = tpu.vector_load %arg8[%swap3A, %swap3A_165] {strides = array<i32>} : memref<128x128xf32, #tpu.memory_space<vmem>>, vector<1x16xf32>,
        %swap3A_167 = vector.shape_cast %swap3A_166 : vector<1x16xf32> to vector<16xf32>
        %swap3A_168 = vector.shape_cast %add3A_164 : vector<16xf32> to vector<1x16xf32>
        tpu.vector_store %arg8[%swap3A, %swap3A_165], %swap3A_168 {strides = array<i32>} : memref<128x128xf32, #tpu.memory_space<vmem>>, vector<1x16xf32>,
        %get3A_169 = arith.index_cast %scan3A_156 : i32 to index
        %get3A_170 = arith.constant 16 : index
        %get3A_171 = tpu.vector_load %arg8[%get3A_169, %get3A_170] {strides = array<i32>} : memref<128x128xf32, #tpu.memory_space<vmem>>, vector<1x16xf32>,
        %get3A_172 = vector.shape_cast %get3A_171 : vector<1x16xf32> to vector<16xf32>
        %get3A_173 = arith.index_cast %scan3A_156 : i32 to index
        %get3A_174 = arith.constant 16 : index
        %get3A_175 = tpu.vector_load %arg10[%get3A_173, %get3A_174] {strides = array<i32>} : memref<128x128xf32, #tpu.memory_space<vmem>>, vector<1x16xf32>,
        %get3A_176 = vector.shape_cast %get3A_175 : vector<1x16xf32> to vector<16xf32>
        %add3A_177 = arith.addf %get3A_172, %get3A_176 : vector<16xf32>
        %swap3A_178 = arith.index_cast %scan3A_156 : i32 to index
        %swap3A_179 = arith.constant 16 : index
        %swap3A_180 = tpu.vector_load %arg8[%swap3A_178, %swap3A_179] {strides = array<i32>} : memref<128x128xf32, #tpu.memory_space<vmem>>, vector<1x16xf32>,
        %swap3A_181 = vector.shape_cast %swap3A_180 : vector<1x16xf32> to vector<16xf32>
        %swap3A_182 = vector.shape_cast %add3A_177 : vector<16xf32> to vector<1x16xf32>
        tpu.vector_store %arg8[%swap3A_178, %swap3A_179], %swap3A_182 {strides = array<i32>} : memref<128x128xf32, #tpu.memory_space<vmem>>, vector<1x16xf32>,
        %get3A_183 = arith.index_cast %scan3A_156 : i32 to index
        %get3A_184 = arith.constant 32 : index
        %get3A_185 = tpu.vector_load %arg8[%get3A_183, %get3A_184] {strides = array<i32>} : memref<128x128xf32, #tpu.memory_space<vmem>>, vector<1x16xf32>,
        %get3A_186 = vector.shape_cast %get3A_185 : vector<1x16xf32> to vector<16xf32>
        %get3A_187 = arith.index_cast %scan3A_156 : i32 to index
        %get3A_188 = arith.constant 32 : index
        %get3A_189 = tpu.vector_load %arg10[%get3A_187, %get3A_188] {strides = array<i32>} : memref<128x128xf32, #tpu.memory_space<vmem>>, vector<1x16xf32>,
        %get3A_190 = vector.shape_cast %get3A_189 : vector<1x16xf32> to vector<16xf32>
        %add3A_191 = arith.addf %get3A_186, %get3A_190 : vector<16xf32>
        %swap3A_192 = arith.index_cast %scan3A_156 : i32 to index
        %swap3A_193 = arith.constant 32 : index
        %swap3A_194 = tpu.vector_load %arg8[%swap3A_192, %swap3A_193] {strides = array<i32>} : memref<128x128xf32, #tpu.memory_space<vmem>>, vector<1x16xf32>,
        %swap3A_195 = vector.shape_cast %swap3A_194 : vector<1x16xf32> to vector<16xf32>
        %swap3A_196 = vector.shape_cast %add3A_191 : vector<16xf32> to vector<1x16xf32>
        tpu.vector_store %arg8[%swap3A_192, %swap3A_193], %swap3A_196 {strides = array<i32>} : memref<128x128xf32, #tpu.memory_space<vmem>>, vector<1x16xf32>,
        %get3A_197 = arith.index_cast %scan3A_156 : i32 to index
        %get3A_198 = arith.constant 48 : index
        %get3A_199 = tpu.vector_load %arg8[%get3A_197, %get3A_198] {strides = array<i32>} : memref<128x128xf32, #tpu.memory_space<vmem>>, vector<1x16xf32>,
        %get3A_200 = vector.shape_cast %get3A_199 : vector<1x16xf32> to vector<16xf32>
        %get3A_201 = arith.index_cast %scan3A_156 : i32 to index
        %get3A_202 = arith.constant 48 : index
        %get3A_203 = tpu.vector_load %arg10[%get3A_201, %get3A_202] {strides = array<i32>} : memref<128x128xf32, #tpu.memory_space<vmem>>, vector<1x16xf32>,
        %get3A_204 = vector.shape_cast %get3A_203 : vector<1x16xf32> to vector<16xf32>
        %add3A_205 = arith.addf %get3A_200, %get3A_204 : vector<16xf32>
        %swap3A_206 = arith.index_cast %scan3A_156 : i32 to index
        %swap3A_207 = arith.constant 48 : index
        %swap3A_208 = tpu.vector_load %arg8[%swap3A_206, %swap3A_207] {strides = array<i32>} : memref<128x128xf32, #tpu.memory_space<vmem>>, vector<1x16xf32>,
        %swap3A_209 = vector.shape_cast %swap3A_208 : vector<1x16xf32> to vector<16xf32>
        %swap3A_210 = vector.shape_cast %add3A_205 : vector<16xf32> to vector<1x16xf32>
        tpu.vector_store %arg8[%swap3A_206, %swap3A_207], %swap3A_210 {strides = array<i32>} : memref<128x128xf32, #tpu.memory_space<vmem>>, vector<1x16xf32>,
        %get3A_211 = arith.index_cast %scan3A_156 : i32 to index
        %get3A_212 = arith.constant 64 : index
        %get3A_213 = tpu.vector_load %arg8[%get3A_211, %get3A_212] {strides = array<i32>} : memref<128x128xf32, #tpu.memory_space<vmem>>, vector<1x16xf32>,
        %get3A_214 = vector.shape_cast %get3A_213 : vector<1x16xf32> to vector<16xf32>
        %get3A_215 = arith.index_cast %scan3A_156 : i32 to index
        %get3A_216 = arith.constant 64 : index
        %get3A_217 = tpu.vector_load %arg10[%get3A_215, %get3A_216] {strides = array<i32>} : memref<128x128xf32, #tpu.memory_space<vmem>>, vector<1x16xf32>,
        %get3A_218 = vector.shape_cast %get3A_217 : vector<1x16xf32> to vector<16xf32>
        %add3A_219 = arith.addf %get3A_214, %get3A_218 : vector<16xf32>
        %swap3A_220 = arith.index_cast %scan3A_156 : i32 to index
        %swap3A_221 = arith.constant 64 : index
        %swap3A_222 = tpu.vector_load %arg8[%swap3A_220, %swap3A_221] {strides = array<i32>} : memref<128x128xf32, #tpu.memory_space<vmem>>, vector<1x16xf32>,
        %swap3A_223 = vector.shape_cast %swap3A_222 : vector<1x16xf32> to vector<16xf32>
        %swap3A_224 = vector.shape_cast %add3A_219 : vector<16xf32> to vector<1x16xf32>
        tpu.vector_store %arg8[%swap3A_220, %swap3A_221], %swap3A_224 {strides = array<i32>} : memref<128x128xf32, #tpu.memory_space<vmem>>, vector<1x16xf32>,
        %get3A_225 = arith.index_cast %scan3A_156 : i32 to index
        %get3A_226 = arith.constant 80 : index
        %get3A_227 = tpu.vector_load %arg8[%get3A_225, %get3A_226] {strides = array<i32>} : memref<128x128xf32, #tpu.memory_space<vmem>>, vector<1x16xf32>,
        %get3A_228 = vector.shape_cast %get3A_227 : vector<1x16xf32> to vector<16xf32>
        %get3A_229 = arith.index_cast %scan3A_156 : i32 to index
        %get3A_230 = arith.constant 80 : index
        %get3A_231 = tpu.vector_load %arg10[%get3A_229, %get3A_230] {strides = array<i32>} : memref<128x128xf32, #tpu.memory_space<vmem>>, vector<1x16xf32>,
        %get3A_232 = vector.shape_cast %get3A_231 : vector<1x16xf32> to vector<16xf32>
        %add3A_233 = arith.addf %get3A_228, %get3A_232 : vector<16xf32>
        %swap3A_234 = arith.index_cast %scan3A_156 : i32 to index
        %swap3A_235 = arith.constant 80 : index
        %swap3A_236 = tpu.vector_load %arg8[%swap3A_234, %swap3A_235] {strides = array<i32>} : memref<128x128xf32, #tpu.memory_space<vmem>>, vector<1x16xf32>,
        %swap3A_237 = vector.shape_cast %swap3A_236 : vector<1x16xf32> to vector<16xf32>
        %swap3A_238 = vector.shape_cast %add3A_233 : vector<16xf32> to vector<1x16xf32>
        tpu.vector_store %arg8[%swap3A_234, %swap3A_235], %swap3A_238 {strides = array<i32>} : memref<128x128xf32, #tpu.memory_space<vmem>>, vector<1x16xf32>,
        %get3A_239 = arith.index_cast %scan3A_156 : i32 to index
        %get3A_240 = arith.constant 96 : index
        %get3A_241 = tpu.vector_load %arg8[%get3A_239, %get3A_240] {strides = array<i32>} : memref<128x128xf32, #tpu.memory_space<vmem>>, vector<1x16xf32>,
        %get3A_242 = vector.shape_cast %get3A_241 : vector<1x16xf32> to vector<16xf32>
        %get3A_243 = arith.index_cast %scan3A_156 : i32 to index
        %get3A_244 = arith.constant 96 : index
        %get3A_245 = tpu.vector_load %arg10[%get3A_243, %get3A_244] {strides = array<i32>} : memref<128x128xf32, #tpu.memory_space<vmem>>, vector<1x16xf32>,
        %get3A_246 = vector.shape_cast %get3A_245 : vector<1x16xf32> to vector<16xf32>
        %add3A_247 = arith.addf %get3A_242, %get3A_246 : vector<16xf32>
        %swap3A_248 = arith.index_cast %scan3A_156 : i32 to index
        %swap3A_249 = arith.constant 96 : index
        %swap3A_250 = tpu.vector_load %arg8[%swap3A_248, %swap3A_249] {strides = array<i32>} : memref<128x128xf32, #tpu.memory_space<vmem>>, vector<1x16xf32>,
        %swap3A_251 = vector.shape_cast %swap3A_250 : vector<1x16xf32> to vector<16xf32>
        %swap3A_252 = vector.shape_cast %add3A_247 : vector<16xf32> to vector<1x16xf32>
        tpu.vector_store %arg8[%swap3A_248, %swap3A_249], %swap3A_252 {strides = array<i32>} : memref<128x128xf32, #tpu.memory_space<vmem>>, vector<1x16xf32>,
        %get3A_253 = arith.index_cast %scan3A_156 : i32 to index
        %get3A_254 = arith.constant 112 : index
        %get3A_255 = tpu.vector_load %arg8[%get3A_253, %get3A_254] {strides = array<i32>} : memref<128x128xf32, #tpu.memory_space<vmem>>, vector<1x16xf32>,
        %get3A_256 = vector.shape_cast %get3A_255 : vector<1x16xf32> to vector<16xf32>
        %get3A_257 = arith.index_cast %scan3A_156 : i32 to index
        %get3A_258 = arith.constant 112 : index
        %get3A_259 = tpu.vector_load %arg10[%get3A_257, %get3A_258] {strides = array<i32>} : memref<128x128xf32, #tpu.memory_space<vmem>>, vector<1x16xf32>,
        %get3A_260 = vector.shape_cast %get3A_259 : vector<1x16xf32> to vector<16xf32>
        %add3A_261 = arith.addf %get3A_256, %get3A_260 : vector<16xf32>
        %swap3A_262 = arith.index_cast %scan3A_156 : i32 to index
        %swap3A_263 = arith.constant 112 : index
        %swap3A_264 = tpu.vector_load %arg8[%swap3A_262, %swap3A_263] {strides = array<i32>} : memref<128x128xf32, #tpu.memory_space<vmem>>, vector<1x16xf32>,
        %swap3A_265 = vector.shape_cast %swap3A_264 : vector<1x16xf32> to vector<16xf32>
        %swap3A_266 = vector.shape_cast %add3A_261 : vector<16xf32> to vector<1x16xf32>
        tpu.vector_store %arg8[%swap3A_262, %swap3A_263], %swap3A_266 {strides = array<i32>} : memref<128x128xf32, #tpu.memory_space<vmem>>, vector<1x16xf32>,
      }
      %scan3A_114 = arith.constant 128 : i32
      %mul3A_115 = arith.constant 128 : i32
      %mul3A_116 = arith.muli %add3A_94, %mul3A_115 : i32
      %add3A_117 = arith.addi %mul3A_2, %mul3A_116 : i32
      %dma_start3A_118 = arith.constant 0 : i32
      %dma_start3A_119 = tpu.memref_slice %arg5[%add3A_117, %dma_start3A_118] : memref<160000x128xf32, #tpu.memory_space<hbm>> -> memref<128x128xf32, #tpu.memory_space<hbm>>
      %dma_start3A_120 = arith.constant 0 : i32
      %dma_start3A_121 = tpu.memref_slice %arg5[%add3A_117, %dma_start3A_120] : memref<160000x128xf32, #tpu.memory_space<hbm>> -> memref<128x128xf32, #tpu.memory_space<hbm>>
      tpu.enqueue_dma source(%arg8 : memref<128x128xf32, #tpu.memory_space<vmem>>) target(%dma_start3A_121 : memref<128x128xf32, #tpu.memory_space<hbm>>) target_semaphore(%arg16 : memref<!tpu.dma_semaphore, #tpu.memory_space<semaphore_mem>>)
      %mul3A_122 = arith.constant 2 : i32
      %mul3A_123 = arith.muli %mul3A_122, %scan3A_90 : i32
      %add3A_124 = arith.constant 1 : i32
      %add3A_125 = arith.addi %mul3A_123, %add3A_124 : i32
      %add3A_126 = arith.constant 1 : i32
      %add3A_127 = arith.addi %add3A_125, %add3A_126 : i32
      %lt3A_128 = arith.constant 39 : i32
      %lt3A_129 = arith.cmpi slt, %add3A_127, %lt3A_128 : i32
      %convert_element_type3A_130 = arith.extui %lt3A_129 : i1 to i32
      %cond3A_131 = arith.constant 0 : i32
      %cond3A_132 = arith.cmpi ne, %convert_element_type3A_130, %cond3A_131 : i32
      scf.if %cond3A_132 {
        %ge3A = arith.constant 1 : i32
        %ge3A_156 = arith.cmpi sge, %add3A_125, %ge3A : i32
        %convert_element_type3A_157 = arith.extui %ge3A_156 : i1 to i32
        %cond3A_158 = arith.constant 0 : i32
        %cond3A_159 = arith.cmpi ne, %convert_element_type3A_157, %cond3A_158 : i32
        scf.if %cond3A_159 {
          %dma_wait3A_172 = arith.constant 0 : i32
          %dma_wait3A_173 = tpu.memref_slice %arg5[%mul3A_2, %dma_wait3A_172] : memref<160000x128xf32, #tpu.memory_space<hbm>> -> memref<128x128xf32, #tpu.memory_space<hbm>>
          %dma_wait3A_174 = arith.constant 0 : i32
          %dma_wait3A_175 = tpu.memref_slice %arg5[%mul3A_2, %dma_wait3A_174] : memref<160000x128xf32, #tpu.memory_space<hbm>> -> memref<128x128xf32, #tpu.memory_space<hbm>>
          tpu.wait_dma2 semaphore(%arg16 : memref<!tpu.dma_semaphore, #tpu.memory_space<semaphore_mem>>) src(%arg8 : memref<128x128xf32, #tpu.memory_space<vmem>>) dst(%dma_wait3A_175 : memref<128x128xf32, #tpu.memory_space<hbm>>)
        } else {
        }
        %add3A_160 = arith.constant 1 : i32
        %add3A_161 = arith.addi %add3A_125, %add3A_160 : i32
        %mul3A_162 = arith.constant 128 : i32
        %mul3A_163 = arith.muli %add3A_161, %mul3A_162 : i32
        %dma_start3A_164 = tpu.memref_slice %arg6[%mul3A_163] : memref<5000xi32, #tpu.memory_space<vmem>> -> memref<128xi32, #tpu.memory_space<vmem>>
        %dma_start3A_165 = arith.constant 0 : i32
        %dma_start3A_166 = arith.constant 0 : i32
        %dma_start3A_167 = tpu.memref_slice %arg2[%dma_start3A_165, %dma_start3A_166] : memref<10000x128xf32, #tpu.memory_space<hbm>> -> memref<10000x128xf32, #tpu.memory_space<hbm>>
        tpu.enqueue_indirect_dma source(%dma_start3A_167 : memref<10000x128xf32, #tpu.memory_space<hbm>>) target(%arg8 : memref<128x128xf32, #tpu.memory_space<vmem>>) offsets(%dma_start3A_164 : memref<128xi32, #tpu.memory_space<vmem>>) semaphore(%arg12 : memref<!tpu.dma_semaphore, #tpu.memory_space<semaphore_mem>>)
        %dma_start3A_168 = tpu.memref_slice %arg7[%mul3A_163] : memref<5000xi32, #tpu.memory_space<vmem>> -> memref<128xi32, #tpu.memory_space<vmem>>
        %dma_start3A_169 = arith.constant 0 : i32
        %dma_start3A_170 = arith.constant 0 : i32
        %dma_start3A_171 = tpu.memref_slice %arg3[%dma_start3A_169, %dma_start3A_170] : memref<10000x128xf32, #tpu.memory_space<hbm>> -> memref<10000x128xf32, #tpu.memory_space<hbm>>
        tpu.enqueue_indirect_dma source(%dma_start3A_171 : memref<10000x128xf32, #tpu.memory_space<hbm>>) target(%arg10 : memref<128x128xf32, #tpu.memory_space<vmem>>) offsets(%dma_start3A_168 : memref<128xi32, #tpu.memory_space<vmem>>) semaphore(%arg14 : memref<!tpu.dma_semaphore, #tpu.memory_space<semaphore_mem>>)
      } else {
      }
      %dma_wait3A_133 = arith.constant 0 : i32
      %dma_wait3A_134 = tpu.memref_slice %arg6[%dma_wait3A_133] : memref<5000xi32, #tpu.memory_space<vmem>> -> memref<128xi32, #tpu.memory_space<vmem>>
      %dma_wait3A_135 = arith.constant 0 : i32
      %dma_wait3A_136 = arith.constant 0 : i32
      %dma_wait3A_137 = tpu.memref_slice %arg2[%dma_wait3A_135, %dma_wait3A_136] : memref<10000x128xf32, #tpu.memory_space<hbm>> -> memref<10000x128xf32, #tpu.memory_space<hbm>>
      tpu.wait_indirect_dma semaphore(%arg13 : memref<!tpu.dma_semaphore, #tpu.memory_space<semaphore_mem>>) src(%dma_wait3A_137 : memref<10000x128xf32, #tpu.memory_space<hbm>>) dst(%arg9 : memref<128x128xf32, #tpu.memory_space<vmem>>)
      %dma_wait3A_138 = arith.constant 0 : i32
      %dma_wait3A_139 = tpu.memref_slice %arg7[%dma_wait3A_138] : memref<5000xi32, #tpu.memory_space<vmem>> -> memref<128xi32, #tpu.memory_space<vmem>>
      %dma_wait3A_140 = arith.constant 0 : i32
      %dma_wait3A_141 = arith.constant 0 : i32
      %dma_wait3A_142 = tpu.memref_slice %arg3[%dma_wait3A_140, %dma_wait3A_141] : memref<10000x128xf32, #tpu.memory_space<hbm>> -> memref<10000x128xf32, #tpu.memory_space<hbm>>
      tpu.wait_indirect_dma semaphore(%arg15 : memref<!tpu.dma_semaphore, #tpu.memory_space<semaphore_mem>>) src(%dma_wait3A_142 : memref<10000x128xf32, #tpu.memory_space<hbm>>) dst(%arg11 : memref<128x128xf32, #tpu.memory_space<vmem>>)
      %scan3A_143 = arith.constant 0 : i32
      %scan3A_144 = arith.constant 0 : i32
      %scan3A_145 = arith.constant 128 : i32
      %scan3A_146 = arith.addi %scan3A_144, %scan3A_145 : i32
      %scan3A_147 = arith.constant 1 : i32
      scf.for %scan3A_156 = %scan3A_144 to %scan3A_146 step %scan3A_147  : i32 {
        %get3A = arith.index_cast %scan3A_156 : i32 to index
        %get3A_157 = arith.constant 0 : index
        %get3A_158 = tpu.vector_load %arg9[%get3A, %get3A_157] {strides = array<i32>} : memref<128x128xf32, #tpu.memory_space<vmem>>, vector<1x16xf32>,
        %get3A_159 = vector.shape_cast %get3A_158 : vector<1x16xf32> to vector<16xf32>
        %get3A_160 = arith.index_cast %scan3A_156 : i32 to index
        %get3A_161 = arith.constant 0 : index
        %get3A_162 = tpu.vector_load %arg11[%get3A_160, %get3A_161] {strides = array<i32>} : memref<128x128xf32, #tpu.memory_space<vmem>>, vector<1x16xf32>,
        %get3A_163 = vector.shape_cast %get3A_162 : vector<1x16xf32> to vector<16xf32>
        %add3A_164 = arith.addf %get3A_159, %get3A_163 : vector<16xf32>
        %swap3A = arith.index_cast %scan3A_156 : i32 to index
        %swap3A_165 = arith.constant 0 : index
        %swap3A_166 = tpu.vector_load %arg9[%swap3A, %swap3A_165] {strides = array<i32>} : memref<128x128xf32, #tpu.memory_space<vmem>>, vector<1x16xf32>,
        %swap3A_167 = vector.shape_cast %swap3A_166 : vector<1x16xf32> to vector<16xf32>
        %swap3A_168 = vector.shape_cast %add3A_164 : vector<16xf32> to vector<1x16xf32>
        tpu.vector_store %arg9[%swap3A, %swap3A_165], %swap3A_168 {strides = array<i32>} : memref<128x128xf32, #tpu.memory_space<vmem>>, vector<1x16xf32>,
        %get3A_169 = arith.index_cast %scan3A_156 : i32 to index
        %get3A_170 = arith.constant 16 : index
        %get3A_171 = tpu.vector_load %arg9[%get3A_169, %get3A_170] {strides = array<i32>} : memref<128x128xf32, #tpu.memory_space<vmem>>, vector<1x16xf32>,
        %get3A_172 = vector.shape_cast %get3A_171 : vector<1x16xf32> to vector<16xf32>
        %get3A_173 = arith.index_cast %scan3A_156 : i32 to index
        %get3A_174 = arith.constant 16 : index
        %get3A_175 = tpu.vector_load %arg11[%get3A_173, %get3A_174] {strides = array<i32>} : memref<128x128xf32, #tpu.memory_space<vmem>>, vector<1x16xf32>,
        %get3A_176 = vector.shape_cast %get3A_175 : vector<1x16xf32> to vector<16xf32>
        %add3A_177 = arith.addf %get3A_172, %get3A_176 : vector<16xf32>
        %swap3A_178 = arith.index_cast %scan3A_156 : i32 to index
        %swap3A_179 = arith.constant 16 : index
        %swap3A_180 = tpu.vector_load %arg9[%swap3A_178, %swap3A_179] {strides = array<i32>} : memref<128x128xf32, #tpu.memory_space<vmem>>, vector<1x16xf32>,
        %swap3A_181 = vector.shape_cast %swap3A_180 : vector<1x16xf32> to vector<16xf32>
        %swap3A_182 = vector.shape_cast %add3A_177 : vector<16xf32> to vector<1x16xf32>
        tpu.vector_store %arg9[%swap3A_178, %swap3A_179], %swap3A_182 {strides = array<i32>} : memref<128x128xf32, #tpu.memory_space<vmem>>, vector<1x16xf32>,
        %get3A_183 = arith.index_cast %scan3A_156 : i32 to index
        %get3A_184 = arith.constant 32 : index
        %get3A_185 = tpu.vector_load %arg9[%get3A_183, %get3A_184] {strides = array<i32>} : memref<128x128xf32, #tpu.memory_space<vmem>>, vector<1x16xf32>,
        %get3A_186 = vector.shape_cast %get3A_185 : vector<1x16xf32> to vector<16xf32>
        %get3A_187 = arith.index_cast %scan3A_156 : i32 to index
        %get3A_188 = arith.constant 32 : index
        %get3A_189 = tpu.vector_load %arg11[%get3A_187, %get3A_188] {strides = array<i32>} : memref<128x128xf32, #tpu.memory_space<vmem>>, vector<1x16xf32>,
        %get3A_190 = vector.shape_cast %get3A_189 : vector<1x16xf32> to vector<16xf32>
        %add3A_191 = arith.addf %get3A_186, %get3A_190 : vector<16xf32>
        %swap3A_192 = arith.index_cast %scan3A_156 : i32 to index
        %swap3A_193 = arith.constant 32 : index
        %swap3A_194 = tpu.vector_load %arg9[%swap3A_192, %swap3A_193] {strides = array<i32>} : memref<128x128xf32, #tpu.memory_space<vmem>>, vector<1x16xf32>,
        %swap3A_195 = vector.shape_cast %swap3A_194 : vector<1x16xf32> to vector<16xf32>
        %swap3A_196 = vector.shape_cast %add3A_191 : vector<16xf32> to vector<1x16xf32>
        tpu.vector_store %arg9[%swap3A_192, %swap3A_193], %swap3A_196 {strides = array<i32>} : memref<128x128xf32, #tpu.memory_space<vmem>>, vector<1x16xf32>,
        %get3A_197 = arith.index_cast %scan3A_156 : i32 to index
        %get3A_198 = arith.constant 48 : index
        %get3A_199 = tpu.vector_load %arg9[%get3A_197, %get3A_198] {strides = array<i32>} : memref<128x128xf32, #tpu.memory_space<vmem>>, vector<1x16xf32>,
        %get3A_200 = vector.shape_cast %get3A_199 : vector<1x16xf32> to vector<16xf32>
        %get3A_201 = arith.index_cast %scan3A_156 : i32 to index
        %get3A_202 = arith.constant 48 : index
        %get3A_203 = tpu.vector_load %arg11[%get3A_201, %get3A_202] {strides = array<i32>} : memref<128x128xf32, #tpu.memory_space<vmem>>, vector<1x16xf32>,
        %get3A_204 = vector.shape_cast %get3A_203 : vector<1x16xf32> to vector<16xf32>
        %add3A_205 = arith.addf %get3A_200, %get3A_204 : vector<16xf32>
        %swap3A_206 = arith.index_cast %scan3A_156 : i32 to index
        %swap3A_207 = arith.constant 48 : index
        %swap3A_208 = tpu.vector_load %arg9[%swap3A_206, %swap3A_207] {strides = array<i32>} : memref<128x128xf32, #tpu.memory_space<vmem>>, vector<1x16xf32>,
        %swap3A_209 = vector.shape_cast %swap3A_208 : vector<1x16xf32> to vector<16xf32>
        %swap3A_210 = vector.shape_cast %add3A_205 : vector<16xf32> to vector<1x16xf32>
        tpu.vector_store %arg9[%swap3A_206, %swap3A_207], %swap3A_210 {strides = array<i32>} : memref<128x128xf32, #tpu.memory_space<vmem>>, vector<1x16xf32>,
        %get3A_211 = arith.index_cast %scan3A_156 : i32 to index
        %get3A_212 = arith.constant 64 : index
        %get3A_213 = tpu.vector_load %arg9[%get3A_211, %get3A_212] {strides = array<i32>} : memref<128x128xf32, #tpu.memory_space<vmem>>, vector<1x16xf32>,
        %get3A_214 = vector.shape_cast %get3A_213 : vector<1x16xf32> to vector<16xf32>
        %get3A_215 = arith.index_cast %scan3A_156 : i32 to index
        %get3A_216 = arith.constant 64 : index
        %get3A_217 = tpu.vector_load %arg11[%get3A_215, %get3A_216] {strides = array<i32>} : memref<128x128xf32, #tpu.memory_space<vmem>>, vector<1x16xf32>,
        %get3A_218 = vector.shape_cast %get3A_217 : vector<1x16xf32> to vector<16xf32>
        %add3A_219 = arith.addf %get3A_214, %get3A_218 : vector<16xf32>
        %swap3A_220 = arith.index_cast %scan3A_156 : i32 to index
        %swap3A_221 = arith.constant 64 : index
        %swap3A_222 = tpu.vector_load %arg9[%swap3A_220, %swap3A_221] {strides = array<i32>} : memref<128x128xf32, #tpu.memory_space<vmem>>, vector<1x16xf32>,
        %swap3A_223 = vector.shape_cast %swap3A_222 : vector<1x16xf32> to vector<16xf32>
        %swap3A_224 = vector.shape_cast %add3A_219 : vector<16xf32> to vector<1x16xf32>
        tpu.vector_store %arg9[%swap3A_220, %swap3A_221], %swap3A_224 {strides = array<i32>} : memref<128x128xf32, #tpu.memory_space<vmem>>, vector<1x16xf32>,
        %get3A_225 = arith.index_cast %scan3A_156 : i32 to index
        %get3A_226 = arith.constant 80 : index
        %get3A_227 = tpu.vector_load %arg9[%get3A_225, %get3A_226] {strides = array<i32>} : memref<128x128xf32, #tpu.memory_space<vmem>>, vector<1x16xf32>,
        %get3A_228 = vector.shape_cast %get3A_227 : vector<1x16xf32> to vector<16xf32>
        %get3A_229 = arith.index_cast %scan3A_156 : i32 to index
        %get3A_230 = arith.constant 80 : index
        %get3A_231 = tpu.vector_load %arg11[%get3A_229, %get3A_230] {strides = array<i32>} : memref<128x128xf32, #tpu.memory_space<vmem>>, vector<1x16xf32>,
        %get3A_232 = vector.shape_cast %get3A_231 : vector<1x16xf32> to vector<16xf32>
        %add3A_233 = arith.addf %get3A_228, %get3A_232 : vector<16xf32>
        %swap3A_234 = arith.index_cast %scan3A_156 : i32 to index
        %swap3A_235 = arith.constant 80 : index
        %swap3A_236 = tpu.vector_load %arg9[%swap3A_234, %swap3A_235] {strides = array<i32>} : memref<128x128xf32, #tpu.memory_space<vmem>>, vector<1x16xf32>,
        %swap3A_237 = vector.shape_cast %swap3A_236 : vector<1x16xf32> to vector<16xf32>
        %swap3A_238 = vector.shape_cast %add3A_233 : vector<16xf32> to vector<1x16xf32>
        tpu.vector_store %arg9[%swap3A_234, %swap3A_235], %swap3A_238 {strides = array<i32>} : memref<128x128xf32, #tpu.memory_space<vmem>>, vector<1x16xf32>,
        %get3A_239 = arith.index_cast %scan3A_156 : i32 to index
        %get3A_240 = arith.constant 96 : index
        %get3A_241 = tpu.vector_load %arg9[%get3A_239, %get3A_240] {strides = array<i32>} : memref<128x128xf32, #tpu.memory_space<vmem>>, vector<1x16xf32>,
        %get3A_242 = vector.shape_cast %get3A_241 : vector<1x16xf32> to vector<16xf32>
        %get3A_243 = arith.index_cast %scan3A_156 : i32 to index
        %get3A_244 = arith.constant 96 : index
        %get3A_245 = tpu.vector_load %arg11[%get3A_243, %get3A_244] {strides = array<i32>} : memref<128x128xf32, #tpu.memory_space<vmem>>, vector<1x16xf32>,
        %get3A_246 = vector.shape_cast %get3A_245 : vector<1x16xf32> to vector<16xf32>
        %add3A_247 = arith.addf %get3A_242, %get3A_246 : vector<16xf32>
        %swap3A_248 = arith.index_cast %scan3A_156 : i32 to index
        %swap3A_249 = arith.constant 96 : index
        %swap3A_250 = tpu.vector_load %arg9[%swap3A_248, %swap3A_249] {strides = array<i32>} : memref<128x128xf32, #tpu.memory_space<vmem>>, vector<1x16xf32>,
        %swap3A_251 = vector.shape_cast %swap3A_250 : vector<1x16xf32> to vector<16xf32>
        %swap3A_252 = vector.shape_cast %add3A_247 : vector<16xf32> to vector<1x16xf32>
        tpu.vector_store %arg9[%swap3A_248, %swap3A_249], %swap3A_252 {strides = array<i32>} : memref<128x128xf32, #tpu.memory_space<vmem>>, vector<1x16xf32>,
        %get3A_253 = arith.index_cast %scan3A_156 : i32 to index
        %get3A_254 = arith.constant 112 : index
        %get3A_255 = tpu.vector_load %arg9[%get3A_253, %get3A_254] {strides = array<i32>} : memref<128x128xf32, #tpu.memory_space<vmem>>, vector<1x16xf32>,
        %get3A_256 = vector.shape_cast %get3A_255 : vector<1x16xf32> to vector<16xf32>
        %get3A_257 = arith.index_cast %scan3A_156 : i32 to index
        %get3A_258 = arith.constant 112 : index
        %get3A_259 = tpu.vector_load %arg11[%get3A_257, %get3A_258] {strides = array<i32>} : memref<128x128xf32, #tpu.memory_space<vmem>>, vector<1x16xf32>,
        %get3A_260 = vector.shape_cast %get3A_259 : vector<1x16xf32> to vector<16xf32>
        %add3A_261 = arith.addf %get3A_256, %get3A_260 : vector<16xf32>
        %swap3A_262 = arith.index_cast %scan3A_156 : i32 to index
        %swap3A_263 = arith.constant 112 : index
        %swap3A_264 = tpu.vector_load %arg9[%swap3A_262, %swap3A_263] {strides = array<i32>} : memref<128x128xf32, #tpu.memory_space<vmem>>, vector<1x16xf32>,
        %swap3A_265 = vector.shape_cast %swap3A_264 : vector<1x16xf32> to vector<16xf32>
        %swap3A_266 = vector.shape_cast %add3A_261 : vector<16xf32> to vector<1x16xf32>
        tpu.vector_store %arg9[%swap3A_262, %swap3A_263], %swap3A_266 {strides = array<i32>} : memref<128x128xf32, #tpu.memory_space<vmem>>, vector<1x16xf32>,
      }
      %scan3A_148 = arith.constant 128 : i32
      %mul3A_149 = arith.constant 128 : i32
      %mul3A_150 = arith.muli %add3A_125, %mul3A_149 : i32
      %add3A_151 = arith.addi %mul3A_2, %mul3A_150 : i32
      %dma_start3A_152 = arith.constant 0 : i32
      %dma_start3A_153 = tpu.memref_slice %arg5[%add3A_151, %dma_start3A_152] : memref<160000x128xf32, #tpu.memory_space<hbm>> -> memref<128x128xf32, #tpu.memory_space<hbm>>
      %dma_start3A_154 = arith.constant 0 : i32
      %dma_start3A_155 = tpu.memref_slice %arg5[%add3A_151, %dma_start3A_154] : memref<160000x128xf32, #tpu.memory_space<hbm>> -> memref<128x128xf32, #tpu.memory_space<hbm>>
      tpu.enqueue_dma source(%arg9 : memref<128x128xf32, #tpu.memory_space<vmem>>) target(%dma_start3A_155 : memref<128x128xf32, #tpu.memory_space<hbm>>) target_semaphore(%arg17 : memref<!tpu.dma_semaphore, #tpu.memory_space<semaphore_mem>>)
    }
    %scan3A_20 = arith.constant 19 : i32
    %dma_wait3A = arith.constant 0 : i32
    %dma_wait3A_21 = tpu.memref_slice %arg6[%dma_wait3A] : memref<5000xi32, #tpu.memory_space<vmem>> -> memref<128xi32, #tpu.memory_space<vmem>>
    %dma_wait3A_22 = arith.constant 0 : i32
    %dma_wait3A_23 = arith.constant 0 : i32
    %dma_wait3A_24 = tpu.memref_slice %arg2[%dma_wait3A_22, %dma_wait3A_23] : memref<10000x128xf32, #tpu.memory_space<hbm>> -> memref<10000x128xf32, #tpu.memory_space<hbm>>
    tpu.wait_indirect_dma semaphore(%arg12 : memref<!tpu.dma_semaphore, #tpu.memory_space<semaphore_mem>>) src(%dma_wait3A_24 : memref<10000x128xf32, #tpu.memory_space<hbm>>) dst(%arg8 : memref<128x128xf32, #tpu.memory_space<vmem>>)
    %dma_wait3A_25 = arith.constant 0 : i32
    %dma_wait3A_26 = tpu.memref_slice %arg7[%dma_wait3A_25] : memref<5000xi32, #tpu.memory_space<vmem>> -> memref<128xi32, #tpu.memory_space<vmem>>
    %dma_wait3A_27 = arith.constant 0 : i32
    %dma_wait3A_28 = arith.constant 0 : i32
    %dma_wait3A_29 = tpu.memref_slice %arg3[%dma_wait3A_27, %dma_wait3A_28] : memref<10000x128xf32, #tpu.memory_space<hbm>> -> memref<10000x128xf32, #tpu.memory_space<hbm>>
    tpu.wait_indirect_dma semaphore(%arg14 : memref<!tpu.dma_semaphore, #tpu.memory_space<semaphore_mem>>) src(%dma_wait3A_29 : memref<10000x128xf32, #tpu.memory_space<hbm>>) dst(%arg10 : memref<128x128xf32, #tpu.memory_space<vmem>>)
    %scan3A_30 = arith.constant 0 : i32
    %scan3A_31 = arith.constant 0 : i32
    %scan3A_32 = arith.constant 128 : i32
    %scan3A_33 = arith.addi %scan3A_31, %scan3A_32 : i32
    %scan3A_34 = arith.constant 1 : i32
    scf.for %scan3A_90 = %scan3A_31 to %scan3A_33 step %scan3A_34  : i32 {
      %get3A = arith.index_cast %scan3A_90 : i32 to index
      %get3A_91 = arith.constant 0 : index
      %get3A_92 = tpu.vector_load %arg8[%get3A, %get3A_91] {strides = array<i32>} : memref<128x128xf32, #tpu.memory_space<vmem>>, vector<1x16xf32>,
      %get3A_93 = vector.shape_cast %get3A_92 : vector<1x16xf32> to vector<16xf32>
      %get3A_94 = arith.index_cast %scan3A_90 : i32 to index
      %get3A_95 = arith.constant 0 : index
      %get3A_96 = tpu.vector_load %arg10[%get3A_94, %get3A_95] {strides = array<i32>} : memref<128x128xf32, #tpu.memory_space<vmem>>, vector<1x16xf32>,
      %get3A_97 = vector.shape_cast %get3A_96 : vector<1x16xf32> to vector<16xf32>
      %add3A_98 = arith.addf %get3A_93, %get3A_97 : vector<16xf32>
      %swap3A = arith.index_cast %scan3A_90 : i32 to index
      %swap3A_99 = arith.constant 0 : index
      %swap3A_100 = tpu.vector_load %arg8[%swap3A, %swap3A_99] {strides = array<i32>} : memref<128x128xf32, #tpu.memory_space<vmem>>, vector<1x16xf32>,
      %swap3A_101 = vector.shape_cast %swap3A_100 : vector<1x16xf32> to vector<16xf32>
      %swap3A_102 = vector.shape_cast %add3A_98 : vector<16xf32> to vector<1x16xf32>
      tpu.vector_store %arg8[%swap3A, %swap3A_99], %swap3A_102 {strides = array<i32>} : memref<128x128xf32, #tpu.memory_space<vmem>>, vector<1x16xf32>,
      %get3A_103 = arith.index_cast %scan3A_90 : i32 to index
      %get3A_104 = arith.constant 16 : index
      %get3A_105 = tpu.vector_load %arg8[%get3A_103, %get3A_104] {strides = array<i32>} : memref<128x128xf32, #tpu.memory_space<vmem>>, vector<1x16xf32>,
      %get3A_106 = vector.shape_cast %get3A_105 : vector<1x16xf32> to vector<16xf32>
      %get3A_107 = arith.index_cast %scan3A_90 : i32 to index
      %get3A_108 = arith.constant 16 : index
      %get3A_109 = tpu.vector_load %arg10[%get3A_107, %get3A_108] {strides = array<i32>} : memref<128x128xf32, #tpu.memory_space<vmem>>, vector<1x16xf32>,
      %get3A_110 = vector.shape_cast %get3A_109 : vector<1x16xf32> to vector<16xf32>
      %add3A_111 = arith.addf %get3A_106, %get3A_110 : vector<16xf32>
      %swap3A_112 = arith.index_cast %scan3A_90 : i32 to index
      %swap3A_113 = arith.constant 16 : index
      %swap3A_114 = tpu.vector_load %arg8[%swap3A_112, %swap3A_113] {strides = array<i32>} : memref<128x128xf32, #tpu.memory_space<vmem>>, vector<1x16xf32>,
      %swap3A_115 = vector.shape_cast %swap3A_114 : vector<1x16xf32> to vector<16xf32>
      %swap3A_116 = vector.shape_cast %add3A_111 : vector<16xf32> to vector<1x16xf32>
      tpu.vector_store %arg8[%swap3A_112, %swap3A_113], %swap3A_116 {strides = array<i32>} : memref<128x128xf32, #tpu.memory_space<vmem>>, vector<1x16xf32>,
      %get3A_117 = arith.index_cast %scan3A_90 : i32 to index
      %get3A_118 = arith.constant 32 : index
      %get3A_119 = tpu.vector_load %arg8[%get3A_117, %get3A_118] {strides = array<i32>} : memref<128x128xf32, #tpu.memory_space<vmem>>, vector<1x16xf32>,
      %get3A_120 = vector.shape_cast %get3A_119 : vector<1x16xf32> to vector<16xf32>
      %get3A_121 = arith.index_cast %scan3A_90 : i32 to index
      %get3A_122 = arith.constant 32 : index
      %get3A_123 = tpu.vector_load %arg10[%get3A_121, %get3A_122] {strides = array<i32>} : memref<128x128xf32, #tpu.memory_space<vmem>>, vector<1x16xf32>,
      %get3A_124 = vector.shape_cast %get3A_123 : vector<1x16xf32> to vector<16xf32>
      %add3A_125 = arith.addf %get3A_120, %get3A_124 : vector<16xf32>
      %swap3A_126 = arith.index_cast %scan3A_90 : i32 to index
      %swap3A_127 = arith.constant 32 : index
      %swap3A_128 = tpu.vector_load %arg8[%swap3A_126, %swap3A_127] {strides = array<i32>} : memref<128x128xf32, #tpu.memory_space<vmem>>, vector<1x16xf32>,
      %swap3A_129 = vector.shape_cast %swap3A_128 : vector<1x16xf32> to vector<16xf32>
      %swap3A_130 = vector.shape_cast %add3A_125 : vector<16xf32> to vector<1x16xf32>
      tpu.vector_store %arg8[%swap3A_126, %swap3A_127], %swap3A_130 {strides = array<i32>} : memref<128x128xf32, #tpu.memory_space<vmem>>, vector<1x16xf32>,
      %get3A_131 = arith.index_cast %scan3A_90 : i32 to index
      %get3A_132 = arith.constant 48 : index
      %get3A_133 = tpu.vector_load %arg8[%get3A_131, %get3A_132] {strides = array<i32>} : memref<128x128xf32, #tpu.memory_space<vmem>>, vector<1x16xf32>,
      %get3A_134 = vector.shape_cast %get3A_133 : vector<1x16xf32> to vector<16xf32>
      %get3A_135 = arith.index_cast %scan3A_90 : i32 to index
      %get3A_136 = arith.constant 48 : index
      %get3A_137 = tpu.vector_load %arg10[%get3A_135, %get3A_136] {strides = array<i32>} : memref<128x128xf32, #tpu.memory_space<vmem>>, vector<1x16xf32>,
      %get3A_138 = vector.shape_cast %get3A_137 : vector<1x16xf32> to vector<16xf32>
      %add3A_139 = arith.addf %get3A_134, %get3A_138 : vector<16xf32>
      %swap3A_140 = arith.index_cast %scan3A_90 : i32 to index
      %swap3A_141 = arith.constant 48 : index
      %swap3A_142 = tpu.vector_load %arg8[%swap3A_140, %swap3A_141] {strides = array<i32>} : memref<128x128xf32, #tpu.memory_space<vmem>>, vector<1x16xf32>,
      %swap3A_143 = vector.shape_cast %swap3A_142 : vector<1x16xf32> to vector<16xf32>
      %swap3A_144 = vector.shape_cast %add3A_139 : vector<16xf32> to vector<1x16xf32>
      tpu.vector_store %arg8[%swap3A_140, %swap3A_141], %swap3A_144 {strides = array<i32>} : memref<128x128xf32, #tpu.memory_space<vmem>>, vector<1x16xf32>,
      %get3A_145 = arith.index_cast %scan3A_90 : i32 to index
      %get3A_146 = arith.constant 64 : index
      %get3A_147 = tpu.vector_load %arg8[%get3A_145, %get3A_146] {strides = array<i32>} : memref<128x128xf32, #tpu.memory_space<vmem>>, vector<1x16xf32>,
      %get3A_148 = vector.shape_cast %get3A_147 : vector<1x16xf32> to vector<16xf32>
      %get3A_149 = arith.index_cast %scan3A_90 : i32 to index
      %get3A_150 = arith.constant 64 : index
      %get3A_151 = tpu.vector_load %arg10[%get3A_149, %get3A_150] {strides = array<i32>} : memref<128x128xf32, #tpu.memory_space<vmem>>, vector<1x16xf32>,
      %get3A_152 = vector.shape_cast %get3A_151 : vector<1x16xf32> to vector<16xf32>
      %add3A_153 = arith.addf %get3A_148, %get3A_152 : vector<16xf32>
      %swap3A_154 = arith.index_cast %scan3A_90 : i32 to index
      %swap3A_155 = arith.constant 64 : index
      %swap3A_156 = tpu.vector_load %arg8[%swap3A_154, %swap3A_155] {strides = array<i32>} : memref<128x128xf32, #tpu.memory_space<vmem>>, vector<1x16xf32>,
      %swap3A_157 = vector.shape_cast %swap3A_156 : vector<1x16xf32> to vector<16xf32>
      %swap3A_158 = vector.shape_cast %add3A_153 : vector<16xf32> to vector<1x16xf32>
      tpu.vector_store %arg8[%swap3A_154, %swap3A_155], %swap3A_158 {strides = array<i32>} : memref<128x128xf32, #tpu.memory_space<vmem>>, vector<1x16xf32>,
      %get3A_159 = arith.index_cast %scan3A_90 : i32 to index
      %get3A_160 = arith.constant 80 : index
      %get3A_161 = tpu.vector_load %arg8[%get3A_159, %get3A_160] {strides = array<i32>} : memref<128x128xf32, #tpu.memory_space<vmem>>, vector<1x16xf32>,
      %get3A_162 = vector.shape_cast %get3A_161 : vector<1x16xf32> to vector<16xf32>
      %get3A_163 = arith.index_cast %scan3A_90 : i32 to index
      %get3A_164 = arith.constant 80 : index
      %get3A_165 = tpu.vector_load %arg10[%get3A_163, %get3A_164] {strides = array<i32>} : memref<128x128xf32, #tpu.memory_space<vmem>>, vector<1x16xf32>,
      %get3A_166 = vector.shape_cast %get3A_165 : vector<1x16xf32> to vector<16xf32>
      %add3A_167 = arith.addf %get3A_162, %get3A_166 : vector<16xf32>
      %swap3A_168 = arith.index_cast %scan3A_90 : i32 to index
      %swap3A_169 = arith.constant 80 : index
      %swap3A_170 = tpu.vector_load %arg8[%swap3A_168, %swap3A_169] {strides = array<i32>} : memref<128x128xf32, #tpu.memory_space<vmem>>, vector<1x16xf32>,
      %swap3A_171 = vector.shape_cast %swap3A_170 : vector<1x16xf32> to vector<16xf32>
      %swap3A_172 = vector.shape_cast %add3A_167 : vector<16xf32> to vector<1x16xf32>
      tpu.vector_store %arg8[%swap3A_168, %swap3A_169], %swap3A_172 {strides = array<i32>} : memref<128x128xf32, #tpu.memory_space<vmem>>, vector<1x16xf32>,
      %get3A_173 = arith.index_cast %scan3A_90 : i32 to index
      %get3A_174 = arith.constant 96 : index
      %get3A_175 = tpu.vector_load %arg8[%get3A_173, %get3A_174] {strides = array<i32>} : memref<128x128xf32, #tpu.memory_space<vmem>>, vector<1x16xf32>,
      %get3A_176 = vector.shape_cast %get3A_175 : vector<1x16xf32> to vector<16xf32>
      %get3A_177 = arith.index_cast %scan3A_90 : i32 to index
      %get3A_178 = arith.constant 96 : index
      %get3A_179 = tpu.vector_load %arg10[%get3A_177, %get3A_178] {strides = array<i32>} : memref<128x128xf32, #tpu.memory_space<vmem>>, vector<1x16xf32>,
      %get3A_180 = vector.shape_cast %get3A_179 : vector<1x16xf32> to vector<16xf32>
      %add3A_181 = arith.addf %get3A_176, %get3A_180 : vector<16xf32>
      %swap3A_182 = arith.index_cast %scan3A_90 : i32 to index
      %swap3A_183 = arith.constant 96 : index
      %swap3A_184 = tpu.vector_load %arg8[%swap3A_182, %swap3A_183] {strides = array<i32>} : memref<128x128xf32, #tpu.memory_space<vmem>>, vector<1x16xf32>,
      %swap3A_185 = vector.shape_cast %swap3A_184 : vector<1x16xf32> to vector<16xf32>
      %swap3A_186 = vector.shape_cast %add3A_181 : vector<16xf32> to vector<1x16xf32>
      tpu.vector_store %arg8[%swap3A_182, %swap3A_183], %swap3A_186 {strides = array<i32>} : memref<128x128xf32, #tpu.memory_space<vmem>>, vector<1x16xf32>,
      %get3A_187 = arith.index_cast %scan3A_90 : i32 to index
      %get3A_188 = arith.constant 112 : index
      %get3A_189 = tpu.vector_load %arg8[%get3A_187, %get3A_188] {strides = array<i32>} : memref<128x128xf32, #tpu.memory_space<vmem>>, vector<1x16xf32>,
      %get3A_190 = vector.shape_cast %get3A_189 : vector<1x16xf32> to vector<16xf32>
      %get3A_191 = arith.index_cast %scan3A_90 : i32 to index
      %get3A_192 = arith.constant 112 : index
      %get3A_193 = tpu.vector_load %arg10[%get3A_191, %get3A_192] {strides = array<i32>} : memref<128x128xf32, #tpu.memory_space<vmem>>, vector<1x16xf32>,
      %get3A_194 = vector.shape_cast %get3A_193 : vector<1x16xf32> to vector<16xf32>
      %add3A_195 = arith.addf %get3A_190, %get3A_194 : vector<16xf32>
      %swap3A_196 = arith.index_cast %scan3A_90 : i32 to index
      %swap3A_197 = arith.constant 112 : index
      %swap3A_198 = tpu.vector_load %arg8[%swap3A_196, %swap3A_197] {strides = array<i32>} : memref<128x128xf32, #tpu.memory_space<vmem>>, vector<1x16xf32>,
      %swap3A_199 = vector.shape_cast %swap3A_198 : vector<1x16xf32> to vector<16xf32>
      %swap3A_200 = vector.shape_cast %add3A_195 : vector<16xf32> to vector<1x16xf32>
      tpu.vector_store %arg8[%swap3A_196, %swap3A_197], %swap3A_200 {strides = array<i32>} : memref<128x128xf32, #tpu.memory_space<vmem>>, vector<1x16xf32>,
    }
    %scan3A_35 = arith.constant 128 : i32
    %add3A_36 = arith.constant 4864 : i32
    %add3A_37 = arith.addi %mul3A_2, %add3A_36 : i32
    %dma_start3A_38 = arith.constant 0 : i32
    %dma_start3A_39 = tpu.memref_slice %arg5[%add3A_37, %dma_start3A_38] : memref<160000x128xf32, #tpu.memory_space<hbm>> -> memref<128x128xf32, #tpu.memory_space<hbm>>
    %dma_start3A_40 = arith.constant 0 : i32
    %dma_start3A_41 = tpu.memref_slice %arg5[%add3A_37, %dma_start3A_40] : memref<160000x128xf32, #tpu.memory_space<hbm>> -> memref<128x128xf32, #tpu.memory_space<hbm>>
    tpu.enqueue_dma source(%arg8 : memref<128x128xf32, #tpu.memory_space<vmem>>) target(%dma_start3A_41 : memref<128x128xf32, #tpu.memory_space<hbm>>) target_semaphore(%arg16 : memref<!tpu.dma_semaphore, #tpu.memory_space<semaphore_mem>>)
    %dma_wait3A_42 = arith.constant 0 : i32
    %dma_wait3A_43 = tpu.memref_slice %arg5[%mul3A_2, %dma_wait3A_42] : memref<160000x128xf32, #tpu.memory_space<hbm>> -> memref<128x128xf32, #tpu.memory_space<hbm>>
    %dma_wait3A_44 = arith.constant 0 : i32
    %dma_wait3A_45 = tpu.memref_slice %arg5[%mul3A_2, %dma_wait3A_44] : memref<160000x128xf32, #tpu.memory_space<hbm>> -> memref<128x128xf32, #tpu.memory_space<hbm>>
    tpu.wait_dma2 semaphore(%arg16 : memref<!tpu.dma_semaphore, #tpu.memory_space<semaphore_mem>>) src(%arg8 : memref<128x128xf32, #tpu.memory_space<vmem>>) dst(%dma_wait3A_45 : memref<128x128xf32, #tpu.memory_space<hbm>>)
    %dma_wait3A_46 = arith.constant 0 : i32
    %dma_wait3A_47 = tpu.memref_slice %arg5[%mul3A_2, %dma_wait3A_46] : memref<160000x128xf32, #tpu.memory_space<hbm>> -> memref<128x128xf32, #tpu.memory_space<hbm>>
    %dma_wait3A_48 = arith.constant 0 : i32
    %dma_wait3A_49 = tpu.memref_slice %arg5[%mul3A_2, %dma_wait3A_48] : memref<160000x128xf32, #tpu.memory_space<hbm>> -> memref<128x128xf32, #tpu.memory_space<hbm>>
    tpu.wait_dma2 semaphore(%arg17 : memref<!tpu.dma_semaphore, #tpu.memory_space<semaphore_mem>>) src(%arg9 : memref<128x128xf32, #tpu.memory_space<vmem>>) dst(%dma_wait3A_49 : memref<128x128xf32, #tpu.memory_space<hbm>>)
    %dma_start3A_50 = arith.constant 0 : i32
    %dma_start3A_51 = arith.constant 0 : i32
    %dma_start3A_52 = tpu.memref_slice %arg8[%dma_start3A_50, %dma_start3A_51] : memref<128x128xf32, #tpu.memory_space<vmem>> -> memref<8x128xf32, #tpu.memory_space<vmem>>
    %dma_start3A_53 = arith.constant 4992 : i32
    %dma_start3A_54 = tpu.memref_slice %arg6[%dma_start3A_53] : memref<5000xi32, #tpu.memory_space<vmem>> -> memref<8xi32, #tpu.memory_space<vmem>>
    %dma_start3A_55 = arith.constant 0 : i32
    %dma_start3A_56 = arith.constant 0 : i32
    %dma_start3A_57 = tpu.memref_slice %arg2[%dma_start3A_55, %dma_start3A_56] : memref<10000x128xf32, #tpu.memory_space<hbm>> -> memref<10000x128xf32, #tpu.memory_space<hbm>>
    tpu.enqueue_indirect_dma source(%dma_start3A_57 : memref<10000x128xf32, #tpu.memory_space<hbm>>) target(%dma_start3A_52 : memref<8x128xf32, #tpu.memory_space<vmem>>) offsets(%dma_start3A_54 : memref<8xi32, #tpu.memory_space<vmem>>) semaphore(%arg12 : memref<!tpu.dma_semaphore, #tpu.memory_space<semaphore_mem>>)
    %dma_start3A_58 = arith.constant 0 : i32
    %dma_start3A_59 = arith.constant 0 : i32
    %dma_start3A_60 = tpu.memref_slice %arg10[%dma_start3A_58, %dma_start3A_59] : memref<128x128xf32, #tpu.memory_space<vmem>> -> memref<8x128xf32, #tpu.memory_space<vmem>>
    %dma_start3A_61 = arith.constant 4992 : i32
    %dma_start3A_62 = tpu.memref_slice %arg7[%dma_start3A_61] : memref<5000xi32, #tpu.memory_space<vmem>> -> memref<8xi32, #tpu.memory_space<vmem>>
    %dma_start3A_63 = arith.constant 0 : i32
    %dma_start3A_64 = arith.constant 0 : i32
    %dma_start3A_65 = tpu.memref_slice %arg3[%dma_start3A_63, %dma_start3A_64] : memref<10000x128xf32, #tpu.memory_space<hbm>> -> memref<10000x128xf32, #tpu.memory_space<hbm>>
    tpu.enqueue_indirect_dma source(%dma_start3A_65 : memref<10000x128xf32, #tpu.memory_space<hbm>>) target(%dma_start3A_60 : memref<8x128xf32, #tpu.memory_space<vmem>>) offsets(%dma_start3A_62 : memref<8xi32, #tpu.memory_space<vmem>>) semaphore(%arg14 : memref<!tpu.dma_semaphore, #tpu.memory_space<semaphore_mem>>)
    %dma_wait3A_66 = arith.constant 0 : i32
    %dma_wait3A_67 = arith.constant 0 : i32
    %dma_wait3A_68 = tpu.memref_slice %arg8[%dma_wait3A_66, %dma_wait3A_67] : memref<128x128xf32, #tpu.memory_space<vmem>> -> memref<8x128xf32, #tpu.memory_space<vmem>>
    %dma_wait3A_69 = arith.constant 4992 : i32
    %dma_wait3A_70 = tpu.memref_slice %arg6[%dma_wait3A_69] : memref<5000xi32, #tpu.memory_space<vmem>> -> memref<8xi32, #tpu.memory_space<vmem>>
    %dma_wait3A_71 = arith.constant 0 : i32
    %dma_wait3A_72 = arith.constant 0 : i32
    %dma_wait3A_73 = tpu.memref_slice %arg2[%dma_wait3A_71, %dma_wait3A_72] : memref<10000x128xf32, #tpu.memory_space<hbm>> -> memref<10000x128xf32, #tpu.memory_space<hbm>>
    tpu.wait_indirect_dma semaphore(%arg12 : memref<!tpu.dma_semaphore, #tpu.memory_space<semaphore_mem>>) src(%dma_wait3A_73 : memref<10000x128xf32, #tpu.memory_space<hbm>>) dst(%dma_wait3A_68 : memref<8x128xf32, #tpu.memory_space<vmem>>)
    %dma_wait3A_74 = arith.constant 0 : i32
    %dma_wait3A_75 = arith.constant 0 : i32
    %dma_wait3A_76 = tpu.memref_slice %arg10[%dma_wait3A_74, %dma_wait3A_75] : memref<128x128xf32, #tpu.memory_space<vmem>> -> memref<8x128xf32, #tpu.memory_space<vmem>>
    %dma_wait3A_77 = arith.constant 4992 : i32
    %dma_wait3A_78 = tpu.memref_slice %arg7[%dma_wait3A_77] : memref<5000xi32, #tpu.memory_space<vmem>> -> memref<8xi32, #tpu.memory_space<vmem>>
    %dma_wait3A_79 = arith.constant 0 : i32
    %dma_wait3A_80 = arith.constant 0 : i32
    %dma_wait3A_81 = tpu.memref_slice %arg3[%dma_wait3A_79, %dma_wait3A_80] : memref<10000x128xf32, #tpu.memory_space<hbm>> -> memref<10000x128xf32, #tpu.memory_space<hbm>>
    tpu.wait_indirect_dma semaphore(%arg14 : memref<!tpu.dma_semaphore, #tpu.memory_space<semaphore_mem>>) src(%dma_wait3A_81 : memref<10000x128xf32, #tpu.memory_space<hbm>>) dst(%dma_wait3A_76 : memref<8x128xf32, #tpu.memory_space<vmem>>)
    %scan3A_82 = arith.constant 0 : i32
    %scan3A_83 = arith.constant 0 : i32
    %scan3A_84 = arith.constant 8 : i32
    %scan3A_85 = arith.addi %scan3A_83, %scan3A_84 : i32
    %scan3A_86 = arith.constant 1 : i32
    scf.for %scan3A_90 = %scan3A_83 to %scan3A_85 step %scan3A_86  : i32 {
      %get3A = arith.index_cast %scan3A_90 : i32 to index
      %get3A_91 = arith.constant 0 : index
      %get3A_92 = tpu.vector_load %arg8[%get3A, %get3A_91] {strides = array<i32>} : memref<128x128xf32, #tpu.memory_space<vmem>>, vector<1x16xf32>,
      %get3A_93 = vector.shape_cast %get3A_92 : vector<1x16xf32> to vector<16xf32>
      %get3A_94 = arith.index_cast %scan3A_90 : i32 to index
      %get3A_95 = arith.constant 0 : index
      %get3A_96 = tpu.vector_load %arg10[%get3A_94, %get3A_95] {strides = array<i32>} : memref<128x128xf32, #tpu.memory_space<vmem>>, vector<1x16xf32>,
      %get3A_97 = vector.shape_cast %get3A_96 : vector<1x16xf32> to vector<16xf32>
      %add3A_98 = arith.addf %get3A_93, %get3A_97 : vector<16xf32>
      %swap3A = arith.index_cast %scan3A_90 : i32 to index
      %swap3A_99 = arith.constant 0 : index
      %swap3A_100 = tpu.vector_load %arg8[%swap3A, %swap3A_99] {strides = array<i32>} : memref<128x128xf32, #tpu.memory_space<vmem>>, vector<1x16xf32>,
      %swap3A_101 = vector.shape_cast %swap3A_100 : vector<1x16xf32> to vector<16xf32>
      %swap3A_102 = vector.shape_cast %add3A_98 : vector<16xf32> to vector<1x16xf32>
      tpu.vector_store %arg8[%swap3A, %swap3A_99], %swap3A_102 {strides = array<i32>} : memref<128x128xf32, #tpu.memory_space<vmem>>, vector<1x16xf32>,
      %get3A_103 = arith.index_cast %scan3A_90 : i32 to index
      %get3A_104 = arith.constant 16 : index
      %get3A_105 = tpu.vector_load %arg8[%get3A_103, %get3A_104] {strides = array<i32>} : memref<128x128xf32, #tpu.memory_space<vmem>>, vector<1x16xf32>,
      %get3A_106 = vector.shape_cast %get3A_105 : vector<1x16xf32> to vector<16xf32>
      %get3A_107 = arith.index_cast %scan3A_90 : i32 to index
      %get3A_108 = arith.constant 16 : index
      %get3A_109 = tpu.vector_load %arg10[%get3A_107, %get3A_108] {strides = array<i32>} : memref<128x128xf32, #tpu.memory_space<vmem>>, vector<1x16xf32>,
      %get3A_110 = vector.shape_cast %get3A_109 : vector<1x16xf32> to vector<16xf32>
      %add3A_111 = arith.addf %get3A_106, %get3A_110 : vector<16xf32>
      %swap3A_112 = arith.index_cast %scan3A_90 : i32 to index
      %swap3A_113 = arith.constant 16 : index
      %swap3A_114 = tpu.vector_load %arg8[%swap3A_112, %swap3A_113] {strides = array<i32>} : memref<128x128xf32, #tpu.memory_space<vmem>>, vector<1x16xf32>,
      %swap3A_115 = vector.shape_cast %swap3A_114 : vector<1x16xf32> to vector<16xf32>
      %swap3A_116 = vector.shape_cast %add3A_111 : vector<16xf32> to vector<1x16xf32>
      tpu.vector_store %arg8[%swap3A_112, %swap3A_113], %swap3A_116 {strides = array<i32>} : memref<128x128xf32, #tpu.memory_space<vmem>>, vector<1x16xf32>,
      %get3A_117 = arith.index_cast %scan3A_90 : i32 to index
      %get3A_118 = arith.constant 32 : index
      %get3A_119 = tpu.vector_load %arg8[%get3A_117, %get3A_118] {strides = array<i32>} : memref<128x128xf32, #tpu.memory_space<vmem>>, vector<1x16xf32>,
      %get3A_120 = vector.shape_cast %get3A_119 : vector<1x16xf32> to vector<16xf32>
      %get3A_121 = arith.index_cast %scan3A_90 : i32 to index
      %get3A_122 = arith.constant 32 : index
      %get3A_123 = tpu.vector_load %arg10[%get3A_121, %get3A_122] {strides = array<i32>} : memref<128x128xf32, #tpu.memory_space<vmem>>, vector<1x16xf32>,
      %get3A_124 = vector.shape_cast %get3A_123 : vector<1x16xf32> to vector<16xf32>
      %add3A_125 = arith.addf %get3A_120, %get3A_124 : vector<16xf32>
      %swap3A_126 = arith.index_cast %scan3A_90 : i32 to index
      %swap3A_127 = arith.constant 32 : index
      %swap3A_128 = tpu.vector_load %arg8[%swap3A_126, %swap3A_127] {strides = array<i32>} : memref<128x128xf32, #tpu.memory_space<vmem>>, vector<1x16xf32>,
      %swap3A_129 = vector.shape_cast %swap3A_128 : vector<1x16xf32> to vector<16xf32>
      %swap3A_130 = vector.shape_cast %add3A_125 : vector<16xf32> to vector<1x16xf32>
      tpu.vector_store %arg8[%swap3A_126, %swap3A_127], %swap3A_130 {strides = array<i32>} : memref<128x128xf32, #tpu.memory_space<vmem>>, vector<1x16xf32>,
      %get3A_131 = arith.index_cast %scan3A_90 : i32 to index
      %get3A_132 = arith.constant 48 : index
      %get3A_133 = tpu.vector_load %arg8[%get3A_131, %get3A_132] {strides = array<i32>} : memref<128x128xf32, #tpu.memory_space<vmem>>, vector<1x16xf32>,
      %get3A_134 = vector.shape_cast %get3A_133 : vector<1x16xf32> to vector<16xf32>
      %get3A_135 = arith.index_cast %scan3A_90 : i32 to index
      %get3A_136 = arith.constant 48 : index
      %get3A_137 = tpu.vector_load %arg10[%get3A_135, %get3A_136] {strides = array<i32>} : memref<128x128xf32, #tpu.memory_space<vmem>>, vector<1x16xf32>,
      %get3A_138 = vector.shape_cast %get3A_137 : vector<1x16xf32> to vector<16xf32>
      %add3A_139 = arith.addf %get3A_134, %get3A_138 : vector<16xf32>
      %swap3A_140 = arith.index_cast %scan3A_90 : i32 to index
      %swap3A_141 = arith.constant 48 : index
      %swap3A_142 = tpu.vector_load %arg8[%swap3A_140, %swap3A_141] {strides = array<i32>} : memref<128x128xf32, #tpu.memory_space<vmem>>, vector<1x16xf32>,
      %swap3A_143 = vector.shape_cast %swap3A_142 : vector<1x16xf32> to vector<16xf32>
      %swap3A_144 = vector.shape_cast %add3A_139 : vector<16xf32> to vector<1x16xf32>
      tpu.vector_store %arg8[%swap3A_140, %swap3A_141], %swap3A_144 {strides = array<i32>} : memref<128x128xf32, #tpu.memory_space<vmem>>, vector<1x16xf32>,
      %get3A_145 = arith.index_cast %scan3A_90 : i32 to index
      %get3A_146 = arith.constant 64 : index
      %get3A_147 = tpu.vector_load %arg8[%get3A_145, %get3A_146] {strides = array<i32>} : memref<128x128xf32, #tpu.memory_space<vmem>>, vector<1x16xf32>,
      %get3A_148 = vector.shape_cast %get3A_147 : vector<1x16xf32> to vector<16xf32>
      %get3A_149 = arith.index_cast %scan3A_90 : i32 to index
      %get3A_150 = arith.constant 64 : index
      %get3A_151 = tpu.vector_load %arg10[%get3A_149, %get3A_150] {strides = array<i32>} : memref<128x128xf32, #tpu.memory_space<vmem>>, vector<1x16xf32>,
      %get3A_152 = vector.shape_cast %get3A_151 : vector<1x16xf32> to vector<16xf32>
      %add3A_153 = arith.addf %get3A_148, %get3A_152 : vector<16xf32>
      %swap3A_154 = arith.index_cast %scan3A_90 : i32 to index
      %swap3A_155 = arith.constant 64 : index
      %swap3A_156 = tpu.vector_load %arg8[%swap3A_154, %swap3A_155] {strides = array<i32>} : memref<128x128xf32, #tpu.memory_space<vmem>>, vector<1x16xf32>,
      %swap3A_157 = vector.shape_cast %swap3A_156 : vector<1x16xf32> to vector<16xf32>
      %swap3A_158 = vector.shape_cast %add3A_153 : vector<16xf32> to vector<1x16xf32>
      tpu.vector_store %arg8[%swap3A_154, %swap3A_155], %swap3A_158 {strides = array<i32>} : memref<128x128xf32, #tpu.memory_space<vmem>>, vector<1x16xf32>,
      %get3A_159 = arith.index_cast %scan3A_90 : i32 to index
      %get3A_160 = arith.constant 80 : index
      %get3A_161 = tpu.vector_load %arg8[%get3A_159, %get3A_160] {strides = array<i32>} : memref<128x128xf32, #tpu.memory_space<vmem>>, vector<1x16xf32>,
      %get3A_162 = vector.shape_cast %get3A_161 : vector<1x16xf32> to vector<16xf32>
      %get3A_163 = arith.index_cast %scan3A_90 : i32 to index
      %get3A_164 = arith.constant 80 : index
      %get3A_165 = tpu.vector_load %arg10[%get3A_163, %get3A_164] {strides = array<i32>} : memref<128x128xf32, #tpu.memory_space<vmem>>, vector<1x16xf32>,
      %get3A_166 = vector.shape_cast %get3A_165 : vector<1x16xf32> to vector<16xf32>
      %add3A_167 = arith.addf %get3A_162, %get3A_166 : vector<16xf32>
      %swap3A_168 = arith.index_cast %scan3A_90 : i32 to index
      %swap3A_169 = arith.constant 80 : index
      %swap3A_170 = tpu.vector_load %arg8[%swap3A_168, %swap3A_169] {strides = array<i32>} : memref<128x128xf32, #tpu.memory_space<vmem>>, vector<1x16xf32>,
      %swap3A_171 = vector.shape_cast %swap3A_170 : vector<1x16xf32> to vector<16xf32>
      %swap3A_172 = vector.shape_cast %add3A_167 : vector<16xf32> to vector<1x16xf32>
      tpu.vector_store %arg8[%swap3A_168, %swap3A_169], %swap3A_172 {strides = array<i32>} : memref<128x128xf32, #tpu.memory_space<vmem>>, vector<1x16xf32>,
      %get3A_173 = arith.index_cast %scan3A_90 : i32 to index
      %get3A_174 = arith.constant 96 : index
      %get3A_175 = tpu.vector_load %arg8[%get3A_173, %get3A_174] {strides = array<i32>} : memref<128x128xf32, #tpu.memory_space<vmem>>, vector<1x16xf32>,
      %get3A_176 = vector.shape_cast %get3A_175 : vector<1x16xf32> to vector<16xf32>
      %get3A_177 = arith.index_cast %scan3A_90 : i32 to index
      %get3A_178 = arith.constant 96 : index
      %get3A_179 = tpu.vector_load %arg10[%get3A_177, %get3A_178] {strides = array<i32>} : memref<128x128xf32, #tpu.memory_space<vmem>>, vector<1x16xf32>,
      %get3A_180 = vector.shape_cast %get3A_179 : vector<1x16xf32> to vector<16xf32>
      %add3A_181 = arith.addf %get3A_176, %get3A_180 : vector<16xf32>
      %swap3A_182 = arith.index_cast %scan3A_90 : i32 to index
      %swap3A_183 = arith.constant 96 : index
      %swap3A_184 = tpu.vector_load %arg8[%swap3A_182, %swap3A_183] {strides = array<i32>} : memref<128x128xf32, #tpu.memory_space<vmem>>, vector<1x16xf32>,
      %swap3A_185 = vector.shape_cast %swap3A_184 : vector<1x16xf32> to vector<16xf32>
      %swap3A_186 = vector.shape_cast %add3A_181 : vector<16xf32> to vector<1x16xf32>
      tpu.vector_store %arg8[%swap3A_182, %swap3A_183], %swap3A_186 {strides = array<i32>} : memref<128x128xf32, #tpu.memory_space<vmem>>, vector<1x16xf32>,
      %get3A_187 = arith.index_cast %scan3A_90 : i32 to index
      %get3A_188 = arith.constant 112 : index
      %get3A_189 = tpu.vector_load %arg8[%get3A_187, %get3A_188] {strides = array<i32>} : memref<128x128xf32, #tpu.memory_space<vmem>>, vector<1x16xf32>,
      %get3A_190 = vector.shape_cast %get3A_189 : vector<1x16xf32> to vector<16xf32>
      %get3A_191 = arith.index_cast %scan3A_90 : i32 to index
      %get3A_192 = arith.constant 112 : index
      %get3A_193 = tpu.vector_load %arg10[%get3A_191, %get3A_192] {strides = array<i32>} : memref<128x128xf32, #tpu.memory_space<vmem>>, vector<1x16xf32>,
      %get3A_194 = vector.shape_cast %get3A_193 : vector<1x16xf32> to vector<16xf32>
      %add3A_195 = arith.addf %get3A_190, %get3A_194 : vector<16xf32>
      %swap3A_196 = arith.index_cast %scan3A_90 : i32 to index
      %swap3A_197 = arith.constant 112 : index
      %swap3A_198 = tpu.vector_load %arg8[%swap3A_196, %swap3A_197] {strides = array<i32>} : memref<128x128xf32, #tpu.memory_space<vmem>>, vector<1x16xf32>,
      %swap3A_199 = vector.shape_cast %swap3A_198 : vector<1x16xf32> to vector<16xf32>
      %swap3A_200 = vector.shape_cast %add3A_195 : vector<16xf32> to vector<1x16xf32>
      tpu.vector_store %arg8[%swap3A_196, %swap3A_197], %swap3A_200 {strides = array<i32>} : memref<128x128xf32, #tpu.memory_space<vmem>>, vector<1x16xf32>,
    }
    %scan3A_87 = arith.constant 8 : i32
    %add3A_88 = arith.constant 4992 : i32
    %add3A_89 = arith.addi %mul3A_2, %add3A_88 : i32
    "tpu.region"() ({
      %run_scoped3A = tpu.sem_alloc : memref<!tpu.dma_semaphore, #tpu.memory_space<semaphore_mem>>
      %dma_start3A_90 = arith.constant 0 : i32
      %dma_start3A_91 = arith.constant 0 : i32
      %dma_start3A_92 = tpu.memref_slice %arg8[%dma_start3A_90, %dma_start3A_91] : memref<128x128xf32, #tpu.memory_space<vmem>> -> memref<8x128xf32, #tpu.memory_space<vmem>>
      %dma_start3A_93 = arith.constant 0 : i32
      %dma_start3A_94 = tpu.memref_slice %arg5[%add3A_89, %dma_start3A_93] : memref<160000x128xf32, #tpu.memory_space<hbm>> -> memref<8x128xf32, #tpu.memory_space<hbm>>
      %dma_start3A_95 = arith.constant 0 : i32
      %dma_start3A_96 = tpu.memref_slice %arg5[%add3A_89, %dma_start3A_95] : memref<160000x128xf32, #tpu.memory_space<hbm>> -> memref<8x128xf32, #tpu.memory_space<hbm>>
      %dma_start3A_97 = arith.constant 0 : i32
      %dma_start3A_98 = arith.constant 0 : i32
      %dma_start3A_99 = tpu.memref_slice %arg8[%dma_start3A_97, %dma_start3A_98] : memref<128x128xf32, #tpu.memory_space<vmem>> -> memref<8x128xf32, #tpu.memory_space<vmem>>
      tpu.enqueue_dma source(%dma_start3A_99 : memref<8x128xf32, #tpu.memory_space<vmem>>) target(%dma_start3A_96 : memref<8x128xf32, #tpu.memory_space<hbm>>) target_semaphore(%run_scoped3A : memref<!tpu.dma_semaphore, #tpu.memory_space<semaphore_mem>>)
      %dma_wait3A_100 = arith.constant 0 : i32
      %dma_wait3A_101 = arith.constant 0 : i32
      %dma_wait3A_102 = tpu.memref_slice %arg8[%dma_wait3A_100, %dma_wait3A_101] : memref<128x128xf32, #tpu.memory_space<vmem>> -> memref<8x128xf32, #tpu.memory_space<vmem>>
      %dma_wait3A_103 = arith.constant 0 : i32
      %dma_wait3A_104 = tpu.memref_slice %arg5[%add3A_89, %dma_wait3A_103] : memref<160000x128xf32, #tpu.memory_space<hbm>> -> memref<8x128xf32, #tpu.memory_space<hbm>>
      %dma_wait3A_105 = arith.constant 0 : i32
      %dma_wait3A_106 = tpu.memref_slice %arg5[%add3A_89, %dma_wait3A_105] : memref<160000x128xf32, #tpu.memory_space<hbm>> -> memref<8x128xf32, #tpu.memory_space<hbm>>
      %dma_wait3A_107 = arith.constant 0 : i32
      %dma_wait3A_108 = arith.constant 0 : i32
      %dma_wait3A_109 = tpu.memref_slice %arg8[%dma_wait3A_107, %dma_wait3A_108] : memref<128x128xf32, #tpu.memory_space<vmem>> -> memref<8x128xf32, #tpu.memory_space<vmem>>
      tpu.wait_dma2 semaphore(%run_scoped3A : memref<!tpu.dma_semaphore, #tpu.memory_space<semaphore_mem>>) src(%dma_wait3A_109 : memref<8x128xf32, #tpu.memory_space<vmem>>) dst(%dma_wait3A_106 : memref<8x128xf32, #tpu.memory_space<hbm>>)
      tpu.yield
    }) : () -> ()
    return
  }
}

module attributes {stable_mosaic.version = 14 : i64} {
  func.func @_mlp_body(%arg0: i32, %arg1: memref<4000x128xf32, #tpu.memory_space<vmem>>, %arg2: memref<4000x128xf32, #tpu.memory_space<vmem>>, %arg3: memref<128x128xf32, #tpu.memory_space<vmem>>, %arg4: memref<128x128xf32, #tpu.memory_space<vmem>>, %arg5: memref<1x128xf32, #tpu.memory_space<vmem>>, %arg6: memref<4000x128xf32, #tpu.memory_space<vmem>>) attributes {dimension_semantics = [#tpu.dimension_semantics<arbitrary>], iteration_bounds = array<i64: 40>, scalar_prefetch = 0 : i64, scratch_operands = 0 : i64, tpu.core_type = #tpu.core_type<tc>, window_params = [{transform_indices = @transform_0, window_bounds = array<i64: 4000, 128>}, {transform_indices = @transform_1, window_bounds = array<i64: 4000, 128>}, {pipeline_mode = #tpu.pipeline_mode<synchronous>, transform_indices = @transform_2, window_bounds = array<i64: 128, 128>}, {pipeline_mode = #tpu.pipeline_mode<synchronous>, transform_indices = @transform_3, window_bounds = array<i64: 128, 128>}, {pipeline_mode = #tpu.pipeline_mode<synchronous>, transform_indices = @transform_4, window_bounds = array<i64: 1, 128>}, {transform_indices = @transform_5, window_bounds = array<i64: 4000, 128>}]} {
    %get3A = arith.constant 0 : index
    %get3A_0 = arith.constant 0 : index
    %get3A_1 = vector.load %arg1[%get3A, %get3A_0] : memref<4000x128xf32, #tpu.memory_space<vmem>>, vector<4000x128xf32>
    %get3A_2 = arith.constant 0 : index
    %get3A_3 = arith.constant 0 : index
    %get3A_4 = vector.load %arg2[%get3A_2, %get3A_3] : memref<4000x128xf32, #tpu.memory_space<vmem>>, vector<4000x128xf32>
    %get3A_5 = arith.constant 0 : index
    %get3A_6 = arith.constant 0 : index
    %get3A_7 = vector.load %arg3[%get3A_5, %get3A_6] : memref<128x128xf32, #tpu.memory_space<vmem>>, vector<128x128xf32>
    %dot_general3A = arith.constant dense<0.000000e+00> : vector<4000x128xf32>
    %dot_general3A_8 = tpu.matmul %get3A_4, %get3A_7, %dot_general3A {dimension_numbers = #tpu.dot_dimension_numbers<[1], [0], [0], [1], [0, 0, 1, 1], [], []>, transpose_lhs_hint = false} : vector<4000x128xf32>, vector<128x128xf32>, vector<4000x128xf32> -> vector<4000x128xf32>
    %add3A = arith.addf %get3A_1, %dot_general3A_8 : vector<4000x128xf32>
    %max3A = arith.constant 0.000000e+00 : f32
    %max3A_9 = vector.broadcast %max3A : f32 to vector<4000x128xf32>
    %max3A_10 = arith.maximumf %add3A, %max3A_9 : vector<4000x128xf32>
    %get3A_11 = arith.constant 0 : index
    %get3A_12 = arith.constant 0 : index
    %get3A_13 = vector.load %arg4[%get3A_11, %get3A_12] : memref<128x128xf32, #tpu.memory_space<vmem>>, vector<128x128xf32>
    %dot_general3A_14 = arith.constant dense<0.000000e+00> : vector<4000x128xf32>
    %dot_general3A_15 = tpu.matmul %max3A_10, %get3A_13, %dot_general3A_14 {dimension_numbers = #tpu.dot_dimension_numbers<[1], [0], [0], [1], [0, 0, 1, 1], [], []>, transpose_lhs_hint = false} : vector<4000x128xf32>, vector<128x128xf32>, vector<4000x128xf32> -> vector<4000x128xf32>
    %get3A_16 = arith.constant 0 : index
    %get3A_17 = arith.constant 0 : index
    %get3A_18 = vector.load %arg5[%get3A_16, %get3A_17] : memref<1x128xf32, #tpu.memory_space<vmem>>, vector<1x128xf32>
    %add3A_19 = vector.broadcast %get3A_18 : vector<1x128xf32> to vector<4000x128xf32>
    %add3A_20 = arith.addf %dot_general3A_15, %add3A_19 : vector<4000x128xf32>
    %swap3A = arith.constant 0 : index
    %swap3A_21 = arith.constant 0 : index
    %swap3A_22 = vector.load %arg6[%swap3A, %swap3A_21] : memref<4000x128xf32, #tpu.memory_space<vmem>>, vector<4000x128xf32>
    tpu.vector_store %arg6[%swap3A, %swap3A_21], %add3A_20 {strides = array<i32>} : memref<4000x128xf32, #tpu.memory_space<vmem>>, vector<4000x128xf32>,
    return
  }
  func.func @transform_0(%arg0: i32) -> (i32, i32) {
    %c0_i32 = arith.constant 0 : i32
    %c0_i32_0 = arith.constant 0 : i32
    return %arg0, %c0_i32 : i32, i32
  }
  func.func @transform_1(%arg0: i32) -> (i32, i32) {
    %add3A = arith.constant 40 : i32
    %add3A_0 = arith.addi %add3A, %arg0 : i32
    %c0_i32 = arith.constant 0 : i32
    %c0_i32_1 = arith.constant 0 : i32
    return %add3A_0, %c0_i32 : i32, i32
  }
  func.func @transform_2(%arg0: i32) -> (i32, i32) {
    %c0_i32 = arith.constant 0 : i32
    %c0_i32_0 = arith.constant 0 : i32
    %c0_i32_1 = arith.constant 0 : i32
    return %c0_i32, %c0_i32_0 : i32, i32
  }
  func.func @transform_3(%arg0: i32) -> (i32, i32) {
    %c0_i32 = arith.constant 0 : i32
    %c0_i32_0 = arith.constant 0 : i32
    %c0_i32_1 = arith.constant 0 : i32
    return %c0_i32, %c0_i32_0 : i32, i32
  }
  func.func @transform_4(%arg0: i32) -> (i32, i32) {
    %c0_i32 = arith.constant 0 : i32
    %c0_i32_0 = arith.constant 0 : i32
    %c0_i32_1 = arith.constant 0 : i32
    return %c0_i32, %c0_i32_0 : i32, i32
  }
  func.func @transform_5(%arg0: i32) -> (i32, i32) {
    %c0_i32 = arith.constant 0 : i32
    %c0_i32_0 = arith.constant 0 : i32
    return %arg0, %c0_i32 : i32, i32
  }
}

module attributes {stable_mosaic.version = 14 : i64} {
  func.func @_pre_body(%arg0: i32, %arg1: memref<2000x128xf32, #tpu.memory_space<vmem>>, %arg2: memref<128x128xf32, #tpu.memory_space<vmem>>, %arg3: memref<128x128xf32, #tpu.memory_space<vmem>>, %arg4: memref<128x128xf32, #tpu.memory_space<vmem>>, %arg5: memref<1x128xf32, #tpu.memory_space<vmem>>, %arg6: memref<1x128xf32, #tpu.memory_space<vmem>>, %arg7: memref<2000x128xf32, #tpu.memory_space<vmem>>, %arg8: memref<2000x128xf32, #tpu.memory_space<vmem>>, %arg9: memref<2000x128xf32, #tpu.memory_space<vmem>>) attributes {dimension_semantics = [#tpu.dimension_semantics<arbitrary>], iteration_bounds = array<i64: 5>, scalar_prefetch = 0 : i64, scratch_operands = 0 : i64, tpu.core_type = #tpu.core_type<tc>, window_params = [{transform_indices = @transform_0, window_bounds = array<i64: 2000, 128>}, {pipeline_mode = #tpu.pipeline_mode<synchronous>, transform_indices = @transform_1, window_bounds = array<i64: 128, 128>}, {pipeline_mode = #tpu.pipeline_mode<synchronous>, transform_indices = @transform_2, window_bounds = array<i64: 128, 128>}, {pipeline_mode = #tpu.pipeline_mode<synchronous>, transform_indices = @transform_3, window_bounds = array<i64: 128, 128>}, {pipeline_mode = #tpu.pipeline_mode<synchronous>, transform_indices = @transform_4, window_bounds = array<i64: 1, 128>}, {pipeline_mode = #tpu.pipeline_mode<synchronous>, transform_indices = @transform_5, window_bounds = array<i64: 1, 128>}, {transform_indices = @transform_6, window_bounds = array<i64: 2000, 128>}, {transform_indices = @transform_7, window_bounds = array<i64: 2000, 128>}, {transform_indices = @transform_8, window_bounds = array<i64: 2000, 128>}]} {
    %get3A = arith.constant 0 : index
    %get3A_0 = arith.constant 0 : index
    %get3A_1 = vector.load %arg1[%get3A, %get3A_0] : memref<2000x128xf32, #tpu.memory_space<vmem>>, vector<2000x128xf32>
    %get3A_2 = arith.constant 0 : index
    %get3A_3 = arith.constant 0 : index
    %get3A_4 = vector.load %arg2[%get3A_2, %get3A_3] : memref<128x128xf32, #tpu.memory_space<vmem>>, vector<128x128xf32>
    %dot_general3A = arith.constant dense<0.000000e+00> : vector<2000x128xf32>
    %dot_general3A_5 = tpu.matmul %get3A_1, %get3A_4, %dot_general3A {dimension_numbers = #tpu.dot_dimension_numbers<[1], [0], [0], [1], [0, 0, 1, 1], [], []>, transpose_lhs_hint = false} : vector<2000x128xf32>, vector<128x128xf32>, vector<2000x128xf32> -> vector<2000x128xf32>
    %get3A_6 = arith.constant 0 : index
    %get3A_7 = arith.constant 0 : index
    %get3A_8 = vector.load %arg5[%get3A_6, %get3A_7] : memref<1x128xf32, #tpu.memory_space<vmem>>, vector<1x128xf32>
    %add3A = vector.broadcast %get3A_8 : vector<1x128xf32> to vector<2000x128xf32>
    %add3A_9 = arith.addf %dot_general3A_5, %add3A : vector<2000x128xf32>
    %swap3A = arith.constant 0 : index
    %swap3A_10 = arith.constant 0 : index
    %swap3A_11 = vector.load %arg7[%swap3A, %swap3A_10] : memref<2000x128xf32, #tpu.memory_space<vmem>>, vector<2000x128xf32>
    tpu.vector_store %arg7[%swap3A, %swap3A_10], %add3A_9 {strides = array<i32>} : memref<2000x128xf32, #tpu.memory_space<vmem>>, vector<2000x128xf32>,
    %get3A_12 = arith.constant 0 : index
    %get3A_13 = arith.constant 0 : index
    %get3A_14 = vector.load %arg3[%get3A_12, %get3A_13] : memref<128x128xf32, #tpu.memory_space<vmem>>, vector<128x128xf32>
    %dot_general3A_15 = arith.constant dense<0.000000e+00> : vector<2000x128xf32>
    %dot_general3A_16 = tpu.matmul %get3A_1, %get3A_14, %dot_general3A_15 {dimension_numbers = #tpu.dot_dimension_numbers<[1], [0], [0], [1], [0, 0, 1, 1], [], []>, transpose_lhs_hint = false} : vector<2000x128xf32>, vector<128x128xf32>, vector<2000x128xf32> -> vector<2000x128xf32>
    %swap3A_17 = arith.constant 0 : index
    %swap3A_18 = arith.constant 0 : index
    %swap3A_19 = vector.load %arg8[%swap3A_17, %swap3A_18] : memref<2000x128xf32, #tpu.memory_space<vmem>>, vector<2000x128xf32>
    tpu.vector_store %arg8[%swap3A_17, %swap3A_18], %dot_general3A_16 {strides = array<i32>} : memref<2000x128xf32, #tpu.memory_space<vmem>>, vector<2000x128xf32>,
    %get3A_20 = arith.constant 0 : index
    %get3A_21 = arith.constant 0 : index
    %get3A_22 = vector.load %arg4[%get3A_20, %get3A_21] : memref<128x128xf32, #tpu.memory_space<vmem>>, vector<128x128xf32>
    %dot_general3A_23 = arith.constant dense<0.000000e+00> : vector<2000x128xf32>
    %dot_general3A_24 = tpu.matmul %get3A_1, %get3A_22, %dot_general3A_23 {dimension_numbers = #tpu.dot_dimension_numbers<[1], [0], [0], [1], [0, 0, 1, 1], [], []>, transpose_lhs_hint = false} : vector<2000x128xf32>, vector<128x128xf32>, vector<2000x128xf32> -> vector<2000x128xf32>
    %get3A_25 = arith.constant 0 : index
    %get3A_26 = arith.constant 0 : index
    %get3A_27 = vector.load %arg6[%get3A_25, %get3A_26] : memref<1x128xf32, #tpu.memory_space<vmem>>, vector<1x128xf32>
    %add3A_28 = vector.broadcast %get3A_27 : vector<1x128xf32> to vector<2000x128xf32>
    %add3A_29 = arith.addf %dot_general3A_24, %add3A_28 : vector<2000x128xf32>
    %swap3A_30 = arith.constant 0 : index
    %swap3A_31 = arith.constant 0 : index
    %swap3A_32 = vector.load %arg9[%swap3A_30, %swap3A_31] : memref<2000x128xf32, #tpu.memory_space<vmem>>, vector<2000x128xf32>
    tpu.vector_store %arg9[%swap3A_30, %swap3A_31], %add3A_29 {strides = array<i32>} : memref<2000x128xf32, #tpu.memory_space<vmem>>, vector<2000x128xf32>,
    return
  }
  func.func @transform_0(%arg0: i32) -> (i32, i32) {
    %c0_i32 = arith.constant 0 : i32
    %c0_i32_0 = arith.constant 0 : i32
    return %arg0, %c0_i32 : i32, i32
  }
  func.func @transform_1(%arg0: i32) -> (i32, i32) {
    %c0_i32 = arith.constant 0 : i32
    %c0_i32_0 = arith.constant 0 : i32
    %c0_i32_1 = arith.constant 0 : i32
    return %c0_i32, %c0_i32_0 : i32, i32
  }
  func.func @transform_2(%arg0: i32) -> (i32, i32) {
    %c0_i32 = arith.constant 0 : i32
    %c0_i32_0 = arith.constant 0 : i32
    %c0_i32_1 = arith.constant 0 : i32
    return %c0_i32, %c0_i32_0 : i32, i32
  }
  func.func @transform_3(%arg0: i32) -> (i32, i32) {
    %c0_i32 = arith.constant 0 : i32
    %c0_i32_0 = arith.constant 0 : i32
    %c0_i32_1 = arith.constant 0 : i32
    return %c0_i32, %c0_i32_0 : i32, i32
  }
  func.func @transform_4(%arg0: i32) -> (i32, i32) {
    %c0_i32 = arith.constant 0 : i32
    %c0_i32_0 = arith.constant 0 : i32
    %c0_i32_1 = arith.constant 0 : i32
    return %c0_i32, %c0_i32_0 : i32, i32
  }
  func.func @transform_5(%arg0: i32) -> (i32, i32) {
    %c0_i32 = arith.constant 0 : i32
    %c0_i32_0 = arith.constant 0 : i32
    %c0_i32_1 = arith.constant 0 : i32
    return %c0_i32, %c0_i32_0 : i32, i32
  }
  func.func @transform_6(%arg0: i32) -> (i32, i32) {
    %c0_i32 = arith.constant 0 : i32
    %c0_i32_0 = arith.constant 0 : i32
    return %arg0, %c0_i32 : i32, i32
  }
  func.func @transform_7(%arg0: i32) -> (i32, i32) {
    %c0_i32 = arith.constant 0 : i32
    %c0_i32_0 = arith.constant 0 : i32
    return %arg0, %c0_i32 : i32, i32
  }
  func.func @transform_8(%arg0: i32) -> (i32, i32) {
    %c0_i32 = arith.constant 0 : i32
    %c0_i32_0 = arith.constant 0 : i32
    return %arg0, %c0_i32 : i32, i32
  }
}

module attributes {stable_mosaic.version = 14 : i64} {
  func.func @_mlp_body(%arg0: i32, %arg1: memref<4000x128xf32, #tpu.memory_space<vmem>>, %arg2: memref<4000x128xf32, #tpu.memory_space<vmem>>, %arg3: memref<128x128xf32, #tpu.memory_space<vmem>>, %arg4: memref<128x128xf32, #tpu.memory_space<vmem>>, %arg5: memref<1x128xf32, #tpu.memory_space<vmem>>, %arg6: memref<4000x128xf32, #tpu.memory_space<vmem>>) attributes {dimension_semantics = [#tpu.dimension_semantics<arbitrary>], iteration_bounds = array<i64: 40>, scalar_prefetch = 0 : i64, scratch_operands = 0 : i64, tpu.core_type = #tpu.core_type<tc>, window_params = [{transform_indices = @transform_0, window_bounds = array<i64: 4000, 128>}, {transform_indices = @transform_1, window_bounds = array<i64: 4000, 128>}, {pipeline_mode = #tpu.pipeline_mode<synchronous>, transform_indices = @transform_2, window_bounds = array<i64: 128, 128>}, {pipeline_mode = #tpu.pipeline_mode<synchronous>, transform_indices = @transform_3, window_bounds = array<i64: 128, 128>}, {pipeline_mode = #tpu.pipeline_mode<synchronous>, transform_indices = @transform_4, window_bounds = array<i64: 1, 128>}, {transform_indices = @transform_5, window_bounds = array<i64: 4000, 128>}]} {
    %get3A = arith.constant 0 : index
    %get3A_0 = arith.constant 0 : index
    %get3A_1 = vector.load %arg1[%get3A, %get3A_0] : memref<4000x128xf32, #tpu.memory_space<vmem>>, vector<4000x128xf32>
    %get3A_2 = arith.constant 0 : index
    %get3A_3 = arith.constant 0 : index
    %get3A_4 = vector.load %arg2[%get3A_2, %get3A_3] : memref<4000x128xf32, #tpu.memory_space<vmem>>, vector<4000x128xf32>
    %get3A_5 = arith.constant 0 : index
    %get3A_6 = arith.constant 0 : index
    %get3A_7 = vector.load %arg3[%get3A_5, %get3A_6] : memref<128x128xf32, #tpu.memory_space<vmem>>, vector<128x128xf32>
    %dot_general3A = arith.constant dense<0.000000e+00> : vector<4000x128xf32>
    %dot_general3A_8 = tpu.matmul %get3A_4, %get3A_7, %dot_general3A {dimension_numbers = #tpu.dot_dimension_numbers<[1], [0], [0], [1], [0, 0, 1, 1], [], []>, transpose_lhs_hint = false} : vector<4000x128xf32>, vector<128x128xf32>, vector<4000x128xf32> -> vector<4000x128xf32>
    %add3A = arith.addf %get3A_1, %dot_general3A_8 : vector<4000x128xf32>
    %max3A = arith.constant 0.000000e+00 : f32
    %max3A_9 = vector.broadcast %max3A : f32 to vector<4000x128xf32>
    %max3A_10 = arith.maximumf %add3A, %max3A_9 : vector<4000x128xf32>
    %get3A_11 = arith.constant 0 : index
    %get3A_12 = arith.constant 0 : index
    %get3A_13 = vector.load %arg4[%get3A_11, %get3A_12] : memref<128x128xf32, #tpu.memory_space<vmem>>, vector<128x128xf32>
    %dot_general3A_14 = arith.constant dense<0.000000e+00> : vector<4000x128xf32>
    %dot_general3A_15 = tpu.matmul %max3A_10, %get3A_13, %dot_general3A_14 {dimension_numbers = #tpu.dot_dimension_numbers<[1], [0], [0], [1], [0, 0, 1, 1], [], []>, transpose_lhs_hint = false} : vector<4000x128xf32>, vector<128x128xf32>, vector<4000x128xf32> -> vector<4000x128xf32>
    %get3A_16 = arith.constant 0 : index
    %get3A_17 = arith.constant 0 : index
    %get3A_18 = vector.load %arg5[%get3A_16, %get3A_17] : memref<1x128xf32, #tpu.memory_space<vmem>>, vector<1x128xf32>
    %add3A_19 = vector.broadcast %get3A_18 : vector<1x128xf32> to vector<4000x128xf32>
    %add3A_20 = arith.addf %dot_general3A_15, %add3A_19 : vector<4000x128xf32>
    %swap3A = arith.constant 0 : index
    %swap3A_21 = arith.constant 0 : index
    %swap3A_22 = vector.load %arg6[%swap3A, %swap3A_21] : memref<4000x128xf32, #tpu.memory_space<vmem>>, vector<4000x128xf32>
    tpu.vector_store %arg6[%swap3A, %swap3A_21], %add3A_20 {strides = array<i32>} : memref<4000x128xf32, #tpu.memory_space<vmem>>, vector<4000x128xf32>,
    return
  }
  func.func @transform_0(%arg0: i32) -> (i32, i32) {
    %c0_i32 = arith.constant 0 : i32
    %c0_i32_0 = arith.constant 0 : i32
    return %arg0, %c0_i32 : i32, i32
  }
  func.func @transform_1(%arg0: i32) -> (i32, i32) {
    %add3A = arith.constant 0 : i32
    %add3A_0 = arith.addi %add3A, %arg0 : i32
    %c0_i32 = arith.constant 0 : i32
    %c0_i32_1 = arith.constant 0 : i32
    return %add3A_0, %c0_i32 : i32, i32
  }
  func.func @transform_2(%arg0: i32) -> (i32, i32) {
    %c0_i32 = arith.constant 0 : i32
    %c0_i32_0 = arith.constant 0 : i32
    %c0_i32_1 = arith.constant 0 : i32
    return %c0_i32, %c0_i32_0 : i32, i32
  }
  func.func @transform_3(%arg0: i32) -> (i32, i32) {
    %c0_i32 = arith.constant 0 : i32
    %c0_i32_0 = arith.constant 0 : i32
    %c0_i32_1 = arith.constant 0 : i32
    return %c0_i32, %c0_i32_0 : i32, i32
  }
  func.func @transform_4(%arg0: i32) -> (i32, i32) {
    %c0_i32 = arith.constant 0 : i32
    %c0_i32_0 = arith.constant 0 : i32
    %c0_i32_1 = arith.constant 0 : i32
    return %c0_i32, %c0_i32_0 : i32, i32
  }
  func.func @transform_5(%arg0: i32) -> (i32, i32) {
    %c0_i32 = arith.constant 0 : i32
    %c0_i32_0 = arith.constant 0 : i32
    return %arg0, %c0_i32 : i32, i32
  }
}

module attributes {stable_mosaic.version = 14 : i64} {
  func.func @_upd_body(%arg0: i32, %arg1: memref<2000x128xf32, #tpu.memory_space<vmem>>, %arg2: memref<1x2000x128xf32, #tpu.memory_space<vmem>>, %arg3: memref<1x2000x128xf32, #tpu.memory_space<vmem>>, %arg4: memref<1x2000x128xf32, #tpu.memory_space<vmem>>, %arg5: memref<1x2000x128xf32, #tpu.memory_space<vmem>>, %arg6: memref<128x128xf32, #tpu.memory_space<vmem>>, %arg7: memref<128x128xf32, #tpu.memory_space<vmem>>, %arg8: memref<1x128xf32, #tpu.memory_space<vmem>>, %arg9: memref<2000x128xf32, #tpu.memory_space<vmem>>) attributes {dimension_semantics = [#tpu.dimension_semantics<arbitrary>], iteration_bounds = array<i64: 5>, scalar_prefetch = 0 : i64, scratch_operands = 0 : i64, tpu.core_type = #tpu.core_type<tc>, window_params = [{transform_indices = @transform_0, window_bounds = array<i64: 2000, 128>}, {transform_indices = @transform_1, window_bounds = array<i64: 1, 2000, 128>}, {transform_indices = @transform_2, window_bounds = array<i64: 1, 2000, 128>}, {transform_indices = @transform_3, window_bounds = array<i64: 1, 2000, 128>}, {transform_indices = @transform_4, window_bounds = array<i64: 1, 2000, 128>}, {pipeline_mode = #tpu.pipeline_mode<synchronous>, transform_indices = @transform_5, window_bounds = array<i64: 128, 128>}, {pipeline_mode = #tpu.pipeline_mode<synchronous>, transform_indices = @transform_6, window_bounds = array<i64: 128, 128>}, {pipeline_mode = #tpu.pipeline_mode<synchronous>, transform_indices = @transform_7, window_bounds = array<i64: 1, 128>}, {transform_indices = @transform_8, window_bounds = array<i64: 2000, 128>}]} {
    %get3A = arith.constant 0 : index
    %get3A_0 = arith.constant 0 : index
    %get3A_1 = arith.constant 0 : index
    %get3A_2 = vector.load %arg2[%get3A, %get3A_0, %get3A_1] : memref<1x2000x128xf32, #tpu.memory_space<vmem>>, vector<1x2000x128xf32>
    %get3A_3 = vector.shape_cast %get3A_2 : vector<1x2000x128xf32> to vector<2000x128xf32>
    %get3A_4 = arith.constant 0 : index
    %get3A_5 = arith.constant 0 : index
    %get3A_6 = arith.constant 0 : index
    %get3A_7 = vector.load %arg3[%get3A_4, %get3A_5, %get3A_6] : memref<1x2000x128xf32, #tpu.memory_space<vmem>>, vector<1x2000x128xf32>
    %get3A_8 = vector.shape_cast %get3A_7 : vector<1x2000x128xf32> to vector<2000x128xf32>
    %add3A = arith.addf %get3A_3, %get3A_8 : vector<2000x128xf32>
    %get3A_9 = arith.constant 0 : index
    %get3A_10 = arith.constant 0 : index
    %get3A_11 = arith.constant 0 : index
    %get3A_12 = vector.load %arg4[%get3A_9, %get3A_10, %get3A_11] : memref<1x2000x128xf32, #tpu.memory_space<vmem>>, vector<1x2000x128xf32>
    %get3A_13 = vector.shape_cast %get3A_12 : vector<1x2000x128xf32> to vector<2000x128xf32>
    %add3A_14 = arith.addf %add3A, %get3A_13 : vector<2000x128xf32>
    %get3A_15 = arith.constant 0 : index
    %get3A_16 = arith.constant 0 : index
    %get3A_17 = arith.constant 0 : index
    %get3A_18 = vector.load %arg5[%get3A_15, %get3A_16, %get3A_17] : memref<1x2000x128xf32, #tpu.memory_space<vmem>>, vector<1x2000x128xf32>
    %get3A_19 = vector.shape_cast %get3A_18 : vector<1x2000x128xf32> to vector<2000x128xf32>
    %add3A_20 = arith.addf %add3A_14, %get3A_19 : vector<2000x128xf32>
    %get3A_21 = arith.constant 0 : index
    %get3A_22 = arith.constant 0 : index
    %get3A_23 = vector.load %arg1[%get3A_21, %get3A_22] : memref<2000x128xf32, #tpu.memory_space<vmem>>, vector<2000x128xf32>
    %get3A_24 = arith.constant 0 : index
    %get3A_25 = arith.constant 0 : index
    %get3A_26 = vector.load %arg6[%get3A_24, %get3A_25] : memref<128x128xf32, #tpu.memory_space<vmem>>, vector<128x128xf32>
    %dot_general3A = arith.constant dense<0.000000e+00> : vector<2000x128xf32>
    %dot_general3A_27 = tpu.matmul %add3A_20, %get3A_26, %dot_general3A {dimension_numbers = #tpu.dot_dimension_numbers<[1], [0], [0], [1], [0, 0, 1, 1], [], []>, transpose_lhs_hint = false} : vector<2000x128xf32>, vector<128x128xf32>, vector<2000x128xf32> -> vector<2000x128xf32>
    %add3A_28 = arith.addf %get3A_23, %dot_general3A_27 : vector<2000x128xf32>
    %max3A = arith.constant 0.000000e+00 : f32
    %max3A_29 = vector.broadcast %max3A : f32 to vector<2000x128xf32>
    %max3A_30 = arith.maximumf %add3A_28, %max3A_29 : vector<2000x128xf32>
    %get3A_31 = arith.constant 0 : index
    %get3A_32 = arith.constant 0 : index
    %get3A_33 = vector.load %arg7[%get3A_31, %get3A_32] : memref<128x128xf32, #tpu.memory_space<vmem>>, vector<128x128xf32>
    %dot_general3A_34 = arith.constant dense<0.000000e+00> : vector<2000x128xf32>
    %dot_general3A_35 = tpu.matmul %max3A_30, %get3A_33, %dot_general3A_34 {dimension_numbers = #tpu.dot_dimension_numbers<[1], [0], [0], [1], [0, 0, 1, 1], [], []>, transpose_lhs_hint = false} : vector<2000x128xf32>, vector<128x128xf32>, vector<2000x128xf32> -> vector<2000x128xf32>
    %get3A_36 = arith.constant 0 : index
    %get3A_37 = arith.constant 0 : index
    %get3A_38 = vector.load %arg8[%get3A_36, %get3A_37] : memref<1x128xf32, #tpu.memory_space<vmem>>, vector<1x128xf32>
    %add3A_39 = vector.broadcast %get3A_38 : vector<1x128xf32> to vector<2000x128xf32>
    %add3A_40 = arith.addf %dot_general3A_35, %add3A_39 : vector<2000x128xf32>
    %swap3A = arith.constant 0 : index
    %swap3A_41 = arith.constant 0 : index
    %swap3A_42 = vector.load %arg9[%swap3A, %swap3A_41] : memref<2000x128xf32, #tpu.memory_space<vmem>>, vector<2000x128xf32>
    tpu.vector_store %arg9[%swap3A, %swap3A_41], %add3A_40 {strides = array<i32>} : memref<2000x128xf32, #tpu.memory_space<vmem>>, vector<2000x128xf32>,
    return
  }
  func.func @transform_0(%arg0: i32) -> (i32, i32) {
    %c0_i32 = arith.constant 0 : i32
    %c0_i32_0 = arith.constant 0 : i32
    return %arg0, %c0_i32 : i32, i32
  }
  func.func @transform_1(%arg0: i32) -> (i32, i32, i32) {
    %c0_i32 = arith.constant 0 : i32
    %c0_i32_0 = arith.constant 0 : i32
    %c0_i32_1 = arith.constant 0 : i32
    return %c0_i32, %arg0, %c0_i32_0 : i32, i32, i32
  }
  func.func @transform_2(%arg0: i32) -> (i32, i32, i32) {
    %c1_i32 = arith.constant 1 : i32
    %c0_i32 = arith.constant 0 : i32
    %c0_i32_0 = arith.constant 0 : i32
    return %c1_i32, %arg0, %c0_i32 : i32, i32, i32
  }
  func.func @transform_3(%arg0: i32) -> (i32, i32, i32) {
    %c0_i32 = arith.constant 0 : i32
    %c0_i32_0 = arith.constant 0 : i32
    %c0_i32_1 = arith.constant 0 : i32
    return %c0_i32, %arg0, %c0_i32_0 : i32, i32, i32
  }
  func.func @transform_4(%arg0: i32) -> (i32, i32, i32) {
    %c1_i32 = arith.constant 1 : i32
    %c0_i32 = arith.constant 0 : i32
    %c0_i32_0 = arith.constant 0 : i32
    return %c1_i32, %arg0, %c0_i32 : i32, i32, i32
  }
  func.func @transform_5(%arg0: i32) -> (i32, i32) {
    %c0_i32 = arith.constant 0 : i32
    %c0_i32_0 = arith.constant 0 : i32
    %c0_i32_1 = arith.constant 0 : i32
    return %c0_i32, %c0_i32_0 : i32, i32
  }
  func.func @transform_6(%arg0: i32) -> (i32, i32) {
    %c0_i32 = arith.constant 0 : i32
    %c0_i32_0 = arith.constant 0 : i32
    %c0_i32_1 = arith.constant 0 : i32
    return %c0_i32, %c0_i32_0 : i32, i32
  }
  func.func @transform_7(%arg0: i32) -> (i32, i32) {
    %c0_i32 = arith.constant 0 : i32
    %c0_i32_0 = arith.constant 0 : i32
    %c0_i32_1 = arith.constant 0 : i32
    return %c0_i32, %c0_i32_0 : i32, i32
  }
  func.func @transform_8(%arg0: i32) -> (i32, i32) {
    %c0_i32 = arith.constant 0 : i32
    %c0_i32_0 = arith.constant 0 : i32
    return %arg0, %c0_i32 : i32, i32
  }
}

</mosaic_0001>

<sc_bundles>
// kernel: kernel.10.cloned.1.call-start
scs
__scs_entry_jumppad:
0x0: {  	(pc) =	sbr.rel $0x88, $3  }
0x1: {  	(tag) =	ssettag $0x0;
	lr =	simm.s32 $0x1  }
0x2: {  	[smem:$0x3F96] =	sst lr;
	_ =	strace $0xD0000000  }
0x3: {  	_ = 	snop  }
0x4: {  	_ = 	snop  }
0x5: {  	_ = 	snop  }
0x6: {  	_ = 	snop  }
0x7: {  	_ = 	snop  }
__scs_overlays_trampoline_lowered:
0x8: {  	[smem:$0x3FA5] =	sst s0  }
0x9: {  	[smem:$0x3FA6] =	sst s1  }
0xa: {  	[smem:$0x3FA7] =	sst s2  }
0xb: {  	[smem:$0x3FA8] =	sst s3  }
0xc: {  	[smem:$0x3FA9] =	sst s4  }
0xd: {  	[smem:$0x3FAA] =	sst s5  }
0xe: {  	[smem:$0x3FAB] =	sst s6  }
0xf: {  	[smem:$0x3FAC] =	sst s7  }
0x10: {  	[smem:$0x3FAD] =	sst s8  }
0x11: {  	[smem:$0x3FAE] =	sst s9;
	s0 =	simm.s32 @!p0 $0x0  }
0x12: {  	s1 =	sld [smem:$0x3F94];
	s0 =	simm.s32 @p0 $0x1  }
0x13: {  	[smem:$0x3FAF] =	sst s0;
	s0 =	simm.s32 @!p1 $0x0  }
0x14: {  	s2 =	sld [smem:$0x3F93];
	s0 =	simm.s32 @p1 $0x1  }
0x15: {  	[smem:$0x3FB0] =	sst s0;
	s0 =	simm.s32 @!p2 $0x0  }
0x16: {  	s3 =	sld [smem:$0x3FDB];
	s0 =	simm.s32 @p2 $0x1  }
0x17: {  	s4 =	simm.s32 $0x1BF5;
	[smem:$0x3FB2] =	sst s0  }
0x18: {  	s0 =	sld [smem:$0x3F95];
	_ =	swait.ge [sflag:s4], $0x0  }
0x19: {  	s7 =	sld [smem:$0x3F96]  }
0x1a: {  	s8 =	sadd.s32 $0xFFFFE003, lr  }
0x1b: {  	s9 =	sadd.s32 $0xFFFFFEF7, lr;
	s5 =	simm.s32 $0xFFFFFFFF;
	p2 =	slt.u32 s8, $0xFFFFF086  }
0x1c: {  	p1 =	slt.u32 s9, $0xF7A;
	s5 =	simm.s32 @!p2 $0x0  }
0x1d: {  	s5 =	simm.s32 @p1 $0x1;
	p0 =	seq.s32 s7, s2  }
0x1e: {  	s7 =	smul.u32 @!p0 $0xF7A, s2;
	p2 =	seq.s32 @!p0 s5, $0x0  }
0x1f: {  	s9 =	smul.u32 $0xF7A, s1;
	s8 =	simm.s32 @!p0 $0x1BF5;
	p2 =	por !p2, p0  }
0x20: {  	[sflag:s8] =	ssyncset.s32 @!p0 $0xFFFFF086;
	s6 =	sadd.s32 @!p0 s3, s7;
	s7 =	simm.s32 @!p0 $0x108  }
0x21: {  	s3 =	sadd.s32 s3, s9;
	s6 =	sadd.s32 @!p0 $0x88, s6;
	s7 =	simm.s32 @p2 $0x1082  }
0x22: {  	[simem:s7], [sflag:s8] =	dma.local @!p0 [hbm:s6], $0xF7A  }
0x23: {  	s9 =	sor.u32 $0xD0000000, s2;
	s6 =	simm.s32 $0x108;
	_ =	swait.ge @!p0 [sflag:s8], $0x0  }
0x24: {  	s3 =	sadd.s32 $0x88, s3;
	s6 =	simm.s32 @!p1 $0x1082;
	[sflag:s4] =	ssyncset.s32 $0xFFFFF086  }
0x25: {  	[simem:s6], [sflag:s4] =	dma.local [hbm:s3], $0xF7A  }
0x26: {  	[smem:$0x3F96] =	sst s1;
	(tag) =	ssettag s2;
	_ =	strace s9  }
0x27: {  	s1 =	sld [smem:$0x3FA6]  }
0x28: {  	s2 =	sld [smem:$0x3FA7]  }
0x29: {  	s4 =	sld [smem:$0x3FA9]  }
0x2a: {  	p0 =	seq.s32 s5, $0x0;
	s5 =	sld [smem:$0x3FAA]  }
0x2b: {  	s6 =	sld [smem:$0x3FAB]  }
0x2c: {  	s7 =	sld [smem:$0x3FAC]  }
0x2d: {  	s3 =	simm.s32 $0x108;
	s8 =	sld [smem:$0x3FAD]  }
0x2e: {  	s3 =	simm.s32 @!p0 $0x1082;
	s9 =	sld [smem:$0x3FAE]  }
0x2f: {  	lr =	sadd.s32 s0, s3;
	s0 =	sld [smem:$0x3FA5]  }
0x30: {  	s3 =	sld [smem:$0x3FA8]  }
0x31: {  	[smem:$0x3FB1] =	sst s10  }
0x32: {  	s10 =	sld [smem:$0x3FAF];
	_ =	sdelay $0x3  }
0x33: {  	p0 =	seq.s32 s10, $0x1;
	s10 =	sld [smem:$0x3FB1];
	_ =	sdelay $0x3  }
0x34: {  	[smem:$0x3FB1] =	sst s10  }
0x35: {  	s10 =	sld [smem:$0x3FB0];
	_ =	sdelay $0x3  }
0x36: {  	p1 =	seq.s32 s10, $0x1;
	s10 =	sld [smem:$0x3FB1];
	_ =	sdelay $0x3  }
0x37: {  	[smem:$0x3FB1] =	sst s10  }
0x38: {  	s10 =	sld [smem:$0x3FB2]  }
0x39: {  	_ = 	snop;
	(pc) =	sbr.ind lr, $3  }
0x3a: {  	_ = 	snop  }
0x3b: {  	_ = 	snop  }
0x3c: {  	p2 =	seq.s32 s10, $0x1;
	s10 =	sld [smem:$0x3FB1]  }
0x3d: {  	_ =	shalt  }
0x3e: {  	_ =	shalt  }
0x3f: {  	_ =	shalt  }
0x40: {  	_ =	shalt  }
0x41: {  	_ =	shalt  }
0x42: {  	_ =	shalt  }
0x43: {  	_ =	shalt  }
0x44: {  	_ =	shalt  }
0x45: {  	_ =	shalt  }
0x46: {  	_ =	shalt  }
0x47: {  	_ =	shalt  }
0x48: {  	_ =	shalt  }
0x49: {  	_ =	shalt  }
0x4a: {  	_ =	shalt  }
0x4b: {  	_ =	shalt  }
0x4c: {  	_ =	shalt  }
0x4d: {  	_ =	shalt  }
0x4e: {  	_ =	shalt  }
0x4f: {  	_ =	shalt  }
0x50: {  	_ =	shalt  }
0x51: {  	_ =	shalt  }
0x52: {  	_ =	shalt  }
0x53: {  	_ =	shalt  }
0x54: {  	_ =	shalt  }
0x55: {  	_ =	shalt  }
0x56: {  	_ =	shalt  }
0x57: {  	_ =	shalt  }
0x58: {  	_ =	shalt  }
0x59: {  	_ =	shalt  }
0x5a: {  	_ =	shalt  }
0x5b: {  	_ =	shalt  }
0x5c: {  	_ =	shalt  }
0x5d: {  	_ =	shalt  }
0x5e: {  	_ =	shalt  }
0x5f: {  	_ =	shalt  }
0x60: {  	_ =	shalt  }
0x61: {  	_ =	shalt  }
0x62: {  	_ =	shalt  }
0x63: {  	_ =	shalt  }
0x64: {  	_ =	shalt  }
0x65: {  	_ =	shalt  }
0x66: {  	_ =	shalt  }
0x67: {  	_ =	shalt  }
0x68: {  	_ =	shalt  }
0x69: {  	_ =	shalt  }
0x6a: {  	_ =	shalt  }
0x6b: {  	_ =	shalt  }
0x6c: {  	_ =	shalt  }
0x6d: {  	_ =	shalt  }
0x6e: {  	_ =	shalt  }
0x6f: {  	_ =	shalt  }
0x70: {  	_ =	shalt  }
0x71: {  	_ =	shalt  }
0x72: {  	_ =	shalt  }
0x73: {  	_ =	shalt  }
0x74: {  	_ =	shalt  }
0x75: {  	_ =	shalt  }
0x76: {  	_ =	shalt  }
0x77: {  	_ =	shalt  }
0x78: {  	_ =	shalt  }
0x79: {  	_ =	shalt  }
0x7a: {  	_ =	shalt  }
0x7b: {  	_ =	shalt  }
0x7c: {  	_ =	shalt  }
0x7d: {  	_ =	shalt  }
0x7e: {  	_ =	shalt  }
0x7f: {  	_ =	shalt  }
0x80: {  	_ =	shalt  }
0x81: {  	_ =	shalt  }
0x82: {  	_ =	shalt  }
0x83: {  	_ =	shalt  }
0x84: {  	_ =	shalt  }
0x85: {  	_ =	shalt  }
0x86: {  	_ =	shalt  }
0x87: {  	_ =	shalt  }
.Lfunc_end0:
.L_simem_size_0:
called_computation_lowered:
.L_overlay_start_0:
0x88: {  	s2 =	sld [smem:$0x3FD9]  }
0x89: {  	s3 =	sld [smem:$0x3FFE];
	_ =	sdelay $0x1  }
0x8a: {  	s1 =	srdreg.scid  }
0x8b: {  	s0 =	sand.u32 $0x1, s1  }
0x8c: {  	s17 =	sshll.u32 s0, $0xA;
	s2 =	sadd.s32 s3, s2  }
0x8d: {  	s2 =	sadd.s32 s2, s17  }
0x8e: {  	[smem:$0x3FBD] =	sst s2  }
0x8f: {  	_ = 	snop  }
0x90: {  	(tm) =	ssettm $0x1  }
0x91: {  	s18 =	sld [smem:$0x3FFB];
	_ =	sdelay $0x3  }
0x92: {  	_ =	strace s18  }
0x93: {  	s2 =	sld [smem:$0x3FFC];
	_ =	sdelay $0x3  }
0x94: {  	_ =	strace s2  }
0x95: {  	s2 =	sld [smem:$0x3FFD];
	_ =	sdelay $0x3  }
0x96: {  	_ =	strace s2  }
0x97: {  	_ =	strace $0x8FFFFFFF  }
0x98: {  	s19 =	sld [smem:$0x3FDB];
	_ =	sdelay $0x1  }
0x99: {  	s20 =	simm.s32 $_scs_section_size  }
0x9a: {  	s4 =	simm.s32 $_size__tile_overlayer_lowered;
	s5 =	simm.s32 $_tile_overlayer_lowered  }
0x9b: {  	s6 =	simm.s32 $0x1BFF;
	s21 =	sshll.u32 s5, $0x1;
	s3 =	sadd.s32 s20, s19  }
0x9c: {  	s22 =	simm.s32 $0x0;
	s4 =	sshll.u32 s4, $0x1;
	s5 =	sadd.s32 s21, s3  }
0x9d: {  	[timem:s22], [sflag:s6] =	dma.local [hbm:s5], s4  }
0x9e: {  	_ =	swait.ge [sflag:s6], s4  }
0x9f: {  	s4 =	ssub.s32 $0x0, s4;
	[sflag:s6] =	ssyncset.done $0x0  }
0xa0: {  	[sflag:s6] =	ssyncadd.s32 s4;
	_ =	sdelay $0x1  }
0xa1: {  	s23 =	simm.s32 $0x1B8B  }
0xa2: {  	_ =	swait.ge [sflag:s23], $0x1  }
0xa3: {  	[sflag:s23] =	ssyncset.done $0x0  }
0xa4: {  	[sflag:s23] =	ssyncadd.s32 $0xFFFFFFFF  }
0xa5: {  	s4 =	sld [smem:$0x0]  }
0xa6: {  	s5 =	sand.u32 $0xFFFFFFFE, s1  }
0xa7: {  	p0 =	sne.s32 s1, s5  }
0xa8: {  	s5 =	sshll.u32 @p0 s5, $0xE  }
0xa9: {  	s5 =	sadd.s32 @p0 $0x11B8D, s5;
	s6 =	sshll.u32 @p0 s4, $0x11  }
0xaa: {  	s5 =	sor.u32 @p0 s6, s5  }
0xab: {  	[sflag:s5] =	ssyncadd.remote.s32 @p0 $0x1;
	_ =	sdelay $0x1  }
0xac: {  	s5 =	simm.s32 @p0 $0x1B8D  }
0xad: {  	_ =	swait.eq @p0 [sflag:s5], $0x1  }
0xae: {  	[sflag:s5] =	ssyncadd.s32 @p0 $0xFFFFFFFF  }
0xaf: {  	s6 =	sshll.u32 @!p0 s1, $0xE  }
0xb0: {  	s6 =	sor.u32 @!p0 $0x4000, s6;
	s5 =	simm.s32 @!p0 $0x1B8D  }
0xb1: {  	s4 =	sshll.u32 @!p0 s4, $0x11;
	s6 =	sadd.s32 @!p0 $0x11B8D, s6;
	_ =	swait.eq @!p0 [sflag:s5], $0x1  }
0xb2: {  	s4 =	sor.u32 @!p0 s4, s6;
	[sflag:s5] =	ssyncadd.s32 @!p0 $0xFFFFFFFF  }
0xb3: {  	s25 =	simm.s32 $0x1B8E;
	s24 =	sld [smem:$0x3FFE];
	[sflag:s4] =	ssyncadd.remote.s32 @!p0 $0x1  }
0xb4: {  	s26 =	simm.s32 $execute0_lowered;
	[smem:$0x3FD2] =	sst s25  }
0xb5: {  	s5 =	sshll.u32 s26, $0x1;
	_ =	strace $0x80000049;
	[dreg:$0x1] =	wrdreg $0xFFFFFFFF  }
0xb6: {  	s28 =	simm.s32 $_size_execute0_lowered;
	s3 =	sadd.s32 s3, s5;
	[dreg:$0x0] =	wrdreg $0x0  }
0xb7: {  	s5 =	sshll.u32 s28, $0x1;
	[dreg:$0x2] =	wrdreg s3  }
0xb8: {  	[dreg:$0x3] =	wrdreg s5  }
0xb9: {  	[dreg:$0x4] =	wrdreg $0xC0  }
0xba: {  	_ =	task [dreg:s22], $0x5FFFF  }
0xbb: {  	[dreg:$0x1] =	wrdreg $0xFFFFFFFF  }
0xbc: {  	[dreg:$0x0] =	wrdreg $0x60  }
0xbd: {  	[dreg:$0x2] =	wrdreg s24  }
0xbe: {  	[dreg:$0x3] =	wrdreg $0x9  }
0xbf: {  	_ =	task.clear_ibuf [dreg:s22], $0x4FFFF;
	_ =	strace $0x90000049  }
0xc0: {  	s29 =	simm.s32 $0x9;
	_ =	strace $0x8000004B  }
0xc1: {  	_ =	swait.ge [sflag:s29], $0x1  }
0xc2: {  	[sflag:s29] =	ssyncadd.s32 $0xFFFFFFFF  }
0xc3: {  	_ =	strace $0x9000004B  }
0xc4: {  	_ =	sfence  }
0xc5: {  	s30 =	sld [smem:$0x0];
	_ =	sdelay $0x2  }
0xc6: {  	s31 =	sshll.u32 s1, $0xD;
	s1 =	sshrl.u32 s1, $0x2  }
0xc7: {  	s4 =	sand.u32 $0x4000, s31;
	s1 =	sadd.s32 s1, s30  }
0xc8: {  	s0 =	sor.u32 s4, s0;
	s1 =	sshll.u32 s1, $0x11  }
0xc9: {  	s0 =	sor.u32 s1, s0  }
0xca: {  	s0 =	sadd.s32 $0x8F2B, s0  }
0xcb: {  	[sflag:s0] =	ssyncadd.remote.s32 $0x1  }
0xcc: {  	_ =	sfence.sel $0xFFFF  }
0xcd: {  	[dreg:$0x0] =	wrdreg $0xFFFFFFFF;
	(pc) =	sbr.abs _section_cstart, $3  }
0xce: {  	[dreg:$0x1] =	wrdreg $0xFFFFFFFF  }
0xcf: {  	_ =	task.clear_ibuf [dreg:s22], $0x2FFFF;
	_ =	strace $0x9FFFFFFF  }
0xd0: {  	(tm) =	ssettm $0x7FFFFFFF  }
0xd1: {  	_ =	shalt  }
tec
execute0_lowered:
.L_overlay_start_1:
0x0: {  	(tag) =	ssettag $0x1  }
0x1: {  	s0 =	srdreg.scid  }
0x2: {  	s2 =	stileid.u32;
	s1 =	rddreg [dreg:$0x0]  }
0x3: {  	s12 =	simm.s32 $0x7;
	s13 =	simm.s32 $0x1400;
	s14 =	simm.s32 $0x80  }
0x4: {  	s15 =	simm.s32 $0x2800;
	s16 =	simm.s32 $0xA800;
	s17 =	simm.s32 $0x6800  }
0x5: {  	s18 =	simm.s32 $0xE800;
	s19 =	simm.s32 $0x1;
	s20 =	simm.s32 $0x3  }
0x6: {  	s21 =	simm.s32 $0x5;
	s22 =	simm.s32 $0x2;
	s23 =	simm.s32 $0x4  }
0x7: {  	s24 =	simm.s32 $0x6;
	s25 =	simm.s32 $0x8;
	s28 =	simm.s32 $0x2780  }
0x8: {  	s0 =	sand.u32 $0x1, s0;
	s3 =	sshll.u32 s2, $0x1;
	s2 =	simm.s32 $0x0  }
0x9: {  	s29 =	simm.s32 $0x0;
	s4 =	sor.u32 s0, s3;
	[smem:$0x7FF] =	sst s2  }
0xa: {  	s3 =	sadd.s32 $0x17A00, s1;
	s0 =	ssub.s32 $0x2, s0;
	s5 =	smul.u32 $0x1388, s4  }
0xb: {  	_ =	strace $0x8000004A;
	s4 =	smul.u32 $0x9C400, s4;
	s30 =	sshrl.u32 s0, $0x1  }
0xc: {  	s0 =	ssub.s32 s0, s30;
	s6 =	sshrl.u32 s5, $0x3;
	s5 =	sadd.s32 $0x3EC00, s1  }
0xd: {  	s9 =	sshrl.u32 s4, $0x3;
	s8 =	sadd.s32 s6, s1;
	s6 =	sadd.s32 $0x2D6E00, s1  }
0xe: {  	s11 =	smax.u32 s0, $0x1;
	s7 =	sadd.s32 $0xCC40, s8;
	s31 =	sadd.s32 s6, s9  }
0xf: {  	s8 =	sadd.s32 $0x3000, s8;
	s9 =	sadd.s32 $0x13000, s31;
	s10 =	sadd.s32 $0x13800, s31  }
.LBB2_1:
0x10: {  	[tilespmem:s2], [sflag:$0x7] =	stream.linear.gather [hbm4b:s7+s2], $0x1388, $0x38;
	[tilespmem:$0x12800] =	vst v63  }
0x11: {  	_ =	swait.ge [sflag:s12], $0x1388  }
0x12: {  	[sflag:s12] =	ssyncset.done $0x0  }
0x13: {  	[sflag:s12] =	ssyncadd.s32 $0xFFFFEC78  }
0x14: {  	[tilespmem:s13], [sflag:$0x7] =	stream.linear.gather [hbm4b:s8+s2], $0x1388, $0x38;
	[tilespmem:$0x12800] =	vst v63  }
0x15: {  	_ =	swait.ge [sflag:s12], $0x1388  }
0x16: {  	[sflag:s12] =	ssyncset.done $0x0  }
0x17: {  	[sflag:s12] =	ssyncadd.s32 $0xFFFFEC78  }
0x18: {  	[tilespmem:s15], [sflag:$0x1] =	stream.indirect.gather [hbm4b:s3+s14], $0x80, s2, s14, $0xb8;
	[tilespmem:$0x12800] =	vst v63  }
0x19: {  	s30 =	simm.s32 $0x0  }
0x1a: {  	[tilespmem:s16], [sflag:$0x3] =	stream.indirect.gather [hbm4b:s5+s14], $0x80, s13, s14, $0xb8;
	[tilespmem:$0x12800] =	vst v63  }
.LBB2_2:
0x1b: {  	p0 =	seq.s32 s30, $0x0  }
0x1c: {  	s0 =	simm.s32 @!p0 $0x6  }
0x1d: {  	_ =	swait.ge @!p0 [sflag:s0], $0x4000  }
0x1e: {  	s31 =	sshllo.u32 s30, $0x1;
	[sflag:s0] =	ssyncset.done @!p0 $0x0  }
0x1f: {  	s26 =	sshll.u32 s31, $0x7;
	[sflag:s0] =	ssyncadd.s32 @!p0 $0xFFFFC000  }
0x20: {  	[tilespmem:s17], [sflag:$0x2] =	stream.indirect.gather [hbm4b:s3+s14], $0x80, s26, s14, $0xb8;
	[tilespmem:$0x12800] =	vst v63  }
0x21: {  	s0 =	sadd.s32 $0x1400, s26  }
0x22: {  	[tilespmem:s18], [sflag:$0x4] =	stream.indirect.gather [hbm4b:s5+s14], $0x80, s0, s14, $0xb8;
	[tilespmem:$0x12800] =	vst v63  }
0x23: {  	_ =	swait.ge [sflag:s19], $0x4000  }
0x24: {  	[sflag:s19] =	ssyncset.done $0x0  }
0x25: {  	[sflag:s19] =	ssyncadd.s32 $0xFFFFC000  }
0x26: {  	_ =	swait.ge [sflag:s20], $0x4000  }
0x27: {  	[sflag:s20] =	ssyncset.done $0x0  }
0x28: {  	s1 =	simm.s32 $0x0;
	[sflag:s20] =	ssyncadd.s32 $0xFFFFC000  }
0x29: {  	v7 =	vld [tilespmem:s1+$0xA800]  }
0x2a: {  	v11 =	vld [tilespmem:s1+$0xA810]  }
0x2b: {  	v5 =	vld [tilespmem:s1+$0xA820]  }
0x2c: {  	v4 =	vld [tilespmem:s1+$0xA830]  }
0x2d: {  	v3 =	vld [tilespmem:s1+$0xA840]  }
0x2e: {  	v2 =	vld [tilespmem:s1+$0xA850]  }
0x2f: {  	v1 =	vld [tilespmem:s1+$0xA860]  }
0x30: {  	v0 =	vld [tilespmem:s1+$0xA870]  }
0x31: {  	v12 =	vld [tilespmem:s1+$0x2800]  }
0x32: {  	v13 =	vld [tilespmem:s1+$0x2810]  }
0x33: {  	v10 =	vld [tilespmem:s1+$0x2820]  }
0x34: {  	v9 =	vld [tilespmem:s1+$0x2830]  }
0x35: {  	v8 =	vld [tilespmem:s1+$0x2840]  }
0x36: {  	v6 =	vld [tilespmem:s1+$0x2850];
	v12 =	vadd.f32 v7, v12  }
0x37: {  	s0 =	simm.s32 $0x200;
	v11 =	vadd.f32 v11, v13;
	v7 =	vld [tilespmem:s1+$0x2860]  }
.LBB2_3:
0x38: {  	s26 =	sshra.s32 s0, $0x2;
	p0 =	sne.s32 s0, $0xFE00;
	[tilespmem:s1+$0x2800] =	vst v12;
	v5 =	vadd.f32 v5, v10;
	v10 =	vld [tilespmem:s1+$0x2870]  }
0x39: {  	v12 =	vld [tilespmem:s26+$0xA800];
	[tilespmem:s1+$0x2810] =	vst v11;
	v4 =	vadd.f32 v4, v9  }
0x3a: {  	v11 =	vld [tilespmem:s26+$0xA810];
	[tilespmem:s1+$0x2820] =	vst v5;
	v3 =	vadd.f32 v3, v8  }
0x3b: {  	v5 =	vld [tilespmem:s26+$0xA820];
	[tilespmem:s1+$0x2830] =	vst v4;
	v2 =	vadd.f32 v2, v6  }
0x3c: {  	v4 =	vld [tilespmem:s26+$0xA830];
	[tilespmem:s1+$0x2840] =	vst v3;
	v1 =	vadd.f32 v1, v7  }
0x3d: {  	v3 =	vld [tilespmem:s26+$0xA840];
	[tilespmem:s1+$0x2850] =	vst v2;
	v0 =	vadd.f32 v0, v10  }
0x3e: {  	v2 =	vld [tilespmem:s26+$0xA850];
	[tilespmem:s1+$0x2860] =	vst v1  }
0x3f: {  	v1 =	vld [tilespmem:s26+$0xA860];
	[tilespmem:s1+$0x2870] =	vst v0;
	s1 =	smov.u32 s26  }
0x40: {  	v0 =	vld [tilespmem:s1+$0xA870]  }
0x41: {  	v6 =	vld [tilespmem:s1+$0x2800]  }
0x42: {  	v7 =	vld [tilespmem:s1+$0x2810]  }
.Ltmp0:
0x43: {  	v10 =	vld [tilespmem:s1+$0x2820];
	(pc) =	sbr.rel @p0 .LBB2_3-.Ltmp0, $4  }
0x44: {  	v9 =	vld [tilespmem:s1+$0x2830]  }
0x45: {  	v8 =	vld [tilespmem:s1+$0x2840]  }
0x46: {  	v12 =	vadd.f32 v12, v6;
	v6 =	vld [tilespmem:s1+$0x2850]  }
0x47: {  	s0 =	sadd.s32 $0x200, s0;
	v11 =	vadd.f32 v11, v7;
	v7 =	vld [tilespmem:s1+$0x2860]  }
0x48: {  	[tilespmem:s1+$0x2800] =	vst v12;
	v5 =	vadd.f32 v5, v10;
	v10 =	vld [tilespmem:s1+$0x2870]  }
0x49: {  	[tilespmem:s1+$0x2810] =	vst v11;
	v4 =	vadd.f32 v4, v9  }
0x4a: {  	[tilespmem:s1+$0x2820] =	vst v5;
	v3 =	vadd.f32 v3, v8  }
0x4b: {  	[tilespmem:s1+$0x2830] =	vst v4;
	v2 =	vadd.f32 v2, v6  }
0x4c: {  	s0 =	sshll.u32 s30, $0xF;
	[tilespmem:s1+$0x2840] =	vst v3;
	v1 =	vadd.f32 v1, v7  }
0x4d: {  	s0 =	sadd.s32 s4, s0;
	[tilespmem:s1+$0x2850] =	vst v2;
	v0 =	vadd.f32 v0, v10  }
0x4e: {  	s0 =	sshrl.u32 s0, $0x3;
	[tilespmem:s1+$0x2860] =	vst v1  }
0x4f: {  	s26 =	simm.s32 $0x0;
	s0 =	sadd.s32 s6, s0;
	[tilespmem:s1+$0x2870] =	vst v0  }
0x50: {  	[hbm4b:s0+s26] =	stream.linear.scatter [tilespmem:s15], [sflag:$0x5], $0x4000, $0x38;
	[tilespmem:$0x12800] =	vst v63  }
0x51: {  	_ =	swait.ge [sflag:s21], $0x4000  }
0x52: {  	s0 =	sshll.u32 s30, $0x8;
	[sflag:s21] =	ssyncset.done $0x0  }
0x53: {  	s26 =	sadd.s32 $0x100, s0;
	[sflag:s21] =	ssyncadd.s32 $0xFFFFC000  }
0x54: {  	[tilespmem:s15], [sflag:$0x1] =	stream.indirect.gather [hbm4b:s3+s14], $0x80, s26, s14, $0xb8;
	[tilespmem:$0x12800] =	vst v63  }
0x55: {  	s0 =	sadd.s32 $0x1500, s0  }
0x56: {  	[tilespmem:s16], [sflag:$0x3] =	stream.indirect.gather [hbm4b:s5+s14], $0x80, s0, s14, $0xb8;
	[tilespmem:$0x12800] =	vst v63  }
0x57: {  	_ =	swait.ge [sflag:s22], $0x4000  }
0x58: {  	[sflag:s22] =	ssyncset.done $0x0  }
0x59: {  	[sflag:s22] =	ssyncadd.s32 $0xFFFFC000  }
0x5a: {  	_ =	swait.ge [sflag:s23], $0x4000  }
0x5b: {  	[sflag:s23] =	ssyncset.done $0x0  }
0x5c: {  	s1 =	simm.s32 $0x0;
	[sflag:s23] =	ssyncadd.s32 $0xFFFFC000  }
0x5d: {  	v7 =	vld [tilespmem:s1+$0xE800]  }
0x5e: {  	v11 =	vld [tilespmem:s1+$0xE810]  }
0x5f: {  	v5 =	vld [tilespmem:s1+$0xE820]  }
0x60: {  	v4 =	vld [tilespmem:s1+$0xE830]  }
0x61: {  	v3 =	vld [tilespmem:s1+$0xE840]  }
0x62: {  	v2 =	vld [tilespmem:s1+$0xE850]  }
0x63: {  	v1 =	vld [tilespmem:s1+$0xE860]  }
0x64: {  	v0 =	vld [tilespmem:s1+$0xE870]  }
0x65: {  	v12 =	vld [tilespmem:s1+$0x6800]  }
0x66: {  	v13 =	vld [tilespmem:s1+$0x6810]  }
0x67: {  	v10 =	vld [tilespmem:s1+$0x6820]  }
0x68: {  	v9 =	vld [tilespmem:s1+$0x6830]  }
0x69: {  	v8 =	vld [tilespmem:s1+$0x6840]  }
0x6a: {  	v6 =	vld [tilespmem:s1+$0x6850];
	v12 =	vadd.f32 v7, v12  }
0x6b: {  	s0 =	simm.s32 $0x200;
	v11 =	vadd.f32 v11, v13;
	v7 =	vld [tilespmem:s1+$0x6860]  }
.LBB2_5:
0x6c: {  	s26 =	sshra.s32 s0, $0x2;
	p0 =	sne.s32 s0, $0xFE00;
	[tilespmem:s1+$0x6800] =	vst v12;
	v5 =	vadd.f32 v5, v10;
	v10 =	vld [tilespmem:s1+$0x6870]  }
0x6d: {  	v12 =	vld [tilespmem:s26+$0xE800];
	[tilespmem:s1+$0x6810] =	vst v11;
	v4 =	vadd.f32 v4, v9  }
0x6e: {  	v11 =	vld [tilespmem:s26+$0xE810];
	[tilespmem:s1+$0x6820] =	vst v5;
	v3 =	vadd.f32 v3, v8  }
0x6f: {  	v5 =	vld [tilespmem:s26+$0xE820];
	[tilespmem:s1+$0x6830] =	vst v4;
	v2 =	vadd.f32 v2, v6  }
0x70: {  	v4 =	vld [tilespmem:s26+$0xE830];
	[tilespmem:s1+$0x6840] =	vst v3;
	v1 =	vadd.f32 v1, v7  }
0x71: {  	v3 =	vld [tilespmem:s26+$0xE840];
	[tilespmem:s1+$0x6850] =	vst v2;
	v0 =	vadd.f32 v0, v10  }
0x72: {  	v2 =	vld [tilespmem:s26+$0xE850];
	[tilespmem:s1+$0x6860] =	vst v1  }
0x73: {  	v1 =	vld [tilespmem:s26+$0xE860];
	[tilespmem:s1+$0x6870] =	vst v0;
	s1 =	smov.u32 s26  }
0x74: {  	v0 =	vld [tilespmem:s1+$0xE870]  }
0x75: {  	v6 =	vld [tilespmem:s1+$0x6800]  }
0x76: {  	v7 =	vld [tilespmem:s1+$0x6810]  }
.Ltmp1:
0x77: {  	v10 =	vld [tilespmem:s1+$0x6820];
	(pc) =	sbr.rel @p0 .LBB2_5-.Ltmp1, $4  }
0x78: {  	v9 =	vld [tilespmem:s1+$0x6830]  }
0x79: {  	v8 =	vld [tilespmem:s1+$0x6840]  }
0x7a: {  	v12 =	vadd.f32 v12, v6;
	v6 =	vld [tilespmem:s1+$0x6850]  }
0x7b: {  	s0 =	sadd.s32 $0x200, s0;
	v11 =	vadd.f32 v11, v7;
	v7 =	vld [tilespmem:s1+$0x6860]  }
0x7c: {  	[tilespmem:s1+$0x6800] =	vst v12;
	v5 =	vadd.f32 v5, v10;
	v63 =	vld [tilespmem:s1+$0x6870]  }
0x7d: {  	[tilespmem:s1+$0x6810] =	vst v11;
	v4 =	vadd.f32 v4, v9  }
0x7e: {  	s30 =	sadd.s32 $0x1, s30;
	[tilespmem:s1+$0x6820] =	vst v5;
	v3 =	vadd.f32 v3, v8  }
0x7f: {  	p0 =	sne.s32 s30, $0x13;
	[tilespmem:s1+$0x6830] =	vst v4;
	v2 =	vadd.f32 v2, v6  }
.Ltmp2:
0x80: {  	s0 =	sshll.u32 s31, $0xE;
	[tilespmem:s1+$0x6840] =	vst v3;
	v1 =	vadd.f32 v1, v7;
	(pc) =	sbr.rel @p0 .LBB2_2-.Ltmp2, $4  }
0x81: {  	s0 =	sadd.s32 s4, s0;
	[tilespmem:s1+$0x6850] =	vst v2;
	v0 =	vadd.f32 v0, v63  }
0x82: {  	s0 =	sshrl.u32 s0, $0x3;
	[tilespmem:s1+$0x6860] =	vst v1  }
0x83: {  	s0 =	sadd.s32 s6, s0;
	[tilespmem:s1+$0x6870] =	vst v0  }
0x84: {  	[hbm4b:s0+s2] =	stream.linear.scatter [tilespmem:s17], [sflag:$0x6], $0x4000, $0x38;
	[tilespmem:$0x12800] =	vst v63  }
0x85: {  	_ =	swait.ge [sflag:s19], $0x4000  }
0x86: {  	[sflag:s19] =	ssyncset.done $0x0  }
0x87: {  	[sflag:s19] =	ssyncadd.s32 $0xFFFFC000  }
0x88: {  	_ =	swait.ge [sflag:s20], $0x4000  }
0x89: {  	[sflag:s20] =	ssyncset.done $0x0  }
0x8a: {  	s1 =	simm.s32 $0x0;
	[sflag:s20] =	ssyncadd.s32 $0xFFFFC000  }
0x8b: {  	v7 =	vld [tilespmem:s1+$0xA800]  }
0x8c: {  	v11 =	vld [tilespmem:s1+$0xA810]  }
0x8d: {  	v5 =	vld [tilespmem:s1+$0xA820]  }
0x8e: {  	v4 =	vld [tilespmem:s1+$0xA830]  }
0x8f: {  	v3 =	vld [tilespmem:s1+$0xA840]  }
0x90: {  	v2 =	vld [tilespmem:s1+$0xA850]  }
0x91: {  	v1 =	vld [tilespmem:s1+$0xA860]  }
0x92: {  	v0 =	vld [tilespmem:s1+$0xA870]  }
0x93: {  	v12 =	vld [tilespmem:s1+$0x2800]  }
0x94: {  	v13 =	vld [tilespmem:s1+$0x2810]  }
0x95: {  	v10 =	vld [tilespmem:s1+$0x2820]  }
0x96: {  	v9 =	vld [tilespmem:s1+$0x2830]  }
0x97: {  	v8 =	vld [tilespmem:s1+$0x2840]  }
0x98: {  	v6 =	vld [tilespmem:s1+$0x2850];
	v12 =	vadd.f32 v7, v12  }
0x99: {  	s0 =	simm.s32 $0x200;
	v11 =	vadd.f32 v11, v13;
	v7 =	vld [tilespmem:s1+$0x2860]  }
.LBB2_8:
0x9a: {  	s26 =	sshra.s32 s0, $0x2;
	p0 =	sne.s32 s0, $0xFE00;
	[tilespmem:s1+$0x2800] =	vst v12;
	v5 =	vadd.f32 v5, v10;
	v10 =	vld [tilespmem:s1+$0x2870]  }
0x9b: {  	v12 =	vld [tilespmem:s26+$0xA800];
	[tilespmem:s1+$0x2810] =	vst v11;
	v4 =	vadd.f32 v4, v9  }
0x9c: {  	v11 =	vld [tilespmem:s26+$0xA810];
	[tilespmem:s1+$0x2820] =	vst v5;
	v3 =	vadd.f32 v3, v8  }
0x9d: {  	v5 =	vld [tilespmem:s26+$0xA820];
	[tilespmem:s1+$0x2830] =	vst v4;
	v2 =	vadd.f32 v2, v6  }
0x9e: {  	v4 =	vld [tilespmem:s26+$0xA830];
	[tilespmem:s1+$0x2840] =	vst v3;
	v1 =	vadd.f32 v1, v7  }
0x9f: {  	v3 =	vld [tilespmem:s26+$0xA840];
	[tilespmem:s1+$0x2850] =	vst v2;
	v0 =	vadd.f32 v0, v10  }
0xa0: {  	v2 =	vld [tilespmem:s26+$0xA850];
	[tilespmem:s1+$0x2860] =	vst v1  }
0xa1: {  	v1 =	vld [tilespmem:s26+$0xA860];
	[tilespmem:s1+$0x2870] =	vst v0;
	s1 =	smov.u32 s26  }
0xa2: {  	v0 =	vld [tilespmem:s1+$0xA870]  }
0xa3: {  	v6 =	vld [tilespmem:s1+$0x2800]  }
0xa4: {  	v7 =	vld [tilespmem:s1+$0x2810]  }
.Ltmp3:
0xa5: {  	v10 =	vld [tilespmem:s1+$0x2820];
	(pc) =	sbr.rel @p0 .LBB2_8-.Ltmp3, $4  }
0xa6: {  	v9 =	vld [tilespmem:s1+$0x2830]  }
0xa7: {  	v8 =	vld [tilespmem:s1+$0x2840]  }
0xa8: {  	v12 =	vadd.f32 v12, v6;
	v6 =	vld [tilespmem:s1+$0x2850]  }
0xa9: {  	s0 =	sadd.s32 $0x200, s0;
	v11 =	vadd.f32 v11, v7;
	v7 =	vld [tilespmem:s1+$0x2860]  }
0xaa: {  	[tilespmem:s1+$0x2800] =	vst v12;
	v5 =	vadd.f32 v5, v10;
	v61 =	vld [tilespmem:s1+$0x2870]  }
0xab: {  	[tilespmem:s1+$0x2810] =	vst v11;
	v4 =	vadd.f32 v4, v9  }
0xac: {  	[tilespmem:s1+$0x2820] =	vst v5;
	v3 =	vadd.f32 v3, v8  }
0xad: {  	[tilespmem:s1+$0x2830] =	vst v4;
	v2 =	vadd.f32 v2, v6  }
0xae: {  	[tilespmem:s1+$0x2840] =	vst v3;
	v1 =	vadd.f32 v1, v7  }
0xaf: {  	[tilespmem:s1+$0x2850] =	vst v2;
	v0 =	vadd.f32 v0, v61  }
0xb0: {  	[tilespmem:s1+$0x2860] =	vst v1  }
0xb1: {  	[tilespmem:s1+$0x2870] =	vst v0  }
0xb2: {  	[hbm4b:s9+s2] =	stream.linear.scatter [tilespmem:s15], [sflag:$0x5], $0x4000, $0x38;
	[tilespmem:$0x12800] =	vst v63  }
0xb3: {  	_ =	swait.ge [sflag:s21], $0x4000  }
0xb4: {  	[sflag:s21] =	ssyncset.done $0x0  }
0xb5: {  	[sflag:s21] =	ssyncadd.s32 $0xFFFFC000  }
0xb6: {  	_ =	swait.ge [sflag:s24], $0x4000  }
0xb7: {  	[sflag:s24] =	ssyncset.done $0x0  }
0xb8: {  	s0 =	simm.s32 $0x1380;
	[sflag:s24] =	ssyncadd.s32 $0xFFFFC000  }
0xb9: {  	[tilespmem:s15], [sflag:$0x1] =	stream.indirect.gather [hbm4b:s3+s25], $0x80, s0, s25, $0xb8;
	[tilespmem:$0x12800] =	vst v63  }
0xba: {  	_ = 	snop  }
0xbb: {  	[tilespmem:s16], [sflag:$0x3] =	stream.indirect.gather [hbm4b:s5+s25], $0x80, s28, s25, $0xb8;
	[tilespmem:$0x12800] =	vst v63  }
0xbc: {  	_ =	swait.ge [sflag:s19], $0x400  }
0xbd: {  	[sflag:s19] =	ssyncset.done $0x0  }
0xbe: {  	[sflag:s19] =	ssyncadd.s32 $0xFFFFFC00  }
0xbf: {  	_ =	swait.ge [sflag:s20], $0x400  }
0xc0: {  	[sflag:s20] =	ssyncset.done $0x0  }
0xc1: {  	[sflag:s20] =	ssyncadd.s32 $0xFFFFFC00  }
0xc2: {  	v0 =	vld [tilespmem:$0x2800]  }
0xc3: {  	v1 =	vld [tilespmem:$0xA800]  }
0xc4: {  	v2 =	vld [tilespmem:$0x2810]  }
0xc5: {  	v3 =	vld [tilespmem:$0xA810]  }
0xc6: {  	v4 =	vld [tilespmem:$0x2820]  }
0xc7: {  	v5 =	vld [tilespmem:$0xA820]  }
0xc8: {  	v6 =	vld [tilespmem:$0x2830]  }
0xc9: {  	v7 =	vld [tilespmem:$0xA830]  }
0xca: {  	v8 =	vld [tilespmem:$0x2840]  }
0xcb: {  	v9 =	vld [tilespmem:$0xA840]  }
0xcc: {  	v10 =	vld [tilespmem:$0x2850]  }
0xcd: {  	v11 =	vld [tilespmem:$0xA850]  }
0xce: {  	v12 =	vld [tilespmem:$0x2860]  }
0xcf: {  	v13 =	vld [tilespmem:$0xA860]  }
0xd0: {  	v14 =	vld [tilespmem:$0x2870]  }
0xd1: {  	v15 =	vld [tilespmem:$0xA870]  }
0xd2: {  	v16 =	vld [tilespmem:$0x2880]  }
0xd3: {  	v17 =	vld [tilespmem:$0xA880]  }
0xd4: {  	v18 =	vld [tilespmem:$0x2890]  }
0xd5: {  	v19 =	vld [tilespmem:$0xA890]  }
0xd6: {  	v20 =	vld [tilespmem:$0x28A0]  }
0xd7: {  	v21 =	vld [tilespmem:$0xA8A0]  }
0xd8: {  	v22 =	vld [tilespmem:$0x28B0]  }
0xd9: {  	v23 =	vld [tilespmem:$0xA8B0]  }
0xda: {  	v24 =	vld [tilespmem:$0x28C0]  }
0xdb: {  	v25 =	vld [tilespmem:$0xA8C0]  }
0xdc: {  	v26 =	vld [tilespmem:$0x28D0]  }
0xdd: {  	v27 =	vld [tilespmem:$0xA8D0]  }
0xde: {  	v28 =	vld [tilespmem:$0x28E0]  }
0xdf: {  	v29 =	vld [tilespmem:$0xA8E0]  }
0xe0: {  	v30 =	vld [tilespmem:$0x28F0]  }
0xe1: {  	v31 =	vld [tilespmem:$0xA8F0]  }
0xe2: {  	v32 =	vld [tilespmem:$0x2900]  }
0xe3: {  	v33 =	vld [tilespmem:$0xA900]  }
0xe4: {  	v34 =	vld [tilespmem:$0x2910]  }
0xe5: {  	v35 =	vld [tilespmem:$0xA910]  }
0xe6: {  	v36 =	vld [tilespmem:$0x2920]  }
0xe7: {  	v37 =	vld [tilespmem:$0xA920]  }
0xe8: {  	v38 =	vld [tilespmem:$0x2930]  }
0xe9: {  	v39 =	vld [tilespmem:$0xA930]  }
0xea: {  	v40 =	vld [tilespmem:$0x2940]  }
0xeb: {  	v41 =	vld [tilespmem:$0xA940]  }
0xec: {  	v42 =	vld [tilespmem:$0x2950]  }
0xed: {  	v43 =	vld [tilespmem:$0xA950]  }
0xee: {  	v44 =	vld [tilespmem:$0x2960]  }
0xef: {  	v45 =	vld [tilespmem:$0xA960]  }
0xf0: {  	v46 =	vld [tilespmem:$0x2970]  }
0xf1: {  	v47 =	vld [tilespmem:$0xA970]  }
0xf2: {  	v48 =	vld [tilespmem:$0x2980]  }
0xf3: {  	v49 =	vld [tilespmem:$0xA980]  }
0xf4: {  	v50 =	vld [tilespmem:$0x2990]  }
0xf5: {  	v51 =	vld [tilespmem:$0xA990]  }
0xf6: {  	v52 =	vld [tilespmem:$0x29A0]  }
0xf7: {  	v53 =	vld [tilespmem:$0xA9A0]  }
0xf8: {  	v54 =	vld [tilespmem:$0x29B0]  }
0xf9: {  	v55 =	vld [tilespmem:$0xA9B0]  }
0xfa: {  	v56 =	vld [tilespmem:$0x29C0]  }
0xfb: {  	v57 =	vld [tilespmem:$0xA9C0]  }
0xfc: {  	v58 =	vld [tilespmem:$0x29D0]  }
0xfd: {  	v62 =	vld [tilespmem:$0x29F0]  }
0xfe: {  	v59 =	vld [tilespmem:$0xA9D0]  }
0xff: {  	v60 =	vld [tilespmem:$0x29E0]  }
0x100: {  	v61 =	vld [tilespmem:$0xA9E0]  }
0x101: {  	v63 =	vld [tilespmem:$0xA9F0]  }
0x102: {  	[tilespmem:$0x1FFA0] =	vst v62;
	v62 =	vld [tilespmem:$0x2A00]  }
0x103: {  	v0 =	vadd.f32 v1, v0;
	v1 =	vld [tilespmem:$0xAA20]  }
0x104: {  	v2 =	vadd.f32 v3, v2;
	v3 =	vld [tilespmem:$0x2A30]  }
0x105: {  	v9 =	vadd.f32 v9, v8;
	v8 =	vld [tilespmem:$0xAA50]  }
0x106: {  	v13 =	vadd.f32 v13, v12;
	v12 =	vld [tilespmem:$0xAA70]  }
0x107: {  	v15 =	vadd.f32 v15, v14;
	v14 =	vld [tilespmem:$0xAA80]  }
0x108: {  	v17 =	vadd.f32 v17, v16;
	v16 =	vld [tilespmem:$0xAA90]  }
0x109: {  	v19 =	vadd.f32 v19, v18;
	v18 =	vld [tilespmem:$0xAAA0]  }
0x10a: {  	v23 =	vadd.f32 v23, v22;
	v22 =	vld [tilespmem:$0xAAC0];
	[tilespmem:$0x2800] =	vst v0  }
0x10b: {  	v25 =	vadd.f32 v25, v24;
	v24 =	vld [tilespmem:$0xAAD0];
	[tilespmem:$0x2810] =	vst v2  }
0x10c: {  	v21 =	vadd.f32 v21, v20;
	v27 =	vadd.f32 v27, v26;
	v26 =	vld [tilespmem:$0xAAE0];
	[tilespmem:$0x2840] =	vst v9  }
0x10d: {  	v31 =	vadd.f32 v31, v30;
	v30 =	vadd.f32 v45, v44;
	v45 =	vld [tilespmem:$0xAB30];
	[tilespmem:$0x2860] =	vst v13  }
0x10e: {  	v33 =	vadd.f32 v33, v32;
	v32 =	vadd.f32 v49, v48;
	v49 =	vld [tilespmem:$0xAB40];
	[tilespmem:$0x2870] =	vst v15  }
0x10f: {  	v35 =	vadd.f32 v35, v34;
	v34 =	vadd.f32 v53, v52;
	v53 =	vld [tilespmem:$0xAB50];
	[tilespmem:$0x2880] =	vst v17  }
0x110: {  	v37 =	vadd.f32 v37, v36;
	v36 =	vadd.f32 v57, v56;
	v57 =	vld [tilespmem:$0xAB60];
	[tilespmem:$0x2890] =	vst v19  }
0x111: {  	v0 =	vadd.f32 v5, v4;
	v4 =	vld [tilespmem:$0xAA30];
	[tilespmem:$0x28A0] =	vst v21  }
0x112: {  	v5 =	vld [tilespmem:$0x2A40];
	[tilespmem:$0x28B0] =	vst v23  }
0x113: {  	v29 =	vadd.f32 v29, v28;
	v9 =	vld [tilespmem:$0x2A60];
	[tilespmem:$0x28C0] =	vst v25  }
0x114: {  	v13 =	vld [tilespmem:$0x2A80];
	[tilespmem:$0x28D0] =	vst v27  }
0x115: {  	v15 =	vld [tilespmem:$0x2A90];
	[tilespmem:$0x28E0] =	vst v29  }
0x116: {  	v17 =	vld [tilespmem:$0x2AA0];
	[tilespmem:$0x28F0] =	vst v31  }
0x117: {  	v19 =	vld [tilespmem:$0x2AB0];
	[tilespmem:$0x2900] =	vst v33  }
0x118: {  	v28 =	vadd.f32 v41, v40;
	[tilespmem:$0x2910] =	vst v35;
	v21 =	vld [tilespmem:$0x2AC0]  }
0x119: {  	[tilespmem:$0x2920] =	vst v37;
	v23 =	vld [tilespmem:$0x2AD0]  }
0x11a: {  	[tilespmem:$0x2940] =	vst v28;
	v25 =	vld [tilespmem:$0x2AE0]  }
0x11b: {  	[tilespmem:$0x2960] =	vst v30;
	v28 =	vld [tilespmem:$0xAAF0]  }
0x11c: {  	[tilespmem:$0x2980] =	vst v32;
	v30 =	vld [tilespmem:$0xAB00]  }
0x11d: {  	[tilespmem:$0x29A0] =	vst v34;
	v32 =	vld [tilespmem:$0xAB10]  }
0x11e: {  	v27 =	vadd.f32 v39, v38;
	[tilespmem:$0x29C0] =	vst v36;
	v39 =	vld [tilespmem:$0x1FFA0]  }
0x11f: {  	v34 =	vld [tilespmem:$0xAB20];
	[tilespmem:$0x2820] =	vst v0  }
0x120: {  	v29 =	vadd.f32 v43, v42;
	v31 =	vadd.f32 v47, v46;
	v47 =	vld [tilespmem:$0x2B40];
	[tilespmem:$0x2930] =	vst v27  }
0x121: {  	[tilespmem:$0x1FFB0] =	vst v62;
	v62 =	vld [tilespmem:$0xAA00]  }
0x122: {  	v33 =	vadd.f32 v51, v50;
	v51 =	vld [tilespmem:$0x2B50];
	[tilespmem:$0x2950] =	vst v29  }
0x123: {  	v35 =	vadd.f32 v55, v54;
	v55 =	vld [tilespmem:$0x2B60];
	[tilespmem:$0x2970] =	vst v31  }
0x124: {  	v37 =	vadd.f32 v59, v58;
	v59 =	vld [tilespmem:$0x2B70];
	[tilespmem:$0x2990] =	vst v33  }
0x125: {  	v38 =	vadd.f32 v61, v60;
	v61 =	vld [tilespmem:$0xAB70];
	[tilespmem:$0x29B0] =	vst v35  }
0x126: {  	[tilespmem:$0x1FFC0] =	vst v62;
	v62 =	vld [tilespmem:$0x2A10]  }
0x127: {  	v27 =	vld [tilespmem:$0x2AF0];
	[tilespmem:$0x29D0] =	vst v37;
	v2 =	vadd.f32 v63, v39  }
0x128: {  	v29 =	vld [tilespmem:$0x2B00];
	[tilespmem:$0x29E0] =	vst v38;
	v46 =	vadd.f32 v4, v3  }
0x129: {  	v31 =	vld [tilespmem:$0x2B10];
	[tilespmem:$0x29F0] =	vst v2  }
0x12a: {  	v33 =	vld [tilespmem:$0x2B20];
	v56 =	vadd.f32 v14, v13;
	[tilespmem:$0x2A30] =	vst v46  }
0x12b: {  	v58 =	vadd.f32 v16, v15;
	[tilespmem:$0x1FFD0] =	vst v62;
	v62 =	vld [tilespmem:$0xAA10]  }
0x12c: {  	v35 =	vld [tilespmem:$0x2B30];
	v60 =	vadd.f32 v18, v17;
	[tilespmem:$0x2A80] =	vst v56  }
0x12d: {  	v37 =	vld [tilespmem:$0x2BA0];
	v21 =	vadd.f32 v22, v21;
	[tilespmem:$0x2A90] =	vst v58  }
0x12e: {  	v40 =	vld [tilespmem:$0x1FFB0];
	[tilespmem:$0x2AA0] =	vst v60  }
0x12f: {  	v23 =	vadd.f32 v24, v23;
	[tilespmem:$0x2AC0] =	vst v21;
	v41 =	vld [tilespmem:$0x1FFC0]  }
0x130: {  	v25 =	vadd.f32 v26, v25;
	[tilespmem:$0x1FFE0] =	vst v62;
	v62 =	vld [tilespmem:$0x2A20]  }
0x131: {  	[tilespmem:$0x2AD0] =	vst v23;
	v36 =	vadd.f32 v28, v27;
	v42 =	vld [tilespmem:$0x1FFD0]  }
0x132: {  	[tilespmem:$0x2AE0] =	vst v25;
	v38 =	vadd.f32 v30, v29;
	v43 =	vld [tilespmem:$0x1FFE0]  }
0x133: {  	v63 =	vld [tilespmem:$0x2B80];
	[tilespmem:$0x2AF0] =	vst v36  }
0x134: {  	v22 =	vld [tilespmem:$0xAB80];
	[tilespmem:$0x2B00] =	vst v38;
	v0 =	vadd.f32 v41, v40  }
0x135: {  	v40 =	vadd.f32 v32, v31;
	[tilespmem:$0x1FFF0] =	vst v62;
	v62 =	vadd.f32 v7, v6;
	v6 =	vld [tilespmem:$0xAA40]  }
0x136: {  	[tilespmem:$0x2A00] =	vst v0;
	v7 =	vld [tilespmem:$0x2A50]  }
0x137: {  	[tilespmem:$0x2B10] =	vst v40;
	v2 =	vadd.f32 v43, v42;
	v44 =	vld [tilespmem:$0x1FFF0]  }
0x138: {  	v24 =	vld [tilespmem:$0x2B90];
	v42 =	vadd.f32 v34, v33;
	[tilespmem:$0x2830] =	vst v62  }
0x139: {  	v26 =	vld [tilespmem:$0xAB90];
	v62 =	vadd.f32 v11, v10;
	[tilespmem:$0x2A10] =	vst v2  }
0x13a: {  	v39 =	vld [tilespmem:$0xABA0];
	[tilespmem:$0x2B20] =	vst v42;
	v48 =	vadd.f32 v6, v5  }
0x13b: {  	v46 =	vld [tilespmem:$0xABC0];
	[tilespmem:$0x2850] =	vst v62;
	v50 =	vadd.f32 v8, v7  }
0x13c: {  	v56 =	vld [tilespmem:$0x2BF0];
	v0 =	vadd.f32 v1, v44;
	[tilespmem:$0x2A40] =	vst v48  }
0x13d: {  	v58 =	vld [tilespmem:$0xABF0];
	v1 =	vadd.f32 v45, v35;
	[tilespmem:$0x2A50] =	vst v50  }
0x13e: {  	v41 =	vld [tilespmem:$0x2BB0];
	v45 =	vadd.f32 v49, v47;
	[tilespmem:$0x2A20] =	vst v0  }
0x13f: {  	v10 =	vld [tilespmem:$0xAA60];
	v47 =	vadd.f32 v53, v51;
	[tilespmem:$0x2B30] =	vst v1  }
0x140: {  	v11 =	vld [tilespmem:$0x2A70];
	v49 =	vadd.f32 v57, v55;
	[tilespmem:$0x2B40] =	vst v45  }
0x141: {  	v43 =	vld [tilespmem:$0xABB0];
	v51 =	vadd.f32 v61, v59;
	[tilespmem:$0x2B50] =	vst v47  }
0x142: {  	v62 =	vld [tilespmem:$0xAAB0];
	v53 =	vadd.f32 v22, v63;
	[tilespmem:$0x2B60] =	vst v49  }
0x143: {  	v44 =	vld [tilespmem:$0x2BC0];
	v55 =	vadd.f32 v26, v24;
	[tilespmem:$0x2B70] =	vst v51  }
0x144: {  	v52 =	vadd.f32 v10, v9;
	v48 =	vld [tilespmem:$0x2BD0];
	[tilespmem:$0x2B80] =	vst v53  }
0x145: {  	v54 =	vadd.f32 v12, v11;
	v50 =	vld [tilespmem:$0xABD0];
	[tilespmem:$0x2B90] =	vst v55  }
0x146: {  	v57 =	vadd.f32 v39, v37;
	[tilespmem:$0x2A60] =	vst v52;
	v52 =	vld [tilespmem:$0x2BE0]  }
0x147: {  	v59 =	vadd.f32 v43, v41;
	[tilespmem:$0x2A70] =	vst v54;
	v54 =	vld [tilespmem:$0xABE0]  }
0x148: {  	v63 =	vadd.f32 v58, v56;
	[tilespmem:$0x2BA0] =	vst v57  }
0x149: {  	[tilespmem:$0x2BB0] =	vst v59;
	v62 =	vadd.f32 v62, v19  }
0x14a: {  	[tilespmem:$0x2BF0] =	vst v63;
	v60 =	vadd.f32 v46, v44  }
0x14b: {  	[tilespmem:$0x2AB0] =	vst v62;
	v61 =	vadd.f32 v50, v48  }
0x14c: {  	s29 =	sadd.s32 $0x1, s29;
	[tilespmem:$0x2BC0] =	vst v60;
	v62 =	vadd.f32 v54, v52  }
0x14d: {  	p0 =	sne.s32 s29, s11;
	[tilespmem:$0x2BD0] =	vst v61  }
.Ltmp4:
0x14e: {  	[tilespmem:$0x2BE0] =	vst v62;
	(pc) =	sbr.rel @p0 .LBB2_1-.Ltmp4, $4  }
0x14f: {  	[hbm4b:s10+s2] =	stream.linear.scatter [tilespmem:s15], [sflag:$0x7], $0x400, $0x38;
	[tilespmem:$0x12800] =	vst v63  }
0x150: {  	_ =	swait.ge [sflag:s12], $0x400  }
0x151: {  	[sflag:s12] =	ssyncset.done $0x0  }
0x152: {  	[sflag:s12] =	ssyncadd.s32 $0xFFFFFC00  }
0x153: {  	_ =	sfence.sel $0x180000  }
0x154: {  	[bflag:$0x0] =	sbarrier.arrive $0xFFFF  }
0x155: {  	_ =	strace $0x9000004A  }
0x156: {  	s0 =	stileid.u32;
	[bflag:$0x2] =	sbarrier.arrive $0xFFFF  }
0x157: {  	p0 =	sne.s32 s0, $0x0;
	s0 =	rddreg [dreg:$0x1]  }
0x158: {  	s0 =	sadd.s32 @!p0 $0x100000, s0  }
0x159: {  	[sflag:s0] =	ssyncadd.tile.s32 @!p0 $0x1;
	_ =	shalt  }
.Lfunc_end2:
_tile_overlayer_lowered:
.L_overlay_start_2:
0x15a: {  	(tag) =	ssettag $0x2  }
0x15b: {  	s0 =	rddreg [dreg:$0x0];
	s2 =	stileid.u32  }
0x15c: {  	s1 =	rddreg [dreg:$0x1];
	p0 =	sne.s32 s2, $0x0  }
0x15d: {  	s3 =	rddreg [dreg:$0x2];
	[bflag:$0x3] =	sbarrier.arrive $0xFFFF;
	s2 =	simm.s32 @!p0 $0x1C07  }
0x15e: {  	[timem:s3], [sflag:s2] =	dma.local @!p0 [hbm:s0], s1  }
0x15f: {  	s0 =	simm.s32 @!p0 $0x7  }
0x160: {  	_ =	swait.ge @!p0 [sflag:s0], s1  }
0x161: {  	s1 =	ssub.s32 @!p0 $0x0, s1;
	[sflag:s0] =	ssyncset.done @!p0 $0x0  }
0x162: {  	[sflag:s0] =	ssyncadd.s32 @!p0 s1  }
0x163: {  	[bflag:$0x3] =	sbarrier.arrive $0xFFFF  }
0x164: {  	_ =	shalt  }

// kernel: kernel.13.cloned.1.call-start
scs
__scs_entry_jumppad:
0x0: {  	(pc) =	sbr.rel $0x88, $3  }
0x1: {  	(tag) =	ssettag $0x0;
	lr =	simm.s32 $0x1  }
0x2: {  	[smem:$0x3F96] =	sst lr;
	_ =	strace $0xD0000000  }
0x3: {  	_ = 	snop  }
0x4: {  	_ = 	snop  }
0x5: {  	_ = 	snop  }
0x6: {  	_ = 	snop  }
0x7: {  	_ = 	snop  }
__scs_overlays_trampoline_lowered:
0x8: {  	[smem:$0x3FA5] =	sst s0  }
0x9: {  	[smem:$0x3FA6] =	sst s1  }
0xa: {  	[smem:$0x3FA7] =	sst s2  }
0xb: {  	[smem:$0x3FA8] =	sst s3  }
0xc: {  	[smem:$0x3FA9] =	sst s4  }
0xd: {  	[smem:$0x3FAA] =	sst s5  }
0xe: {  	[smem:$0x3FAB] =	sst s6  }
0xf: {  	[smem:$0x3FAC] =	sst s7  }
0x10: {  	[smem:$0x3FAD] =	sst s8  }
0x11: {  	[smem:$0x3FAE] =	sst s9;
	s0 =	simm.s32 @!p0 $0x0  }
0x12: {  	s1 =	sld [smem:$0x3F94];
	s0 =	simm.s32 @p0 $0x1  }
0x13: {  	[smem:$0x3FAF] =	sst s0;
	s0 =	simm.s32 @!p1 $0x0  }
0x14: {  	s2 =	sld [smem:$0x3F93];
	s0 =	simm.s32 @p1 $0x1  }
0x15: {  	[smem:$0x3FB0] =	sst s0;
	s0 =	simm.s32 @!p2 $0x0  }
0x16: {  	s3 =	sld [smem:$0x3FDB];
	s0 =	simm.s32 @p2 $0x1  }
0x17: {  	s4 =	simm.s32 $0x1BF5;
	[smem:$0x3FB2] =	sst s0  }
0x18: {  	s0 =	sld [smem:$0x3F95];
	_ =	swait.ge [sflag:s4], $0x0  }
0x19: {  	s7 =	sld [smem:$0x3F96]  }
0x1a: {  	s8 =	sadd.s32 $0xFFFFE003, lr  }
0x1b: {  	s9 =	sadd.s32 $0xFFFFFEF7, lr;
	s5 =	simm.s32 $0xFFFFFFFF;
	p2 =	slt.u32 s8, $0xFFFFF086  }
0x1c: {  	p1 =	slt.u32 s9, $0xF7A;
	s5 =	simm.s32 @!p2 $0x0  }
0x1d: {  	s5 =	simm.s32 @p1 $0x1;
	p0 =	seq.s32 s7, s2  }
0x1e: {  	s7 =	smul.u32 @!p0 $0xF7A, s2;
	p2 =	seq.s32 @!p0 s5, $0x0  }
0x1f: {  	s9 =	smul.u32 $0xF7A, s1;
	s8 =	simm.s32 @!p0 $0x1BF5;
	p2 =	por !p2, p0  }
0x20: {  	[sflag:s8] =	ssyncset.s32 @!p0 $0xFFFFF086;
	s6 =	sadd.s32 @!p0 s3, s7;
	s7 =	simm.s32 @!p0 $0x108  }
0x21: {  	s3 =	sadd.s32 s3, s9;
	s6 =	sadd.s32 @!p0 $0x88, s6;
	s7 =	simm.s32 @p2 $0x1082  }
0x22: {  	[simem:s7], [sflag:s8] =	dma.local @!p0 [hbm:s6], $0xF7A  }
0x23: {  	s9 =	sor.u32 $0xD0000000, s2;
	s6 =	simm.s32 $0x108;
	_ =	swait.ge @!p0 [sflag:s8], $0x0  }
0x24: {  	s3 =	sadd.s32 $0x88, s3;
	s6 =	simm.s32 @!p1 $0x1082;
	[sflag:s4] =	ssyncset.s32 $0xFFFFF086  }
0x25: {  	[simem:s6], [sflag:s4] =	dma.local [hbm:s3], $0xF7A  }
0x26: {  	[smem:$0x3F96] =	sst s1;
	(tag) =	ssettag s2;
	_ =	strace s9  }
0x27: {  	s1 =	sld [smem:$0x3FA6]  }
0x28: {  	s2 =	sld [smem:$0x3FA7]  }
0x29: {  	s4 =	sld [smem:$0x3FA9]  }
0x2a: {  	p0 =	seq.s32 s5, $0x0;
	s5 =	sld [smem:$0x3FAA]  }
0x2b: {  	s6 =	sld [smem:$0x3FAB]  }
0x2c: {  	s7 =	sld [smem:$0x3FAC]  }
0x2d: {  	s3 =	simm.s32 $0x108;
	s8 =	sld [smem:$0x3FAD]  }
0x2e: {  	s3 =	simm.s32 @!p0 $0x1082;
	s9 =	sld [smem:$0x3FAE]  }
0x2f: {  	lr =	sadd.s32 s0, s3;
	s0 =	sld [smem:$0x3FA5]  }
0x30: {  	s3 =	sld [smem:$0x3FA8]  }
0x31: {  	[smem:$0x3FB1] =	sst s10  }
0x32: {  	s10 =	sld [smem:$0x3FAF];
	_ =	sdelay $0x3  }
0x33: {  	p0 =	seq.s32 s10, $0x1;
	s10 =	sld [smem:$0x3FB1];
	_ =	sdelay $0x3  }
0x34: {  	[smem:$0x3FB1] =	sst s10  }
0x35: {  	s10 =	sld [smem:$0x3FB0];
	_ =	sdelay $0x3  }
0x36: {  	p1 =	seq.s32 s10, $0x1;
	s10 =	sld [smem:$0x3FB1];
	_ =	sdelay $0x3  }
0x37: {  	[smem:$0x3FB1] =	sst s10  }
0x38: {  	s10 =	sld [smem:$0x3FB2]  }
0x39: {  	_ = 	snop;
	(pc) =	sbr.ind lr, $3  }
0x3a: {  	_ = 	snop  }
0x3b: {  	_ = 	snop  }
0x3c: {  	p2 =	seq.s32 s10, $0x1;
	s10 =	sld [smem:$0x3FB1]  }
0x3d: {  	_ =	shalt  }
0x3e: {  	_ =	shalt  }
0x3f: {  	_ =	shalt  }
0x40: {  	_ =	shalt  }
0x41: {  	_ =	shalt  }
0x42: {  	_ =	shalt  }
0x43: {  	_ =	shalt  }
0x44: {  	_ =	shalt  }
0x45: {  	_ =	shalt  }
0x46: {  	_ =	shalt  }
0x47: {  	_ =	shalt  }
0x48: {  	_ =	shalt  }
0x49: {  	_ =	shalt  }
0x4a: {  	_ =	shalt  }
0x4b: {  	_ =	shalt  }
0x4c: {  	_ =	shalt  }
0x4d: {  	_ =	shalt  }
0x4e: {  	_ =	shalt  }
0x4f: {  	_ =	shalt  }
0x50: {  	_ =	shalt  }
0x51: {  	_ =	shalt  }
0x52: {  	_ =	shalt  }
0x53: {  	_ =	shalt  }
0x54: {  	_ =	shalt  }
0x55: {  	_ =	shalt  }
0x56: {  	_ =	shalt  }
0x57: {  	_ =	shalt  }
0x58: {  	_ =	shalt  }
0x59: {  	_ =	shalt  }
0x5a: {  	_ =	shalt  }
0x5b: {  	_ =	shalt  }
0x5c: {  	_ =	shalt  }
0x5d: {  	_ =	shalt  }
0x5e: {  	_ =	shalt  }
0x5f: {  	_ =	shalt  }
0x60: {  	_ =	shalt  }
0x61: {  	_ =	shalt  }
0x62: {  	_ =	shalt  }
0x63: {  	_ =	shalt  }
0x64: {  	_ =	shalt  }
0x65: {  	_ =	shalt  }
0x66: {  	_ =	shalt  }
0x67: {  	_ =	shalt  }
0x68: {  	_ =	shalt  }
0x69: {  	_ =	shalt  }
0x6a: {  	_ =	shalt  }
0x6b: {  	_ =	shalt  }
0x6c: {  	_ =	shalt  }
0x6d: {  	_ =	shalt  }
0x6e: {  	_ =	shalt  }
0x6f: {  	_ =	shalt  }
0x70: {  	_ =	shalt  }
0x71: {  	_ =	shalt  }
0x72: {  	_ =	shalt  }
0x73: {  	_ =	shalt  }
0x74: {  	_ =	shalt  }
0x75: {  	_ =	shalt  }
0x76: {  	_ =	shalt  }
0x77: {  	_ =	shalt  }
0x78: {  	_ =	shalt  }
0x79: {  	_ =	shalt  }
0x7a: {  	_ =	shalt  }
0x7b: {  	_ =	shalt  }
0x7c: {  	_ =	shalt  }
0x7d: {  	_ =	shalt  }
0x7e: {  	_ =	shalt  }
0x7f: {  	_ =	shalt  }
0x80: {  	_ =	shalt  }
0x81: {  	_ =	shalt  }
0x82: {  	_ =	shalt  }
0x83: {  	_ =	shalt  }
0x84: {  	_ =	shalt  }
0x85: {  	_ =	shalt  }
0x86: {  	_ =	shalt  }
0x87: {  	_ =	shalt  }
.Lfunc_end0:
.L_simem_size_0:
called_computation.1_lowered:
.L_overlay_start_0:
0x88: {  	s2 =	sld [smem:$0x3FD9]  }
0x89: {  	s3 =	sld [smem:$0x3FFE];
	_ =	sdelay $0x1  }
0x8a: {  	s1 =	srdreg.scid  }
0x8b: {  	s0 =	sand.u32 $0x1, s1  }
0x8c: {  	s17 =	sshll.u32 s0, $0xA;
	s2 =	sadd.s32 s3, s2  }
0x8d: {  	s2 =	sadd.s32 s2, s17  }
0x8e: {  	[smem:$0x3FBD] =	sst s2  }
0x8f: {  	_ = 	snop  }
0x90: {  	(tm) =	ssettm $0x1  }
0x91: {  	s18 =	sld [smem:$0x3FFB];
	_ =	sdelay $0x3  }
0x92: {  	_ =	strace s18  }
0x93: {  	s2 =	sld [smem:$0x3FFC];
	_ =	sdelay $0x3  }
0x94: {  	_ =	strace s2  }
0x95: {  	s2 =	sld [smem:$0x3FFD];
	_ =	sdelay $0x3  }
0x96: {  	_ =	strace s2  }
0x97: {  	_ =	strace $0x8FFFFFFF  }
0x98: {  	s19 =	sld [smem:$0x3FDB];
	_ =	sdelay $0x1  }
0x99: {  	s20 =	simm.s32 $_scs_section_size  }
0x9a: {  	s4 =	simm.s32 $_size__tile_overlayer_lowered;
	s5 =	simm.s32 $_tile_overlayer_lowered  }
0x9b: {  	s6 =	simm.s32 $0x1BFF;
	s21 =	sshll.u32 s5, $0x1;
	s3 =	sadd.s32 s20, s19  }
0x9c: {  	s22 =	simm.s32 $0x0;
	s4 =	sshll.u32 s4, $0x1;
	s5 =	sadd.s32 s21, s3  }
0x9d: {  	[timem:s22], [sflag:s6] =	dma.local [hbm:s5], s4  }
0x9e: {  	_ =	swait.ge [sflag:s6], s4  }
0x9f: {  	s4 =	ssub.s32 $0x0, s4;
	[sflag:s6] =	ssyncset.done $0x0  }
0xa0: {  	[sflag:s6] =	ssyncadd.s32 s4;
	_ =	sdelay $0x1  }
0xa1: {  	s23 =	simm.s32 $0x1B8B  }
0xa2: {  	_ =	swait.ge [sflag:s23], $0x1  }
0xa3: {  	[sflag:s23] =	ssyncset.done $0x0  }
0xa4: {  	[sflag:s23] =	ssyncadd.s32 $0xFFFFFFFF  }
0xa5: {  	s4 =	sld [smem:$0x0]  }
0xa6: {  	s5 =	sand.u32 $0xFFFFFFFE, s1  }
0xa7: {  	p0 =	sne.s32 s1, s5  }
0xa8: {  	s5 =	sshll.u32 @p0 s5, $0xE  }
0xa9: {  	s5 =	sadd.s32 @p0 $0x11B8D, s5;
	s6 =	sshll.u32 @p0 s4, $0x11  }
0xaa: {  	s5 =	sor.u32 @p0 s6, s5  }
0xab: {  	[sflag:s5] =	ssyncadd.remote.s32 @p0 $0x1;
	_ =	sdelay $0x1  }
0xac: {  	s5 =	simm.s32 @p0 $0x1B8D  }
0xad: {  	_ =	swait.eq @p0 [sflag:s5], $0x1  }
0xae: {  	[sflag:s5] =	ssyncadd.s32 @p0 $0xFFFFFFFF  }
0xaf: {  	s6 =	sshll.u32 @!p0 s1, $0xE  }
0xb0: {  	s6 =	sor.u32 @!p0 $0x4000, s6;
	s5 =	simm.s32 @!p0 $0x1B8D  }
0xb1: {  	s4 =	sshll.u32 @!p0 s4, $0x11;
	s6 =	sadd.s32 @!p0 $0x11B8D, s6;
	_ =	swait.eq @!p0 [sflag:s5], $0x1  }
0xb2: {  	s4 =	sor.u32 @!p0 s4, s6;
	[sflag:s5] =	ssyncadd.s32 @!p0 $0xFFFFFFFF  }
0xb3: {  	s25 =	simm.s32 $0x1B8E;
	s24 =	sld [smem:$0x3FFE];
	[sflag:s4] =	ssyncadd.remote.s32 @!p0 $0x1  }
0xb4: {  	s26 =	simm.s32 $execute0_lowered;
	[smem:$0x3FD2] =	sst s25  }
0xb5: {  	s5 =	sshll.u32 s26, $0x1;
	_ =	strace $0x8000004F;
	[dreg:$0x1] =	wrdreg $0xFFFFFFFF  }
0xb6: {  	s28 =	simm.s32 $_size_execute0_lowered;
	s3 =	sadd.s32 s3, s5;
	[dreg:$0x0] =	wrdreg $0x0  }
0xb7: {  	s5 =	sshll.u32 s28, $0x1;
	[dreg:$0x2] =	wrdreg s3  }
0xb8: {  	[dreg:$0x3] =	wrdreg s5  }
0xb9: {  	[dreg:$0x4] =	wrdreg $0xC0  }
0xba: {  	_ =	task [dreg:s22], $0x5FFFF  }
0xbb: {  	[dreg:$0x1] =	wrdreg $0xFFFFFFFF  }
0xbc: {  	[dreg:$0x0] =	wrdreg $0x60  }
0xbd: {  	[dreg:$0x2] =	wrdreg s24  }
0xbe: {  	[dreg:$0x3] =	wrdreg $0xC1800  }
0xbf: {  	[dreg:$0x4] =	wrdreg $0x9  }
0xc0: {  	_ =	task.clear_ibuf [dreg:s22], $0x5FFFF;
	_ =	strace $0x9000004F  }
0xc1: {  	s29 =	simm.s32 $0x9;
	_ =	strace $0x80000051  }
0xc2: {  	_ =	swait.ge [sflag:s29], $0x1  }
0xc3: {  	[sflag:s29] =	ssyncadd.s32 $0xFFFFFFFF  }
0xc4: {  	_ =	strace $0x90000051  }
0xc5: {  	_ =	sfence  }
0xc6: {  	s30 =	sld [smem:$0x0];
	_ =	sdelay $0x2  }
0xc7: {  	s31 =	sshll.u32 s1, $0xD;
	s1 =	sshrl.u32 s1, $0x2  }
0xc8: {  	s4 =	sand.u32 $0x4000, s31;
	s1 =	sadd.s32 s1, s30  }
0xc9: {  	s0 =	sor.u32 s4, s0;
	s1 =	sshll.u32 s1, $0x11  }
0xca: {  	s0 =	sor.u32 s1, s0  }
0xcb: {  	s0 =	sadd.s32 $0x8F2B, s0  }
0xcc: {  	[sflag:s0] =	ssyncadd.remote.s32 $0x1  }
0xcd: {  	_ =	sfence.sel $0xFFFF  }
0xce: {  	[dreg:$0x0] =	wrdreg $0xFFFFFFFF;
	(pc) =	sbr.abs _section_cstart, $3  }
0xcf: {  	[dreg:$0x1] =	wrdreg $0xFFFFFFFF  }
0xd0: {  	_ =	task.clear_ibuf [dreg:s22], $0x2FFFF;
	_ =	strace $0x9FFFFFFF  }
0xd1: {  	(tm) =	ssettm $0x7FFFFFFF  }
tec
execute0_lowered:
.L_overlay_start_1:
0x0: {  	(tag) =	ssettag $0x1  }
0x1: {  	s3 =	rddreg [dreg:$0x0]  }
0x2: {  	s1 =	rddreg [dreg:$0x1];
	s2 =	simm.s32 $0x0;
	s4 =	srdreg.scid  }
0x3: {  	s0 =	stileid.u32;
	s28 =	simm.s32 $0x100;
	s29 =	simm.s32 $0x8180  }
0x4: {  	s30 =	simm.s32 $0x1;
	s31 =	simm.s32 $0x4;
	[smem:$0x7FF] =	sst s2  }
0x5: {  	s8 =	sadd.s32 $0x7B8E00, s3;
	s9 =	sand.u32 $0x1, s4;
	s5 =	smul.u32 $0x4F000, s0  }
0x6: {  	s10 =	sadd.s32 $0x3000, s3;
	s7 =	sshll.u32 s0, $0x1;
	s11 =	smul.u32 $0x13C00, s0  }
0x7: {  	s12 =	sadd.s32 $0xB4E00, s3;
	p0 =	sne.s32 s0, $0x0;
	_ =	strace $0x80000050  }
0x8: {  	s4 =	ssub.s32 $0x2, s9;
	s14 =	sor.u32 s9, s7;
	s26 =	sshll.u32 s9, $0xB  }
0x9: {  	s22 =	sshll.u32 s9, $0x4;
	s6 =	sshrl.u32 s4, $0x1;
	s24 =	sshrl.u32 s5, $0x2  }
0xa: {  	s15 =	sadd.s32 $0x4000, s11;
	s16 =	sadd.s32 $0x8000, s11;
	s17 =	sadd.s32 $0xC000, s11  }
0xb: {  	s18 =	sadd.s32 $0x10000, s11;
	s19 =	sshll.u32 s14, $0x4;
	s14 =	sshll.u32 s14, $0xB  }
0xc: {  	s13 =	ssub.s32 s4, s6;
	s3 =	sadd.s32 s24, s1;
	s4 =	sadd.s32 s15, s1  }
0xd: {  	s5 =	sadd.s32 s16, s1;
	s19 =	sadd.s32 s10, s19;
	s21 =	sadd.s32 s8, s14  }
0xe: {  	s6 =	sadd.s32 s17, s1;
	s20 =	sadd.s32 $0x9C40, s19;
	[dreg:$0x4] =	wrdreg s21  }
0xf: {  	s7 =	sadd.s32 s18, s1;
	s25 =	sadd.s32 $0x9E40, s19;
	[dreg:$0x3] =	wrdreg s20  }
0x10: {  	s8 =	sadd.s32 s26, s8;
	s21 =	sadd.s32 $0x10000, s21;
	[dreg:$0x5] =	wrdreg s25  }
0x11: {  	s20 =	smul.u32 $0x13C000, s9;
	[dreg:$0x6] =	wrdreg s21;
	s21 =	sadd.s32 s22, s10  }
0x12: {  	s22 =	sshll.u32 s0, $0x8;
	s9 =	sshll.u32 s9, $0x7;
	s23 =	sadd.s32 $0xEA40, s21  }
0x13: {  	s9 =	sor.u32 s9, s22;
	s11 =	sadd.s32 s11, s20;
	[dreg:$0x7] =	wrdreg s23  }
0x14: {  	s24 =	sadd.s32 s20, s15;
	s25 =	sadd.s32 s20, s16;
	s26 =	sadd.s32 s20, s17  }
0x15: {  	s20 =	sadd.s32 s20, s18;
	s23 =	sadd.s32 $0x270000, s8;
	s9 =	sadd.s32 $0x52200, s9  }
0x16: {  	s11 =	sshrl.u32 s11, $0x3;
	s16 =	sshrl.u32 s25, $0x3;
	s17 =	sshrl.u32 s26, $0x3  }
0x17: {  	[dreg:$0xd] =	wrdreg s23;
	s25 =	sshll.u32 s0, $0x5;
	s11 =	sadd.s32 s12, s11  }
0x18: {  	s26 =	sshll.u32 s0, $0xC;
	s19 =	sadd.s32 s12, s17;
	[dreg:$0x8] =	wrdreg s11  }
0x19: {  	s11 =	sshrl.u32 s24, $0x3;
	[dreg:$0xb] =	wrdreg s19;
	s24 =	smax.u32 s13, $0x1  }
0x1a: {  	s9 =	sshrl.u32 s9, $0x3;
	s11 =	sadd.s32 s12, s11;
	[dreg:$0xe] =	wrdreg s24  }
0x1b: {  	s23 =	simm.s32 $0x180;
	[dreg:$0x9] =	wrdreg s11;
	s11 =	sadd.s32 s12, s16  }
0x1c: {  	s0 =	simm.s32 $0x3;
	[dreg:$0xa] =	wrdreg s11;
	s11 =	sshrl.u32 s20, $0x3  }
0x1d: {  	s24 =	simm.s32 $0xA;
	s20 =	sadd.s32 s26, s8;
	s11 =	sadd.s32 s12, s11  }
0x1e: {  	s26 =	simm.s32 $0x6;
	s12 =	simm.s32 $0x0;
	[dreg:$0xc] =	wrdreg s11  }
0x1f: {  	s11 =	sadd.s32 s25, s21;
	s21 =	sadd.s32 s9, s10;
	s25 =	simm.s32 $0x80  }
0x20: {  	v0 =	vimm.f32 $0.0e+00;
	s10 =	simm.s32 $0x8;
	s22 =	sadd.s32 $0xA240, s11;
	s11 =	simm.s32 $0x9  }
.LBB2_1:
0x21: {  	s9 =	simm.s32 $0x0;
	s13 =	simm.s32 $0x200  }
.LBB2_2:
0x22: {  	p1 =	sne.s32 s13, $0xFE00;
	[tilespmem:s9+$0x1F0] =	vst v0  }
0x23: {  	[tilespmem:s9+$0x180] =	vst v0  }
0x24: {  	[tilespmem:s9+$0x190] =	vst v0  }
.Ltmp0:
0x25: {  	[tilespmem:s9+$0x1A0] =	vst v0;
	(pc) =	sbr.rel @p1 .LBB2_2-.Ltmp0, $4  }
0x26: {  	[tilespmem:s9+$0x1B0] =	vst v0  }
0x27: {  	[tilespmem:s9+$0x1C0] =	vst v0  }
0x28: {  	[tilespmem:s9+$0x1D0] =	vst v0  }
0x29: {  	[tilespmem:s9+$0x1E0] =	vst v0;
	s9 =	sshra.s32 s13, $0x2;
	s13 =	sadd.s32 $0x200, s13  }
0x2a: {  	[tilespmem:s9+$0x1F0] =	vst v0  }
0x2b: {  	[tilespmem:s9+$0x180] =	vst v0  }
0x2c: {  	[tilespmem:s9+$0x190] =	vst v0  }
0x2d: {  	[tilespmem:s9+$0x1A0] =	vst v0  }
0x2e: {  	[tilespmem:s9+$0x1B0] =	vst v0  }
0x2f: {  	[tilespmem:s9+$0x1C0] =	vst v0  }
0x30: {  	[tilespmem:s9+$0x1D0] =	vst v0  }
0x31: {  	[tilespmem:s9+$0x1E0] =	vst v0  }
0x32: {  	[spmem:s3] =	stream.linear.scatter [tilespmem:s23], [sflag:$0xA], $0x4000, $0x38;
	[tilespmem:$0x1FD80] =	vst v63  }
0x33: {  	_ =	swait.ge [sflag:s24], $0x4000  }
0x34: {  	[sflag:s24] =	ssyncset.done $0x0  }
0x35: {  	[sflag:s24] =	ssyncadd.s32 $0xFFFFC000  }
0x36: {  	[spmem:s4] =	stream.linear.scatter [tilespmem:s23], [sflag:$0xA], $0x4000, $0x38;
	[tilespmem:$0x1FD80] =	vst v63  }
0x37: {  	_ =	swait.ge [sflag:s24], $0x4000  }
0x38: {  	[sflag:s24] =	ssyncset.done $0x0  }
0x39: {  	[sflag:s24] =	ssyncadd.s32 $0xFFFFC000  }
0x3a: {  	[spmem:s5] =	stream.linear.scatter [tilespmem:s23], [sflag:$0xA], $0x4000, $0x38;
	[tilespmem:$0x1FD80] =	vst v63  }
0x3b: {  	_ =	swait.ge [sflag:s24], $0x4000  }
0x3c: {  	[sflag:s24] =	ssyncset.done $0x0  }
0x3d: {  	[sflag:s24] =	ssyncadd.s32 $0xFFFFC000  }
0x3e: {  	[spmem:s6] =	stream.linear.scatter [tilespmem:s23], [sflag:$0xA], $0x4000, $0x38;
	[tilespmem:$0x1FD80] =	vst v63  }
0x3f: {  	_ =	swait.ge [sflag:s24], $0x4000  }
0x40: {  	[sflag:s24] =	ssyncset.done $0x0  }
0x41: {  	[sflag:s24] =	ssyncadd.s32 $0xFFFFC000  }
0x42: {  	[spmem:s7] =	stream.linear.scatter [tilespmem:s23], [sflag:$0xA], $0x3C00, $0x38;
	[tilespmem:$0x1FD80] =	vst v63  }
0x43: {  	_ =	swait.ge [sflag:s24], $0x3C00  }
0x44: {  	[sflag:s24] =	ssyncset.done $0x0  }
0x45: {  	[sflag:s24] =	ssyncadd.s32 $0xFFFFC400  }
0x46: {  	[bflag:$0x0] =	sbarrier.arrive $0xFFFF  }
0x47: {  	s19 =	simm.s32 $0x0;
	s8 =	rddreg [dreg:$0x3]  }
0x48: {  	[tilespmem:s19], [sflag:$0x1] =	stream.linear.gather [hbm4b:s8+s19], $0x80, $0x38;
	[tilespmem:$0x1FD80] =	vst v63  }
0x49: {  	p1 =	por $0x1, $0x1;
	s14 =	rddreg [dreg:$0x4]  }
0x4a: {  	[tilespmem:s23], [sflag:$0x4] =	stream.linear.gather [hbm4b:s14+s19], $0x4000, $0x38;
	[tilespmem:$0x1FD80] =	vst v63  }
0x4b: {  	p1 =	por p1, p1;
	s15 =	rddreg [dreg:$0x5]  }
0x4c: {  	[tilespmem:s25], [sflag:$0x2] =	stream.linear.gather [hbm4b:s15+s19], $0x80, $0x38;
	[tilespmem:$0x1FD80] =	vst v63  }
0x4d: {  	s13 =	simm.s32 $0x4180;
	s9 =	simm.s32 @!p1 $0x9;
	s16 =	rddreg [dreg:$0x6]  }
0x4e: {  	[tilespmem:s13], [sflag:$0x5] =	stream.linear.gather [hbm4b:s16+s19], $0x4000, $0x38;
	[tilespmem:$0x1FD80] =	vst v63  }
0x4f: {  	_ =	swait.ge @!p1 [sflag:s9], $0x4000  }
0x50: {  	[sflag:s9] =	ssyncset.done @!p1 $0x0  }
0x51: {  	s17 =	sadd.s32 $0xFFFFFE00, s22;
	s18 =	sadd.s32 $0x0, s20;
	[sflag:s9] =	ssyncadd.s32 @!p1 $0xFFFFC000  }
0x52: {  	[tilespmem:s28], [sflag:$0x3] =	stream.linear.gather [hbm4b:s17+s2], $0x80, $0x38;
	[tilespmem:$0x1FD80] =	vst v63  }
0x53: {  	s19 =	sadd.s32 $0x20000, s18  }
0x54: {  	[tilespmem:s29], [sflag:$0x6] =	stream.linear.gather [hbm4b:s19+s2], $0x4000, $0x38;
	[tilespmem:$0x1FD80] =	vst v63  }
0x55: {  	_ =	swait.ge [sflag:s30], $0x80  }
0x56: {  	[sflag:s30] =	ssyncset.done $0x0  }
0x57: {  	[sflag:s30] =	ssyncadd.s32 $0xFFFFFF80  }
0x58: {  	_ =	swait.ge [sflag:s31], $0x4000  }
0x59: {  	p1 =	por $0x0, $0x0;
	[sflag:s31] =	ssyncset.done $0x0  }
0x5a: {  	s9 =	simm.s32 @p1 $0x2;
	[sflag:s31] =	ssyncadd.s32 $0xFFFFC000  }
0x5b: {  	[spmem:s1] =	stream.indirect.scatter.add.f32 [tilespmem:s23], [sflag:$0x7], $0x80, s2, s25, $0xb8;
	[tilespmem:$0x1FD80] =	vst v63  }
0x5c: {  	_ =	swait.ge @p1 [sflag:s9], $0x80  }
0x5d: {  	[sflag:s9] =	ssyncset.done @p1 $0x0  }
0x5e: {  	s13 =	simm.s32 @p1 $0x5;
	[sflag:s9] =	ssyncadd.s32 @p1 $0xFFFFFF80  }
0x5f: {  	_ =	swait.ge @p1 [sflag:s13], $0x4000  }
0x60: {  	s14 =	simm.s32 @p1 $0x4180;
	[sflag:s13] =	ssyncset.done @p1 $0x0  }
0x61: {  	s9 =	simm.s32 @p1 $0x80;
	[sflag:s13] =	ssyncadd.s32 @p1 $0xFFFFC000;
	s13 =	simm.s32 @!p1 $0x7  }
0x62: {  	[spmem:s1] =	stream.indirect.scatter.add.f32 @p1 [tilespmem:s14], [sflag:$0x8], $0x80, s9, s9, $0xb8;
	[tilespmem:$0x1FD80] =	vst v63  }
0x63: {  	_ =	swait.ge @!p1 [sflag:s13], $0x4000  }
0x64: {  	[sflag:s13] =	ssyncset.done @!p1 $0x0  }
0x65: {  	s9 =	sadd.s32 @!p1 $0x0, s20;
	s14 =	simm.s32 @!p1 $0x0;
	[sflag:s13] =	ssyncadd.s32 @!p1 $0xFFFFC000  }
0x66: {  	[tilespmem:s14], [sflag:$0x1] =	stream.linear.gather @!p1 [hbm4b:s22+s14], $0x80, $0x38;
	[tilespmem:$0x1FD80] =	vst v63  }
0x67: {  	s15 =	simm.s32 @!p1 $0x180;
	s16 =	simm.s32 @!p1 $0x2;
	s13 =	sadd.s32 @!p1 $0x30000, s9  }
0x68: {  	[tilespmem:s15], [sflag:$0x4] =	stream.linear.gather @!p1 [hbm4b:s13+s14], $0x4000, $0x38;
	[tilespmem:$0x1FD80] =	vst v63  }
0x69: {  	_ =	swait.ge @!p1 [sflag:s16], $0x80  }
0x6a: {  	[sflag:s16] =	ssyncset.done @!p1 $0x0  }
0x6b: {  	s13 =	simm.s32 @!p1 $0x5;
	[sflag:s16] =	ssyncadd.s32 @!p1 $0xFFFFFF80  }
0x6c: {  	_ =	swait.ge @!p1 [sflag:s13], $0x4000  }
0x6d: {  	s15 =	simm.s32 @!p1 $0x80;
	[sflag:s13] =	ssyncset.done @!p1 $0x0  }
0x6e: {  	s16 =	simm.s32 @!p1 $0x4180;
	[sflag:s13] =	ssyncadd.s32 @!p1 $0xFFFFC000;
	s13 =	simm.s32 @!p1 $0x8  }
0x6f: {  	[spmem:s1] =	stream.indirect.scatter.add.f32 @!p1 [tilespmem:s16], [sflag:$0x8], $0x80, s15, s15, $0xb8;
	[tilespmem:$0x1FD80] =	vst v63  }
0x70: {  	_ =	swait.ge @!p1 [sflag:s13], $0x4000  }
0x71: {  	[sflag:s13] =	ssyncset.done @!p1 $0x0  }
0x72: {  	[sflag:s13] =	ssyncadd.s32 @!p1 $0xFFFFC000  }
0x73: {  	[tilespmem:s15], [sflag:$0x2] =	stream.linear.gather @!p1 [hbm4b:s21+s14], $0x80, $0x38;
	[tilespmem:$0x1FD80] =	vst v63  }
0x74: {  	s9 =	sadd.s32 @!p1 $0x40000, s9  }
0x75: {  	[tilespmem:s16], [sflag:$0x5] =	stream.linear.gather @!p1 [hbm4b:s9+s14], $0x4000, $0x38;
	[tilespmem:$0x1FD80] =	vst v63  }
0x76: {  	_ =	swait.ge [sflag:s0], $0x80  }
0x77: {  	p6 =	por $0x0, $0x0;
	[sflag:s0] =	ssyncset.done $0x0  }
0x78: {  	s13 =	sadd.s32 $0x600, s21;
	s15 =	simm.s32 $0x60000;
	[sflag:s0] =	ssyncadd.s32 $0xFFFFFF80  }
0x79: {  	s9 =	simm.s32 $0x30000;
	p1 =	por p6, p6;
	_ =	swait.ge [sflag:s26], $0x4000  }
0x7a: {  	s14 =	sadd.s32 $0x600, s22;
	s16 =	simm.s32 @!p1 $0x9;
	[sflag:s26] =	ssyncset.done $0x0  }
.LBB2_4:
0x7b: {  	p3 =	seq.s32 s15, $0x0  }
0x7c: {  	[sflag:s26] =	ssyncadd.s32 $0xFFFFC000;
	s17 =	smov.u32 s15;
	s15 =	sadd.s32 $0x30000, s15  }
0x7d: {  	[spmem:s1] =	stream.indirect.scatter.add.f32 [tilespmem:s29], [sflag:$0x9], $0x80, s28, s25, $0xb8;
	[tilespmem:$0x1FD80] =	vst v63  }
0x7e: {  	p2 =	sne.s32 s15, $0x270000;
	_ =	swait.ge @!p1 [sflag:s16], $0x4000  }
0x7f: {  	[sflag:s16] =	ssyncset.done @!p1 $0x0  }
0x80: {  	s18 =	sadd.s32 s9, s20;
	[sflag:s16] =	ssyncadd.s32 @!p1 $0xFFFFC000;
	s16 =	sadd.s32 $0xFFFFFE00, s14  }
0x81: {  	[tilespmem:s28], [sflag:$0x3] =	stream.linear.gather [hbm4b:s16+s2], $0x80, $0x38;
	[tilespmem:$0x1FD80] =	vst v63  }
0x82: {  	p1 =	por p3, p3;
	s16 =	sadd.s32 $0x20000, s18  }
0x83: {  	[tilespmem:s29], [sflag:$0x6] =	stream.linear.gather [hbm4b:s16+s2], $0x4000, $0x38;
	[tilespmem:$0x1FD80] =	vst v63  }
0x84: {  	_ =	swait.ge [sflag:s30], $0x80  }
0x85: {  	[sflag:s30] =	ssyncset.done $0x0  }
0x86: {  	[sflag:s30] =	ssyncadd.s32 $0xFFFFFF80  }
0x87: {  	_ =	swait.ge [sflag:s31], $0x4000  }
0x88: {  	[sflag:s31] =	ssyncset.done $0x0  }
0x89: {  	p3 =	seq.s32 s9, $0x240000;
	[sflag:s31] =	ssyncadd.s32 $0xFFFFC000  }
0x8a: {  	[spmem:s1] =	stream.indirect.scatter.add.f32 [tilespmem:s23], [sflag:$0x7], $0x80, s2, s25, $0xb8;
	[tilespmem:$0x1FD80] =	vst v63  }
0x8b: {  	s18 =	sadd.s32 @!p3 s9, s20;
	s9 =	smov.u32 s17;
	s16 =	simm.s32 @p3 $0x2  }
0x8c: {  	s17 =	sadd.s32 @!p3 $0x30000, s18;
	s18 =	sadd.s32 @!p3 $0x40000, s18;
	_ =	swait.ge @p3 [sflag:s16], $0x80  }
0x8d: {  	s19 =	simm.s32 @p3 $0x5;
	[sflag:s16] =	ssyncset.done @p3 $0x0  }
0x8e: {  	[sflag:s16] =	ssyncadd.s32 @p3 $0xFFFFFF80  }
0x8f: {  	_ =	swait.ge @p3 [sflag:s19], $0x4000  }
0x90: {  	s8 =	simm.s32 @p3 $0x4180;
	s16 =	simm.s32 @p3 $0x80;
	[sflag:s19] =	ssyncset.done @p3 $0x0  }
0x91: {  	[sflag:s19] =	ssyncadd.s32 @p3 $0xFFFFC000;
	s19 =	simm.s32 @!p3 $0x7  }
0x92: {  	[spmem:s1] =	stream.indirect.scatter.add.f32 @p3 [tilespmem:s8], [sflag:$0x8], $0x80, s16, s16, $0xb8;
	[tilespmem:$0x1FD80] =	vst v63  }
0x93: {  	_ =	swait.ge @!p3 [sflag:s19], $0x4000  }
0x94: {  	s8 =	simm.s32 @!p3 $0x0;
	[sflag:s19] =	ssyncset.done @!p3 $0x0  }
0x95: {  	s16 =	simm.s32 @!p3 $0x180;
	[sflag:s19] =	ssyncadd.s32 @!p3 $0xFFFFC000  }
0x96: {  	[tilespmem:s8], [sflag:$0x1] =	stream.linear.gather @!p3 [hbm4b:s14+s8], $0x80, $0x38;
	[tilespmem:$0x1FD80] =	vst v63  }
0x97: {  	s19 =	simm.s32 @!p3 $0x2  }
0x98: {  	[tilespmem:s16], [sflag:$0x4] =	stream.linear.gather @!p3 [hbm4b:s17+s8], $0x4000, $0x38;
	[tilespmem:$0x1FD80] =	vst v63  }
0x99: {  	_ =	swait.ge @!p3 [sflag:s19], $0x80  }
0x9a: {  	s16 =	simm.s32 @!p3 $0x5;
	[sflag:s19] =	ssyncset.done @!p3 $0x0  }
0x9b: {  	[sflag:s19] =	ssyncadd.s32 @!p3 $0xFFFFFF80  }
0x9c: {  	_ =	swait.ge @!p3 [sflag:s16], $0x4000  }
0x9d: {  	s17 =	simm.s32 @!p3 $0x80;
	s19 =	simm.s32 @!p3 $0x4180;
	[sflag:s16] =	ssyncset.done @!p3 $0x0  }
0x9e: {  	[sflag:s16] =	ssyncadd.s32 @!p3 $0xFFFFC000;
	s16 =	simm.s32 @!p3 $0x8  }
0x9f: {  	[spmem:s1] =	stream.indirect.scatter.add.f32 @!p3 [tilespmem:s19], [sflag:$0x8], $0x80, s17, s17, $0xb8;
	[tilespmem:$0x1FD80] =	vst v63  }
0xa0: {  	_ =	swait.ge @!p3 [sflag:s16], $0x4000  }
0xa1: {  	[sflag:s16] =	ssyncset.done @!p3 $0x0  }
0xa2: {  	[sflag:s16] =	ssyncadd.s32 @!p3 $0xFFFFC000  }
0xa3: {  	[tilespmem:s17], [sflag:$0x2] =	stream.linear.gather @!p3 [hbm4b:s13+s8], $0x80, $0x38;
	[tilespmem:$0x1FD80] =	vst v63  }
0xa4: {  	_ = 	snop  }
0xa5: {  	[tilespmem:s19], [sflag:$0x5] =	stream.linear.gather @!p3 [hbm4b:s18+s8], $0x4000, $0x38;
	[tilespmem:$0x1FD80] =	vst v63  }
.Ltmp1:
0xa6: {  	_ =	swait.ge [sflag:s0], $0x80;
	(pc) =	sbr.rel @p2 .LBB2_4-.Ltmp1, $4  }
0xa7: {  	[sflag:s0] =	ssyncset.done $0x0  }
0xa8: {  	[sflag:s0] =	ssyncadd.s32 $0xFFFFFF80  }
0xa9: {  	s14 =	sadd.s32 $0x600, s14;
	_ =	swait.ge [sflag:s26], $0x4000  }
0xaa: {  	s16 =	simm.s32 @!p1 $0x9;
	s13 =	sadd.s32 $0x600, s13;
	[sflag:s26] =	ssyncset.done $0x0  }
0xab: {  	[sflag:s26] =	ssyncadd.s32 $0xFFFFC000  }
0xac: {  	[spmem:s1] =	stream.indirect.scatter.add.f32 [tilespmem:s29], [sflag:$0x9], $0x80, s28, s25, $0xb8;
	[tilespmem:$0x1FD80] =	vst v63  }
0xad: {  	_ =	swait.ge @!p1 [sflag:s16], $0x4000  }
0xae: {  	[sflag:s16] =	ssyncset.done @!p1 $0x0  }
0xaf: {  	s8 =	sadd.s32 $0xFFFFFE00, s14;
	s15 =	sadd.s32 s9, s20;
	[sflag:s16] =	ssyncadd.s32 @!p1 $0xFFFFC000  }
0xb0: {  	[tilespmem:s28], [sflag:$0x3] =	stream.linear.gather [hbm4b:s8+s2], $0x80, $0x38;
	[tilespmem:$0x1FD80] =	vst v63  }
0xb1: {  	s19 =	sadd.s32 $0x20000, s15  }
0xb2: {  	[tilespmem:s29], [sflag:$0x6] =	stream.linear.gather [hbm4b:s19+s2], $0x4000, $0x38;
	[tilespmem:$0x1FD80] =	vst v63  }
0xb3: {  	_ =	swait.ge [sflag:s30], $0x80  }
0xb4: {  	[sflag:s30] =	ssyncset.done $0x0  }
0xb5: {  	[sflag:s30] =	ssyncadd.s32 $0xFFFFFF80  }
0xb6: {  	_ =	swait.ge [sflag:s31], $0x4000  }
0xb7: {  	p1 =	seq.s32 s9, $0x240000;
	[sflag:s31] =	ssyncset.done $0x0  }
0xb8: {  	s8 =	simm.s32 @p1 $0x2;
	[sflag:s31] =	ssyncadd.s32 $0xFFFFC000  }
0xb9: {  	[spmem:s1] =	stream.indirect.scatter.add.f32 [tilespmem:s23], [sflag:$0x7], $0x80, s2, s25, $0xb8;
	[tilespmem:$0x1FD80] =	vst v63  }
0xba: {  	_ =	swait.ge @p1 [sflag:s8], $0x80  }
0xbb: {  	[sflag:s8] =	ssyncset.done @p1 $0x0  }
0xbc: {  	s15 =	simm.s32 @p1 $0x5;
	[sflag:s8] =	ssyncadd.s32 @p1 $0xFFFFFF80  }
0xbd: {  	_ =	swait.ge @p1 [sflag:s15], $0x4000  }
0xbe: {  	s16 =	simm.s32 @p1 $0x4180;
	[sflag:s15] =	ssyncset.done @p1 $0x0  }
0xbf: {  	s8 =	simm.s32 @p1 $0x80;
	[sflag:s15] =	ssyncadd.s32 @p1 $0xFFFFC000;
	s15 =	simm.s32 @!p1 $0x7  }
0xc0: {  	[spmem:s1] =	stream.indirect.scatter.add.f32 @p1 [tilespmem:s16], [sflag:$0x8], $0x80, s8, s8, $0xb8;
	[tilespmem:$0x1FD80] =	vst v63  }
0xc1: {  	_ =	swait.ge @!p1 [sflag:s15], $0x4000  }
0xc2: {  	[sflag:s15] =	ssyncset.done @!p1 $0x0  }
0xc3: {  	s8 =	sadd.s32 @!p1 s9, s20;
	s9 =	simm.s32 @!p1 $0x0;
	[sflag:s15] =	ssyncadd.s32 @!p1 $0xFFFFC000  }
0xc4: {  	[tilespmem:s9], [sflag:$0x1] =	stream.linear.gather @!p1 [hbm4b:s14+s9], $0x80, $0x38;
	[tilespmem:$0x1FD80] =	vst v63  }
0xc5: {  	s16 =	simm.s32 @!p1 $0x2;
	s15 =	simm.s32 @!p1 $0x180;
	s14 =	sadd.s32 @!p1 $0x30000, s8  }
0xc6: {  	[tilespmem:s15], [sflag:$0x4] =	stream.linear.gather @!p1 [hbm4b:s14+s9], $0x4000, $0x38;
	[tilespmem:$0x1FD80] =	vst v63  }
0xc7: {  	_ =	swait.ge @!p1 [sflag:s16], $0x80  }
0xc8: {  	[sflag:s16] =	ssyncset.done @!p1 $0x0  }
0xc9: {  	s14 =	simm.s32 @!p1 $0x5;
	[sflag:s16] =	ssyncadd.s32 @!p1 $0xFFFFFF80  }
0xca: {  	_ =	swait.ge @!p1 [sflag:s14], $0x4000  }
0xcb: {  	s15 =	simm.s32 @!p1 $0x80;
	[sflag:s14] =	ssyncset.done @!p1 $0x0  }
0xcc: {  	s16 =	simm.s32 @!p1 $0x4180;
	[sflag:s14] =	ssyncadd.s32 @!p1 $0xFFFFC000;
	s14 =	simm.s32 @!p1 $0x8  }
0xcd: {  	[spmem:s1] =	stream.indirect.scatter.add.f32 @!p1 [tilespmem:s16], [sflag:$0x8], $0x80, s15, s15, $0xb8;
	[tilespmem:$0x1FD80] =	vst v63  }
0xce: {  	_ =	swait.ge @!p1 [sflag:s14], $0x4000  }
0xcf: {  	[sflag:s14] =	ssyncset.done @!p1 $0x0  }
0xd0: {  	[sflag:s14] =	ssyncadd.s32 @!p1 $0xFFFFC000  }
0xd1: {  	[tilespmem:s15], [sflag:$0x2] =	stream.linear.gather @!p1 [hbm4b:s13+s9], $0x80, $0x38;
	[tilespmem:$0x1FD80] =	vst v63  }
0xd2: {  	s8 =	sadd.s32 @!p1 $0x40000, s8  }
0xd3: {  	[tilespmem:s16], [sflag:$0x5] =	stream.linear.gather @!p1 [hbm4b:s8+s9], $0x4000, $0x38;
	[tilespmem:$0x1FD80] =	vst v63  }
0xd4: {  	_ =	swait.ge [sflag:s0], $0x80  }
0xd5: {  	[sflag:s0] =	ssyncset.done $0x0  }
0xd6: {  	[sflag:s0] =	ssyncadd.s32 $0xFFFFFF80  }
0xd7: {  	_ =	swait.ge [sflag:s26], $0x4000  }
0xd8: {  	[sflag:s26] =	ssyncset.done $0x0  }
0xd9: {  	s13 =	simm.s32 $0x7;
	[sflag:s26] =	ssyncadd.s32 $0xFFFFC000  }
0xda: {  	[spmem:s1] =	stream.indirect.scatter.add.f32 [tilespmem:s29], [sflag:$0x9], $0x80, s28, s25, $0xb8;
	[tilespmem:$0x1FD80] =	vst v63  }
0xdb: {  	_ =	swait.ge [sflag:s13], $0x4000  }
0xdc: {  	[sflag:s13] =	ssyncset.done $0x0  }
0xdd: {  	[sflag:s13] =	ssyncadd.s32 $0xFFFFC000  }
0xde: {  	_ =	swait.ge [sflag:s10], $0x4000  }
0xdf: {  	[sflag:s10] =	ssyncset.done $0x0  }
0xe0: {  	[sflag:s10] =	ssyncadd.s32 $0xFFFFC000  }
0xe1: {  	_ =	swait.ge [sflag:s11], $0x4000  }
0xe2: {  	[sflag:s11] =	ssyncset.done $0x0  }
0xe3: {  	s8 =	simm.s32 @!p0 $0x0;
	s9 =	rddreg [dreg:$0x7];
	[sflag:s11] =	ssyncadd.s32 $0xFFFFC000  }
0xe4: {  	[tilespmem:s8], [sflag:$0x1] =	stream.linear.gather @!p0 [hbm4b:s9+s8], $0x80, $0x38;
	[tilespmem:$0x1FD80] =	vst v63  }
0xe5: {  	s13 =	rddreg [dreg:$0xd];
	s9 =	simm.s32 @!p0 $0x180  }
0xe6: {  	[tilespmem:s9], [sflag:$0x4] =	stream.linear.gather @!p0 [hbm4b:s13+s8], $0x4000, $0x38;
	[tilespmem:$0x1FD80] =	vst v63  }
0xe7: {  	s13 =	simm.s32 @!p0 $0x1  }
0xe8: {  	_ =	swait.ge @!p0 [sflag:s13], $0x80  }
0xe9: {  	[sflag:s13] =	ssyncset.done @!p0 $0x0  }
0xea: {  	[sflag:s13] =	ssyncadd.s32 @!p0 $0xFFFFFF80;
	s13 =	simm.s32 @!p0 $0x4  }
0xeb: {  	_ =	swait.ge @!p0 [sflag:s13], $0x4000  }
0xec: {  	[sflag:s13] =	ssyncset.done @!p0 $0x0  }
0xed: {  	[sflag:s13] =	ssyncadd.s32 @!p0 $0xFFFFC000;
	s13 =	simm.s32 @!p0 $0x80  }
0xee: {  	[spmem:s1] =	stream.indirect.scatter.add.f32 @!p0 [tilespmem:s9], [sflag:$0xA], $0x80, s8, s13, $0xb8;
	[tilespmem:$0x1FD80] =	vst v63  }
0xef: {  	s8 =	simm.s32 @!p0 $0xA  }
0xf0: {  	_ =	swait.ge @!p0 [sflag:s8], $0x4000  }
0xf1: {  	[sflag:s8] =	ssyncset.done @!p0 $0x0  }
0xf2: {  	[sflag:s8] =	ssyncadd.s32 @!p0 $0xFFFFC000  }
0xf3: {  	[bflag:$0x0] =	sbarrier.arrive $0xFFFF  }
0xf4: {  	[tilespmem:s23], [sflag:$0xA] =	stream.linear.gather [spmem:s3], $0x4000, $0x38;
	[tilespmem:$0x1FD80] =	vst v63  }
0xf5: {  	_ =	swait.ge [sflag:s24], $0x4000  }
0xf6: {  	[sflag:s24] =	ssyncset.done $0x0  }
0xf7: {  	s14 =	rddreg [dreg:$0x8];
	[sflag:s24] =	ssyncadd.s32 $0xFFFFC000  }
0xf8: {  	[hbm4b:s14+s2] =	stream.linear.scatter [tilespmem:s23], [sflag:$0xA], $0x4000, $0x38;
	[tilespmem:$0x1FD80] =	vst v63  }
0xf9: {  	_ =	swait.ge [sflag:s24], $0x4000  }
0xfa: {  	[sflag:s24] =	ssyncset.done $0x0  }
0xfb: {  	[sflag:s24] =	ssyncadd.s32 $0xFFFFC000  }
0xfc: {  	[tilespmem:s23], [sflag:$0xA] =	stream.linear.gather [spmem:s4], $0x4000, $0x38;
	[tilespmem:$0x1FD80] =	vst v63  }
0xfd: {  	_ =	swait.ge [sflag:s24], $0x4000  }
0xfe: {  	[sflag:s24] =	ssyncset.done $0x0  }
0xff: {  	s15 =	rddreg [dreg:$0x9];
	[sflag:s24] =	ssyncadd.s32 $0xFFFFC000  }
0x100: {  	[hbm4b:s15+s2] =	stream.linear.scatter [tilespmem:s23], [sflag:$0xA], $0x4000, $0x38;
	[tilespmem:$0x1FD80] =	vst v63  }
0x101: {  	_ =	swait.ge [sflag:s24], $0x4000  }
0x102: {  	[sflag:s24] =	ssyncset.done $0x0  }
0x103: {  	[sflag:s24] =	ssyncadd.s32 $0xFFFFC000  }
0x104: {  	[tilespmem:s23], [sflag:$0xA] =	stream.linear.gather [spmem:s5], $0x4000, $0x38;
	[tilespmem:$0x1FD80] =	vst v63  }
0x105: {  	_ =	swait.ge [sflag:s24], $0x4000  }
0x106: {  	[sflag:s24] =	ssyncset.done $0x0  }
0x107: {  	s16 =	rddreg [dreg:$0xa];
	[sflag:s24] =	ssyncadd.s32 $0xFFFFC000  }
0x108: {  	[hbm4b:s16+s2] =	stream.linear.scatter [tilespmem:s23], [sflag:$0xA], $0x4000, $0x38;
	[tilespmem:$0x1FD80] =	vst v63  }
0x109: {  	_ =	swait.ge [sflag:s24], $0x4000  }
0x10a: {  	[sflag:s24] =	ssyncset.done $0x0  }
0x10b: {  	[sflag:s24] =	ssyncadd.s32 $0xFFFFC000  }
0x10c: {  	[tilespmem:s23], [sflag:$0xA] =	stream.linear.gather [spmem:s6], $0x4000, $0x38;
	[tilespmem:$0x1FD80] =	vst v63  }
0x10d: {  	_ =	swait.ge [sflag:s24], $0x4000  }
0x10e: {  	[sflag:s24] =	ssyncset.done $0x0  }
0x10f: {  	s17 =	rddreg [dreg:$0xb];
	[sflag:s24] =	ssyncadd.s32 $0xFFFFC000  }
0x110: {  	[hbm4b:s17+s2] =	stream.linear.scatter [tilespmem:s23], [sflag:$0xA], $0x4000, $0x38;
	[tilespmem:$0x1FD80] =	vst v63  }
0x111: {  	_ =	swait.ge [sflag:s24], $0x4000  }
0x112: {  	[sflag:s24] =	ssyncset.done $0x0  }
0x113: {  	[sflag:s24] =	ssyncadd.s32 $0xFFFFC000  }
0x114: {  	[tilespmem:s23], [sflag:$0xA] =	stream.linear.gather [spmem:s7], $0x3C00, $0x38;
	[tilespmem:$0x1FD80] =	vst v63  }
0x115: {  	_ =	swait.ge [sflag:s24], $0x3C00  }
0x116: {  	[sflag:s24] =	ssyncset.done $0x0  }
0x117: {  	s18 =	rddreg [dreg:$0xc];
	[sflag:s24] =	ssyncadd.s32 $0xFFFFC400  }
0x118: {  	[hbm4b:s18+s2] =	stream.linear.scatter [tilespmem:s23], [sflag:$0xA], $0x3C00, $0x38;
	[tilespmem:$0x1FD80] =	vst v63  }
0x119: {  	_ =	swait.ge [sflag:s24], $0x3C00  }
0x11a: {  	s12 =	sadd.s32 $0x1, s12;
	s19 =	rddreg [dreg:$0xe]  }
0x11b: {  	p1 =	sne.s32 s12, s19  }
.Ltmp2:
0x11c: {  	_ = 	snop;
	(pc) =	sbr.rel @p1 .LBB2_1-.Ltmp2, $3  }
0x11d: {  	_ =	sdelay $0x1  }
0x11e: {  	[sflag:s24] =	ssyncset.done $0x0  }
0x11f: {  	[sflag:s24] =	ssyncadd.s32 $0xFFFFC400  }
0x120: {  	_ =	sfence.sel $0x180000  }
0x121: {  	[bflag:$0x0] =	sbarrier.arrive $0xFFFF  }
0x122: {  	_ =	strace $0x90000050  }
0x123: {  	[bflag:$0x2] =	sbarrier.arrive $0xFFFF  }
0x124: {  	s0 =	rddreg [dreg:$0x2]  }
0x125: {  	s0 =	sadd.s32 @!p0 $0x100000, s0  }
0x126: {  	[sflag:s0] =	ssyncadd.tile.s32 @!p0 $0x1;
	_ =	shalt  }
.Lfunc_end2:
_tile_overlayer_lowered:
.L_overlay_start_2:
0x127: {  	(tag) =	ssettag $0x2  }
0x128: {  	s0 =	rddreg [dreg:$0x0];
	s2 =	stileid.u32  }
0x129: {  	s1 =	rddreg [dreg:$0x1];
	p0 =	sne.s32 s2, $0x0  }
0x12a: {  	s3 =	rddreg [dreg:$0x2];
	[bflag:$0x3] =	sbarrier.arrive $0xFFFF;
	s2 =	simm.s32 @!p0 $0x1C0A  }
0x12b: {  	[timem:s3], [sflag:s2] =	dma.local @!p0 [hbm:s0], s1  }
0x12c: {  	s0 =	simm.s32 @!p0 $0xA  }
0x12d: {  	_ =	swait.ge @!p0 [sflag:s0], s1  }
0x12e: {  	s1 =	ssub.s32 @!p0 $0x0, s1;
	[sflag:s0] =	ssyncset.done @!p0 $0x0  }
0x12f: {  	[sflag:s0] =	ssyncadd.s32 @!p0 s1  }
0x130: {  	[bflag:$0x3] =	sbarrier.arrive $0xFFFF  }
0x131: {  	_ =	shalt  }

// kernel: kernel.16.cloned.1.call-start
scs
__scs_entry_jumppad:
0x0: {  	(pc) =	sbr.rel $0x88, $3  }
0x1: {  	(tag) =	ssettag $0x0;
	lr =	simm.s32 $0x1  }
0x2: {  	[smem:$0x3F96] =	sst lr;
	_ =	strace $0xD0000000  }
0x3: {  	_ = 	snop  }
0x4: {  	_ = 	snop  }
0x5: {  	_ = 	snop  }
0x6: {  	_ = 	snop  }
0x7: {  	_ = 	snop  }
__scs_overlays_trampoline_lowered:
0x8: {  	[smem:$0x3FA5] =	sst s0  }
0x9: {  	[smem:$0x3FA6] =	sst s1  }
0xa: {  	[smem:$0x3FA7] =	sst s2  }
0xb: {  	[smem:$0x3FA8] =	sst s3  }
0xc: {  	[smem:$0x3FA9] =	sst s4  }
0xd: {  	[smem:$0x3FAA] =	sst s5  }
0xe: {  	[smem:$0x3FAB] =	sst s6  }
0xf: {  	[smem:$0x3FAC] =	sst s7  }
0x10: {  	[smem:$0x3FAD] =	sst s8  }
0x11: {  	[smem:$0x3FAE] =	sst s9;
	s0 =	simm.s32 @!p0 $0x0  }
0x12: {  	s1 =	sld [smem:$0x3F94];
	s0 =	simm.s32 @p0 $0x1  }
0x13: {  	[smem:$0x3FAF] =	sst s0;
	s0 =	simm.s32 @!p1 $0x0  }
0x14: {  	s2 =	sld [smem:$0x3F93];
	s0 =	simm.s32 @p1 $0x1  }
0x15: {  	[smem:$0x3FB0] =	sst s0;
	s0 =	simm.s32 @!p2 $0x0  }
0x16: {  	s3 =	sld [smem:$0x3FDB];
	s0 =	simm.s32 @p2 $0x1  }
0x17: {  	s4 =	simm.s32 $0x1BF5;
	[smem:$0x3FB2] =	sst s0  }
0x18: {  	s0 =	sld [smem:$0x3F95];
	_ =	swait.ge [sflag:s4], $0x0  }
0x19: {  	s7 =	sld [smem:$0x3F96]  }
0x1a: {  	s8 =	sadd.s32 $0xFFFFE003, lr  }
0x1b: {  	s9 =	sadd.s32 $0xFFFFFEF7, lr;
	s5 =	simm.s32 $0xFFFFFFFF;
	p2 =	slt.u32 s8, $0xFFFFF086  }
0x1c: {  	p1 =	slt.u32 s9, $0xF7A;
	s5 =	simm.s32 @!p2 $0x0  }
0x1d: {  	s5 =	simm.s32 @p1 $0x1;
	p0 =	seq.s32 s7, s2  }
0x1e: {  	s7 =	smul.u32 @!p0 $0xF7A, s2;
	p2 =	seq.s32 @!p0 s5, $0x0  }
0x1f: {  	s9 =	smul.u32 $0xF7A, s1;
	s8 =	simm.s32 @!p0 $0x1BF5;
	p2 =	por !p2, p0  }
0x20: {  	[sflag:s8] =	ssyncset.s32 @!p0 $0xFFFFF086;
	s6 =	sadd.s32 @!p0 s3, s7;
	s7 =	simm.s32 @!p0 $0x108  }
0x21: {  	s3 =	sadd.s32 s3, s9;
	s6 =	sadd.s32 @!p0 $0x88, s6;
	s7 =	simm.s32 @p2 $0x1082  }
0x22: {  	[simem:s7], [sflag:s8] =	dma.local @!p0 [hbm:s6], $0xF7A  }
0x23: {  	s9 =	sor.u32 $0xD0000000, s2;
	s6 =	simm.s32 $0x108;
	_ =	swait.ge @!p0 [sflag:s8], $0x0  }
0x24: {  	s3 =	sadd.s32 $0x88, s3;
	s6 =	simm.s32 @!p1 $0x1082;
	[sflag:s4] =	ssyncset.s32 $0xFFFFF086  }
0x25: {  	[simem:s6], [sflag:s4] =	dma.local [hbm:s3], $0xF7A  }
0x26: {  	[smem:$0x3F96] =	sst s1;
	(tag) =	ssettag s2;
	_ =	strace s9  }
0x27: {  	s1 =	sld [smem:$0x3FA6]  }
0x28: {  	s2 =	sld [smem:$0x3FA7]  }
0x29: {  	s4 =	sld [smem:$0x3FA9]  }
0x2a: {  	p0 =	seq.s32 s5, $0x0;
	s5 =	sld [smem:$0x3FAA]  }
0x2b: {  	s6 =	sld [smem:$0x3FAB]  }
0x2c: {  	s7 =	sld [smem:$0x3FAC]  }
0x2d: {  	s3 =	simm.s32 $0x108;
	s8 =	sld [smem:$0x3FAD]  }
0x2e: {  	s3 =	simm.s32 @!p0 $0x1082;
	s9 =	sld [smem:$0x3FAE]  }
0x2f: {  	lr =	sadd.s32 s0, s3;
	s0 =	sld [smem:$0x3FA5]  }
0x30: {  	s3 =	sld [smem:$0x3FA8]  }
0x31: {  	[smem:$0x3FB1] =	sst s10  }
0x32: {  	s10 =	sld [smem:$0x3FAF];
	_ =	sdelay $0x3  }
0x33: {  	p0 =	seq.s32 s10, $0x1;
	s10 =	sld [smem:$0x3FB1];
	_ =	sdelay $0x3  }
0x34: {  	[smem:$0x3FB1] =	sst s10  }
0x35: {  	s10 =	sld [smem:$0x3FB0];
	_ =	sdelay $0x3  }
0x36: {  	p1 =	seq.s32 s10, $0x1;
	s10 =	sld [smem:$0x3FB1];
	_ =	sdelay $0x3  }
0x37: {  	[smem:$0x3FB1] =	sst s10  }
0x38: {  	s10 =	sld [smem:$0x3FB2]  }
0x39: {  	_ = 	snop;
	(pc) =	sbr.ind lr, $3  }
0x3a: {  	_ = 	snop  }
0x3b: {  	_ = 	snop  }
0x3c: {  	p2 =	seq.s32 s10, $0x1;
	s10 =	sld [smem:$0x3FB1]  }
0x3d: {  	_ =	shalt  }
0x3e: {  	_ =	shalt  }
0x3f: {  	_ =	shalt  }
0x40: {  	_ =	shalt  }
0x41: {  	_ =	shalt  }
0x42: {  	_ =	shalt  }
0x43: {  	_ =	shalt  }
0x44: {  	_ =	shalt  }
0x45: {  	_ =	shalt  }
0x46: {  	_ =	shalt  }
0x47: {  	_ =	shalt  }
0x48: {  	_ =	shalt  }
0x49: {  	_ =	shalt  }
0x4a: {  	_ =	shalt  }
0x4b: {  	_ =	shalt  }
0x4c: {  	_ =	shalt  }
0x4d: {  	_ =	shalt  }
0x4e: {  	_ =	shalt  }
0x4f: {  	_ =	shalt  }
0x50: {  	_ =	shalt  }
0x51: {  	_ =	shalt  }
0x52: {  	_ =	shalt  }
0x53: {  	_ =	shalt  }
0x54: {  	_ =	shalt  }
0x55: {  	_ =	shalt  }
0x56: {  	_ =	shalt  }
0x57: {  	_ =	shalt  }
0x58: {  	_ =	shalt  }
0x59: {  	_ =	shalt  }
0x5a: {  	_ =	shalt  }
0x5b: {  	_ =	shalt  }
0x5c: {  	_ =	shalt  }
0x5d: {  	_ =	shalt  }
0x5e: {  	_ =	shalt  }
0x5f: {  	_ =	shalt  }
0x60: {  	_ =	shalt  }
0x61: {  	_ =	shalt  }
0x62: {  	_ =	shalt  }
0x63: {  	_ =	shalt  }
0x64: {  	_ =	shalt  }
0x65: {  	_ =	shalt  }
0x66: {  	_ =	shalt  }
0x67: {  	_ =	shalt  }
0x68: {  	_ =	shalt  }
0x69: {  	_ =	shalt  }
0x6a: {  	_ =	shalt  }
0x6b: {  	_ =	shalt  }
0x6c: {  	_ =	shalt  }
0x6d: {  	_ =	shalt  }
0x6e: {  	_ =	shalt  }
0x6f: {  	_ =	shalt  }
0x70: {  	_ =	shalt  }
0x71: {  	_ =	shalt  }
0x72: {  	_ =	shalt  }
0x73: {  	_ =	shalt  }
0x74: {  	_ =	shalt  }
0x75: {  	_ =	shalt  }
0x76: {  	_ =	shalt  }
0x77: {  	_ =	shalt  }
0x78: {  	_ =	shalt  }
0x79: {  	_ =	shalt  }
0x7a: {  	_ =	shalt  }
0x7b: {  	_ =	shalt  }
0x7c: {  	_ =	shalt  }
0x7d: {  	_ =	shalt  }
0x7e: {  	_ =	shalt  }
0x7f: {  	_ =	shalt  }
0x80: {  	_ =	shalt  }
0x81: {  	_ =	shalt  }
0x82: {  	_ =	shalt  }
0x83: {  	_ =	shalt  }
0x84: {  	_ =	shalt  }
0x85: {  	_ =	shalt  }
0x86: {  	_ =	shalt  }
0x87: {  	_ =	shalt  }
.Lfunc_end0:
.L_simem_size_0:
called_computation.2_lowered:
.L_overlay_start_0:
0x88: {  	s2 =	sld [smem:$0x3FD9]  }
0x89: {  	s3 =	sld [smem:$0x3FFE];
	_ =	sdelay $0x1  }
0x8a: {  	s1 =	srdreg.scid  }
0x8b: {  	s0 =	sand.u32 $0x1, s1  }
0x8c: {  	s16 =	sshll.u32 s0, $0xA;
	s2 =	sadd.s32 s3, s2  }
0x8d: {  	s2 =	sadd.s32 s2, s16  }
0x8e: {  	[smem:$0x3FBD] =	sst s2  }
0x8f: {  	_ = 	snop  }
0x90: {  	(tm) =	ssettm $0x1  }
0x91: {  	s17 =	sld [smem:$0x3FFB];
	_ =	sdelay $0x3  }
0x92: {  	_ =	strace s17  }
0x93: {  	s2 =	sld [smem:$0x3FFC];
	_ =	sdelay $0x3  }
0x94: {  	_ =	strace s2  }
0x95: {  	s2 =	sld [smem:$0x3FFD];
	_ =	sdelay $0x3  }
0x96: {  	_ =	strace s2  }
0x97: {  	_ =	strace $0x8FFFFFFF  }
0x98: {  	s18 =	sld [smem:$0x3FDB];
	_ =	sdelay $0x1  }
0x99: {  	s19 =	simm.s32 $_scs_section_size  }
0x9a: {  	s4 =	simm.s32 $_size__tile_overlayer_lowered;
	s5 =	simm.s32 $_tile_overlayer_lowered  }
0x9b: {  	s22 =	simm.s32 $0x1BFF;
	s21 =	sshll.u32 s5, $0x1;
	s2 =	sadd.s32 s19, s18  }
0x9c: {  	s6 =	simm.s32 $0x0;
	s20 =	sshll.u32 s4, $0x1;
	s4 =	sadd.s32 s21, s2  }
0x9d: {  	[timem:s6], [sflag:s22] =	dma.local [hbm:s4], s20  }
0x9e: {  	_ =	swait.ge [sflag:s22], s20  }
0x9f: {  	s3 =	ssub.s32 $0x0, s20;
	[sflag:s22] =	ssyncset.done $0x0  }
0xa0: {  	[sflag:s22] =	ssyncadd.s32 s3;
	_ =	sdelay $0x1  }
0xa1: {  	s23 =	simm.s32 $0x1B8B  }
0xa2: {  	_ =	swait.ge [sflag:s23], $0x1  }
0xa3: {  	[sflag:s23] =	ssyncset.done $0x0  }
0xa4: {  	s25 =	simm.s32 $0x1B8E;
	s24 =	sld [smem:$0x3FFE];
	[sflag:s23] =	ssyncadd.s32 $0xFFFFFFFF  }
0xa5: {  	s26 =	simm.s32 $execute0_lowered;
	[smem:$0x3FD2] =	sst s25  }
0xa6: {  	s4 =	sshll.u32 s26, $0x1;
	_ =	strace $0x80000046;
	[dreg:$0x1] =	wrdreg $0xFFFFFFFF  }
0xa7: {  	s28 =	simm.s32 $_size_execute0_lowered;
	s2 =	sadd.s32 s2, s4;
	[dreg:$0x0] =	wrdreg $0x0  }
0xa8: {  	s4 =	sshll.u32 s28, $0x1;
	[dreg:$0x2] =	wrdreg s2  }
0xa9: {  	[dreg:$0x3] =	wrdreg s4  }
0xaa: {  	[dreg:$0x4] =	wrdreg $0xC0  }
0xab: {  	_ =	task [dreg:s6], $0x5FFFF  }
0xac: {  	[dreg:$0x1] =	wrdreg $0xFFFFFFFF  }
0xad: {  	[dreg:$0x0] =	wrdreg $0x60  }
0xae: {  	[dreg:$0x2] =	wrdreg s24  }
0xaf: {  	[dreg:$0x3] =	wrdreg $0xA  }
0xb0: {  	_ =	task.clear_ibuf [dreg:s6], $0x4FFFF;
	_ =	strace $0x90000046  }
0xb1: {  	s29 =	simm.s32 $0xA;
	_ =	strace $0x80000048  }
0xb2: {  	_ =	swait.ge [sflag:s29], $0x1  }
0xb3: {  	[sflag:s29] =	ssyncadd.s32 $0xFFFFFFFF  }
0xb4: {  	_ =	strace $0x90000048  }
0xb5: {  	_ =	sfence  }
0xb6: {  	s30 =	sld [smem:$0x0];
	_ =	sdelay $0x2  }
0xb7: {  	s31 =	sshll.u32 s1, $0xD;
	s1 =	sshrl.u32 s1, $0x2  }
0xb8: {  	s3 =	sand.u32 $0x4000, s31;
	s1 =	sadd.s32 s1, s30  }
0xb9: {  	s0 =	sor.u32 s3, s0;
	s1 =	sshll.u32 s1, $0x11  }
0xba: {  	s0 =	sor.u32 s1, s0  }
0xbb: {  	s0 =	sadd.s32 $0x8F2B, s0  }
0xbc: {  	[sflag:s0] =	ssyncadd.remote.s32 $0x1  }
0xbd: {  	_ =	sfence.sel $0xFFFF  }
0xbe: {  	[dreg:$0x0] =	wrdreg $0xFFFFFFFF;
	(pc) =	sbr.abs _section_cstart, $3  }
0xbf: {  	[dreg:$0x1] =	wrdreg $0xFFFFFFFF  }
0xc0: {  	_ =	task.clear_ibuf [dreg:s6], $0x2FFFF;
	_ =	strace $0x9FFFFFFF  }
0xc1: {  	(tm) =	ssettm $0x7FFFFFFF  }
tec
execute0_lowered:
.L_overlay_start_1:
0x0: {  	(tag) =	ssettag $0x1  }
0x1: {  	s0 =	srdreg.scid  }
0x2: {  	s2 =	stileid.u32;
	s1 =	rddreg [dreg:$0x0]  }
0x3: {  	s12 =	simm.s32 $0x7;
	s13 =	simm.s32 $0x1400;
	s14 =	simm.s32 $0x80  }
0x4: {  	s15 =	simm.s32 $0x2800;
	s16 =	simm.s32 $0xA800;
	s17 =	simm.s32 $0x6800  }
0x5: {  	s18 =	simm.s32 $0xE800;
	s19 =	simm.s32 $0x1;
	s20 =	simm.s32 $0x3  }
0x6: {  	s21 =	simm.s32 $0x5;
	s22 =	simm.s32 $0x2;
	s23 =	simm.s32 $0x4  }
0x7: {  	s24 =	simm.s32 $0x6;
	s25 =	simm.s32 $0x8;
	s28 =	simm.s32 $0x2780  }
0x8: {  	s0 =	sand.u32 $0x1, s0;
	s3 =	sshll.u32 s2, $0x1;
	s2 =	simm.s32 $0x0  }
0x9: {  	s29 =	simm.s32 $0x0;
	s4 =	sor.u32 s0, s3;
	[smem:$0x7FF] =	sst s2  }
0xa: {  	s3 =	sadd.s32 $0x17A00, s1;
	s0 =	ssub.s32 $0x2, s0;
	s5 =	smul.u32 $0x1388, s4  }
0xb: {  	_ =	strace $0x80000047;
	s4 =	smul.u32 $0x9C400, s4;
	s30 =	sshrl.u32 s0, $0x1  }
0xc: {  	s0 =	ssub.s32 s0, s30;
	s6 =	sshrl.u32 s5, $0x3;
	s5 =	sadd.s32 $0x3EC00, s1  }
0xd: {  	s9 =	sshrl.u32 s4, $0x3;
	s8 =	sadd.s32 s6, s1;
	s6 =	sadd.s32 $0x65E00, s1  }
0xe: {  	s11 =	smax.u32 s0, $0x1;
	s7 =	sadd.s32 $0x11A60, s8;
	s31 =	sadd.s32 s6, s9  }
0xf: {  	s8 =	sadd.s32 $0x7E20, s8;
	s9 =	sadd.s32 $0x13000, s31;
	s10 =	sadd.s32 $0x13800, s31  }
.LBB2_1:
0x10: {  	[tilespmem:s2], [sflag:$0x7] =	stream.linear.gather [hbm4b:s7+s2], $0x1388, $0x38;
	[tilespmem:$0x12800] =	vst v63  }
0x11: {  	_ =	swait.ge [sflag:s12], $0x1388  }
0x12: {  	[sflag:s12] =	ssyncset.done $0x0  }
0x13: {  	[sflag:s12] =	ssyncadd.s32 $0xFFFFEC78  }
0x14: {  	[tilespmem:s13], [sflag:$0x7] =	stream.linear.gather [hbm4b:s8+s2], $0x1388, $0x38;
	[tilespmem:$0x12800] =	vst v63  }
0x15: {  	_ =	swait.ge [sflag:s12], $0x1388  }
0x16: {  	[sflag:s12] =	ssyncset.done $0x0  }
0x17: {  	[sflag:s12] =	ssyncadd.s32 $0xFFFFEC78  }
0x18: {  	[tilespmem:s15], [sflag:$0x1] =	stream.indirect.gather [hbm4b:s3+s14], $0x80, s2, s14, $0xb8;
	[tilespmem:$0x12800] =	vst v63  }
0x19: {  	s30 =	simm.s32 $0x0  }
0x1a: {  	[tilespmem:s16], [sflag:$0x3] =	stream.indirect.gather [hbm4b:s5+s14], $0x80, s13, s14, $0xb8;
	[tilespmem:$0x12800] =	vst v63  }
.LBB2_2:
0x1b: {  	p0 =	seq.s32 s30, $0x0  }
0x1c: {  	s0 =	simm.s32 @!p0 $0x6  }
0x1d: {  	_ =	swait.ge @!p0 [sflag:s0], $0x4000  }
0x1e: {  	s31 =	sshllo.u32 s30, $0x1;
	[sflag:s0] =	ssyncset.done @!p0 $0x0  }
0x1f: {  	s26 =	sshll.u32 s31, $0x7;
	[sflag:s0] =	ssyncadd.s32 @!p0 $0xFFFFC000  }
0x20: {  	[tilespmem:s17], [sflag:$0x2] =	stream.indirect.gather [hbm4b:s3+s14], $0x80, s26, s14, $0xb8;
	[tilespmem:$0x12800] =	vst v63  }
0x21: {  	s0 =	sadd.s32 $0x1400, s26  }
0x22: {  	[tilespmem:s18], [sflag:$0x4] =	stream.indirect.gather [hbm4b:s5+s14], $0x80, s0, s14, $0xb8;
	[tilespmem:$0x12800] =	vst v63  }
0x23: {  	_ =	swait.ge [sflag:s19], $0x4000  }
0x24: {  	[sflag:s19] =	ssyncset.done $0x0  }
0x25: {  	[sflag:s19] =	ssyncadd.s32 $0xFFFFC000  }
0x26: {  	_ =	swait.ge [sflag:s20], $0x4000  }
0x27: {  	[sflag:s20] =	ssyncset.done $0x0  }
0x28: {  	s1 =	simm.s32 $0x0;
	[sflag:s20] =	ssyncadd.s32 $0xFFFFC000  }
0x29: {  	v7 =	vld [tilespmem:s1+$0xA800]  }
0x2a: {  	v11 =	vld [tilespmem:s1+$0xA810]  }
0x2b: {  	v5 =	vld [tilespmem:s1+$0xA820]  }
0x2c: {  	v4 =	vld [tilespmem:s1+$0xA830]  }
0x2d: {  	v3 =	vld [tilespmem:s1+$0xA840]  }
0x2e: {  	v2 =	vld [tilespmem:s1+$0xA850]  }
0x2f: {  	v1 =	vld [tilespmem:s1+$0xA860]  }
0x30: {  	v0 =	vld [tilespmem:s1+$0xA870]  }
0x31: {  	v12 =	vld [tilespmem:s1+$0x2800]  }
0x32: {  	v13 =	vld [tilespmem:s1+$0x2810]  }
0x33: {  	v10 =	vld [tilespmem:s1+$0x2820]  }
0x34: {  	v9 =	vld [tilespmem:s1+$0x2830]  }
0x35: {  	v8 =	vld [tilespmem:s1+$0x2840]  }
0x36: {  	v6 =	vld [tilespmem:s1+$0x2850];
	v12 =	vadd.f32 v7, v12  }
0x37: {  	s0 =	simm.s32 $0x200;
	v11 =	vadd.f32 v11, v13;
	v7 =	vld [tilespmem:s1+$0x2860]  }
.LBB2_3:
0x38: {  	s26 =	sshra.s32 s0, $0x2;
	p0 =	sne.s32 s0, $0xFE00;
	[tilespmem:s1+$0x2800] =	vst v12;
	v5 =	vadd.f32 v5, v10;
	v10 =	vld [tilespmem:s1+$0x2870]  }
0x39: {  	v12 =	vld [tilespmem:s26+$0xA800];
	[tilespmem:s1+$0x2810] =	vst v11;
	v4 =	vadd.f32 v4, v9  }
0x3a: {  	v11 =	vld [tilespmem:s26+$0xA810];
	[tilespmem:s1+$0x2820] =	vst v5;
	v3 =	vadd.f32 v3, v8  }
0x3b: {  	v5 =	vld [tilespmem:s26+$0xA820];
	[tilespmem:s1+$0x2830] =	vst v4;
	v2 =	vadd.f32 v2, v6  }
0x3c: {  	v4 =	vld [tilespmem:s26+$0xA830];
	[tilespmem:s1+$0x2840] =	vst v3;
	v1 =	vadd.f32 v1, v7  }
0x3d: {  	v3 =	vld [tilespmem:s26+$0xA840];
	[tilespmem:s1+$0x2850] =	vst v2;
	v0 =	vadd.f32 v0, v10  }
0x3e: {  	v2 =	vld [tilespmem:s26+$0xA850];
	[tilespmem:s1+$0x2860] =	vst v1  }
0x3f: {  	v1 =	vld [tilespmem:s26+$0xA860];
	[tilespmem:s1+$0x2870] =	vst v0;
	s1 =	smov.u32 s26  }
0x40: {  	v0 =	vld [tilespmem:s1+$0xA870]  }
0x41: {  	v6 =	vld [tilespmem:s1+$0x2800]  }
0x42: {  	v7 =	vld [tilespmem:s1+$0x2810]  }
.Ltmp0:
0x43: {  	v10 =	vld [tilespmem:s1+$0x2820];
	(pc) =	sbr.rel @p0 .LBB2_3-.Ltmp0, $4  }
0x44: {  	v9 =	vld [tilespmem:s1+$0x2830]  }
0x45: {  	v8 =	vld [tilespmem:s1+$0x2840]  }
0x46: {  	v12 =	vadd.f32 v12, v6;
	v6 =	vld [tilespmem:s1+$0x2850]  }
0x47: {  	s0 =	sadd.s32 $0x200, s0;
	v11 =	vadd.f32 v11, v7;
	v7 =	vld [tilespmem:s1+$0x2860]  }
0x48: {  	[tilespmem:s1+$0x2800] =	vst v12;
	v5 =	vadd.f32 v5, v10;
	v10 =	vld [tilespmem:s1+$0x2870]  }
0x49: {  	[tilespmem:s1+$0x2810] =	vst v11;
	v4 =	vadd.f32 v4, v9  }
0x4a: {  	[tilespmem:s1+$0x2820] =	vst v5;
	v3 =	vadd.f32 v3, v8  }
0x4b: {  	[tilespmem:s1+$0x2830] =	vst v4;
	v2 =	vadd.f32 v2, v6  }
0x4c: {  	s0 =	sshll.u32 s30, $0xF;
	[tilespmem:s1+$0x2840] =	vst v3;
	v1 =	vadd.f32 v1, v7  }
0x4d: {  	s0 =	sadd.s32 s4, s0;
	[tilespmem:s1+$0x2850] =	vst v2;
	v0 =	vadd.f32 v0, v10  }
0x4e: {  	s0 =	sshrl.u32 s0, $0x3;
	[tilespmem:s1+$0x2860] =	vst v1  }
0x4f: {  	s26 =	simm.s32 $0x0;
	s0 =	sadd.s32 s6, s0;
	[tilespmem:s1+$0x2870] =	vst v0  }
0x50: {  	[hbm4b:s0+s26] =	stream.linear.scatter [tilespmem:s15], [sflag:$0x5], $0x4000, $0x38;
	[tilespmem:$0x12800] =	vst v63  }
0x51: {  	_ =	swait.ge [sflag:s21], $0x4000  }
0x52: {  	s0 =	sshll.u32 s30, $0x8;
	[sflag:s21] =	ssyncset.done $0x0  }
0x53: {  	s26 =	sadd.s32 $0x100, s0;
	[sflag:s21] =	ssyncadd.s32 $0xFFFFC000  }
0x54: {  	[tilespmem:s15], [sflag:$0x1] =	stream.indirect.gather [hbm4b:s3+s14], $0x80, s26, s14, $0xb8;
	[tilespmem:$0x12800] =	vst v63  }
0x55: {  	s0 =	sadd.s32 $0x1500, s0  }
0x56: {  	[tilespmem:s16], [sflag:$0x3] =	stream.indirect.gather [hbm4b:s5+s14], $0x80, s0, s14, $0xb8;
	[tilespmem:$0x12800] =	vst v63  }
0x57: {  	_ =	swait.ge [sflag:s22], $0x4000  }
0x58: {  	[sflag:s22] =	ssyncset.done $0x0  }
0x59: {  	[sflag:s22] =	ssyncadd.s32 $0xFFFFC000  }
0x5a: {  	_ =	swait.ge [sflag:s23], $0x4000  }
0x5b: {  	[sflag:s23] =	ssyncset.done $0x0  }
0x5c: {  	s1 =	simm.s32 $0x0;
	[sflag:s23] =	ssyncadd.s32 $0xFFFFC000  }
0x5d: {  	v7 =	vld [tilespmem:s1+$0xE800]  }
0x5e: {  	v11 =	vld [tilespmem:s1+$0xE810]  }
0x5f: {  	v5 =	vld [tilespmem:s1+$0xE820]  }
0x60: {  	v4 =	vld [tilespmem:s1+$0xE830]  }
0x61: {  	v3 =	vld [tilespmem:s1+$0xE840]  }
0x62: {  	v2 =	vld [tilespmem:s1+$0xE850]  }
0x63: {  	v1 =	vld [tilespmem:s1+$0xE860]  }
0x64: {  	v0 =	vld [tilespmem:s1+$0xE870]  }
0x65: {  	v12 =	vld [tilespmem:s1+$0x6800]  }
0x66: {  	v13 =	vld [tilespmem:s1+$0x6810]  }
0x67: {  	v10 =	vld [tilespmem:s1+$0x6820]  }
0x68: {  	v9 =	vld [tilespmem:s1+$0x6830]  }
0x69: {  	v8 =	vld [tilespmem:s1+$0x6840]  }
0x6a: {  	v6 =	vld [tilespmem:s1+$0x6850];
	v12 =	vadd.f32 v7, v12  }
0x6b: {  	s0 =	simm.s32 $0x200;
	v11 =	vadd.f32 v11, v13;
	v7 =	vld [tilespmem:s1+$0x6860]  }
.LBB2_5:
0x6c: {  	s26 =	sshra.s32 s0, $0x2;
	p0 =	sne.s32 s0, $0xFE00;
	[tilespmem:s1+$0x6800] =	vst v12;
	v5 =	vadd.f32 v5, v10;
	v10 =	vld [tilespmem:s1+$0x6870]  }
0x6d: {  	v12 =	vld [tilespmem:s26+$0xE800];
	[tilespmem:s1+$0x6810] =	vst v11;
	v4 =	vadd.f32 v4, v9  }
0x6e: {  	v11 =	vld [tilespmem:s26+$0xE810];
	[tilespmem:s1+$0x6820] =	vst v5;
	v3 =	vadd.f32 v3, v8  }
0x6f: {  	v5 =	vld [tilespmem:s26+$0xE820];
	[tilespmem:s1+$0x6830] =	vst v4;
	v2 =	vadd.f32 v2, v6  }
0x70: {  	v4 =	vld [tilespmem:s26+$0xE830];
	[tilespmem:s1+$0x6840] =	vst v3;
	v1 =	vadd.f32 v1, v7  }
0x71: {  	v3 =	vld [tilespmem:s26+$0xE840];
	[tilespmem:s1+$0x6850] =	vst v2;
	v0 =	vadd.f32 v0, v10  }
0x72: {  	v2 =	vld [tilespmem:s26+$0xE850];
	[tilespmem:s1+$0x6860] =	vst v1  }
0x73: {  	v1 =	vld [tilespmem:s26+$0xE860];
	[tilespmem:s1+$0x6870] =	vst v0;
	s1 =	smov.u32 s26  }
0x74: {  	v0 =	vld [tilespmem:s1+$0xE870]  }
0x75: {  	v6 =	vld [tilespmem:s1+$0x6800]  }
0x76: {  	v7 =	vld [tilespmem:s1+$0x6810]  }
.Ltmp1:
0x77: {  	v10 =	vld [tilespmem:s1+$0x6820];
	(pc) =	sbr.rel @p0 .LBB2_5-.Ltmp1, $4  }
0x78: {  	v9 =	vld [tilespmem:s1+$0x6830]  }
0x79: {  	v8 =	vld [tilespmem:s1+$0x6840]  }
0x7a: {  	v12 =	vadd.f32 v12, v6;
	v6 =	vld [tilespmem:s1+$0x6850]  }
0x7b: {  	s0 =	sadd.s32 $0x200, s0;
	v11 =	vadd.f32 v11, v7;
	v7 =	vld [tilespmem:s1+$0x6860]  }
0x7c: {  	[tilespmem:s1+$0x6800] =	vst v12;
	v5 =	vadd.f32 v5, v10;
	v63 =	vld [tilespmem:s1+$0x6870]  }
0x7d: {  	[tilespmem:s1+$0x6810] =	vst v11;
	v4 =	vadd.f32 v4, v9  }
0x7e: {  	s30 =	sadd.s32 $0x1, s30;
	[tilespmem:s1+$0x6820] =	vst v5;
	v3 =	vadd.f32 v3, v8  }
0x7f: {  	p0 =	sne.s32 s30, $0x13;
	[tilespmem:s1+$0x6830] =	vst v4;
	v2 =	vadd.f32 v2, v6  }
.Ltmp2:
0x80: {  	s0 =	sshll.u32 s31, $0xE;
	[tilespmem:s1+$0x6840] =	vst v3;
	v1 =	vadd.f32 v1, v7;
	(pc) =	sbr.rel @p0 .LBB2_2-.Ltmp2, $4  }
0x81: {  	s0 =	sadd.s32 s4, s0;
	[tilespmem:s1+$0x6850] =	vst v2;
	v0 =	vadd.f32 v0, v63  }
0x82: {  	s0 =	sshrl.u32 s0, $0x3;
	[tilespmem:s1+$0x6860] =	vst v1  }
0x83: {  	s0 =	sadd.s32 s6, s0;
	[tilespmem:s1+$0x6870] =	vst v0  }
0x84: {  	[hbm4b:s0+s2] =	stream.linear.scatter [tilespmem:s17], [sflag:$0x6], $0x4000, $0x38;
	[tilespmem:$0x12800] =	vst v63  }
0x85: {  	_ =	swait.ge [sflag:s19], $0x4000  }
0x86: {  	[sflag:s19] =	ssyncset.done $0x0  }
0x87: {  	[sflag:s19] =	ssyncadd.s32 $0xFFFFC000  }
0x88: {  	_ =	swait.ge [sflag:s20], $0x4000  }
0x89: {  	[sflag:s20] =	ssyncset.done $0x0  }
0x8a: {  	s1 =	simm.s32 $0x0;
	[sflag:s20] =	ssyncadd.s32 $0xFFFFC000  }
0x8b: {  	v7 =	vld [tilespmem:s1+$0xA800]  }
0x8c: {  	v11 =	vld [tilespmem:s1+$0xA810]  }
0x8d: {  	v5 =	vld [tilespmem:s1+$0xA820]  }
0x8e: {  	v4 =	vld [tilespmem:s1+$0xA830]  }
0x8f: {  	v3 =	vld [tilespmem:s1+$0xA840]  }
0x90: {  	v2 =	vld [tilespmem:s1+$0xA850]  }
0x91: {  	v1 =	vld [tilespmem:s1+$0xA860]  }
0x92: {  	v0 =	vld [tilespmem:s1+$0xA870]  }
0x93: {  	v12 =	vld [tilespmem:s1+$0x2800]  }
0x94: {  	v13 =	vld [tilespmem:s1+$0x2810]  }
0x95: {  	v10 =	vld [tilespmem:s1+$0x2820]  }
0x96: {  	v9 =	vld [tilespmem:s1+$0x2830]  }
0x97: {  	v8 =	vld [tilespmem:s1+$0x2840]  }
0x98: {  	v6 =	vld [tilespmem:s1+$0x2850];
	v12 =	vadd.f32 v7, v12  }
0x99: {  	s0 =	simm.s32 $0x200;
	v11 =	vadd.f32 v11, v13;
	v7 =	vld [tilespmem:s1+$0x2860]  }
.LBB2_8:
0x9a: {  	s26 =	sshra.s32 s0, $0x2;
	p0 =	sne.s32 s0, $0xFE00;
	[tilespmem:s1+$0x2800] =	vst v12;
	v5 =	vadd.f32 v5, v10;
	v10 =	vld [tilespmem:s1+$0x2870]  }
0x9b: {  	v12 =	vld [tilespmem:s26+$0xA800];
	[tilespmem:s1+$0x2810] =	vst v11;
	v4 =	vadd.f32 v4, v9  }
0x9c: {  	v11 =	vld [tilespmem:s26+$0xA810];
	[tilespmem:s1+$0x2820] =	vst v5;
	v3 =	vadd.f32 v3, v8  }
0x9d: {  	v5 =	vld [tilespmem:s26+$0xA820];
	[tilespmem:s1+$0x2830] =	vst v4;
	v2 =	vadd.f32 v2, v6  }
0x9e: {  	v4 =	vld [tilespmem:s26+$0xA830];
	[tilespmem:s1+$0x2840] =	vst v3;
	v1 =	vadd.f32 v1, v7  }
0x9f: {  	v3 =	vld [tilespmem:s26+$0xA840];
	[tilespmem:s1+$0x2850] =	vst v2;
	v0 =	vadd.f32 v0, v10  }
0xa0: {  	v2 =	vld [tilespmem:s26+$0xA850];
	[tilespmem:s1+$0x2860] =	vst v1  }
0xa1: {  	v1 =	vld [tilespmem:s26+$0xA860];
	[tilespmem:s1+$0x2870] =	vst v0;
	s1 =	smov.u32 s26  }
0xa2: {  	v0 =	vld [tilespmem:s1+$0xA870]  }
0xa3: {  	v6 =	vld [tilespmem:s1+$0x2800]  }
0xa4: {  	v7 =	vld [tilespmem:s1+$0x2810]  }
.Ltmp3:
0xa5: {  	v10 =	vld [tilespmem:s1+$0x2820];
	(pc) =	sbr.rel @p0 .LBB2_8-.Ltmp3, $4  }
0xa6: {  	v9 =	vld [tilespmem:s1+$0x2830]  }
0xa7: {  	v8 =	vld [tilespmem:s1+$0x2840]  }
0xa8: {  	v12 =	vadd.f32 v12, v6;
	v6 =	vld [tilespmem:s1+$0x2850]  }
0xa9: {  	s0 =	sadd.s32 $0x200, s0;
	v11 =	vadd.f32 v11, v7;
	v7 =	vld [tilespmem:s1+$0x2860]  }
0xaa: {  	[tilespmem:s1+$0x2800] =	vst v12;
	v5 =	vadd.f32 v5, v10;
	v61 =	vld [tilespmem:s1+$0x2870]  }
0xab: {  	[tilespmem:s1+$0x2810] =	vst v11;
	v4 =	vadd.f32 v4, v9  }
0xac: {  	[tilespmem:s1+$0x2820] =	vst v5;
	v3 =	vadd.f32 v3, v8  }
0xad: {  	[tilespmem:s1+$0x2830] =	vst v4;
	v2 =	vadd.f32 v2, v6  }
0xae: {  	[tilespmem:s1+$0x2840] =	vst v3;
	v1 =	vadd.f32 v1, v7  }
0xaf: {  	[tilespmem:s1+$0x2850] =	vst v2;
	v0 =	vadd.f32 v0, v61  }
0xb0: {  	[tilespmem:s1+$0x2860] =	vst v1  }
0xb1: {  	[tilespmem:s1+$0x2870] =	vst v0  }
0xb2: {  	[hbm4b:s9+s2] =	stream.linear.scatter [tilespmem:s15], [sflag:$0x5], $0x4000, $0x38;
	[tilespmem:$0x12800] =	vst v63  }
0xb3: {  	_ =	swait.ge [sflag:s21], $0x4000  }
0xb4: {  	[sflag:s21] =	ssyncset.done $0x0  }
0xb5: {  	[sflag:s21] =	ssyncadd.s32 $0xFFFFC000  }
0xb6: {  	_ =	swait.ge [sflag:s24], $0x4000  }
0xb7: {  	[sflag:s24] =	ssyncset.done $0x0  }
0xb8: {  	s0 =	simm.s32 $0x1380;
	[sflag:s24] =	ssyncadd.s32 $0xFFFFC000  }
0xb9: {  	[tilespmem:s15], [sflag:$0x1] =	stream.indirect.gather [hbm4b:s3+s25], $0x80, s0, s25, $0xb8;
	[tilespmem:$0x12800] =	vst v63  }
0xba: {  	_ = 	snop  }
0xbb: {  	[tilespmem:s16], [sflag:$0x3] =	stream.indirect.gather [hbm4b:s5+s25], $0x80, s28, s25, $0xb8;
	[tilespmem:$0x12800] =	vst v63  }
0xbc: {  	_ =	swait.ge [sflag:s19], $0x400  }
0xbd: {  	[sflag:s19] =	ssyncset.done $0x0  }
0xbe: {  	[sflag:s19] =	ssyncadd.s32 $0xFFFFFC00  }
0xbf: {  	_ =	swait.ge [sflag:s20], $0x400  }
0xc0: {  	[sflag:s20] =	ssyncset.done $0x0  }
0xc1: {  	[sflag:s20] =	ssyncadd.s32 $0xFFFFFC00  }
0xc2: {  	v0 =	vld [tilespmem:$0x2800]  }
0xc3: {  	v1 =	vld [tilespmem:$0xA800]  }
0xc4: {  	v2 =	vld [tilespmem:$0x2810]  }
0xc5: {  	v3 =	vld [tilespmem:$0xA810]  }
0xc6: {  	v4 =	vld [tilespmem:$0x2820]  }
0xc7: {  	v5 =	vld [tilespmem:$0xA820]  }
0xc8: {  	v6 =	vld [tilespmem:$0x2830]  }
0xc9: {  	v7 =	vld [tilespmem:$0xA830]  }
0xca: {  	v8 =	vld [tilespmem:$0x2840]  }
0xcb: {  	v9 =	vld [tilespmem:$0xA840]  }
0xcc: {  	v10 =	vld [tilespmem:$0x2850]  }
0xcd: {  	v11 =	vld [tilespmem:$0xA850]  }
0xce: {  	v12 =	vld [tilespmem:$0x2860]  }
0xcf: {  	v13 =	vld [tilespmem:$0xA860]  }
0xd0: {  	v14 =	vld [tilespmem:$0x2870]  }
0xd1: {  	v15 =	vld [tilespmem:$0xA870]  }
0xd2: {  	v16 =	vld [tilespmem:$0x2880]  }
0xd3: {  	v17 =	vld [tilespmem:$0xA880]  }
0xd4: {  	v18 =	vld [tilespmem:$0x2890]  }
0xd5: {  	v19 =	vld [tilespmem:$0xA890]  }
0xd6: {  	v20 =	vld [tilespmem:$0x28A0]  }
0xd7: {  	v21 =	vld [tilespmem:$0xA8A0]  }
0xd8: {  	v22 =	vld [tilespmem:$0x28B0]  }
0xd9: {  	v23 =	vld [tilespmem:$0xA8B0]  }
0xda: {  	v24 =	vld [tilespmem:$0x28C0]  }
0xdb: {  	v25 =	vld [tilespmem:$0xA8C0]  }
0xdc: {  	v26 =	vld [tilespmem:$0x28D0]  }
0xdd: {  	v27 =	vld [tilespmem:$0xA8D0]  }
0xde: {  	v28 =	vld [tilespmem:$0x28E0]  }
0xdf: {  	v29 =	vld [tilespmem:$0xA8E0]  }
0xe0: {  	v30 =	vld [tilespmem:$0x28F0]  }
0xe1: {  	v31 =	vld [tilespmem:$0xA8F0]  }
0xe2: {  	v32 =	vld [tilespmem:$0x2900]  }
0xe3: {  	v33 =	vld [tilespmem:$0xA900]  }
0xe4: {  	v34 =	vld [tilespmem:$0x2910]  }
0xe5: {  	v35 =	vld [tilespmem:$0xA910]  }
0xe6: {  	v36 =	vld [tilespmem:$0x2920]  }
0xe7: {  	v37 =	vld [tilespmem:$0xA920]  }
0xe8: {  	v38 =	vld [tilespmem:$0x2930]  }
0xe9: {  	v39 =	vld [tilespmem:$0xA930]  }
0xea: {  	v40 =	vld [tilespmem:$0x2940]  }
0xeb: {  	v41 =	vld [tilespmem:$0xA940]  }
0xec: {  	v42 =	vld [tilespmem:$0x2950]  }
0xed: {  	v43 =	vld [tilespmem:$0xA950]  }
0xee: {  	v44 =	vld [tilespmem:$0x2960]  }
0xef: {  	v45 =	vld [tilespmem:$0xA960]  }
0xf0: {  	v46 =	vld [tilespmem:$0x2970]  }
0xf1: {  	v47 =	vld [tilespmem:$0xA970]  }
0xf2: {  	v48 =	vld [tilespmem:$0x2980]  }
0xf3: {  	v49 =	vld [tilespmem:$0xA980]  }
0xf4: {  	v50 =	vld [tilespmem:$0x2990]  }
0xf5: {  	v51 =	vld [tilespmem:$0xA990]  }
0xf6: {  	v52 =	vld [tilespmem:$0x29A0]  }
0xf7: {  	v53 =	vld [tilespmem:$0xA9A0]  }
0xf8: {  	v54 =	vld [tilespmem:$0x29B0]  }
0xf9: {  	v55 =	vld [tilespmem:$0xA9B0]  }
0xfa: {  	v56 =	vld [tilespmem:$0x29C0]  }
0xfb: {  	v57 =	vld [tilespmem:$0xA9C0]  }
0xfc: {  	v58 =	vld [tilespmem:$0x29D0]  }
0xfd: {  	v62 =	vld [tilespmem:$0x29F0]  }
0xfe: {  	v59 =	vld [tilespmem:$0xA9D0]  }
0xff: {  	v60 =	vld [tilespmem:$0x29E0]  }
0x100: {  	v61 =	vld [tilespmem:$0xA9E0]  }
0x101: {  	v63 =	vld [tilespmem:$0xA9F0]  }
0x102: {  	[tilespmem:$0x1FFA0] =	vst v62;
	v62 =	vld [tilespmem:$0x2A00]  }
0x103: {  	v0 =	vadd.f32 v1, v0;
	v1 =	vld [tilespmem:$0xAA20]  }
0x104: {  	v2 =	vadd.f32 v3, v2;
	v3 =	vld [tilespmem:$0x2A30]  }
0x105: {  	v9 =	vadd.f32 v9, v8;
	v8 =	vld [tilespmem:$0xAA50]  }
0x106: {  	v13 =	vadd.f32 v13, v12;
	v12 =	vld [tilespmem:$0xAA70]  }
0x107: {  	v15 =	vadd.f32 v15, v14;
	v14 =	vld [tilespmem:$0xAA80]  }
0x108: {  	v17 =	vadd.f32 v17, v16;
	v16 =	vld [tilespmem:$0xAA90]  }
0x109: {  	v19 =	vadd.f32 v19, v18;
	v18 =	vld [tilespmem:$0xAAA0]  }
0x10a: {  	v23 =	vadd.f32 v23, v22;
	v22 =	vld [tilespmem:$0xAAC0];
	[tilespmem:$0x2800] =	vst v0  }
0x10b: {  	v25 =	vadd.f32 v25, v24;
	v24 =	vld [tilespmem:$0xAAD0];
	[tilespmem:$0x2810] =	vst v2  }
0x10c: {  	v21 =	vadd.f32 v21, v20;
	v27 =	vadd.f32 v27, v26;
	v26 =	vld [tilespmem:$0xAAE0];
	[tilespmem:$0x2840] =	vst v9  }
0x10d: {  	v31 =	vadd.f32 v31, v30;
	v30 =	vadd.f32 v45, v44;
	v45 =	vld [tilespmem:$0xAB30];
	[tilespmem:$0x2860] =	vst v13  }
0x10e: {  	v33 =	vadd.f32 v33, v32;
	v32 =	vadd.f32 v49, v48;
	v49 =	vld [tilespmem:$0xAB40];
	[tilespmem:$0x2870] =	vst v15  }
0x10f: {  	v35 =	vadd.f32 v35, v34;
	v34 =	vadd.f32 v53, v52;
	v53 =	vld [tilespmem:$0xAB50];
	[tilespmem:$0x2880] =	vst v17  }
0x110: {  	v37 =	vadd.f32 v37, v36;
	v36 =	vadd.f32 v57, v56;
	v57 =	vld [tilespmem:$0xAB60];
	[tilespmem:$0x2890] =	vst v19  }
0x111: {  	v0 =	vadd.f32 v5, v4;
	v4 =	vld [tilespmem:$0xAA30];
	[tilespmem:$0x28A0] =	vst v21  }
0x112: {  	v5 =	vld [tilespmem:$0x2A40];
	[tilespmem:$0x28B0] =	vst v23  }
0x113: {  	v29 =	vadd.f32 v29, v28;
	v9 =	vld [tilespmem:$0x2A60];
	[tilespmem:$0x28C0] =	vst v25  }
0x114: {  	v13 =	vld [tilespmem:$0x2A80];
	[tilespmem:$0x28D0] =	vst v27  }
0x115: {  	v15 =	vld [tilespmem:$0x2A90];
	[tilespmem:$0x28E0] =	vst v29  }
0x116: {  	v17 =	vld [tilespmem:$0x2AA0];
	[tilespmem:$0x28F0] =	vst v31  }
0x117: {  	v19 =	vld [tilespmem:$0x2AB0];
	[tilespmem:$0x2900] =	vst v33  }
0x118: {  	v28 =	vadd.f32 v41, v40;
	[tilespmem:$0x2910] =	vst v35;
	v21 =	vld [tilespmem:$0x2AC0]  }
0x119: {  	[tilespmem:$0x2920] =	vst v37;
	v23 =	vld [tilespmem:$0x2AD0]  }
0x11a: {  	[tilespmem:$0x2940] =	vst v28;
	v25 =	vld [tilespmem:$0x2AE0]  }
0x11b: {  	[tilespmem:$0x2960] =	vst v30;
	v28 =	vld [tilespmem:$0xAAF0]  }
0x11c: {  	[tilespmem:$0x2980] =	vst v32;
	v30 =	vld [tilespmem:$0xAB00]  }
0x11d: {  	[tilespmem:$0x29A0] =	vst v34;
	v32 =	vld [tilespmem:$0xAB10]  }
0x11e: {  	v27 =	vadd.f32 v39, v38;
	[tilespmem:$0x29C0] =	vst v36;
	v39 =	vld [tilespmem:$0x1FFA0]  }
0x11f: {  	v34 =	vld [tilespmem:$0xAB20];
	[tilespmem:$0x2820] =	vst v0  }
0x120: {  	v29 =	vadd.f32 v43, v42;
	v31 =	vadd.f32 v47, v46;
	v47 =	vld [tilespmem:$0x2B40];
	[tilespmem:$0x2930] =	vst v27  }
0x121: {  	[tilespmem:$0x1FFB0] =	vst v62;
	v62 =	vld [tilespmem:$0xAA00]  }
0x122: {  	v33 =	vadd.f32 v51, v50;
	v51 =	vld [tilespmem:$0x2B50];
	[tilespmem:$0x2950] =	vst v29  }
0x123: {  	v35 =	vadd.f32 v55, v54;
	v55 =	vld [tilespmem:$0x2B60];
	[tilespmem:$0x2970] =	vst v31  }
0x124: {  	v37 =	vadd.f32 v59, v58;
	v59 =	vld [tilespmem:$0x2B70];
	[tilespmem:$0x2990] =	vst v33  }
0x125: {  	v38 =	vadd.f32 v61, v60;
	v61 =	vld [tilespmem:$0xAB70];
	[tilespmem:$0x29B0] =	vst v35  }
0x126: {  	[tilespmem:$0x1FFC0] =	vst v62;
	v62 =	vld [tilespmem:$0x2A10]  }
0x127: {  	v27 =	vld [tilespmem:$0x2AF0];
	[tilespmem:$0x29D0] =	vst v37;
	v2 =	vadd.f32 v63, v39  }
0x128: {  	v29 =	vld [tilespmem:$0x2B00];
	[tilespmem:$0x29E0] =	vst v38;
	v46 =	vadd.f32 v4, v3  }
0x129: {  	v31 =	vld [tilespmem:$0x2B10];
	[tilespmem:$0x29F0] =	vst v2  }
0x12a: {  	v33 =	vld [tilespmem:$0x2B20];
	v56 =	vadd.f32 v14, v13;
	[tilespmem:$0x2A30] =	vst v46  }
0x12b: {  	v58 =	vadd.f32 v16, v15;
	[tilespmem:$0x1FFD0] =	vst v62;
	v62 =	vld [tilespmem:$0xAA10]  }
0x12c: {  	v35 =	vld [tilespmem:$0x2B30];
	v60 =	vadd.f32 v18, v17;
	[tilespmem:$0x2A80] =	vst v56  }
0x12d: {  	v37 =	vld [tilespmem:$0x2BA0];
	v21 =	vadd.f32 v22, v21;
	[tilespmem:$0x2A90] =	vst v58  }
0x12e: {  	v40 =	vld [tilespmem:$0x1FFB0];
	[tilespmem:$0x2AA0] =	vst v60  }
0x12f: {  	v23 =	vadd.f32 v24, v23;
	[tilespmem:$0x2AC0] =	vst v21;
	v41 =	vld [tilespmem:$0x1FFC0]  }
0x130: {  	v25 =	vadd.f32 v26, v25;
	[tilespmem:$0x1FFE0] =	vst v62;
	v62 =	vld [tilespmem:$0x2A20]  }
0x131: {  	[tilespmem:$0x2AD0] =	vst v23;
	v36 =	vadd.f32 v28, v27;
	v42 =	vld [tilespmem:$0x1FFD0]  }
0x132: {  	[tilespmem:$0x2AE0] =	vst v25;
	v38 =	vadd.f32 v30, v29;
	v43 =	vld [tilespmem:$0x1FFE0]  }
0x133: {  	v63 =	vld [tilespmem:$0x2B80];
	[tilespmem:$0x2AF0] =	vst v36  }
0x134: {  	v22 =	vld [tilespmem:$0xAB80];
	[tilespmem:$0x2B00] =	vst v38;
	v0 =	vadd.f32 v41, v40  }
0x135: {  	v40 =	vadd.f32 v32, v31;
	[tilespmem:$0x1FFF0] =	vst v62;
	v62 =	vadd.f32 v7, v6;
	v6 =	vld [tilespmem:$0xAA40]  }
0x136: {  	[tilespmem:$0x2A00] =	vst v0;
	v7 =	vld [tilespmem:$0x2A50]  }
0x137: {  	[tilespmem:$0x2B10] =	vst v40;
	v2 =	vadd.f32 v43, v42;
	v44 =	vld [tilespmem:$0x1FFF0]  }
0x138: {  	v24 =	vld [tilespmem:$0x2B90];
	v42 =	vadd.f32 v34, v33;
	[tilespmem:$0x2830] =	vst v62  }
0x139: {  	v26 =	vld [tilespmem:$0xAB90];
	v62 =	vadd.f32 v11, v10;
	[tilespmem:$0x2A10] =	vst v2  }
0x13a: {  	v39 =	vld [tilespmem:$0xABA0];
	[tilespmem:$0x2B20] =	vst v42;
	v48 =	vadd.f32 v6, v5  }
0x13b: {  	v46 =	vld [tilespmem:$0xABC0];
	[tilespmem:$0x2850] =	vst v62;
	v50 =	vadd.f32 v8, v7  }
0x13c: {  	v56 =	vld [tilespmem:$0x2BF0];
	v0 =	vadd.f32 v1, v44;
	[tilespmem:$0x2A40] =	vst v48  }
0x13d: {  	v58 =	vld [tilespmem:$0xABF0];
	v1 =	vadd.f32 v45, v35;
	[tilespmem:$0x2A50] =	vst v50  }
0x13e: {  	v41 =	vld [tilespmem:$0x2BB0];
	v45 =	vadd.f32 v49, v47;
	[tilespmem:$0x2A20] =	vst v0  }
0x13f: {  	v10 =	vld [tilespmem:$0xAA60];
	v47 =	vadd.f32 v53, v51;
	[tilespmem:$0x2B30] =	vst v1  }
0x140: {  	v11 =	vld [tilespmem:$0x2A70];
	v49 =	vadd.f32 v57, v55;
	[tilespmem:$0x2B40] =	vst v45  }
0x141: {  	v43 =	vld [tilespmem:$0xABB0];
	v51 =	vadd.f32 v61, v59;
	[tilespmem:$0x2B50] =	vst v47  }
0x142: {  	v62 =	vld [tilespmem:$0xAAB0];
	v53 =	vadd.f32 v22, v63;
	[tilespmem:$0x2B60] =	vst v49  }
0x143: {  	v44 =	vld [tilespmem:$0x2BC0];
	v55 =	vadd.f32 v26, v24;
	[tilespmem:$0x2B70] =	vst v51  }
0x144: {  	v52 =	vadd.f32 v10, v9;
	v48 =	vld [tilespmem:$0x2BD0];
	[tilespmem:$0x2B80] =	vst v53  }
0x145: {  	v54 =	vadd.f32 v12, v11;
	v50 =	vld [tilespmem:$0xABD0];
	[tilespmem:$0x2B90] =	vst v55  }
0x146: {  	v57 =	vadd.f32 v39, v37;
	[tilespmem:$0x2A60] =	vst v52;
	v52 =	vld [tilespmem:$0x2BE0]  }
0x147: {  	v59 =	vadd.f32 v43, v41;
	[tilespmem:$0x2A70] =	vst v54;
	v54 =	vld [tilespmem:$0xABE0]  }
0x148: {  	v63 =	vadd.f32 v58, v56;
	[tilespmem:$0x2BA0] =	vst v57  }
0x149: {  	[tilespmem:$0x2BB0] =	vst v59;
	v62 =	vadd.f32 v62, v19  }
0x14a: {  	[tilespmem:$0x2BF0] =	vst v63;
	v60 =	vadd.f32 v46, v44  }
0x14b: {  	[tilespmem:$0x2AB0] =	vst v62;
	v61 =	vadd.f32 v50, v48  }
0x14c: {  	s29 =	sadd.s32 $0x1, s29;
	[tilespmem:$0x2BC0] =	vst v60;
	v62 =	vadd.f32 v54, v52  }
0x14d: {  	p0 =	sne.s32 s29, s11;
	[tilespmem:$0x2BD0] =	vst v61  }
.Ltmp4:
0x14e: {  	[tilespmem:$0x2BE0] =	vst v62;
	(pc) =	sbr.rel @p0 .LBB2_1-.Ltmp4, $4  }
0x14f: {  	[hbm4b:s10+s2] =	stream.linear.scatter [tilespmem:s15], [sflag:$0x7], $0x400, $0x38;
	[tilespmem:$0x12800] =	vst v63  }
0x150: {  	_ =	swait.ge [sflag:s12], $0x400  }
0x151: {  	[sflag:s12] =	ssyncset.done $0x0  }
0x152: {  	[sflag:s12] =	ssyncadd.s32 $0xFFFFFC00  }
0x153: {  	_ =	sfence.sel $0x180000  }
0x154: {  	[bflag:$0x0] =	sbarrier.arrive $0xFFFF  }
0x155: {  	_ =	strace $0x90000047  }
0x156: {  	s0 =	stileid.u32;
	[bflag:$0x2] =	sbarrier.arrive $0xFFFF  }
0x157: {  	p0 =	sne.s32 s0, $0x0;
	s0 =	rddreg [dreg:$0x1]  }
0x158: {  	s0 =	sadd.s32 @!p0 $0x100000, s0  }
0x159: {  	[sflag:s0] =	ssyncadd.tile.s32 @!p0 $0x1;
	_ =	shalt  }
.Lfunc_end2:
_tile_overlayer_lowered:
.L_overlay_start_2:
0x15a: {  	(tag) =	ssettag $0x2  }
0x15b: {  	s0 =	rddreg [dreg:$0x0];
	s2 =	stileid.u32  }
0x15c: {  	s1 =	rddreg [dreg:$0x1];
	p0 =	sne.s32 s2, $0x0  }
0x15d: {  	s3 =	rddreg [dreg:$0x2];
	[bflag:$0x3] =	sbarrier.arrive $0xFFFF;
	s2 =	simm.s32 @!p0 $0x1C07  }
0x15e: {  	[timem:s3], [sflag:s2] =	dma.local @!p0 [hbm:s0], s1  }
0x15f: {  	s0 =	simm.s32 @!p0 $0x7  }
0x160: {  	_ =	swait.ge @!p0 [sflag:s0], s1  }
0x161: {  	s1 =	ssub.s32 @!p0 $0x0, s1;
	[sflag:s0] =	ssyncset.done @!p0 $0x0  }
0x162: {  	[sflag:s0] =	ssyncadd.s32 @!p0 s1  }
0x163: {  	[bflag:$0x3] =	sbarrier.arrive $0xFFFF  }
0x164: {  	_ =	shalt  }

// kernel: kernel.19.cloned.1.call-start
scs
__scs_entry_jumppad:
0x0: {  	(pc) =	sbr.rel $0x88, $3  }
0x1: {  	(tag) =	ssettag $0x0;
	lr =	simm.s32 $0x1  }
0x2: {  	[smem:$0x3F96] =	sst lr;
	_ =	strace $0xD0000000  }
0x3: {  	_ = 	snop  }
0x4: {  	_ = 	snop  }
0x5: {  	_ = 	snop  }
0x6: {  	_ = 	snop  }
0x7: {  	_ = 	snop  }
__scs_overlays_trampoline_lowered:
0x8: {  	[smem:$0x3FA5] =	sst s0  }
0x9: {  	[smem:$0x3FA6] =	sst s1  }
0xa: {  	[smem:$0x3FA7] =	sst s2  }
0xb: {  	[smem:$0x3FA8] =	sst s3  }
0xc: {  	[smem:$0x3FA9] =	sst s4  }
0xd: {  	[smem:$0x3FAA] =	sst s5  }
0xe: {  	[smem:$0x3FAB] =	sst s6  }
0xf: {  	[smem:$0x3FAC] =	sst s7  }
0x10: {  	[smem:$0x3FAD] =	sst s8  }
0x11: {  	[smem:$0x3FAE] =	sst s9;
	s0 =	simm.s32 @!p0 $0x0  }
0x12: {  	s1 =	sld [smem:$0x3F94];
	s0 =	simm.s32 @p0 $0x1  }
0x13: {  	[smem:$0x3FAF] =	sst s0;
	s0 =	simm.s32 @!p1 $0x0  }
0x14: {  	s2 =	sld [smem:$0x3F93];
	s0 =	simm.s32 @p1 $0x1  }
0x15: {  	[smem:$0x3FB0] =	sst s0;
	s0 =	simm.s32 @!p2 $0x0  }
0x16: {  	s3 =	sld [smem:$0x3FDB];
	s0 =	simm.s32 @p2 $0x1  }
0x17: {  	s4 =	simm.s32 $0x1BF5;
	[smem:$0x3FB2] =	sst s0  }
0x18: {  	s0 =	sld [smem:$0x3F95];
	_ =	swait.ge [sflag:s4], $0x0  }
0x19: {  	s7 =	sld [smem:$0x3F96]  }
0x1a: {  	s8 =	sadd.s32 $0xFFFFE003, lr  }
0x1b: {  	s9 =	sadd.s32 $0xFFFFFEF7, lr;
	s5 =	simm.s32 $0xFFFFFFFF;
	p2 =	slt.u32 s8, $0xFFFFF086  }
0x1c: {  	p1 =	slt.u32 s9, $0xF7A;
	s5 =	simm.s32 @!p2 $0x0  }
0x1d: {  	s5 =	simm.s32 @p1 $0x1;
	p0 =	seq.s32 s7, s2  }
0x1e: {  	s7 =	smul.u32 @!p0 $0xF7A, s2;
	p2 =	seq.s32 @!p0 s5, $0x0  }
0x1f: {  	s9 =	smul.u32 $0xF7A, s1;
	s8 =	simm.s32 @!p0 $0x1BF5;
	p2 =	por !p2, p0  }
0x20: {  	[sflag:s8] =	ssyncset.s32 @!p0 $0xFFFFF086;
	s6 =	sadd.s32 @!p0 s3, s7;
	s7 =	simm.s32 @!p0 $0x108  }
0x21: {  	s3 =	sadd.s32 s3, s9;
	s6 =	sadd.s32 @!p0 $0x88, s6;
	s7 =	simm.s32 @p2 $0x1082  }
0x22: {  	[simem:s7], [sflag:s8] =	dma.local @!p0 [hbm:s6], $0xF7A  }
0x23: {  	s9 =	sor.u32 $0xD0000000, s2;
	s6 =	simm.s32 $0x108;
	_ =	swait.ge @!p0 [sflag:s8], $0x0  }
0x24: {  	s3 =	sadd.s32 $0x88, s3;
	s6 =	simm.s32 @!p1 $0x1082;
	[sflag:s4] =	ssyncset.s32 $0xFFFFF086  }
0x25: {  	[simem:s6], [sflag:s4] =	dma.local [hbm:s3], $0xF7A  }
0x26: {  	[smem:$0x3F96] =	sst s1;
	(tag) =	ssettag s2;
	_ =	strace s9  }
0x27: {  	s1 =	sld [smem:$0x3FA6]  }
0x28: {  	s2 =	sld [smem:$0x3FA7]  }
0x29: {  	s4 =	sld [smem:$0x3FA9]  }
0x2a: {  	p0 =	seq.s32 s5, $0x0;
	s5 =	sld [smem:$0x3FAA]  }
0x2b: {  	s6 =	sld [smem:$0x3FAB]  }
0x2c: {  	s7 =	sld [smem:$0x3FAC]  }
0x2d: {  	s3 =	simm.s32 $0x108;
	s8 =	sld [smem:$0x3FAD]  }
0x2e: {  	s3 =	simm.s32 @!p0 $0x1082;
	s9 =	sld [smem:$0x3FAE]  }
0x2f: {  	lr =	sadd.s32 s0, s3;
	s0 =	sld [smem:$0x3FA5]  }
0x30: {  	s3 =	sld [smem:$0x3FA8]  }
0x31: {  	[smem:$0x3FB1] =	sst s10  }
0x32: {  	s10 =	sld [smem:$0x3FAF];
	_ =	sdelay $0x3  }
0x33: {  	p0 =	seq.s32 s10, $0x1;
	s10 =	sld [smem:$0x3FB1];
	_ =	sdelay $0x3  }
0x34: {  	[smem:$0x3FB1] =	sst s10  }
0x35: {  	s10 =	sld [smem:$0x3FB0];
	_ =	sdelay $0x3  }
0x36: {  	p1 =	seq.s32 s10, $0x1;
	s10 =	sld [smem:$0x3FB1];
	_ =	sdelay $0x3  }
0x37: {  	[smem:$0x3FB1] =	sst s10  }
0x38: {  	s10 =	sld [smem:$0x3FB2]  }
0x39: {  	_ = 	snop;
	(pc) =	sbr.ind lr, $3  }
0x3a: {  	_ = 	snop  }
0x3b: {  	_ = 	snop  }
0x3c: {  	p2 =	seq.s32 s10, $0x1;
	s10 =	sld [smem:$0x3FB1]  }
0x3d: {  	_ =	shalt  }
0x3e: {  	_ =	shalt  }
0x3f: {  	_ =	shalt  }
0x40: {  	_ =	shalt  }
0x41: {  	_ =	shalt  }
0x42: {  	_ =	shalt  }
0x43: {  	_ =	shalt  }
0x44: {  	_ =	shalt  }
0x45: {  	_ =	shalt  }
0x46: {  	_ =	shalt  }
0x47: {  	_ =	shalt  }
0x48: {  	_ =	shalt  }
0x49: {  	_ =	shalt  }
0x4a: {  	_ =	shalt  }
0x4b: {  	_ =	shalt  }
0x4c: {  	_ =	shalt  }
0x4d: {  	_ =	shalt  }
0x4e: {  	_ =	shalt  }
0x4f: {  	_ =	shalt  }
0x50: {  	_ =	shalt  }
0x51: {  	_ =	shalt  }
0x52: {  	_ =	shalt  }
0x53: {  	_ =	shalt  }
0x54: {  	_ =	shalt  }
0x55: {  	_ =	shalt  }
0x56: {  	_ =	shalt  }
0x57: {  	_ =	shalt  }
0x58: {  	_ =	shalt  }
0x59: {  	_ =	shalt  }
0x5a: {  	_ =	shalt  }
0x5b: {  	_ =	shalt  }
0x5c: {  	_ =	shalt  }
0x5d: {  	_ =	shalt  }
0x5e: {  	_ =	shalt  }
0x5f: {  	_ =	shalt  }
0x60: {  	_ =	shalt  }
0x61: {  	_ =	shalt  }
0x62: {  	_ =	shalt  }
0x63: {  	_ =	shalt  }
0x64: {  	_ =	shalt  }
0x65: {  	_ =	shalt  }
0x66: {  	_ =	shalt  }
0x67: {  	_ =	shalt  }
0x68: {  	_ =	shalt  }
0x69: {  	_ =	shalt  }
0x6a: {  	_ =	shalt  }
0x6b: {  	_ =	shalt  }
0x6c: {  	_ =	shalt  }
0x6d: {  	_ =	shalt  }
0x6e: {  	_ =	shalt  }
0x6f: {  	_ =	shalt  }
0x70: {  	_ =	shalt  }
0x71: {  	_ =	shalt  }
0x72: {  	_ =	shalt  }
0x73: {  	_ =	shalt  }
0x74: {  	_ =	shalt  }
0x75: {  	_ =	shalt  }
0x76: {  	_ =	shalt  }
0x77: {  	_ =	shalt  }
0x78: {  	_ =	shalt  }
0x79: {  	_ =	shalt  }
0x7a: {  	_ =	shalt  }
0x7b: {  	_ =	shalt  }
0x7c: {  	_ =	shalt  }
0x7d: {  	_ =	shalt  }
0x7e: {  	_ =	shalt  }
0x7f: {  	_ =	shalt  }
0x80: {  	_ =	shalt  }
0x81: {  	_ =	shalt  }
0x82: {  	_ =	shalt  }
0x83: {  	_ =	shalt  }
0x84: {  	_ =	shalt  }
0x85: {  	_ =	shalt  }
0x86: {  	_ =	shalt  }
0x87: {  	_ =	shalt  }
.Lfunc_end0:
.L_simem_size_0:
called_computation.3_lowered:
.L_overlay_start_0:
0x88: {  	s2 =	sld [smem:$0x3FD9]  }
0x89: {  	s3 =	sld [smem:$0x3FFE];
	_ =	sdelay $0x1  }
0x8a: {  	s1 =	srdreg.scid  }
0x8b: {  	s0 =	sand.u32 $0x1, s1  }
0x8c: {  	s17 =	sshll.u32 s0, $0xA;
	s2 =	sadd.s32 s3, s2  }
0x8d: {  	s2 =	sadd.s32 s2, s17  }
0x8e: {  	[smem:$0x3FBD] =	sst s2  }
0x8f: {  	_ = 	snop  }
0x90: {  	(tm) =	ssettm $0x1  }
0x91: {  	s18 =	sld [smem:$0x3FFB];
	_ =	sdelay $0x3  }
0x92: {  	_ =	strace s18  }
0x93: {  	s2 =	sld [smem:$0x3FFC];
	_ =	sdelay $0x3  }
0x94: {  	_ =	strace s2  }
0x95: {  	s2 =	sld [smem:$0x3FFD];
	_ =	sdelay $0x3  }
0x96: {  	_ =	strace s2  }
0x97: {  	_ =	strace $0x8FFFFFFF  }
0x98: {  	s19 =	sld [smem:$0x3FDB];
	_ =	sdelay $0x1  }
0x99: {  	s20 =	simm.s32 $_scs_section_size  }
0x9a: {  	s4 =	simm.s32 $_size__tile_overlayer_lowered;
	s5 =	simm.s32 $_tile_overlayer_lowered  }
0x9b: {  	s6 =	simm.s32 $0x1BFF;
	s21 =	sshll.u32 s5, $0x1;
	s3 =	sadd.s32 s20, s19  }
0x9c: {  	s22 =	simm.s32 $0x0;
	s4 =	sshll.u32 s4, $0x1;
	s5 =	sadd.s32 s21, s3  }
0x9d: {  	[timem:s22], [sflag:s6] =	dma.local [hbm:s5], s4  }
0x9e: {  	_ =	swait.ge [sflag:s6], s4  }
0x9f: {  	s4 =	ssub.s32 $0x0, s4;
	[sflag:s6] =	ssyncset.done $0x0  }
0xa0: {  	[sflag:s6] =	ssyncadd.s32 s4;
	_ =	sdelay $0x1  }
0xa1: {  	s23 =	simm.s32 $0x1B8B  }
0xa2: {  	_ =	swait.ge [sflag:s23], $0x1  }
0xa3: {  	[sflag:s23] =	ssyncset.done $0x0  }
0xa4: {  	[sflag:s23] =	ssyncadd.s32 $0xFFFFFFFF  }
0xa5: {  	s4 =	sld [smem:$0x0]  }
0xa6: {  	s5 =	sand.u32 $0xFFFFFFFE, s1  }
0xa7: {  	p0 =	sne.s32 s1, s5  }
0xa8: {  	s5 =	sshll.u32 @p0 s5, $0xE  }
0xa9: {  	s5 =	sadd.s32 @p0 $0x11B8D, s5;
	s6 =	sshll.u32 @p0 s4, $0x11  }
0xaa: {  	s5 =	sor.u32 @p0 s6, s5  }
0xab: {  	[sflag:s5] =	ssyncadd.remote.s32 @p0 $0x1;
	_ =	sdelay $0x1  }
0xac: {  	s5 =	simm.s32 @p0 $0x1B8D  }
0xad: {  	_ =	swait.eq @p0 [sflag:s5], $0x1  }
0xae: {  	[sflag:s5] =	ssyncadd.s32 @p0 $0xFFFFFFFF  }
0xaf: {  	s6 =	sshll.u32 @!p0 s1, $0xE  }
0xb0: {  	s6 =	sor.u32 @!p0 $0x4000, s6;
	s5 =	simm.s32 @!p0 $0x1B8D  }
0xb1: {  	s4 =	sshll.u32 @!p0 s4, $0x11;
	s6 =	sadd.s32 @!p0 $0x11B8D, s6;
	_ =	swait.eq @!p0 [sflag:s5], $0x1  }
0xb2: {  	s4 =	sor.u32 @!p0 s4, s6;
	[sflag:s5] =	ssyncadd.s32 @!p0 $0xFFFFFFFF  }
0xb3: {  	s25 =	simm.s32 $0x1B8E;
	s24 =	sld [smem:$0x3FFE];
	[sflag:s4] =	ssyncadd.remote.s32 @!p0 $0x1  }
0xb4: {  	s26 =	simm.s32 $execute0_lowered;
	[smem:$0x3FD2] =	sst s25  }
0xb5: {  	s5 =	sshll.u32 s26, $0x1;
	_ =	strace $0x8000004C;
	[dreg:$0x1] =	wrdreg $0xFFFFFFFF  }
0xb6: {  	s28 =	simm.s32 $_size_execute0_lowered;
	s3 =	sadd.s32 s3, s5;
	[dreg:$0x0] =	wrdreg $0x0  }
0xb7: {  	s5 =	sshll.u32 s28, $0x1;
	[dreg:$0x2] =	wrdreg s3  }
0xb8: {  	[dreg:$0x3] =	wrdreg s5  }
0xb9: {  	[dreg:$0x4] =	wrdreg $0xC0  }
0xba: {  	_ =	task [dreg:s22], $0x5FFFF  }
0xbb: {  	[dreg:$0x1] =	wrdreg $0xFFFFFFFF  }
0xbc: {  	[dreg:$0x0] =	wrdreg $0x60  }
0xbd: {  	[dreg:$0x2] =	wrdreg s24  }
0xbe: {  	[dreg:$0x3] =	wrdreg $0xC1800  }
0xbf: {  	[dreg:$0x4] =	wrdreg $0xA  }
0xc0: {  	_ =	task.clear_ibuf [dreg:s22], $0x5FFFF;
	_ =	strace $0x9000004C  }
0xc1: {  	s29 =	simm.s32 $0xA;
	_ =	strace $0x8000004E  }
0xc2: {  	_ =	swait.ge [sflag:s29], $0x1  }
0xc3: {  	[sflag:s29] =	ssyncadd.s32 $0xFFFFFFFF  }
0xc4: {  	_ =	strace $0x9000004E  }
0xc5: {  	_ =	sfence  }
0xc6: {  	s30 =	sld [smem:$0x0];
	_ =	sdelay $0x2  }
0xc7: {  	s31 =	sshll.u32 s1, $0xD;
	s1 =	sshrl.u32 s1, $0x2  }
0xc8: {  	s4 =	sand.u32 $0x4000, s31;
	s1 =	sadd.s32 s1, s30  }
0xc9: {  	s0 =	sor.u32 s4, s0;
	s1 =	sshll.u32 s1, $0x11  }
0xca: {  	s0 =	sor.u32 s1, s0  }
0xcb: {  	s0 =	sadd.s32 $0x8F2B, s0  }
0xcc: {  	[sflag:s0] =	ssyncadd.remote.s32 $0x1  }
0xcd: {  	_ =	sfence.sel $0xFFFF  }
0xce: {  	[dreg:$0x0] =	wrdreg $0xFFFFFFFF;
	(pc) =	sbr.abs _section_cstart, $3  }
0xcf: {  	[dreg:$0x1] =	wrdreg $0xFFFFFFFF  }
0xd0: {  	_ =	task.clear_ibuf [dreg:s22], $0x2FFFF;
	_ =	strace $0x9FFFFFFF  }
0xd1: {  	(tm) =	ssettm $0x7FFFFFFF  }
tec
execute0_lowered:
.L_overlay_start_1:
0x0: {  	(tag) =	ssettag $0x1  }
0x1: {  	s3 =	rddreg [dreg:$0x0]  }
0x2: {  	s1 =	rddreg [dreg:$0x1];
	s2 =	simm.s32 $0x0;
	s4 =	srdreg.scid  }
0x3: {  	s0 =	stileid.u32;
	s28 =	simm.s32 $0x100;
	s29 =	simm.s32 $0x8180  }
0x4: {  	s30 =	simm.s32 $0x1;
	s31 =	simm.s32 $0x4;
	[smem:$0x7FF] =	sst s2  }
0x5: {  	s8 =	sadd.s32 $0x547E00, s3;
	s9 =	sand.u32 $0x1, s4;
	s5 =	smul.u32 $0x4F000, s0  }
0x6: {  	s10 =	sadd.s32 $0x3000, s3;
	s7 =	sshll.u32 s0, $0x1;
	s11 =	smul.u32 $0x13C00, s0  }
0x7: {  	s12 =	sadd.s32 $0x65E00, s3;
	p0 =	sne.s32 s0, $0x0;
	_ =	strace $0x8000004D  }
0x8: {  	s4 =	ssub.s32 $0x2, s9;
	s14 =	sor.u32 s9, s7;
	s26 =	sshll.u32 s9, $0xB  }
0x9: {  	s22 =	sshll.u32 s9, $0x4;
	s6 =	sshrl.u32 s4, $0x1;
	s24 =	sshrl.u32 s5, $0x2  }
0xa: {  	s15 =	sadd.s32 $0x4000, s11;
	s16 =	sadd.s32 $0x8000, s11;
	s17 =	sadd.s32 $0xC000, s11  }
0xb: {  	s18 =	sadd.s32 $0x10000, s11;
	s19 =	sshll.u32 s14, $0x4;
	s14 =	sshll.u32 s14, $0xB  }
0xc: {  	s13 =	ssub.s32 s4, s6;
	s3 =	sadd.s32 s24, s1;
	s4 =	sadd.s32 s15, s1  }
0xd: {  	s5 =	sadd.s32 s16, s1;
	s19 =	sadd.s32 s10, s19;
	s21 =	sadd.s32 s8, s14  }
0xe: {  	s6 =	sadd.s32 s17, s1;
	s20 =	sadd.s32 $0xEA60, s19;
	[dreg:$0x4] =	wrdreg s21  }
0xf: {  	s7 =	sadd.s32 s18, s1;
	s25 =	sadd.s32 $0xEC60, s19;
	[dreg:$0x3] =	wrdreg s20  }
0x10: {  	s8 =	sadd.s32 s26, s8;
	s21 =	sadd.s32 $0x10000, s21;
	[dreg:$0x5] =	wrdreg s25  }
0x11: {  	s20 =	smul.u32 $0x13C000, s9;
	[dreg:$0x6] =	wrdreg s21;
	s21 =	sadd.s32 s22, s10  }
0x12: {  	s22 =	sshll.u32 s0, $0x8;
	s9 =	sshll.u32 s9, $0x7;
	s23 =	sadd.s32 $0x13860, s21  }
0x13: {  	s9 =	sor.u32 s9, s22;
	s11 =	sadd.s32 s11, s20;
	[dreg:$0x7] =	wrdreg s23  }
0x14: {  	s24 =	sadd.s32 s20, s15;
	s25 =	sadd.s32 s20, s16;
	s26 =	sadd.s32 s20, s17  }
0x15: {  	s20 =	sadd.s32 s20, s18;
	s23 =	sadd.s32 $0x270000, s8;
	s9 =	sadd.s32 $0x79300, s9  }
0x16: {  	s11 =	sshrl.u32 s11, $0x3;
	s16 =	sshrl.u32 s25, $0x3;
	s17 =	sshrl.u32 s26, $0x3  }
0x17: {  	[dreg:$0xd] =	wrdreg s23;
	s25 =	sshll.u32 s0, $0x5;
	s11 =	sadd.s32 s12, s11  }
0x18: {  	s26 =	sshll.u32 s0, $0xC;
	s19 =	sadd.s32 s12, s17;
	[dreg:$0x8] =	wrdreg s11  }
0x19: {  	s11 =	sshrl.u32 s24, $0x3;
	[dreg:$0xb] =	wrdreg s19;
	s24 =	smax.u32 s13, $0x1  }
0x1a: {  	s9 =	sshrl.u32 s9, $0x3;
	s11 =	sadd.s32 s12, s11;
	[dreg:$0xe] =	wrdreg s24  }
0x1b: {  	s23 =	simm.s32 $0x180;
	[dreg:$0x9] =	wrdreg s11;
	s11 =	sadd.s32 s12, s16  }
0x1c: {  	s0 =	simm.s32 $0x3;
	[dreg:$0xa] =	wrdreg s11;
	s11 =	sshrl.u32 s20, $0x3  }
0x1d: {  	s24 =	simm.s32 $0xA;
	s20 =	sadd.s32 s26, s8;
	s11 =	sadd.s32 s12, s11  }
0x1e: {  	s26 =	simm.s32 $0x6;
	s12 =	simm.s32 $0x0;
	[dreg:$0xc] =	wrdreg s11  }
0x1f: {  	s11 =	sadd.s32 s25, s21;
	s21 =	sadd.s32 s9, s10;
	s25 =	simm.s32 $0x80  }
0x20: {  	v0 =	vimm.f32 $0.0e+00;
	s10 =	simm.s32 $0x8;
	s22 =	sadd.s32 $0xF060, s11;
	s11 =	simm.s32 $0x9  }
.LBB2_1:
0x21: {  	s9 =	simm.s32 $0x0;
	s13 =	simm.s32 $0x200  }
.LBB2_2:
0x22: {  	p1 =	sne.s32 s13, $0xFE00;
	[tilespmem:s9+$0x1F0] =	vst v0  }
0x23: {  	[tilespmem:s9+$0x180] =	vst v0  }
0x24: {  	[tilespmem:s9+$0x190] =	vst v0  }
.Ltmp0:
0x25: {  	[tilespmem:s9+$0x1A0] =	vst v0;
	(pc) =	sbr.rel @p1 .LBB2_2-.Ltmp0, $4  }
0x26: {  	[tilespmem:s9+$0x1B0] =	vst v0  }
0x27: {  	[tilespmem:s9+$0x1C0] =	vst v0  }
0x28: {  	[tilespmem:s9+$0x1D0] =	vst v0  }
0x29: {  	[tilespmem:s9+$0x1E0] =	vst v0;
	s9 =	sshra.s32 s13, $0x2;
	s13 =	sadd.s32 $0x200, s13  }
0x2a: {  	[tilespmem:s9+$0x1F0] =	vst v0  }
0x2b: {  	[tilespmem:s9+$0x180] =	vst v0  }
0x2c: {  	[tilespmem:s9+$0x190] =	vst v0  }
0x2d: {  	[tilespmem:s9+$0x1A0] =	vst v0  }
0x2e: {  	[tilespmem:s9+$0x1B0] =	vst v0  }
0x2f: {  	[tilespmem:s9+$0x1C0] =	vst v0  }
0x30: {  	[tilespmem:s9+$0x1D0] =	vst v0  }
0x31: {  	[tilespmem:s9+$0x1E0] =	vst v0  }
0x32: {  	[spmem:s3] =	stream.linear.scatter [tilespmem:s23], [sflag:$0xA], $0x4000, $0x38;
	[tilespmem:$0x1FD80] =	vst v63  }
0x33: {  	_ =	swait.ge [sflag:s24], $0x4000  }
0x34: {  	[sflag:s24] =	ssyncset.done $0x0  }
0x35: {  	[sflag:s24] =	ssyncadd.s32 $0xFFFFC000  }
0x36: {  	[spmem:s4] =	stream.linear.scatter [tilespmem:s23], [sflag:$0xA], $0x4000, $0x38;
	[tilespmem:$0x1FD80] =	vst v63  }
0x37: {  	_ =	swait.ge [sflag:s24], $0x4000  }
0x38: {  	[sflag:s24] =	ssyncset.done $0x0  }
0x39: {  	[sflag:s24] =	ssyncadd.s32 $0xFFFFC000  }
0x3a: {  	[spmem:s5] =	stream.linear.scatter [tilespmem:s23], [sflag:$0xA], $0x4000, $0x38;
	[tilespmem:$0x1FD80] =	vst v63  }
0x3b: {  	_ =	swait.ge [sflag:s24], $0x4000  }
0x3c: {  	[sflag:s24] =	ssyncset.done $0x0  }
0x3d: {  	[sflag:s24] =	ssyncadd.s32 $0xFFFFC000  }
0x3e: {  	[spmem:s6] =	stream.linear.scatter [tilespmem:s23], [sflag:$0xA], $0x4000, $0x38;
	[tilespmem:$0x1FD80] =	vst v63  }
0x3f: {  	_ =	swait.ge [sflag:s24], $0x4000  }
0x40: {  	[sflag:s24] =	ssyncset.done $0x0  }
0x41: {  	[sflag:s24] =	ssyncadd.s32 $0xFFFFC000  }
0x42: {  	[spmem:s7] =	stream.linear.scatter [tilespmem:s23], [sflag:$0xA], $0x3C00, $0x38;
	[tilespmem:$0x1FD80] =	vst v63  }
0x43: {  	_ =	swait.ge [sflag:s24], $0x3C00  }
0x44: {  	[sflag:s24] =	ssyncset.done $0x0  }
0x45: {  	[sflag:s24] =	ssyncadd.s32 $0xFFFFC400  }
0x46: {  	[bflag:$0x0] =	sbarrier.arrive $0xFFFF  }
0x47: {  	s19 =	simm.s32 $0x0;
	s8 =	rddreg [dreg:$0x3]  }
0x48: {  	[tilespmem:s19], [sflag:$0x1] =	stream.linear.gather [hbm4b:s8+s19], $0x80, $0x38;
	[tilespmem:$0x1FD80] =	vst v63  }
0x49: {  	p1 =	por $0x1, $0x1;
	s14 =	rddreg [dreg:$0x4]  }
0x4a: {  	[tilespmem:s23], [sflag:$0x4] =	stream.linear.gather [hbm4b:s14+s19], $0x4000, $0x38;
	[tilespmem:$0x1FD80] =	vst v63  }
0x4b: {  	p1 =	por p1, p1;
	s15 =	rddreg [dreg:$0x5]  }
0x4c: {  	[tilespmem:s25], [sflag:$0x2] =	stream.linear.gather [hbm4b:s15+s19], $0x80, $0x38;
	[tilespmem:$0x1FD80] =	vst v63  }
0x4d: {  	s13 =	simm.s32 $0x4180;
	s9 =	simm.s32 @!p1 $0x9;
	s16 =	rddreg [dreg:$0x6]  }
0x4e: {  	[tilespmem:s13], [sflag:$0x5] =	stream.linear.gather [hbm4b:s16+s19], $0x4000, $0x38;
	[tilespmem:$0x1FD80] =	vst v63  }
0x4f: {  	_ =	swait.ge @!p1 [sflag:s9], $0x4000  }
0x50: {  	[sflag:s9] =	ssyncset.done @!p1 $0x0  }
0x51: {  	s17 =	sadd.s32 $0xFFFFFE00, s22;
	s18 =	sadd.s32 $0x0, s20;
	[sflag:s9] =	ssyncadd.s32 @!p1 $0xFFFFC000  }
0x52: {  	[tilespmem:s28], [sflag:$0x3] =	stream.linear.gather [hbm4b:s17+s2], $0x80, $0x38;
	[tilespmem:$0x1FD80] =	vst v63  }
0x53: {  	s19 =	sadd.s32 $0x20000, s18  }
0x54: {  	[tilespmem:s29], [sflag:$0x6] =	stream.linear.gather [hbm4b:s19+s2], $0x4000, $0x38;
	[tilespmem:$0x1FD80] =	vst v63  }
0x55: {  	_ =	swait.ge [sflag:s30], $0x80  }
0x56: {  	[sflag:s30] =	ssyncset.done $0x0  }
0x57: {  	[sflag:s30] =	ssyncadd.s32 $0xFFFFFF80  }
0x58: {  	_ =	swait.ge [sflag:s31], $0x4000  }
0x59: {  	p1 =	por $0x0, $0x0;
	[sflag:s31] =	ssyncset.done $0x0  }
0x5a: {  	s9 =	simm.s32 @p1 $0x2;
	[sflag:s31] =	ssyncadd.s32 $0xFFFFC000  }
0x5b: {  	[spmem:s1] =	stream.indirect.scatter.add.f32 [tilespmem:s23], [sflag:$0x7], $0x80, s2, s25, $0xb8;
	[tilespmem:$0x1FD80] =	vst v63  }
0x5c: {  	_ =	swait.ge @p1 [sflag:s9], $0x80  }
0x5d: {  	[sflag:s9] =	ssyncset.done @p1 $0x0  }
0x5e: {  	s13 =	simm.s32 @p1 $0x5;
	[sflag:s9] =	ssyncadd.s32 @p1 $0xFFFFFF80  }
0x5f: {  	_ =	swait.ge @p1 [sflag:s13], $0x4000  }
0x60: {  	s14 =	simm.s32 @p1 $0x4180;
	[sflag:s13] =	ssyncset.done @p1 $0x0  }
0x61: {  	s9 =	simm.s32 @p1 $0x80;
	[sflag:s13] =	ssyncadd.s32 @p1 $0xFFFFC000;
	s13 =	simm.s32 @!p1 $0x7  }
0x62: {  	[spmem:s1] =	stream.indirect.scatter.add.f32 @p1 [tilespmem:s14], [sflag:$0x8], $0x80, s9, s9, $0xb8;
	[tilespmem:$0x1FD80] =	vst v63  }
0x63: {  	_ =	swait.ge @!p1 [sflag:s13], $0x4000  }
0x64: {  	[sflag:s13] =	ssyncset.done @!p1 $0x0  }
0x65: {  	s9 =	sadd.s32 @!p1 $0x0, s20;
	s14 =	simm.s32 @!p1 $0x0;
	[sflag:s13] =	ssyncadd.s32 @!p1 $0xFFFFC000  }
0x66: {  	[tilespmem:s14], [sflag:$0x1] =	stream.linear.gather @!p1 [hbm4b:s22+s14], $0x80, $0x38;
	[tilespmem:$0x1FD80] =	vst v63  }
0x67: {  	s15 =	simm.s32 @!p1 $0x180;
	s16 =	simm.s32 @!p1 $0x2;
	s13 =	sadd.s32 @!p1 $0x30000, s9  }
0x68: {  	[tilespmem:s15], [sflag:$0x4] =	stream.linear.gather @!p1 [hbm4b:s13+s14], $0x4000, $0x38;
	[tilespmem:$0x1FD80] =	vst v63  }
0x69: {  	_ =	swait.ge @!p1 [sflag:s16], $0x80  }
0x6a: {  	[sflag:s16] =	ssyncset.done @!p1 $0x0  }
0x6b: {  	s13 =	simm.s32 @!p1 $0x5;
	[sflag:s16] =	ssyncadd.s32 @!p1 $0xFFFFFF80  }
0x6c: {  	_ =	swait.ge @!p1 [sflag:s13], $0x4000  }
0x6d: {  	s15 =	simm.s32 @!p1 $0x80;
	[sflag:s13] =	ssyncset.done @!p1 $0x0  }
0x6e: {  	s16 =	simm.s32 @!p1 $0x4180;
	[sflag:s13] =	ssyncadd.s32 @!p1 $0xFFFFC000;
	s13 =	simm.s32 @!p1 $0x8  }
0x6f: {  	[spmem:s1] =	stream.indirect.scatter.add.f32 @!p1 [tilespmem:s16], [sflag:$0x8], $0x80, s15, s15, $0xb8;
	[tilespmem:$0x1FD80] =	vst v63  }
0x70: {  	_ =	swait.ge @!p1 [sflag:s13], $0x4000  }
0x71: {  	[sflag:s13] =	ssyncset.done @!p1 $0x0  }
0x72: {  	[sflag:s13] =	ssyncadd.s32 @!p1 $0xFFFFC000  }
0x73: {  	[tilespmem:s15], [sflag:$0x2] =	stream.linear.gather @!p1 [hbm4b:s21+s14], $0x80, $0x38;
	[tilespmem:$0x1FD80] =	vst v63  }
0x74: {  	s9 =	sadd.s32 @!p1 $0x40000, s9  }
0x75: {  	[tilespmem:s16], [sflag:$0x5] =	stream.linear.gather @!p1 [hbm4b:s9+s14], $0x4000, $0x38;
	[tilespmem:$0x1FD80] =	vst v63  }
0x76: {  	_ =	swait.ge [sflag:s0], $0x80  }
0x77: {  	p6 =	por $0x0, $0x0;
	[sflag:s0] =	ssyncset.done $0x0  }
0x78: {  	s13 =	sadd.s32 $0x600, s21;
	s15 =	simm.s32 $0x60000;
	[sflag:s0] =	ssyncadd.s32 $0xFFFFFF80  }
0x79: {  	s9 =	simm.s32 $0x30000;
	p1 =	por p6, p6;
	_ =	swait.ge [sflag:s26], $0x4000  }
0x7a: {  	s14 =	sadd.s32 $0x600, s22;
	s16 =	simm.s32 @!p1 $0x9;
	[sflag:s26] =	ssyncset.done $0x0  }
.LBB2_4:
0x7b: {  	p3 =	seq.s32 s15, $0x0  }
0x7c: {  	[sflag:s26] =	ssyncadd.s32 $0xFFFFC000;
	s17 =	smov.u32 s15;
	s15 =	sadd.s32 $0x30000, s15  }
0x7d: {  	[spmem:s1] =	stream.indirect.scatter.add.f32 [tilespmem:s29], [sflag:$0x9], $0x80, s28, s25, $0xb8;
	[tilespmem:$0x1FD80] =	vst v63  }
0x7e: {  	p2 =	sne.s32 s15, $0x270000;
	_ =	swait.ge @!p1 [sflag:s16], $0x4000  }
0x7f: {  	[sflag:s16] =	ssyncset.done @!p1 $0x0  }
0x80: {  	s18 =	sadd.s32 s9, s20;
	[sflag:s16] =	ssyncadd.s32 @!p1 $0xFFFFC000;
	s16 =	sadd.s32 $0xFFFFFE00, s14  }
0x81: {  	[tilespmem:s28], [sflag:$0x3] =	stream.linear.gather [hbm4b:s16+s2], $0x80, $0x38;
	[tilespmem:$0x1FD80] =	vst v63  }
0x82: {  	p1 =	por p3, p3;
	s16 =	sadd.s32 $0x20000, s18  }
0x83: {  	[tilespmem:s29], [sflag:$0x6] =	stream.linear.gather [hbm4b:s16+s2], $0x4000, $0x38;
	[tilespmem:$0x1FD80] =	vst v63  }
0x84: {  	_ =	swait.ge [sflag:s30], $0x80  }
0x85: {  	[sflag:s30] =	ssyncset.done $0x0  }
0x86: {  	[sflag:s30] =	ssyncadd.s32 $0xFFFFFF80  }
0x87: {  	_ =	swait.ge [sflag:s31], $0x4000  }
0x88: {  	[sflag:s31] =	ssyncset.done $0x0  }
0x89: {  	p3 =	seq.s32 s9, $0x240000;
	[sflag:s31] =	ssyncadd.s32 $0xFFFFC000  }
0x8a: {  	[spmem:s1] =	stream.indirect.scatter.add.f32 [tilespmem:s23], [sflag:$0x7], $0x80, s2, s25, $0xb8;
	[tilespmem:$0x1FD80] =	vst v63  }
0x8b: {  	s18 =	sadd.s32 @!p3 s9, s20;
	s9 =	smov.u32 s17;
	s16 =	simm.s32 @p3 $0x2  }
0x8c: {  	s17 =	sadd.s32 @!p3 $0x30000, s18;
	s18 =	sadd.s32 @!p3 $0x40000, s18;
	_ =	swait.ge @p3 [sflag:s16], $0x80  }
0x8d: {  	s19 =	simm.s32 @p3 $0x5;
	[sflag:s16] =	ssyncset.done @p3 $0x0  }
0x8e: {  	[sflag:s16] =	ssyncadd.s32 @p3 $0xFFFFFF80  }
0x8f: {  	_ =	swait.ge @p3 [sflag:s19], $0x4000  }
0x90: {  	s8 =	simm.s32 @p3 $0x4180;
	s16 =	simm.s32 @p3 $0x80;
	[sflag:s19] =	ssyncset.done @p3 $0x0  }
0x91: {  	[sflag:s19] =	ssyncadd.s32 @p3 $0xFFFFC000;
	s19 =	simm.s32 @!p3 $0x7  }
0x92: {  	[spmem:s1] =	stream.indirect.scatter.add.f32 @p3 [tilespmem:s8], [sflag:$0x8], $0x80, s16, s16, $0xb8;
	[tilespmem:$0x1FD80] =	vst v63  }
0x93: {  	_ =	swait.ge @!p3 [sflag:s19], $0x4000  }
0x94: {  	s8 =	simm.s32 @!p3 $0x0;
	[sflag:s19] =	ssyncset.done @!p3 $0x0  }
0x95: {  	s16 =	simm.s32 @!p3 $0x180;
	[sflag:s19] =	ssyncadd.s32 @!p3 $0xFFFFC000  }
0x96: {  	[tilespmem:s8], [sflag:$0x1] =	stream.linear.gather @!p3 [hbm4b:s14+s8], $0x80, $0x38;
	[tilespmem:$0x1FD80] =	vst v63  }
0x97: {  	s19 =	simm.s32 @!p3 $0x2  }
0x98: {  	[tilespmem:s16], [sflag:$0x4] =	stream.linear.gather @!p3 [hbm4b:s17+s8], $0x4000, $0x38;
	[tilespmem:$0x1FD80] =	vst v63  }
0x99: {  	_ =	swait.ge @!p3 [sflag:s19], $0x80  }
0x9a: {  	s16 =	simm.s32 @!p3 $0x5;
	[sflag:s19] =	ssyncset.done @!p3 $0x0  }
0x9b: {  	[sflag:s19] =	ssyncadd.s32 @!p3 $0xFFFFFF80  }
0x9c: {  	_ =	swait.ge @!p3 [sflag:s16], $0x4000  }
0x9d: {  	s17 =	simm.s32 @!p3 $0x80;
	s19 =	simm.s32 @!p3 $0x4180;
	[sflag:s16] =	ssyncset.done @!p3 $0x0  }
0x9e: {  	[sflag:s16] =	ssyncadd.s32 @!p3 $0xFFFFC000;
	s16 =	simm.s32 @!p3 $0x8  }
0x9f: {  	[spmem:s1] =	stream.indirect.scatter.add.f32 @!p3 [tilespmem:s19], [sflag:$0x8], $0x80, s17, s17, $0xb8;
	[tilespmem:$0x1FD80] =	vst v63  }
0xa0: {  	_ =	swait.ge @!p3 [sflag:s16], $0x4000  }
0xa1: {  	[sflag:s16] =	ssyncset.done @!p3 $0x0  }
0xa2: {  	[sflag:s16] =	ssyncadd.s32 @!p3 $0xFFFFC000  }
0xa3: {  	[tilespmem:s17], [sflag:$0x2] =	stream.linear.gather @!p3 [hbm4b:s13+s8], $0x80, $0x38;
	[tilespmem:$0x1FD80] =	vst v63  }
0xa4: {  	_ = 	snop  }
0xa5: {  	[tilespmem:s19], [sflag:$0x5] =	stream.linear.gather @!p3 [hbm4b:s18+s8], $0x4000, $0x38;
	[tilespmem:$0x1FD80] =	vst v63  }
.Ltmp1:
0xa6: {  	_ =	swait.ge [sflag:s0], $0x80;
	(pc) =	sbr.rel @p2 .LBB2_4-.Ltmp1, $4  }
0xa7: {  	[sflag:s0] =	ssyncset.done $0x0  }
0xa8: {  	[sflag:s0] =	ssyncadd.s32 $0xFFFFFF80  }
0xa9: {  	s14 =	sadd.s32 $0x600, s14;
	_ =	swait.ge [sflag:s26], $0x4000  }
0xaa: {  	s16 =	simm.s32 @!p1 $0x9;
	s13 =	sadd.s32 $0x600, s13;
	[sflag:s26] =	ssyncset.done $0x0  }
0xab: {  	[sflag:s26] =	ssyncadd.s32 $0xFFFFC000  }
0xac: {  	[spmem:s1] =	stream.indirect.scatter.add.f32 [tilespmem:s29], [sflag:$0x9], $0x80, s28, s25, $0xb8;
	[tilespmem:$0x1FD80] =	vst v63  }
0xad: {  	_ =	swait.ge @!p1 [sflag:s16], $0x4000  }
0xae: {  	[sflag:s16] =	ssyncset.done @!p1 $0x0  }
0xaf: {  	s8 =	sadd.s32 $0xFFFFFE00, s14;
	s15 =	sadd.s32 s9, s20;
	[sflag:s16] =	ssyncadd.s32 @!p1 $0xFFFFC000  }
0xb0: {  	[tilespmem:s28], [sflag:$0x3] =	stream.linear.gather [hbm4b:s8+s2], $0x80, $0x38;
	[tilespmem:$0x1FD80] =	vst v63  }
0xb1: {  	s19 =	sadd.s32 $0x20000, s15  }
0xb2: {  	[tilespmem:s29], [sflag:$0x6] =	stream.linear.gather [hbm4b:s19+s2], $0x4000, $0x38;
	[tilespmem:$0x1FD80] =	vst v63  }
0xb3: {  	_ =	swait.ge [sflag:s30], $0x80  }
0xb4: {  	[sflag:s30] =	ssyncset.done $0x0  }
0xb5: {  	[sflag:s30] =	ssyncadd.s32 $0xFFFFFF80  }
0xb6: {  	_ =	swait.ge [sflag:s31], $0x4000  }
0xb7: {  	p1 =	seq.s32 s9, $0x240000;
	[sflag:s31] =	ssyncset.done $0x0  }
0xb8: {  	s8 =	simm.s32 @p1 $0x2;
	[sflag:s31] =	ssyncadd.s32 $0xFFFFC000  }
0xb9: {  	[spmem:s1] =	stream.indirect.scatter.add.f32 [tilespmem:s23], [sflag:$0x7], $0x80, s2, s25, $0xb8;
	[tilespmem:$0x1FD80] =	vst v63  }
0xba: {  	_ =	swait.ge @p1 [sflag:s8], $0x80  }
0xbb: {  	[sflag:s8] =	ssyncset.done @p1 $0x0  }
0xbc: {  	s15 =	simm.s32 @p1 $0x5;
	[sflag:s8] =	ssyncadd.s32 @p1 $0xFFFFFF80  }
0xbd: {  	_ =	swait.ge @p1 [sflag:s15], $0x4000  }
0xbe: {  	s16 =	simm.s32 @p1 $0x4180;
	[sflag:s15] =	ssyncset.done @p1 $0x0  }
0xbf: {  	s8 =	simm.s32 @p1 $0x80;
	[sflag:s15] =	ssyncadd.s32 @p1 $0xFFFFC000;
	s15 =	simm.s32 @!p1 $0x7  }
0xc0: {  	[spmem:s1] =	stream.indirect.scatter.add.f32 @p1 [tilespmem:s16], [sflag:$0x8], $0x80, s8, s8, $0xb8;
	[tilespmem:$0x1FD80] =	vst v63  }
0xc1: {  	_ =	swait.ge @!p1 [sflag:s15], $0x4000  }
0xc2: {  	[sflag:s15] =	ssyncset.done @!p1 $0x0  }
0xc3: {  	s8 =	sadd.s32 @!p1 s9, s20;
	s9 =	simm.s32 @!p1 $0x0;
	[sflag:s15] =	ssyncadd.s32 @!p1 $0xFFFFC000  }
0xc4: {  	[tilespmem:s9], [sflag:$0x1] =	stream.linear.gather @!p1 [hbm4b:s14+s9], $0x80, $0x38;
	[tilespmem:$0x1FD80] =	vst v63  }
0xc5: {  	s16 =	simm.s32 @!p1 $0x2;
	s15 =	simm.s32 @!p1 $0x180;
	s14 =	sadd.s32 @!p1 $0x30000, s8  }
0xc6: {  	[tilespmem:s15], [sflag:$0x4] =	stream.linear.gather @!p1 [hbm4b:s14+s9], $0x4000, $0x38;
	[tilespmem:$0x1FD80] =	vst v63  }
0xc7: {  	_ =	swait.ge @!p1 [sflag:s16], $0x80  }
0xc8: {  	[sflag:s16] =	ssyncset.done @!p1 $0x0  }
0xc9: {  	s14 =	simm.s32 @!p1 $0x5;
	[sflag:s16] =	ssyncadd.s32 @!p1 $0xFFFFFF80  }
0xca: {  	_ =	swait.ge @!p1 [sflag:s14], $0x4000  }
0xcb: {  	s15 =	simm.s32 @!p1 $0x80;
	[sflag:s14] =	ssyncset.done @!p1 $0x0  }
0xcc: {  	s16 =	simm.s32 @!p1 $0x4180;
	[sflag:s14] =	ssyncadd.s32 @!p1 $0xFFFFC000;
	s14 =	simm.s32 @!p1 $0x8  }
0xcd: {  	[spmem:s1] =	stream.indirect.scatter.add.f32 @!p1 [tilespmem:s16], [sflag:$0x8], $0x80, s15, s15, $0xb8;
	[tilespmem:$0x1FD80] =	vst v63  }
0xce: {  	_ =	swait.ge @!p1 [sflag:s14], $0x4000  }
0xcf: {  	[sflag:s14] =	ssyncset.done @!p1 $0x0  }
0xd0: {  	[sflag:s14] =	ssyncadd.s32 @!p1 $0xFFFFC000  }
0xd1: {  	[tilespmem:s15], [sflag:$0x2] =	stream.linear.gather @!p1 [hbm4b:s13+s9], $0x80, $0x38;
	[tilespmem:$0x1FD80] =	vst v63  }
0xd2: {  	s8 =	sadd.s32 @!p1 $0x40000, s8  }
0xd3: {  	[tilespmem:s16], [sflag:$0x5] =	stream.linear.gather @!p1 [hbm4b:s8+s9], $0x4000, $0x38;
	[tilespmem:$0x1FD80] =	vst v63  }
0xd4: {  	_ =	swait.ge [sflag:s0], $0x80  }
0xd5: {  	[sflag:s0] =	ssyncset.done $0x0  }
0xd6: {  	[sflag:s0] =	ssyncadd.s32 $0xFFFFFF80  }
0xd7: {  	_ =	swait.ge [sflag:s26], $0x4000  }
0xd8: {  	[sflag:s26] =	ssyncset.done $0x0  }
0xd9: {  	s13 =	simm.s32 $0x7;
	[sflag:s26] =	ssyncadd.s32 $0xFFFFC000  }
0xda: {  	[spmem:s1] =	stream.indirect.scatter.add.f32 [tilespmem:s29], [sflag:$0x9], $0x80, s28, s25, $0xb8;
	[tilespmem:$0x1FD80] =	vst v63  }
0xdb: {  	_ =	swait.ge [sflag:s13], $0x4000  }
0xdc: {  	[sflag:s13] =	ssyncset.done $0x0  }
0xdd: {  	[sflag:s13] =	ssyncadd.s32 $0xFFFFC000  }
0xde: {  	_ =	swait.ge [sflag:s10], $0x4000  }
0xdf: {  	[sflag:s10] =	ssyncset.done $0x0  }
0xe0: {  	[sflag:s10] =	ssyncadd.s32 $0xFFFFC000  }
0xe1: {  	_ =	swait.ge [sflag:s11], $0x4000  }
0xe2: {  	[sflag:s11] =	ssyncset.done $0x0  }
0xe3: {  	s8 =	simm.s32 @!p0 $0x0;
	s9 =	rddreg [dreg:$0x7];
	[sflag:s11] =	ssyncadd.s32 $0xFFFFC000  }
0xe4: {  	[tilespmem:s8], [sflag:$0x1] =	stream.linear.gather @!p0 [hbm4b:s9+s8], $0x80, $0x38;
	[tilespmem:$0x1FD80] =	vst v63  }
0xe5: {  	s13 =	rddreg [dreg:$0xd];
	s9 =	simm.s32 @!p0 $0x180  }
0xe6: {  	[tilespmem:s9], [sflag:$0x4] =	stream.linear.gather @!p0 [hbm4b:s13+s8], $0x4000, $0x38;
	[tilespmem:$0x1FD80] =	vst v63  }
0xe7: {  	s13 =	simm.s32 @!p0 $0x1  }
0xe8: {  	_ =	swait.ge @!p0 [sflag:s13], $0x80  }
0xe9: {  	[sflag:s13] =	ssyncset.done @!p0 $0x0  }
0xea: {  	[sflag:s13] =	ssyncadd.s32 @!p0 $0xFFFFFF80;
	s13 =	simm.s32 @!p0 $0x4  }
0xeb: {  	_ =	swait.ge @!p0 [sflag:s13], $0x4000  }
0xec: {  	[sflag:s13] =	ssyncset.done @!p0 $0x0  }
0xed: {  	[sflag:s13] =	ssyncadd.s32 @!p0 $0xFFFFC000;
	s13 =	simm.s32 @!p0 $0x80  }
0xee: {  	[spmem:s1] =	stream.indirect.scatter.add.f32 @!p0 [tilespmem:s9], [sflag:$0xA], $0x80, s8, s13, $0xb8;
	[tilespmem:$0x1FD80] =	vst v63  }
0xef: {  	s8 =	simm.s32 @!p0 $0xA  }
0xf0: {  	_ =	swait.ge @!p0 [sflag:s8], $0x4000  }
0xf1: {  	[sflag:s8] =	ssyncset.done @!p0 $0x0  }
0xf2: {  	[sflag:s8] =	ssyncadd.s32 @!p0 $0xFFFFC000  }
0xf3: {  	[bflag:$0x0] =	sbarrier.arrive $0xFFFF  }
0xf4: {  	[tilespmem:s23], [sflag:$0xA] =	stream.linear.gather [spmem:s3], $0x4000, $0x38;
	[tilespmem:$0x1FD80] =	vst v63  }
0xf5: {  	_ =	swait.ge [sflag:s24], $0x4000  }
0xf6: {  	[sflag:s24] =	ssyncset.done $0x0  }
0xf7: {  	s14 =	rddreg [dreg:$0x8];
	[sflag:s24] =	ssyncadd.s32 $0xFFFFC000  }
0xf8: {  	[hbm4b:s14+s2] =	stream.linear.scatter [tilespmem:s23], [sflag:$0xA], $0x4000, $0x38;
	[tilespmem:$0x1FD80] =	vst v63  }
0xf9: {  	_ =	swait.ge [sflag:s24], $0x4000  }
0xfa: {  	[sflag:s24] =	ssyncset.done $0x0  }
0xfb: {  	[sflag:s24] =	ssyncadd.s32 $0xFFFFC000  }
0xfc: {  	[tilespmem:s23], [sflag:$0xA] =	stream.linear.gather [spmem:s4], $0x4000, $0x38;
	[tilespmem:$0x1FD80] =	vst v63  }
0xfd: {  	_ =	swait.ge [sflag:s24], $0x4000  }
0xfe: {  	[sflag:s24] =	ssyncset.done $0x0  }
0xff: {  	s15 =	rddreg [dreg:$0x9];
	[sflag:s24] =	ssyncadd.s32 $0xFFFFC000  }
0x100: {  	[hbm4b:s15+s2] =	stream.linear.scatter [tilespmem:s23], [sflag:$0xA], $0x4000, $0x38;
	[tilespmem:$0x1FD80] =	vst v63  }
0x101: {  	_ =	swait.ge [sflag:s24], $0x4000  }
0x102: {  	[sflag:s24] =	ssyncset.done $0x0  }
0x103: {  	[sflag:s24] =	ssyncadd.s32 $0xFFFFC000  }
0x104: {  	[tilespmem:s23], [sflag:$0xA] =	stream.linear.gather [spmem:s5], $0x4000, $0x38;
	[tilespmem:$0x1FD80] =	vst v63  }
0x105: {  	_ =	swait.ge [sflag:s24], $0x4000  }
0x106: {  	[sflag:s24] =	ssyncset.done $0x0  }
0x107: {  	s16 =	rddreg [dreg:$0xa];
	[sflag:s24] =	ssyncadd.s32 $0xFFFFC000  }
0x108: {  	[hbm4b:s16+s2] =	stream.linear.scatter [tilespmem:s23], [sflag:$0xA], $0x4000, $0x38;
	[tilespmem:$0x1FD80] =	vst v63  }
0x109: {  	_ =	swait.ge [sflag:s24], $0x4000  }
0x10a: {  	[sflag:s24] =	ssyncset.done $0x0  }
0x10b: {  	[sflag:s24] =	ssyncadd.s32 $0xFFFFC000  }
0x10c: {  	[tilespmem:s23], [sflag:$0xA] =	stream.linear.gather [spmem:s6], $0x4000, $0x38;
	[tilespmem:$0x1FD80] =	vst v63  }
0x10d: {  	_ =	swait.ge [sflag:s24], $0x4000  }
0x10e: {  	[sflag:s24] =	ssyncset.done $0x0  }
0x10f: {  	s17 =	rddreg [dreg:$0xb];
	[sflag:s24] =	ssyncadd.s32 $0xFFFFC000  }
0x110: {  	[hbm4b:s17+s2] =	stream.linear.scatter [tilespmem:s23], [sflag:$0xA], $0x4000, $0x38;
	[tilespmem:$0x1FD80] =	vst v63  }
0x111: {  	_ =	swait.ge [sflag:s24], $0x4000  }
0x112: {  	[sflag:s24] =	ssyncset.done $0x0  }
0x113: {  	[sflag:s24] =	ssyncadd.s32 $0xFFFFC000  }
0x114: {  	[tilespmem:s23], [sflag:$0xA] =	stream.linear.gather [spmem:s7], $0x3C00, $0x38;
	[tilespmem:$0x1FD80] =	vst v63  }
0x115: {  	_ =	swait.ge [sflag:s24], $0x3C00  }
0x116: {  	[sflag:s24] =	ssyncset.done $0x0  }
0x117: {  	s18 =	rddreg [dreg:$0xc];
	[sflag:s24] =	ssyncadd.s32 $0xFFFFC400  }
0x118: {  	[hbm4b:s18+s2] =	stream.linear.scatter [tilespmem:s23], [sflag:$0xA], $0x3C00, $0x38;
	[tilespmem:$0x1FD80] =	vst v63  }
0x119: {  	_ =	swait.ge [sflag:s24], $0x3C00  }
0x11a: {  	s12 =	sadd.s32 $0x1, s12;
	s19 =	rddreg [dreg:$0xe]  }
0x11b: {  	p1 =	sne.s32 s12, s19  }
.Ltmp2:
0x11c: {  	_ = 	snop;
	(pc) =	sbr.rel @p1 .LBB2_1-.Ltmp2, $3  }
0x11d: {  	_ =	sdelay $0x1  }
0x11e: {  	[sflag:s24] =	ssyncset.done $0x0  }
0x11f: {  	[sflag:s24] =	ssyncadd.s32 $0xFFFFC400  }
0x120: {  	_ =	sfence.sel $0x180000  }
0x121: {  	[bflag:$0x0] =	sbarrier.arrive $0xFFFF  }
0x122: {  	_ =	strace $0x9000004D  }
0x123: {  	[bflag:$0x2] =	sbarrier.arrive $0xFFFF  }
0x124: {  	s0 =	rddreg [dreg:$0x2]  }
0x125: {  	s0 =	sadd.s32 @!p0 $0x100000, s0  }
0x126: {  	[sflag:s0] =	ssyncadd.tile.s32 @!p0 $0x1;
	_ =	shalt  }
.Lfunc_end2:
_tile_overlayer_lowered:
.L_overlay_start_2:
0x127: {  	(tag) =	ssettag $0x2  }
0x128: {  	s0 =	rddreg [dreg:$0x0];
	s2 =	stileid.u32  }
0x129: {  	s1 =	rddreg [dreg:$0x1];
	p0 =	sne.s32 s2, $0x0  }
0x12a: {  	s3 =	rddreg [dreg:$0x2];
	[bflag:$0x3] =	sbarrier.arrive $0xFFFF;
	s2 =	simm.s32 @!p0 $0x1C0A  }
0x12b: {  	[timem:s3], [sflag:s2] =	dma.local @!p0 [hbm:s0], s1  }
0x12c: {  	s0 =	simm.s32 @!p0 $0xA  }
0x12d: {  	_ =	swait.ge @!p0 [sflag:s0], s1  }
0x12e: {  	s1 =	ssub.s32 @!p0 $0x0, s1;
	[sflag:s0] =	ssyncset.done @!p0 $0x0  }
0x12f: {  	[sflag:s0] =	ssyncadd.s32 @!p0 s1  }
0x130: {  	[bflag:$0x3] =	sbarrier.arrive $0xFFFF  }
0x131: {  	_ =	shalt  }

</sc_bundles>
